<compile_context>
chip_gen: v7x
topology: tpu7x:2x2x1
jax: 0.10.2.dev20260603
libtpu: 0.0.44.dev20260713+nightly
codegen_flags: <defaults>
</compile_context>

<pallas_src>
import jax
import jax.numpy as jnp
from jax import lax
from jax.experimental import pallas as pl
from jax.experimental.pallas import tpu as pltpu
from jax.experimental.pallas import tpu_sc as plsc

N_GRID = 10000
N_SC = 10000
E = 320000
D = 128
NIDS = 1024

NC = 2
NS = 16
L = 16
NW = NC * NS
EPW = E // NW
G16 = EPW // L
CH = 112
HROWS = (EPW + CH - 1) // CH + 1
HCAP = HROWS * CH
ACC_ROWS = NIDS + L
RPT = ACC_ROWS // NS
OPT = NIDS // NS
TRASH = NIDS

f32 = jnp.float32
i32 = jnp.int32


def _sc_body(vg_h, vs_h, ag_h, as_h, sg_h, dg_h, ss_h, ds_h, isc_h, ig_h,
             accsc_h, accg_h, smap0_h, smap1_h, vselsc_h, vselg_h,
             slot_sc_v, slot_g_v, dst_v, src_v, att_v,
             hsrc_v, hslot_v, hatt_v, rows0_v, rows1_v, sidx_v, smap_v,
             acc_sc, acc_g, gsem0, gsem1, ssem0, ssem1, dsem, xsem, asem):
    cid = lax.axis_index("c")
    sid = lax.axis_index("s")
    wid = cid * NS + sid
    ebase = wid * EPW
    obase = sid * OPT
    rows = (rows0_v, rows1_v)
    gsems = (gsem0, gsem1)
    ssems = (ssem0, ssem1)

    def slab_copies(dst_h, src_h, att_h):
        return (
            pltpu.make_async_copy(dst_h.at[pl.ds(ebase, EPW)], dst_v, dsem),
            pltpu.make_async_copy(src_h.at[pl.ds(ebase, EPW)], src_v, xsem),
            pltpu.make_async_copy(att_h.at[pl.ds(ebase, EPW)], att_v, asem),
        )

    def issue_slabs(slabs):
        for cp in slab_copies(*slabs):
            cp.start()

    def wait_slabs(slabs):
        for cp in slab_copies(*slabs):
            cp.wait()

    cpi = pltpu.async_copy(isc_h, dst_v.at[pl.ds(0, NIDS)], gsem0)
    cpg = pltpu.async_copy(ig_h, dst_v.at[pl.ds(NIDS, NIDS)], gsem1)

    neg1 = jnp.full((L,), -1, i32)

    @plsc.parallel_loop(0, N_SC // L, 1, unroll=8)
    def _init(g):
        slot_sc_v[pl.ds(g * L, L)] = neg1
        slot_g_v[pl.ds(g * L, L)] = neg1

    cpi.wait()
    cpg.wait()

    @plsc.parallel_loop(0, NIDS // L, 1, unroll=4)
    def _build(g):
        posv = lax.iota(i32, L) + g * L
        plsc.store_scatter(slot_sc_v, [dst_v[pl.ds(g * L, L)]], posv)
        plsc.store_scatter(slot_g_v, [dst_v[pl.ds(NIDS + g * L, L)]], posv)

    issue_slabs((dg_h, sg_h, ag_h))

    zero = jnp.zeros((L,), f32)

    @plsc.parallel_loop(0, RPT, 1, unroll=4)
    def _zrow(r):
        for k in range(D // L):
            rows0_v[r, pl.ds(k * L, L)] = zero

    cz0 = pltpu.async_copy(rows0_v.at[pl.ds(0, RPT)], acc_sc.at[pl.ds(sid * RPT, RPT)], ssem0)
    cz1 = pltpu.async_copy(rows0_v.at[pl.ds(0, RPT)], acc_g.at[pl.ds(sid * RPT, RPT)], ssem1)
    cz0.wait()
    cz1.wait()
    plsc.subcore_barrier()

    def run_direction(slabs, feat_h, slot_v, acc, nxt):
        wait_slabs(slabs)

        @plsc.parallel_loop(0, G16, 1, unroll=8, carry=jnp.int32(0))
        def cnt(g, n):
            base = g * L
            slots = plsc.load_gather(slot_v, [dst_v[pl.ds(base, L)]])
            m = slots >= 0
            plsc.store_compressed(hsrc_v.at[pl.ds(n, L)], src_v[pl.ds(base, L)], mask=m)
            plsc.store_compressed(hatt_v.at[pl.ds(n, L)], att_v[pl.ds(base, L)], mask=m)
            plsc.store_compressed(hslot_v.at[pl.ds(n, L)], slots, mask=m)
            pc = plsc.all_reduce_population_count(m)
            return n + pc[0]

        zero16 = jnp.zeros((L,), i32)
        trash16 = jnp.full((L,), TRASH, i32)
        for t in range(CH // L):
            hsrc_v[pl.ds(cnt + t * L, L)] = zero16
            hslot_v[pl.ds(cnt + t * L, L)] = trash16

        if nxt is not None:
            issue_slabs(nxt)

        nch = (cnt + CH - 1) // CH

        def gather_cp(c, b):
            return pltpu.make_async_copy(
                feat_h.at[hsrc_v.at[pl.ds(c * CH, CH)]], rows[b], gsems[b])

        def scatter_cp(b):
            return pltpu.make_async_copy(rows[b], acc.at[sidx_v.at[b]], ssems[b])

        def process(c, b):
            for k in range(CH // L):
                sidx_v[b, pl.ds(k * L, L)] = hslot_v[pl.ds(c * CH + k * L, L)]

            @plsc.parallel_loop(0, CH, 1, unroll=4)
            def _mul(j):
                a16 = plsc.load_gather(hatt_v, [jnp.full((L,), c * CH + j, i32)])
                for k in range(D // L):
                    rows[b][j, pl.ds(k * L, L)] = rows[b][j, pl.ds(k * L, L)] * a16

            scatter_cp(b).start(add=True)

        def block(c, b):
            @pl.when(c + 1 < nch)
            def _():
                @pl.when(c >= 1)
                def _():
                    scatter_cp(1 - b).wait()
                gather_cp(c + 1, 1 - b).start()

            gather_cp(c, b).wait()
            process(c, b)

        @pl.when(nch > 0)
        def _():
            gather_cp(0, 0).start()

        def pair(p, carry):
            c0 = 2 * p
            c1 = c0 + 1

            @pl.when(c0 < nch)
            def _():
                block(c0, 0)

            @pl.when(c1 < nch)
            def _():
                block(c1, 1)

            return carry

        lax.fori_loop(0, (nch + 1) // 2, pair, 0)

        @pl.when(nch > 1)
        def _():
            scatter_cp(0).wait()
            scatter_cp(1).wait()

        @pl.when(nch == 1)
        def _():
            scatter_cp(0).wait()

    run_direction((dg_h, sg_h, ag_h), vg_h, slot_sc_v, acc_sc,
                  nxt=(ds_h, ss_h, as_h))
    run_direction((ds_h, ss_h, as_h), vs_h, slot_g_v, acc_g, nxt=None)

    ci2 = pltpu.async_copy(isc_h, dst_v.at[pl.ds(0, NIDS)], dsem)
    cg2 = pltpu.async_copy(ig_h, dst_v.at[pl.ds(NIDS, NIDS)], xsem)
    ci2.wait()
    cg2.wait()
    plsc.subcore_barrier()

    w0 = pltpu.make_async_copy(acc_sc.at[pl.ds(sid * OPT, OPT)],
                               accsc_h.at[cid, pl.ds(sid * OPT, OPT)], ssem0)
    w0.start()
    w1 = pltpu.make_async_copy(acc_g.at[pl.ds(sid * OPT, OPT)],
                               accg_h.at[cid, pl.ds(sid * OPT, OPT)], ssem1)
    w1.start()

    @pl.when(cid == 0)
    def _():
        for t in range(OPT // L):
            idv = dst_v[pl.ds(obase + t * L, L)]
            smap_v[0, pl.ds(t * L, L)] = plsc.load_gather(slot_sc_v, [idv])
            idg = dst_v[pl.ds(NIDS + obase + t * L, L)]
            smap_v[1, pl.ds(t * L, L)] = plsc.load_gather(slot_g_v, [idg])
        sm0 = pltpu.make_async_copy(smap_v.at[0], smap0_h.at[0, pl.ds(obase, OPT)], gsem1)
        sm0.start()
        sm1 = pltpu.make_async_copy(smap_v.at[1], smap1_h.at[0, pl.ds(obase, OPT)], dsem)
        sm1.start()
        sm0.wait()
        sm1.wait()

    w0.wait()

    @pl.when(cid == 0)
    def _():
        v0 = pltpu.make_async_copy(vs_h.at[dst_v.at[pl.ds(obase, OPT)]],
                                   rows0_v.at[pl.ds(0, OPT)], gsem0)
        v0.start()
        v0.wait()
        pltpu.sync_copy(rows0_v.at[pl.ds(0, OPT)], vselsc_h.at[pl.ds(obase, OPT)])

    @pl.when(cid == 1)
    def _():
        v1 = pltpu.make_async_copy(vg_h.at[dst_v.at[pl.ds(NIDS + obase, OPT)]],
                                   rows0_v.at[pl.ds(0, OPT)], gsem0)
        v1.start()
        v1.wait()
        pltpu.sync_copy(rows0_v.at[pl.ds(0, OPT)], vselg_h.at[pl.ds(obase, OPT)])

    w1.wait()


_sc_call = pl.kernel(
    _sc_body,
    out_type=(
        jax.ShapeDtypeStruct((NC, NIDS, D), f32),
        jax.ShapeDtypeStruct((NC, NIDS, D), f32),
        jax.ShapeDtypeStruct((1, NIDS), i32),
        jax.ShapeDtypeStruct((1, NIDS), i32),
        jax.ShapeDtypeStruct((NIDS, D), f32),
        jax.ShapeDtypeStruct((NIDS, D), f32),
    ),
    mesh=plsc.VectorSubcoreMesh(core_axis_name="c", subcore_axis_name="s",
                                num_cores=NC, num_subcores=NS),
    compiler_params=pltpu.CompilerParams(needs_layout_passes=False),
    scratch_types=(
        pltpu.VMEM((N_SC,), i32),
        pltpu.VMEM((N_GRID,), i32),
        pltpu.VMEM((EPW,), i32),
        pltpu.VMEM((EPW,), i32),
        pltpu.VMEM((EPW,), f32),
        pltpu.VMEM((HCAP,), i32),
        pltpu.VMEM((HCAP,), i32),
        pltpu.VMEM((HCAP,), f32),
        pltpu.VMEM((CH, D), f32),
        pltpu.VMEM((CH, D), f32),
        pltpu.VMEM((2, CH), i32),
        pltpu.VMEM((2, OPT), i32),
        pltpu.VMEM_SHARED((ACC_ROWS, D), f32),
        pltpu.VMEM_SHARED((ACC_ROWS, D), f32),
        pltpu.SemaphoreType.DMA,
        pltpu.SemaphoreType.DMA,
        pltpu.SemaphoreType.DMA,
        pltpu.SemaphoreType.DMA,
        pltpu.SemaphoreType.DMA,
        pltpu.SemaphoreType.DMA,
        pltpu.SemaphoreType.DMA,
    ),
)


def _tc_body(accsc_ref, accg_ref, smap0_ref, smap1_ref, vsc_ref, vg_ref,
             w_ref, b_ref, osc_ref, og_ref):
    w = w_ref[...]
    b = b_ref[...]
    dn = (((1,), (1,)), ((), ()))
    col = lax.broadcasted_iota(i32, (NIDS, NIDS), 0)

    def nh_rows(acc_ref, sm_ref):
        acc = acc_ref[0] + acc_ref[1]
        oht = (col == jnp.broadcast_to(sm_ref[...], (NIDS, NIDS))).astype(f32)
        return lax.dot_general(oht, acc, (((0,), (0,)), ((), ())),
                               precision=lax.Precision.HIGHEST,
                               preferred_element_type=f32)

    def head(v, nh):
        s = v + nh
        p = v * nh
        ys = lax.dot_general(s, w, dn, preferred_element_type=f32) + b
        yp = lax.dot_general(p, w, dn, preferred_element_type=f32) + b
        return jnp.where(ys >= 0, ys, 0.01 * ys) + jnp.where(yp >= 0, yp, 0.01 * yp)

    osc_ref[...] = head(vsc_ref[...], nh_rows(accsc_ref, smap0_ref))
    og_ref[...] = head(vg_ref[...], nh_rows(accg_ref, smap1_ref))


@jax.jit
def kernel(v_grid, v_sc, att_g2s, att_s2g, src_g2s, dst_g2s, src_s2g, dst_s2g,
           small_category_id, grid_id, W1, b1):
    accsc, accg, smap0, smap1, vselsc, vselg = _sc_call(
        v_grid, v_sc,
        att_g2s.reshape(E), att_s2g.reshape(E),
        src_g2s.astype(i32), dst_g2s.astype(i32),
        src_s2g.astype(i32), dst_s2g.astype(i32),
        small_category_id.astype(i32), grid_id.astype(i32))

    sc_out, grid_out = pl.pallas_call(
        _tc_body,
        out_shape=(jax.ShapeDtypeStruct((NIDS, D), f32),
                   jax.ShapeDtypeStruct((NIDS, D), f32)),
    )(accsc, accg, smap0, smap1, vselsc, vselg, W1, b1.reshape(1, D))

    return (sc_out, grid_out)

# --- scband reference (transcript-rebuilt; emitter-appended) ---
"""Pipeline reference for scband-aggregator-57878979281442 (READ-ONLY COPY).

The authoritative reference and input builder live on the scoring server;
editing this copy changes nothing except your own understanding.
"""

import jax, jax.numpy as jnp
import numpy as np

N_GRID = 10000
N_SC = 10000
N_EDGES = 320000
D = 128
N_IDS = 1024


def setup_inputs(seed: int = 0) -> dict:
    key = jax.random.key(seed)
    ks = jax.random.split(key, 12)
    v_grid = jax.random.normal(ks[0], (N_GRID, D), dtype=jnp.float32)
    v_sc = jax.random.normal(ks[1], (N_SC, D), dtype=jnp.float32)
    att_g2s = jax.random.uniform(ks[2], (N_EDGES, 1), dtype=jnp.float32)
    att_s2g = jax.random.uniform(ks[3], (N_EDGES, 1), dtype=jnp.float32)
    src_g2s = jax.random.randint(ks[4], (N_EDGES,), 0, N_GRID, dtype=jnp.int64 if jax.config.jax_enable_x64 else jnp.int32)
    dst_g2s = jax.random.randint(ks[5], (N_EDGES,), 0, N_SC, dtype=jnp.int64 if jax.config.jax_enable_x64 else jnp.int32)
    src_s2g = jax.random.randint(ks[6], (N_EDGES,), 0, N_SC, dtype=jnp.int64 if jax.config.jax_enable_x64 else jnp.int32)
    dst_s2g = jax.random.randint(ks[7], (N_EDGES,), 0, N_GRID, dtype=jnp.int64 if jax.config.jax_enable_x64 else jnp.int32)
    small_category_id = jax.random.randint(ks[8], (N_IDS,), 0, N_SC, dtype=jnp.int64 if jax.config.jax_enable_x64 else jnp.int32)
    grid_id = jax.random.randint(ks[9], (N_IDS,), 0, N_GRID, dtype=jnp.int64 if jax.config.jax_enable_x64 else jnp.int32)
    # learned params: nn.Linear(in_dim=128, out_dim=128) -> w1 (w2 is defined but unused in forward)
    W1 = jax.random.normal(ks[10], (D, D), dtype=jnp.float32) * (1.0 / np.sqrt(D))
    b1 = jax.random.normal(ks[11], (D,), dtype=jnp.float32) * 0.01
    return {
        "v_grid": v_grid, "v_sc": v_sc,
        "att_g2s": att_g2s, "att_s2g": att_s2g,
        "src_g2s": src_g2s, "dst_g2s": dst_g2s,
        "src_s2g": src_s2g, "dst_s2g": dst_s2g,
        "small_category_id": small_category_id, "grid_id": grid_id,
        "W1": W1, "b1": b1,
    }


def _leaky_relu(x):
    return jnp.where(x >= 0, x, 0.01 * x)


def reference(v_grid, v_sc, att_g2s, att_s2g, src_g2s, dst_g2s, src_s2g, dst_s2g, small_category_id, grid_id, W1, b1):
    # DGL multi_update_all: per etype, message 'size' = u['v'] * e['att']; reduce sum into N_h at dst
    # etype grid -> small-category
    msg_g2s = v_grid[src_g2s] * att_g2s            # gather + elementwise (att broadcast over feature dim)
    N_h_sc = jnp.zeros_like(v_sc).at[dst_g2s].add(msg_g2s)   # scatter-add
    # etype small-category -> grid
    msg_s2g = v_sc[src_s2g] * att_s2g
    N_h_grid = jnp.zeros_like(v_grid).at[dst_s2g].add(msg_s2g)

    lin = lambda x: x @ W1.T + b1                  # self.w1 (shared; forward uses w1 in both branches)

    grid_out_1 = _leaky_relu(lin(v_grid + N_h_grid))
    grid_out_2 = _leaky_relu(lin(v_grid * N_h_grid))
    grid_out = grid_out_1 + grid_out_2             # message_dropout is identity in eval mode

    sc_out_1 = _leaky_relu(lin(v_sc + N_h_sc))
    sc_out_2 = _leaky_relu(lin(v_sc * N_h_sc))
    small_category_out = sc_out_1 + sc_out_2

    return (small_category_out[small_category_id], grid_out[grid_id])


if False:  # reference __main__ guard neutralized (emitter)
    out = reference(**setup_inputs())
    print(out[0].shape, out[1].shape)

if __name__ == "__main__":
    import jax
    _d = setup_inputs()
    print(jax.jit(kernel)(*tuple(_d.values())))

</pallas_src>

<mosaic_0001>
#map = affine_map<(d0, d1) -> (0, 0)>
#map1 = affine_map<(d0, d1) -> (0)>
#map2 = affine_map<(d0, d1) -> (0, 0, 0)>
module attributes {stable_mosaic.version = 14 : i64} {
  func.func @_sc_body(%arg0: i32, %arg1: i32, %arg2: memref<10000x128xf32, #tpu.memory_space<hbm>>, %arg3: memref<10000x128xf32, #tpu.memory_space<hbm>>, %arg4: memref<320000xf32, #tpu.memory_space<hbm>>, %arg5: memref<320000xf32, #tpu.memory_space<hbm>>, %arg6: memref<320000xi32, #tpu.memory_space<hbm>>, %arg7: memref<320000xi32, #tpu.memory_space<hbm>>, %arg8: memref<320000xi32, #tpu.memory_space<hbm>>, %arg9: memref<320000xi32, #tpu.memory_space<hbm>>, %arg10: memref<1024xi32, #tpu.memory_space<hbm>>, %arg11: memref<1024xi32, #tpu.memory_space<hbm>>, %arg12: memref<2x1024x128xf32, #tpu.memory_space<hbm>>, %arg13: memref<2x1024x128xf32, #tpu.memory_space<hbm>>, %arg14: memref<1x1024xi32, #tpu.memory_space<hbm>>, %arg15: memref<1x1024xi32, #tpu.memory_space<hbm>>, %arg16: memref<1024x128xf32, #tpu.memory_space<hbm>>, %arg17: memref<1024x128xf32, #tpu.memory_space<hbm>>, %arg18: memref<10000xi32, #tpu.memory_space<vmem>>, %arg19: memref<10000xi32, #tpu.memory_space<vmem>>, %arg20: memref<10000xi32, #tpu.memory_space<vmem>>, %arg21: memref<10000xi32, #tpu.memory_space<vmem>>, %arg22: memref<10000xf32, #tpu.memory_space<vmem>>, %arg23: memref<10192xi32, #tpu.memory_space<vmem>>, %arg24: memref<10192xi32, #tpu.memory_space<vmem>>, %arg25: memref<10192xf32, #tpu.memory_space<vmem>>, %arg26: memref<112x128xf32, #tpu.memory_space<vmem>>, %arg27: memref<112x128xf32, #tpu.memory_space<vmem>>, %arg28: memref<2x112xi32, #tpu.memory_space<vmem>>, %arg29: memref<2x64xi32, #tpu.memory_space<vmem>>, %arg30: memref<1040x128xf32, #tpu.memory_space<vmem_shared>>, %arg31: memref<1040x128xf32, #tpu.memory_space<vmem_shared>>, %arg32: memref<!tpu.dma_semaphore, #tpu.memory_space<semaphore_mem>>, %arg33: memref<!tpu.dma_semaphore, #tpu.memory_space<semaphore_mem>>, %arg34: memref<!tpu.dma_semaphore, #tpu.memory_space<semaphore_mem>>, %arg35: memref<!tpu.dma_semaphore, #tpu.memory_space<semaphore_mem>>, %arg36: memref<!tpu.dma_semaphore, #tpu.memory_space<semaphore_mem>>, %arg37: memref<!tpu.dma_semaphore, #tpu.memory_space<semaphore_mem>>, %arg38: memref<!tpu.dma_semaphore, #tpu.memory_space<semaphore_mem>>) attributes {dimension_semantics = [#tpu.dimension_semantics<core_parallel>, #tpu.dimension_semantics<subcore_parallel>], iteration_bounds = array<i64: 2, 16>, scalar_prefetch = 0 : i64, scratch_operands = 21 : i64, tpu.core_type = #tpu.core_type<sc_vector_subcore>, window_params = [{transform_indices = #map}, {transform_indices = #map}, {transform_indices = #map1}, {transform_indices = #map1}, {transform_indices = #map1}, {transform_indices = #map1}, {transform_indices = #map1}, {transform_indices = #map1}, {transform_indices = #map1}, {transform_indices = #map1}, {transform_indices = #map2}, {transform_indices = #map2}, {transform_indices = #map}, {transform_indices = #map}, {transform_indices = #map}, {transform_indices = #map}]} {
    %mul3A = arith.constant 16 : i32
    %mul3A_0 = arith.muli %arg0, %mul3A : i32
    %add3A = arith.addi %mul3A_0, %arg1 : i32
    %mul3A_1 = arith.constant 10000 : i32
    %mul3A_2 = arith.muli %add3A, %mul3A_1 : i32
    %mul3A_3 = arith.constant 64 : i32
    %mul3A_4 = arith.muli %arg1, %mul3A_3 : i32
    %dma_start3A = arith.constant 0 : i32
    %dma_start3A_5 = tpu.memref_slice %arg20[%dma_start3A] : memref<10000xi32, #tpu.memory_space<vmem>> -> memref<1024xi32, #tpu.memory_space<vmem>>
    %dma_start3A_6 = arith.constant 0 : i32
    %dma_start3A_7 = tpu.memref_slice %arg20[%dma_start3A_6] : memref<10000xi32, #tpu.memory_space<vmem>> -> memref<1024xi32, #tpu.memory_space<vmem>>
    tpu.enqueue_dma source(%arg10 : memref<1024xi32, #tpu.memory_space<hbm>>) target(%dma_start3A_7 : memref<1024xi32, #tpu.memory_space<vmem>>) target_semaphore(%arg32 : memref<!tpu.dma_semaphore, #tpu.memory_space<semaphore_mem>>)
    %dma_start3A_8 = arith.constant 1024 : i32
    %dma_start3A_9 = tpu.memref_slice %arg20[%dma_start3A_8] : memref<10000xi32, #tpu.memory_space<vmem>> -> memref<1024xi32, #tpu.memory_space<vmem>>
    %dma_start3A_10 = arith.constant 1024 : i32
    %dma_start3A_11 = tpu.memref_slice %arg20[%dma_start3A_10] : memref<10000xi32, #tpu.memory_space<vmem>> -> memref<1024xi32, #tpu.memory_space<vmem>>
    tpu.enqueue_dma source(%arg11 : memref<1024xi32, #tpu.memory_space<hbm>>) target(%dma_start3A_11 : memref<1024xi32, #tpu.memory_space<vmem>>) target_semaphore(%arg33 : memref<!tpu.dma_semaphore, #tpu.memory_space<semaphore_mem>>)
    %broadcast_in_dim3A = arith.constant -1 : i32
    %broadcast_in_dim3A_12 = vector.broadcast %broadcast_in_dim3A : i32 to vector<16xi32>
    %parallel_loop3A = arith.constant 0 : i32
    %parallel_loop3A_13 = arith.constant 625 : i32
    %parallel_loop3A_14 = arith.constant 1 : i32
    scf.for %parallel_loop3A_432 = %parallel_loop3A to %parallel_loop3A_13 step %parallel_loop3A_14  : i32 {
      %parallel_loop3A_433 = arith.constant 16 : i32
      %parallel_loop3A_434 = arith.muli %parallel_loop3A_432, %parallel_loop3A_433 : i32
      %parallel_loop3A_435 = arith.index_cast %parallel_loop3A_434 : i32 to index
      %parallel_loop3A_436 = tpu.vector_load %arg18[%parallel_loop3A_435] {strides = array<i32>} : memref<10000xi32, #tpu.memory_space<vmem>>, vector<16xi32>,
      tpu.vector_store %arg18[%parallel_loop3A_435], %broadcast_in_dim3A_12 {strides = array<i32>} : memref<10000xi32, #tpu.memory_space<vmem>>, vector<16xi32>,
      %parallel_loop3A_437 = arith.constant 16 : i32
      %parallel_loop3A_438 = arith.muli %parallel_loop3A_432, %parallel_loop3A_437 : i32
      %parallel_loop3A_439 = arith.index_cast %parallel_loop3A_438 : i32 to index
      %parallel_loop3A_440 = tpu.vector_load %arg19[%parallel_loop3A_439] {strides = array<i32>} : memref<10000xi32, #tpu.memory_space<vmem>>, vector<16xi32>,
      tpu.vector_store %arg19[%parallel_loop3A_439], %broadcast_in_dim3A_12 {strides = array<i32>} : memref<10000xi32, #tpu.memory_space<vmem>>, vector<16xi32>,
    } {sc.loop_unroll_factor = 8 : i64, sc.parallel_access}
    %dma_wait3A = arith.constant 0 : i32
    %dma_wait3A_15 = tpu.memref_slice %arg20[%dma_wait3A] : memref<10000xi32, #tpu.memory_space<vmem>> -> memref<1024xi32, #tpu.memory_space<vmem>>
    %dma_wait3A_16 = arith.constant 0 : i32
    %dma_wait3A_17 = tpu.memref_slice %arg20[%dma_wait3A_16] : memref<10000xi32, #tpu.memory_space<vmem>> -> memref<1024xi32, #tpu.memory_space<vmem>>
    tpu.wait_dma2 semaphore(%arg32 : memref<!tpu.dma_semaphore, #tpu.memory_space<semaphore_mem>>) src(%arg10 : memref<1024xi32, #tpu.memory_space<hbm>>) dst(%dma_wait3A_17 : memref<1024xi32, #tpu.memory_space<vmem>>)
    %dma_wait3A_18 = arith.constant 1024 : i32
    %dma_wait3A_19 = tpu.memref_slice %arg20[%dma_wait3A_18] : memref<10000xi32, #tpu.memory_space<vmem>> -> memref<1024xi32, #tpu.memory_space<vmem>>
    %dma_wait3A_20 = arith.constant 1024 : i32
    %dma_wait3A_21 = tpu.memref_slice %arg20[%dma_wait3A_20] : memref<10000xi32, #tpu.memory_space<vmem>> -> memref<1024xi32, #tpu.memory_space<vmem>>
    tpu.wait_dma2 semaphore(%arg33 : memref<!tpu.dma_semaphore, #tpu.memory_space<semaphore_mem>>) src(%arg11 : memref<1024xi32, #tpu.memory_space<hbm>>) dst(%dma_wait3A_21 : memref<1024xi32, #tpu.memory_space<vmem>>)
    %parallel_loop3A_22 = arith.constant 0 : i32
    %parallel_loop3A_23 = arith.constant 64 : i32
    %parallel_loop3A_24 = arith.constant 1 : i32
    scf.for %parallel_loop3A_432 = %parallel_loop3A_22 to %parallel_loop3A_23 step %parallel_loop3A_24  : i32 {
      %parallel_loop3A_433 = tpu.iota {dimensions = array<i32: 0>} : vector<16xi32>
      %parallel_loop3A_434 = arith.constant 16 : i32
      %parallel_loop3A_435 = arith.muli %parallel_loop3A_432, %parallel_loop3A_434 : i32
      %parallel_loop3A_436 = vector.broadcast %parallel_loop3A_435 : i32 to vector<16xi32>
      %parallel_loop3A_437 = arith.addi %parallel_loop3A_433, %parallel_loop3A_436 : vector<16xi32>
      %parallel_loop3A_438 = arith.constant 16 : i32
      %parallel_loop3A_439 = arith.muli %parallel_loop3A_432, %parallel_loop3A_438 : i32
      %parallel_loop3A_440 = arith.index_cast %parallel_loop3A_439 : i32 to index
      %parallel_loop3A_441 = tpu.vector_load %arg20[%parallel_loop3A_440] {strides = array<i32>} : memref<10000xi32, #tpu.memory_space<vmem>>, vector<16xi32>,
      tpu.vector_store_idx %arg18[%parallel_loop3A_441], %parallel_loop3A_437 : memref<10000xi32, #tpu.memory_space<vmem>>[vector<16xi32>], vector<16xi32>,
      %parallel_loop3A_442 = arith.constant 16 : i32
      %parallel_loop3A_443 = arith.muli %parallel_loop3A_432, %parallel_loop3A_442 : i32
      %parallel_loop3A_444 = arith.constant 1024 : i32
      %parallel_loop3A_445 = arith.addi %parallel_loop3A_444, %parallel_loop3A_443 : i32
      %parallel_loop3A_446 = arith.index_cast %parallel_loop3A_445 : i32 to index
      %parallel_loop3A_447 = tpu.vector_load %arg20[%parallel_loop3A_446] {strides = array<i32>} : memref<10000xi32, #tpu.memory_space<vmem>>, vector<16xi32>,
      tpu.vector_store_idx %arg19[%parallel_loop3A_447], %parallel_loop3A_437 : memref<10000xi32, #tpu.memory_space<vmem>>[vector<16xi32>], vector<16xi32>,
    } {sc.loop_unroll_factor = 4 : i64, sc.parallel_access}
    %dma_start3A_25 = tpu.memref_slice %arg7[%mul3A_2] : memref<320000xi32, #tpu.memory_space<hbm>> -> memref<10000xi32, #tpu.memory_space<hbm>>
    %dma_start3A_26 = tpu.memref_slice %arg7[%mul3A_2] : memref<320000xi32, #tpu.memory_space<hbm>> -> memref<10000xi32, #tpu.memory_space<hbm>>
    tpu.enqueue_dma source(%dma_start3A_26 : memref<10000xi32, #tpu.memory_space<hbm>>) target(%arg20 : memref<10000xi32, #tpu.memory_space<vmem>>) target_semaphore(%arg36 : memref<!tpu.dma_semaphore, #tpu.memory_space<semaphore_mem>>)
    %dma_start3A_27 = tpu.memref_slice %arg6[%mul3A_2] : memref<320000xi32, #tpu.memory_space<hbm>> -> memref<10000xi32, #tpu.memory_space<hbm>>
    %dma_start3A_28 = tpu.memref_slice %arg6[%mul3A_2] : memref<320000xi32, #tpu.memory_space<hbm>> -> memref<10000xi32, #tpu.memory_space<hbm>>
    tpu.enqueue_dma source(%dma_start3A_28 : memref<10000xi32, #tpu.memory_space<hbm>>) target(%arg21 : memref<10000xi32, #tpu.memory_space<vmem>>) target_semaphore(%arg37 : memref<!tpu.dma_semaphore, #tpu.memory_space<semaphore_mem>>)
    %dma_start3A_29 = tpu.memref_slice %arg4[%mul3A_2] : memref<320000xf32, #tpu.memory_space<hbm>> -> memref<10000xf32, #tpu.memory_space<hbm>>
    %dma_start3A_30 = tpu.memref_slice %arg4[%mul3A_2] : memref<320000xf32, #tpu.memory_space<hbm>> -> memref<10000xf32, #tpu.memory_space<hbm>>
    tpu.enqueue_dma source(%dma_start3A_30 : memref<10000xf32, #tpu.memory_space<hbm>>) target(%arg22 : memref<10000xf32, #tpu.memory_space<vmem>>) target_semaphore(%arg38 : memref<!tpu.dma_semaphore, #tpu.memory_space<semaphore_mem>>)
    %broadcast_in_dim3A_31 = arith.constant 0.000000e+00 : f32
    %broadcast_in_dim3A_32 = vector.broadcast %broadcast_in_dim3A_31 : f32 to vector<16xf32>
    %parallel_loop3A_33 = arith.constant 0 : i32
    %parallel_loop3A_34 = arith.constant 65 : i32
    %parallel_loop3A_35 = arith.constant 1 : i32
    scf.for %parallel_loop3A_432 = %parallel_loop3A_33 to %parallel_loop3A_34 step %parallel_loop3A_35  : i32 {
      %parallel_loop3A_433 = arith.index_cast %parallel_loop3A_432 : i32 to index
      %parallel_loop3A_434 = arith.constant 0 : index
      %parallel_loop3A_435 = tpu.vector_load %arg26[%parallel_loop3A_433, %parallel_loop3A_434] {strides = array<i32>} : memref<112x128xf32, #tpu.memory_space<vmem>>, vector<16xf32>,
      tpu.vector_store %arg26[%parallel_loop3A_433, %parallel_loop3A_434], %broadcast_in_dim3A_32 {strides = array<i32>} : memref<112x128xf32, #tpu.memory_space<vmem>>, vector<16xf32>,
      %parallel_loop3A_436 = arith.index_cast %parallel_loop3A_432 : i32 to index
      %parallel_loop3A_437 = arith.constant 16 : index
      %parallel_loop3A_438 = tpu.vector_load %arg26[%parallel_loop3A_436, %parallel_loop3A_437] {strides = array<i32>} : memref<112x128xf32, #tpu.memory_space<vmem>>, vector<16xf32>,
      tpu.vector_store %arg26[%parallel_loop3A_436, %parallel_loop3A_437], %broadcast_in_dim3A_32 {strides = array<i32>} : memref<112x128xf32, #tpu.memory_space<vmem>>, vector<16xf32>,
      %parallel_loop3A_439 = arith.index_cast %parallel_loop3A_432 : i32 to index
      %parallel_loop3A_440 = arith.constant 32 : index
      %parallel_loop3A_441 = tpu.vector_load %arg26[%parallel_loop3A_439, %parallel_loop3A_440] {strides = array<i32>} : memref<112x128xf32, #tpu.memory_space<vmem>>, vector<16xf32>,
      tpu.vector_store %arg26[%parallel_loop3A_439, %parallel_loop3A_440], %broadcast_in_dim3A_32 {strides = array<i32>} : memref<112x128xf32, #tpu.memory_space<vmem>>, vector<16xf32>,
      %parallel_loop3A_442 = arith.index_cast %parallel_loop3A_432 : i32 to index
      %parallel_loop3A_443 = arith.constant 48 : index
      %parallel_loop3A_444 = tpu.vector_load %arg26[%parallel_loop3A_442, %parallel_loop3A_443] {strides = array<i32>} : memref<112x128xf32, #tpu.memory_space<vmem>>, vector<16xf32>,
      tpu.vector_store %arg26[%parallel_loop3A_442, %parallel_loop3A_443], %broadcast_in_dim3A_32 {strides = array<i32>} : memref<112x128xf32, #tpu.memory_space<vmem>>, vector<16xf32>,
      %parallel_loop3A_445 = arith.index_cast %parallel_loop3A_432 : i32 to index
      %parallel_loop3A_446 = arith.constant 64 : index
      %parallel_loop3A_447 = tpu.vector_load %arg26[%parallel_loop3A_445, %parallel_loop3A_446] {strides = array<i32>} : memref<112x128xf32, #tpu.memory_space<vmem>>, vector<16xf32>,
      tpu.vector_store %arg26[%parallel_loop3A_445, %parallel_loop3A_446], %broadcast_in_dim3A_32 {strides = array<i32>} : memref<112x128xf32, #tpu.memory_space<vmem>>, vector<16xf32>,
      %parallel_loop3A_448 = arith.index_cast %parallel_loop3A_432 : i32 to index
      %parallel_loop3A_449 = arith.constant 80 : index
      %parallel_loop3A_450 = tpu.vector_load %arg26[%parallel_loop3A_448, %parallel_loop3A_449] {strides = array<i32>} : memref<112x128xf32, #tpu.memory_space<vmem>>, vector<16xf32>,
      tpu.vector_store %arg26[%parallel_loop3A_448, %parallel_loop3A_449], %broadcast_in_dim3A_32 {strides = array<i32>} : memref<112x128xf32, #tpu.memory_space<vmem>>, vector<16xf32>,
      %parallel_loop3A_451 = arith.index_cast %parallel_loop3A_432 : i32 to index
      %parallel_loop3A_452 = arith.constant 96 : index
      %parallel_loop3A_453 = tpu.vector_load %arg26[%parallel_loop3A_451, %parallel_loop3A_452] {strides = array<i32>} : memref<112x128xf32, #tpu.memory_space<vmem>>, vector<16xf32>,
      tpu.vector_store %arg26[%parallel_loop3A_451, %parallel_loop3A_452], %broadcast_in_dim3A_32 {strides = array<i32>} : memref<112x128xf32, #tpu.memory_space<vmem>>, vector<16xf32>,
      %parallel_loop3A_454 = arith.index_cast %parallel_loop3A_432 : i32 to index
      %parallel_loop3A_455 = arith.constant 112 : index
      %parallel_loop3A_456 = tpu.vector_load %arg26[%parallel_loop3A_454, %parallel_loop3A_455] {strides = array<i32>} : memref<112x128xf32, #tpu.memory_space<vmem>>, vector<16xf32>,
      tpu.vector_store %arg26[%parallel_loop3A_454, %parallel_loop3A_455], %broadcast_in_dim3A_32 {strides = array<i32>} : memref<112x128xf32, #tpu.memory_space<vmem>>, vector<16xf32>,
    } {sc.loop_unroll_factor = 4 : i64, sc.parallel_access}
    %mul3A_36 = arith.constant 65 : i32
    %mul3A_37 = arith.muli %arg1, %mul3A_36 : i32
    %dma_start3A_38 = arith.constant 0 : i32
    %dma_start3A_39 = arith.constant 0 : i32
    %dma_start3A_40 = tpu.memref_slice %arg26[%dma_start3A_38, %dma_start3A_39] : memref<112x128xf32, #tpu.memory_space<vmem>> -> memref<65x128xf32, #tpu.memory_space<vmem>>
    %dma_start3A_41 = arith.constant 0 : i32
    %dma_start3A_42 = tpu.memref_slice %arg30[%mul3A_37, %dma_start3A_41] : memref<1040x128xf32, #tpu.memory_space<vmem_shared>> -> memref<65x128xf32, #tpu.memory_space<vmem_shared>>
    %dma_start3A_43 = arith.constant 0 : i32
    %dma_start3A_44 = tpu.memref_slice %arg30[%mul3A_37, %dma_start3A_43] : memref<1040x128xf32, #tpu.memory_space<vmem_shared>> -> memref<65x128xf32, #tpu.memory_space<vmem_shared>>
    %dma_start3A_45 = arith.constant 0 : i32
    %dma_start3A_46 = arith.constant 0 : i32
    %dma_start3A_47 = tpu.memref_slice %arg26[%dma_start3A_45, %dma_start3A_46] : memref<112x128xf32, #tpu.memory_space<vmem>> -> memref<65x128xf32, #tpu.memory_space<vmem>>
    tpu.enqueue_dma source(%dma_start3A_47 : memref<65x128xf32, #tpu.memory_space<vmem>>) target(%dma_start3A_44 : memref<65x128xf32, #tpu.memory_space<vmem_shared>>) target_semaphore(%arg34 : memref<!tpu.dma_semaphore, #tpu.memory_space<semaphore_mem>>)
    %mul3A_48 = arith.constant 65 : i32
    %mul3A_49 = arith.muli %arg1, %mul3A_48 : i32
    %dma_start3A_50 = arith.constant 0 : i32
    %dma_start3A_51 = arith.constant 0 : i32
    %dma_start3A_52 = tpu.memref_slice %arg26[%dma_start3A_50, %dma_start3A_51] : memref<112x128xf32, #tpu.memory_space<vmem>> -> memref<65x128xf32, #tpu.memory_space<vmem>>
    %dma_start3A_53 = arith.constant 0 : i32
    %dma_start3A_54 = tpu.memref_slice %arg31[%mul3A_49, %dma_start3A_53] : memref<1040x128xf32, #tpu.memory_space<vmem_shared>> -> memref<65x128xf32, #tpu.memory_space<vmem_shared>>
    %dma_start3A_55 = arith.constant 0 : i32
    %dma_start3A_56 = tpu.memref_slice %arg31[%mul3A_49, %dma_start3A_55] : memref<1040x128xf32, #tpu.memory_space<vmem_shared>> -> memref<65x128xf32, #tpu.memory_space<vmem_shared>>
    %dma_start3A_57 = arith.constant 0 : i32
    %dma_start3A_58 = arith.constant 0 : i32
    %dma_start3A_59 = tpu.memref_slice %arg26[%dma_start3A_57, %dma_start3A_58] : memref<112x128xf32, #tpu.memory_space<vmem>> -> memref<65x128xf32, #tpu.memory_space<vmem>>
    tpu.enqueue_dma source(%dma_start3A_59 : memref<65x128xf32, #tpu.memory_space<vmem>>) target(%dma_start3A_56 : memref<65x128xf32, #tpu.memory_space<vmem_shared>>) target_semaphore(%arg35 : memref<!tpu.dma_semaphore, #tpu.memory_space<semaphore_mem>>)
    %dma_wait3A_60 = arith.constant 0 : i32
    %dma_wait3A_61 = arith.constant 0 : i32
    %dma_wait3A_62 = tpu.memref_slice %arg26[%dma_wait3A_60, %dma_wait3A_61] : memref<112x128xf32, #tpu.memory_space<vmem>> -> memref<65x128xf32, #tpu.memory_space<vmem>>
    %dma_wait3A_63 = arith.constant 0 : i32
    %dma_wait3A_64 = tpu.memref_slice %arg30[%mul3A_37, %dma_wait3A_63] : memref<1040x128xf32, #tpu.memory_space<vmem_shared>> -> memref<65x128xf32, #tpu.memory_space<vmem_shared>>
    %dma_wait3A_65 = arith.constant 0 : i32
    %dma_wait3A_66 = tpu.memref_slice %arg30[%mul3A_37, %dma_wait3A_65] : memref<1040x128xf32, #tpu.memory_space<vmem_shared>> -> memref<65x128xf32, #tpu.memory_space<vmem_shared>>
    %dma_wait3A_67 = arith.constant 0 : i32
    %dma_wait3A_68 = arith.constant 0 : i32
    %dma_wait3A_69 = tpu.memref_slice %arg26[%dma_wait3A_67, %dma_wait3A_68] : memref<112x128xf32, #tpu.memory_space<vmem>> -> memref<65x128xf32, #tpu.memory_space<vmem>>
    tpu.wait_dma2 semaphore(%arg34 : memref<!tpu.dma_semaphore, #tpu.memory_space<semaphore_mem>>) src(%dma_wait3A_69 : memref<65x128xf32, #tpu.memory_space<vmem>>) dst(%dma_wait3A_66 : memref<65x128xf32, #tpu.memory_space<vmem_shared>>)
    %dma_wait3A_70 = arith.constant 0 : i32
    %dma_wait3A_71 = arith.constant 0 : i32
    %dma_wait3A_72 = tpu.memref_slice %arg26[%dma_wait3A_70, %dma_wait3A_71] : memref<112x128xf32, #tpu.memory_space<vmem>> -> memref<65x128xf32, #tpu.memory_space<vmem>>
    %dma_wait3A_73 = arith.constant 0 : i32
    %dma_wait3A_74 = tpu.memref_slice %arg31[%mul3A_49, %dma_wait3A_73] : memref<1040x128xf32, #tpu.memory_space<vmem_shared>> -> memref<65x128xf32, #tpu.memory_space<vmem_shared>>
    %dma_wait3A_75 = arith.constant 0 : i32
    %dma_wait3A_76 = tpu.memref_slice %arg31[%mul3A_49, %dma_wait3A_75] : memref<1040x128xf32, #tpu.memory_space<vmem_shared>> -> memref<65x128xf32, #tpu.memory_space<vmem_shared>>
    %dma_wait3A_77 = arith.constant 0 : i32
    %dma_wait3A_78 = arith.constant 0 : i32
    %dma_wait3A_79 = tpu.memref_slice %arg26[%dma_wait3A_77, %dma_wait3A_78] : memref<112x128xf32, #tpu.memory_space<vmem>> -> memref<65x128xf32, #tpu.memory_space<vmem>>
    tpu.wait_dma2 semaphore(%arg35 : memref<!tpu.dma_semaphore, #tpu.memory_space<semaphore_mem>>) src(%dma_wait3A_79 : memref<65x128xf32, #tpu.memory_space<vmem>>) dst(%dma_wait3A_76 : memref<65x128xf32, #tpu.memory_space<vmem_shared>>)
    %barrier3A = arith.constant 0 : index
    tpu.barrier barrier_id(%barrier3A)
    %dma_wait3A_80 = tpu.memref_slice %arg7[%mul3A_2] : memref<320000xi32, #tpu.memory_space<hbm>> -> memref<10000xi32, #tpu.memory_space<hbm>>
    %dma_wait3A_81 = tpu.memref_slice %arg7[%mul3A_2] : memref<320000xi32, #tpu.memory_space<hbm>> -> memref<10000xi32, #tpu.memory_space<hbm>>
    tpu.wait_dma2 semaphore(%arg36 : memref<!tpu.dma_semaphore, #tpu.memory_space<semaphore_mem>>) src(%dma_wait3A_81 : memref<10000xi32, #tpu.memory_space<hbm>>) dst(%arg20 : memref<10000xi32, #tpu.memory_space<vmem>>)
    %dma_wait3A_82 = tpu.memref_slice %arg6[%mul3A_2] : memref<320000xi32, #tpu.memory_space<hbm>> -> memref<10000xi32, #tpu.memory_space<hbm>>
    %dma_wait3A_83 = tpu.memref_slice %arg6[%mul3A_2] : memref<320000xi32, #tpu.memory_space<hbm>> -> memref<10000xi32, #tpu.memory_space<hbm>>
    tpu.wait_dma2 semaphore(%arg37 : memref<!tpu.dma_semaphore, #tpu.memory_space<semaphore_mem>>) src(%dma_wait3A_83 : memref<10000xi32, #tpu.memory_space<hbm>>) dst(%arg21 : memref<10000xi32, #tpu.memory_space<vmem>>)
    %dma_wait3A_84 = tpu.memref_slice %arg4[%mul3A_2] : memref<320000xf32, #tpu.memory_space<hbm>> -> memref<10000xf32, #tpu.memory_space<hbm>>
    %dma_wait3A_85 = tpu.memref_slice %arg4[%mul3A_2] : memref<320000xf32, #tpu.memory_space<hbm>> -> memref<10000xf32, #tpu.memory_space<hbm>>
    tpu.wait_dma2 semaphore(%arg38 : memref<!tpu.dma_semaphore, #tpu.memory_space<semaphore_mem>>) src(%dma_wait3A_85 : memref<10000xf32, #tpu.memory_space<hbm>>) dst(%arg22 : memref<10000xf32, #tpu.memory_space<vmem>>)
    %parallel_loop3A_86 = arith.constant 0 : i32
    %parallel_loop3A_87 = arith.constant 625 : i32
    %parallel_loop3A_88 = arith.constant 1 : i32
    %parallel_loop3A_89 = arith.constant 0 : i32
    %parallel_loop3A_90 = scf.for %parallel_loop3A_432 = %parallel_loop3A_86 to %parallel_loop3A_87 step %parallel_loop3A_88 iter_args(%parallel_loop3A_433 = %parallel_loop3A_89) -> (i32)  : i32 {
      %parallel_loop3A_434 = arith.constant 16 : i32
      %parallel_loop3A_435 = arith.muli %parallel_loop3A_432, %parallel_loop3A_434 : i32
      %parallel_loop3A_436 = arith.index_cast %parallel_loop3A_435 : i32 to index
      %parallel_loop3A_437 = tpu.vector_load %arg20[%parallel_loop3A_436] {strides = array<i32>} : memref<10000xi32, #tpu.memory_space<vmem>>, vector<16xi32>,
      %parallel_loop3A_438 = tpu.vector_load_idx %arg18[%parallel_loop3A_437] : memref<10000xi32, #tpu.memory_space<vmem>>[vector<16xi32>], vector<16xi32>,
      %parallel_loop3A_439 = arith.constant 0 : i32
      %parallel_loop3A_440 = vector.broadcast %parallel_loop3A_439 : i32 to vector<16xi32>
      %parallel_loop3A_441 = arith.cmpi sge, %parallel_loop3A_438, %parallel_loop3A_440 : vector<16xi32>
      %parallel_loop3A_442 = arith.index_cast %parallel_loop3A_435 : i32 to index
      %parallel_loop3A_443 = tpu.vector_load %arg21[%parallel_loop3A_442] {strides = array<i32>} : memref<10000xi32, #tpu.memory_space<vmem>>, vector<16xi32>,
      %parallel_loop3A_444 = arith.index_cast %parallel_loop3A_433 : i32 to index
      %parallel_loop3A_445 = tpu.vector_load %arg23[%parallel_loop3A_444] masked %parallel_loop3A_441 {strides = array<i32>} : memref<10192xi32, #tpu.memory_space<vmem>>, vector<16xi32>, vector<16xi1>
      tpu.vector_store %arg23[%parallel_loop3A_444], %parallel_loop3A_443 masked %parallel_loop3A_441 {strides = array<i32>} : memref<10192xi32, #tpu.memory_space<vmem>>, vector<16xi32>, vector<16xi1>
      %parallel_loop3A_446 = arith.index_cast %parallel_loop3A_435 : i32 to index
      %parallel_loop3A_447 = tpu.vector_load %arg22[%parallel_loop3A_446] {strides = array<i32>} : memref<10000xf32, #tpu.memory_space<vmem>>, vector<16xf32>,
      %parallel_loop3A_448 = arith.index_cast %parallel_loop3A_433 : i32 to index
      %parallel_loop3A_449 = tpu.vector_load %arg25[%parallel_loop3A_448] masked %parallel_loop3A_441 {strides = array<i32>} : memref<10192xf32, #tpu.memory_space<vmem>>, vector<16xf32>, vector<16xi1>
      tpu.vector_store %arg25[%parallel_loop3A_448], %parallel_loop3A_447 masked %parallel_loop3A_441 {strides = array<i32>} : memref<10192xf32, #tpu.memory_space<vmem>>, vector<16xf32>, vector<16xi1>
      %parallel_loop3A_450 = arith.index_cast %parallel_loop3A_433 : i32 to index
      %parallel_loop3A_451 = tpu.vector_load %arg24[%parallel_loop3A_450] masked %parallel_loop3A_441 {strides = array<i32>} : memref<10192xi32, #tpu.memory_space<vmem>>, vector<16xi32>, vector<16xi1>
      tpu.vector_store %arg24[%parallel_loop3A_450], %parallel_loop3A_438 masked %parallel_loop3A_441 {strides = array<i32>} : memref<10192xi32, #tpu.memory_space<vmem>>, vector<16xi32>, vector<16xi1>
      %parallel_loop3A_452 = tpu.all_reduce %parallel_loop3A_441 {dim = 0 : i64, kind = #tpu.reduction_kind<sum>} : vector<16xi1> -> vector<16xi32>
      %parallel_loop3A_453 = vector.extract_strided_slice %parallel_loop3A_452 {offsets = [0], sizes = [1], strides = [1]} : vector<16xi32> to vector<1xi32>
      %parallel_loop3A_454 = vector.extract %parallel_loop3A_453[0] : i32 from vector<1xi32>
      %parallel_loop3A_455 = arith.addi %parallel_loop3A_433, %parallel_loop3A_454 : i32
      scf.yield %parallel_loop3A_455 : i32
    } {sc.loop_unroll_factor = 8 : i64, sc.parallel_access}
    %broadcast_in_dim3A_91 = arith.constant 0 : i32
    %broadcast_in_dim3A_92 = vector.broadcast %broadcast_in_dim3A_91 : i32 to vector<16xi32>
    %broadcast_in_dim3A_93 = arith.constant 1024 : i32
    %broadcast_in_dim3A_94 = vector.broadcast %broadcast_in_dim3A_93 : i32 to vector<16xi32>
    %add3A_95 = arith.constant 0 : i32
    %add3A_96 = arith.addi %parallel_loop3A_90, %add3A_95 : i32
    %swap3A = arith.index_cast %add3A_96 : i32 to index
    %swap3A_97 = tpu.vector_load %arg23[%swap3A] {strides = array<i32>} : memref<10192xi32, #tpu.memory_space<vmem>>, vector<16xi32>,
    tpu.vector_store %arg23[%swap3A], %broadcast_in_dim3A_92 {strides = array<i32>} : memref<10192xi32, #tpu.memory_space<vmem>>, vector<16xi32>,
    %add3A_98 = arith.constant 0 : i32
    %add3A_99 = arith.addi %parallel_loop3A_90, %add3A_98 : i32
    %swap3A_100 = arith.index_cast %add3A_99 : i32 to index
    %swap3A_101 = tpu.vector_load %arg24[%swap3A_100] {strides = array<i32>} : memref<10192xi32, #tpu.memory_space<vmem>>, vector<16xi32>,
    tpu.vector_store %arg24[%swap3A_100], %broadcast_in_dim3A_94 {strides = array<i32>} : memref<10192xi32, #tpu.memory_space<vmem>>, vector<16xi32>,
    %add3A_102 = arith.constant 16 : i32
    %add3A_103 = arith.addi %parallel_loop3A_90, %add3A_102 : i32
    %swap3A_104 = arith.index_cast %add3A_103 : i32 to index
    %swap3A_105 = tpu.vector_load %arg23[%swap3A_104] {strides = array<i32>} : memref<10192xi32, #tpu.memory_space<vmem>>, vector<16xi32>,
    tpu.vector_store %arg23[%swap3A_104], %broadcast_in_dim3A_92 {strides = array<i32>} : memref<10192xi32, #tpu.memory_space<vmem>>, vector<16xi32>,
    %add3A_106 = arith.constant 16 : i32
    %add3A_107 = arith.addi %parallel_loop3A_90, %add3A_106 : i32
    %swap3A_108 = arith.index_cast %add3A_107 : i32 to index
    %swap3A_109 = tpu.vector_load %arg24[%swap3A_108] {strides = array<i32>} : memref<10192xi32, #tpu.memory_space<vmem>>, vector<16xi32>,
    tpu.vector_store %arg24[%swap3A_108], %broadcast_in_dim3A_94 {strides = array<i32>} : memref<10192xi32, #tpu.memory_space<vmem>>, vector<16xi32>,
    %add3A_110 = arith.constant 32 : i32
    %add3A_111 = arith.addi %parallel_loop3A_90, %add3A_110 : i32
    %swap3A_112 = arith.index_cast %add3A_111 : i32 to index
    %swap3A_113 = tpu.vector_load %arg23[%swap3A_112] {strides = array<i32>} : memref<10192xi32, #tpu.memory_space<vmem>>, vector<16xi32>,
    tpu.vector_store %arg23[%swap3A_112], %broadcast_in_dim3A_92 {strides = array<i32>} : memref<10192xi32, #tpu.memory_space<vmem>>, vector<16xi32>,
    %add3A_114 = arith.constant 32 : i32
    %add3A_115 = arith.addi %parallel_loop3A_90, %add3A_114 : i32
    %swap3A_116 = arith.index_cast %add3A_115 : i32 to index
    %swap3A_117 = tpu.vector_load %arg24[%swap3A_116] {strides = array<i32>} : memref<10192xi32, #tpu.memory_space<vmem>>, vector<16xi32>,
    tpu.vector_store %arg24[%swap3A_116], %broadcast_in_dim3A_94 {strides = array<i32>} : memref<10192xi32, #tpu.memory_space<vmem>>, vector<16xi32>,
    %add3A_118 = arith.constant 48 : i32
    %add3A_119 = arith.addi %parallel_loop3A_90, %add3A_118 : i32
    %swap3A_120 = arith.index_cast %add3A_119 : i32 to index
    %swap3A_121 = tpu.vector_load %arg23[%swap3A_120] {strides = array<i32>} : memref<10192xi32, #tpu.memory_space<vmem>>, vector<16xi32>,
    tpu.vector_store %arg23[%swap3A_120], %broadcast_in_dim3A_92 {strides = array<i32>} : memref<10192xi32, #tpu.memory_space<vmem>>, vector<16xi32>,
    %add3A_122 = arith.constant 48 : i32
    %add3A_123 = arith.addi %parallel_loop3A_90, %add3A_122 : i32
    %swap3A_124 = arith.index_cast %add3A_123 : i32 to index
    %swap3A_125 = tpu.vector_load %arg24[%swap3A_124] {strides = array<i32>} : memref<10192xi32, #tpu.memory_space<vmem>>, vector<16xi32>,
    tpu.vector_store %arg24[%swap3A_124], %broadcast_in_dim3A_94 {strides = array<i32>} : memref<10192xi32, #tpu.memory_space<vmem>>, vector<16xi32>,
    %add3A_126 = arith.constant 64 : i32
    %add3A_127 = arith.addi %parallel_loop3A_90, %add3A_126 : i32
    %swap3A_128 = arith.index_cast %add3A_127 : i32 to index
    %swap3A_129 = tpu.vector_load %arg23[%swap3A_128] {strides = array<i32>} : memref<10192xi32, #tpu.memory_space<vmem>>, vector<16xi32>,
    tpu.vector_store %arg23[%swap3A_128], %broadcast_in_dim3A_92 {strides = array<i32>} : memref<10192xi32, #tpu.memory_space<vmem>>, vector<16xi32>,
    %add3A_130 = arith.constant 64 : i32
    %add3A_131 = arith.addi %parallel_loop3A_90, %add3A_130 : i32
    %swap3A_132 = arith.index_cast %add3A_131 : i32 to index
    %swap3A_133 = tpu.vector_load %arg24[%swap3A_132] {strides = array<i32>} : memref<10192xi32, #tpu.memory_space<vmem>>, vector<16xi32>,
    tpu.vector_store %arg24[%swap3A_132], %broadcast_in_dim3A_94 {strides = array<i32>} : memref<10192xi32, #tpu.memory_space<vmem>>, vector<16xi32>,
    %add3A_134 = arith.constant 80 : i32
    %add3A_135 = arith.addi %parallel_loop3A_90, %add3A_134 : i32
    %swap3A_136 = arith.index_cast %add3A_135 : i32 to index
    %swap3A_137 = tpu.vector_load %arg23[%swap3A_136] {strides = array<i32>} : memref<10192xi32, #tpu.memory_space<vmem>>, vector<16xi32>,
    tpu.vector_store %arg23[%swap3A_136], %broadcast_in_dim3A_92 {strides = array<i32>} : memref<10192xi32, #tpu.memory_space<vmem>>, vector<16xi32>,
    %add3A_138 = arith.constant 80 : i32
    %add3A_139 = arith.addi %parallel_loop3A_90, %add3A_138 : i32
    %swap3A_140 = arith.index_cast %add3A_139 : i32 to index
    %swap3A_141 = tpu.vector_load %arg24[%swap3A_140] {strides = array<i32>} : memref<10192xi32, #tpu.memory_space<vmem>>, vector<16xi32>,
    tpu.vector_store %arg24[%swap3A_140], %broadcast_in_dim3A_94 {strides = array<i32>} : memref<10192xi32, #tpu.memory_space<vmem>>, vector<16xi32>,
    %add3A_142 = arith.constant 96 : i32
    %add3A_143 = arith.addi %parallel_loop3A_90, %add3A_142 : i32
    %swap3A_144 = arith.index_cast %add3A_143 : i32 to index
    %swap3A_145 = tpu.vector_load %arg23[%swap3A_144] {strides = array<i32>} : memref<10192xi32, #tpu.memory_space<vmem>>, vector<16xi32>,
    tpu.vector_store %arg23[%swap3A_144], %broadcast_in_dim3A_92 {strides = array<i32>} : memref<10192xi32, #tpu.memory_space<vmem>>, vector<16xi32>,
    %add3A_146 = arith.constant 96 : i32
    %add3A_147 = arith.addi %parallel_loop3A_90, %add3A_146 : i32
    %swap3A_148 = arith.index_cast %add3A_147 : i32 to index
    %swap3A_149 = tpu.vector_load %arg24[%swap3A_148] {strides = array<i32>} : memref<10192xi32, #tpu.memory_space<vmem>>, vector<16xi32>,
    tpu.vector_store %arg24[%swap3A_148], %broadcast_in_dim3A_94 {strides = array<i32>} : memref<10192xi32, #tpu.memory_space<vmem>>, vector<16xi32>,
    %dma_start3A_150 = tpu.memref_slice %arg9[%mul3A_2] : memref<320000xi32, #tpu.memory_space<hbm>> -> memref<10000xi32, #tpu.memory_space<hbm>>
    %dma_start3A_151 = tpu.memref_slice %arg9[%mul3A_2] : memref<320000xi32, #tpu.memory_space<hbm>> -> memref<10000xi32, #tpu.memory_space<hbm>>
    tpu.enqueue_dma source(%dma_start3A_151 : memref<10000xi32, #tpu.memory_space<hbm>>) target(%arg20 : memref<10000xi32, #tpu.memory_space<vmem>>) target_semaphore(%arg36 : memref<!tpu.dma_semaphore, #tpu.memory_space<semaphore_mem>>)
    %dma_start3A_152 = tpu.memref_slice %arg8[%mul3A_2] : memref<320000xi32, #tpu.memory_space<hbm>> -> memref<10000xi32, #tpu.memory_space<hbm>>
    %dma_start3A_153 = tpu.memref_slice %arg8[%mul3A_2] : memref<320000xi32, #tpu.memory_space<hbm>> -> memref<10000xi32, #tpu.memory_space<hbm>>
    tpu.enqueue_dma source(%dma_start3A_153 : memref<10000xi32, #tpu.memory_space<hbm>>) target(%arg21 : memref<10000xi32, #tpu.memory_space<vmem>>) target_semaphore(%arg37 : memref<!tpu.dma_semaphore, #tpu.memory_space<semaphore_mem>>)
    %dma_start3A_154 = tpu.memref_slice %arg5[%mul3A_2] : memref<320000xf32, #tpu.memory_space<hbm>> -> memref<10000xf32, #tpu.memory_space<hbm>>
    %dma_start3A_155 = tpu.memref_slice %arg5[%mul3A_2] : memref<320000xf32, #tpu.memory_space<hbm>> -> memref<10000xf32, #tpu.memory_space<hbm>>
    tpu.enqueue_dma source(%dma_start3A_155 : memref<10000xf32, #tpu.memory_space<hbm>>) target(%arg22 : memref<10000xf32, #tpu.memory_space<vmem>>) target_semaphore(%arg38 : memref<!tpu.dma_semaphore, #tpu.memory_space<semaphore_mem>>)
    %add3A_156 = arith.constant 112 : i32
    %add3A_157 = arith.addi %parallel_loop3A_90, %add3A_156 : i32
    %sub3A = arith.constant 1 : i32
    %sub3A_158 = arith.subi %add3A_157, %sub3A : i32
    %jit3A = arith.constant 112 : i32
    %div3A = arith.divsi %sub3A_158, %jit3A : i32
    %sign3A = arith.constant 0 : i32
    %sign3A_159 = arith.cmpi sgt, %sub3A_158, %sign3A : i32
    %sign3A_160 = arith.extui %sign3A_159 : i1 to i32
    %sign3A_161 = arith.constant 0 : i32
    %sign3A_162 = arith.cmpi slt, %sub3A_158, %sign3A_161 : i32
    %sign3A_163 = arith.extui %sign3A_162 : i1 to i32
    %sign3A_164 = arith.subi %sign3A_160, %sign3A_163 : i32
    %sign3A_165 = arith.constant 0 : i32
    %sign3A_166 = arith.cmpi sgt, %jit3A, %sign3A_165 : i32
    %sign3A_167 = arith.extui %sign3A_166 : i1 to i32
    %sign3A_168 = arith.constant 0 : i32
    %sign3A_169 = arith.cmpi slt, %jit3A, %sign3A_168 : i32
    %sign3A_170 = arith.extui %sign3A_169 : i1 to i32
    %sign3A_171 = arith.subi %sign3A_167, %sign3A_170 : i32
    %ne3A = arith.cmpi ne, %sign3A_164, %sign3A_171 : i32
    %rem3A = arith.remsi %sub3A_158, %jit3A : i32
    %ne3A_172 = arith.constant 0 : i32
    %ne3A_173 = arith.cmpi ne, %rem3A, %ne3A_172 : i32
    %and3A = arith.andi %ne3A, %ne3A_173 : i1
    %sub3A_174 = arith.constant 1 : i32
    %sub3A_175 = arith.subi %div3A, %sub3A_174 : i32
    %select_n3A = arith.select %and3A, %sub3A_175, %div3A : i32
    %gt3A = arith.constant 0 : i32
    %gt3A_176 = arith.cmpi sgt, %select_n3A, %gt3A : i32
    %convert_element_type3A = arith.extui %gt3A_176 : i1 to i32
    %cond3A = arith.constant 0 : i32
    %cond3A_177 = arith.cmpi ne, %convert_element_type3A, %cond3A : i32
    scf.if %cond3A_177 {
      %dma_start3A_432 = arith.constant 0 : i32
      %dma_start3A_433 = tpu.memref_slice %arg23[%dma_start3A_432] : memref<10192xi32, #tpu.memory_space<vmem>> -> memref<112xi32, #tpu.memory_space<vmem>>
      %dma_start3A_434 = arith.constant 0 : i32
      %dma_start3A_435 = arith.constant 0 : i32
      %dma_start3A_436 = tpu.memref_slice %arg2[%dma_start3A_434, %dma_start3A_435] : memref<10000x128xf32, #tpu.memory_space<hbm>> -> memref<10000x128xf32, #tpu.memory_space<hbm>>
      tpu.enqueue_indirect_dma source(%dma_start3A_436 : memref<10000x128xf32, #tpu.memory_space<hbm>>) target(%arg26 : memref<112x128xf32, #tpu.memory_space<vmem>>) offsets(%dma_start3A_433 : memref<112xi32, #tpu.memory_space<vmem>>) semaphore(%arg32 : memref<!tpu.dma_semaphore, #tpu.memory_space<semaphore_mem>>)
    } else {
    }
    %add3A_178 = arith.constant 1 : i32
    %add3A_179 = arith.addi %select_n3A, %add3A_178 : i32
    %jit3A_180 = arith.constant 2 : i32
    %div3A_181 = arith.divsi %add3A_179, %jit3A_180 : i32
    %sign3A_182 = arith.constant 0 : i32
    %sign3A_183 = arith.cmpi sgt, %add3A_179, %sign3A_182 : i32
    %sign3A_184 = arith.extui %sign3A_183 : i1 to i32
    %sign3A_185 = arith.constant 0 : i32
    %sign3A_186 = arith.cmpi slt, %add3A_179, %sign3A_185 : i32
    %sign3A_187 = arith.extui %sign3A_186 : i1 to i32
    %sign3A_188 = arith.subi %sign3A_184, %sign3A_187 : i32
    %sign3A_189 = arith.constant 0 : i32
    %sign3A_190 = arith.cmpi sgt, %jit3A_180, %sign3A_189 : i32
    %sign3A_191 = arith.extui %sign3A_190 : i1 to i32
    %sign3A_192 = arith.constant 0 : i32
    %sign3A_193 = arith.cmpi slt, %jit3A_180, %sign3A_192 : i32
    %sign3A_194 = arith.extui %sign3A_193 : i1 to i32
    %sign3A_195 = arith.subi %sign3A_191, %sign3A_194 : i32
    %ne3A_196 = arith.cmpi ne, %sign3A_188, %sign3A_195 : i32
    %rem3A_197 = arith.remsi %add3A_179, %jit3A_180 : i32
    %ne3A_198 = arith.constant 0 : i32
    %ne3A_199 = arith.cmpi ne, %rem3A_197, %ne3A_198 : i32
    %and3A_200 = arith.andi %ne3A_196, %ne3A_199 : i1
    %sub3A_201 = arith.constant 1 : i32
    %sub3A_202 = arith.subi %div3A_181, %sub3A_201 : i32
    %select_n3A_203 = arith.select %and3A_200, %sub3A_202, %div3A_181 : i32
    %while3A = arith.constant 0 : i32
    %while3A_204 = arith.constant 0 : i32
    %while3A_205 = arith.subi %select_n3A_203, %while3A_204 : i32
    %while3A_206 = arith.addi %while3A_204, %while3A_205 : i32
    %while3A_207 = arith.constant 1 : i32
    %while3A_208 = arith.divsi %while3A_205, %while3A_207 : i32
    %while3A_209 = arith.muli %while3A_208, %while3A_207 : i32
    %while3A_210 = arith.addi %while3A_204, %while3A_209 : i32
    %while3A_211 = arith.constant 1 : i32
    scf.for %while3A_432 = %while3A_204 to %while3A_210 step %while3A_211  : i32 {
      %mul3A_433 = arith.constant 2 : i32
      %mul3A_434 = arith.muli %mul3A_433, %while3A_432 : i32
      %add3A_435 = arith.constant 1 : i32
      %add3A_436 = arith.addi %mul3A_434, %add3A_435 : i32
      %lt3A = arith.cmpi slt, %mul3A_434, %select_n3A : i32
      %convert_element_type3A_437 = arith.extui %lt3A : i1 to i32
      %cond3A_438 = arith.constant 0 : i32
      %cond3A_439 = arith.cmpi ne, %convert_element_type3A_437, %cond3A_438 : i32
      scf.if %cond3A_439 {
        %add3A_444 = arith.constant 1 : i32
        %add3A_445 = arith.addi %mul3A_434, %add3A_444 : i32
        %lt3A_446 = arith.cmpi slt, %add3A_445, %select_n3A : i32
        %convert_element_type3A_447 = arith.extui %lt3A_446 : i1 to i32
        %cond3A_448 = arith.constant 0 : i32
        %cond3A_449 = arith.cmpi ne, %convert_element_type3A_447, %cond3A_448 : i32
        scf.if %cond3A_449 {
          %ge3A = arith.constant 1 : i32
          %ge3A_535 = arith.cmpi sge, %mul3A_434, %ge3A : i32
          %convert_element_type3A_536 = arith.extui %ge3A_535 : i1 to i32
          %cond3A_537 = arith.constant 0 : i32
          %cond3A_538 = arith.cmpi ne, %convert_element_type3A_536, %cond3A_537 : i32
          scf.if %cond3A_538 {
            %dma_wait3A_547 = arith.constant 1 : i32
            %dma_wait3A_548 = arith.constant 0 : i32
            %dma_wait3A_549 = tpu.memref_slice %arg28[%dma_wait3A_547, %dma_wait3A_548] : memref<2x112xi32, #tpu.memory_space<vmem>> -> memref<1x112xi32, #tpu.memory_space<vmem>>
            %dma_wait3A_550 = tpu.memref_squeeze %dma_wait3A_549 : memref<1x112xi32, #tpu.memory_space<vmem>> -> memref<112xi32, #tpu.memory_space<vmem>>
            %dma_wait3A_551 = arith.constant 0 : i32
            %dma_wait3A_552 = arith.constant 0 : i32
            %dma_wait3A_553 = tpu.memref_slice %arg30[%dma_wait3A_551, %dma_wait3A_552] : memref<1040x128xf32, #tpu.memory_space<vmem_shared>> -> memref<1040x128xf32, #tpu.memory_space<vmem_shared>>
            tpu.wait_indirect_dma semaphore(%arg35 : memref<!tpu.dma_semaphore, #tpu.memory_space<semaphore_mem>>) src(%arg27 : memref<112x128xf32, #tpu.memory_space<vmem>>) dst(%dma_wait3A_553 : memref<1040x128xf32, #tpu.memory_space<vmem_shared>>)
          } else {
          }
          %add3A_539 = arith.constant 1 : i32
          %add3A_540 = arith.addi %mul3A_434, %add3A_539 : i32
          %mul3A_541 = arith.constant 112 : i32
          %mul3A_542 = arith.muli %add3A_540, %mul3A_541 : i32
          %dma_start3A_543 = tpu.memref_slice %arg23[%mul3A_542] : memref<10192xi32, #tpu.memory_space<vmem>> -> memref<112xi32, #tpu.memory_space<vmem>>
          %dma_start3A_544 = arith.constant 0 : i32
          %dma_start3A_545 = arith.constant 0 : i32
          %dma_start3A_546 = tpu.memref_slice %arg2[%dma_start3A_544, %dma_start3A_545] : memref<10000x128xf32, #tpu.memory_space<hbm>> -> memref<10000x128xf32, #tpu.memory_space<hbm>>
          tpu.enqueue_indirect_dma source(%dma_start3A_546 : memref<10000x128xf32, #tpu.memory_space<hbm>>) target(%arg27 : memref<112x128xf32, #tpu.memory_space<vmem>>) offsets(%dma_start3A_543 : memref<112xi32, #tpu.memory_space<vmem>>) semaphore(%arg33 : memref<!tpu.dma_semaphore, #tpu.memory_space<semaphore_mem>>)
        } else {
        }
        %mul3A_450 = arith.constant 112 : i32
        %mul3A_451 = arith.muli %mul3A_434, %mul3A_450 : i32
        %dma_wait3A_452 = tpu.memref_slice %arg23[%mul3A_451] : memref<10192xi32, #tpu.memory_space<vmem>> -> memref<112xi32, #tpu.memory_space<vmem>>
        %dma_wait3A_453 = arith.constant 0 : i32
        %dma_wait3A_454 = arith.constant 0 : i32
        %dma_wait3A_455 = tpu.memref_slice %arg2[%dma_wait3A_453, %dma_wait3A_454] : memref<10000x128xf32, #tpu.memory_space<hbm>> -> memref<10000x128xf32, #tpu.memory_space<hbm>>
        tpu.wait_indirect_dma semaphore(%arg32 : memref<!tpu.dma_semaphore, #tpu.memory_space<semaphore_mem>>) src(%dma_wait3A_455 : memref<10000x128xf32, #tpu.memory_space<hbm>>) dst(%arg26 : memref<112x128xf32, #tpu.memory_space<vmem>>)
        %mul3A_456 = arith.constant 112 : i32
        %mul3A_457 = arith.muli %mul3A_434, %mul3A_456 : i32
        %add3A_458 = arith.constant 0 : i32
        %add3A_459 = arith.addi %mul3A_457, %add3A_458 : i32
        %get3A = arith.index_cast %add3A_459 : i32 to index
        %get3A_460 = tpu.vector_load %arg24[%get3A] {strides = array<i32>} : memref<10192xi32, #tpu.memory_space<vmem>>, vector<16xi32>,
        %swap3A_461 = arith.constant 0 : i32
        %swap3A_462 = arith.index_cast %swap3A_461 : i32 to index
        %swap3A_463 = arith.constant 0 : index
        %swap3A_464 = tpu.vector_load %arg28[%swap3A_462, %swap3A_463] {strides = array<i32>} : memref<2x112xi32, #tpu.memory_space<vmem>>, vector<16xi32>,
        tpu.vector_store %arg28[%swap3A_462, %swap3A_463], %get3A_460 {strides = array<i32>} : memref<2x112xi32, #tpu.memory_space<vmem>>, vector<16xi32>,
        %mul3A_465 = arith.constant 112 : i32
        %mul3A_466 = arith.muli %mul3A_434, %mul3A_465 : i32
        %add3A_467 = arith.constant 16 : i32
        %add3A_468 = arith.addi %mul3A_466, %add3A_467 : i32
        %get3A_469 = arith.index_cast %add3A_468 : i32 to index
        %get3A_470 = tpu.vector_load %arg24[%get3A_469] {strides = array<i32>} : memref<10192xi32, #tpu.memory_space<vmem>>, vector<16xi32>,
        %swap3A_471 = arith.constant 0 : i32
        %swap3A_472 = arith.index_cast %swap3A_471 : i32 to index
        %swap3A_473 = arith.constant 16 : index
        %swap3A_474 = tpu.vector_load %arg28[%swap3A_472, %swap3A_473] {strides = array<i32>} : memref<2x112xi32, #tpu.memory_space<vmem>>, vector<16xi32>,
        tpu.vector_store %arg28[%swap3A_472, %swap3A_473], %get3A_470 {strides = array<i32>} : memref<2x112xi32, #tpu.memory_space<vmem>>, vector<16xi32>,
        %mul3A_475 = arith.constant 112 : i32
        %mul3A_476 = arith.muli %mul3A_434, %mul3A_475 : i32
        %add3A_477 = arith.constant 32 : i32
        %add3A_478 = arith.addi %mul3A_476, %add3A_477 : i32
        %get3A_479 = arith.index_cast %add3A_478 : i32 to index
        %get3A_480 = tpu.vector_load %arg24[%get3A_479] {strides = array<i32>} : memref<10192xi32, #tpu.memory_space<vmem>>, vector<16xi32>,
        %swap3A_481 = arith.constant 0 : i32
        %swap3A_482 = arith.index_cast %swap3A_481 : i32 to index
        %swap3A_483 = arith.constant 32 : index
        %swap3A_484 = tpu.vector_load %arg28[%swap3A_482, %swap3A_483] {strides = array<i32>} : memref<2x112xi32, #tpu.memory_space<vmem>>, vector<16xi32>,
        tpu.vector_store %arg28[%swap3A_482, %swap3A_483], %get3A_480 {strides = array<i32>} : memref<2x112xi32, #tpu.memory_space<vmem>>, vector<16xi32>,
        %mul3A_485 = arith.constant 112 : i32
        %mul3A_486 = arith.muli %mul3A_434, %mul3A_485 : i32
        %add3A_487 = arith.constant 48 : i32
        %add3A_488 = arith.addi %mul3A_486, %add3A_487 : i32
        %get3A_489 = arith.index_cast %add3A_488 : i32 to index
        %get3A_490 = tpu.vector_load %arg24[%get3A_489] {strides = array<i32>} : memref<10192xi32, #tpu.memory_space<vmem>>, vector<16xi32>,
        %swap3A_491 = arith.constant 0 : i32
        %swap3A_492 = arith.index_cast %swap3A_491 : i32 to index
        %swap3A_493 = arith.constant 48 : index
        %swap3A_494 = tpu.vector_load %arg28[%swap3A_492, %swap3A_493] {strides = array<i32>} : memref<2x112xi32, #tpu.memory_space<vmem>>, vector<16xi32>,
        tpu.vector_store %arg28[%swap3A_492, %swap3A_493], %get3A_490 {strides = array<i32>} : memref<2x112xi32, #tpu.memory_space<vmem>>, vector<16xi32>,
        %mul3A_495 = arith.constant 112 : i32
        %mul3A_496 = arith.muli %mul3A_434, %mul3A_495 : i32
        %add3A_497 = arith.constant 64 : i32
        %add3A_498 = arith.addi %mul3A_496, %add3A_497 : i32
        %get3A_499 = arith.index_cast %add3A_498 : i32 to index
        %get3A_500 = tpu.vector_load %arg24[%get3A_499] {strides = array<i32>} : memref<10192xi32, #tpu.memory_space<vmem>>, vector<16xi32>,
        %swap3A_501 = arith.constant 0 : i32
        %swap3A_502 = arith.index_cast %swap3A_501 : i32 to index
        %swap3A_503 = arith.constant 64 : index
        %swap3A_504 = tpu.vector_load %arg28[%swap3A_502, %swap3A_503] {strides = array<i32>} : memref<2x112xi32, #tpu.memory_space<vmem>>, vector<16xi32>,
        tpu.vector_store %arg28[%swap3A_502, %swap3A_503], %get3A_500 {strides = array<i32>} : memref<2x112xi32, #tpu.memory_space<vmem>>, vector<16xi32>,
        %mul3A_505 = arith.constant 112 : i32
        %mul3A_506 = arith.muli %mul3A_434, %mul3A_505 : i32
        %add3A_507 = arith.constant 80 : i32
        %add3A_508 = arith.addi %mul3A_506, %add3A_507 : i32
        %get3A_509 = arith.index_cast %add3A_508 : i32 to index
        %get3A_510 = tpu.vector_load %arg24[%get3A_509] {strides = array<i32>} : memref<10192xi32, #tpu.memory_space<vmem>>, vector<16xi32>,
        %swap3A_511 = arith.constant 0 : i32
        %swap3A_512 = arith.index_cast %swap3A_511 : i32 to index
        %swap3A_513 = arith.constant 80 : index
        %swap3A_514 = tpu.vector_load %arg28[%swap3A_512, %swap3A_513] {strides = array<i32>} : memref<2x112xi32, #tpu.memory_space<vmem>>, vector<16xi32>,
        tpu.vector_store %arg28[%swap3A_512, %swap3A_513], %get3A_510 {strides = array<i32>} : memref<2x112xi32, #tpu.memory_space<vmem>>, vector<16xi32>,
        %mul3A_515 = arith.constant 112 : i32
        %mul3A_516 = arith.muli %mul3A_434, %mul3A_515 : i32
        %add3A_517 = arith.constant 96 : i32
        %add3A_518 = arith.addi %mul3A_516, %add3A_517 : i32
        %get3A_519 = arith.index_cast %add3A_518 : i32 to index
        %get3A_520 = tpu.vector_load %arg24[%get3A_519] {strides = array<i32>} : memref<10192xi32, #tpu.memory_space<vmem>>, vector<16xi32>,
        %swap3A_521 = arith.constant 0 : i32
        %swap3A_522 = arith.index_cast %swap3A_521 : i32 to index
        %swap3A_523 = arith.constant 96 : index
        %swap3A_524 = tpu.vector_load %arg28[%swap3A_522, %swap3A_523] {strides = array<i32>} : memref<2x112xi32, #tpu.memory_space<vmem>>, vector<16xi32>,
        tpu.vector_store %arg28[%swap3A_522, %swap3A_523], %get3A_520 {strides = array<i32>} : memref<2x112xi32, #tpu.memory_space<vmem>>, vector<16xi32>,
        %parallel_loop3A_525 = arith.constant 0 : i32
        %parallel_loop3A_526 = arith.constant 112 : i32
        %parallel_loop3A_527 = arith.constant 1 : i32
        scf.for %parallel_loop3A_535 = %parallel_loop3A_525 to %parallel_loop3A_526 step %parallel_loop3A_527  : i32 {
          %parallel_loop3A_536 = arith.constant 112 : i32
          %parallel_loop3A_537 = arith.muli %mul3A_434, %parallel_loop3A_536 : i32
          %parallel_loop3A_538 = arith.addi %parallel_loop3A_537, %parallel_loop3A_535 : i32
          %parallel_loop3A_539 = vector.broadcast %parallel_loop3A_538 : i32 to vector<16xi32>
          %parallel_loop3A_540 = tpu.vector_load_idx %arg25[%parallel_loop3A_539] : memref<10192xf32, #tpu.memory_space<vmem>>[vector<16xi32>], vector<16xf32>,
          %parallel_loop3A_541 = arith.index_cast %parallel_loop3A_535 : i32 to index
          %parallel_loop3A_542 = arith.constant 0 : index
          %parallel_loop3A_543 = tpu.vector_load %arg26[%parallel_loop3A_541, %parallel_loop3A_542] {strides = array<i32>} : memref<112x128xf32, #tpu.memory_space<vmem>>, vector<16xf32>,
          %parallel_loop3A_544 = arith.mulf %parallel_loop3A_543, %parallel_loop3A_540 : vector<16xf32>
          %parallel_loop3A_545 = arith.index_cast %parallel_loop3A_535 : i32 to index
          %parallel_loop3A_546 = arith.constant 0 : index
          %parallel_loop3A_547 = tpu.vector_load %arg26[%parallel_loop3A_545, %parallel_loop3A_546] {strides = array<i32>} : memref<112x128xf32, #tpu.memory_space<vmem>>, vector<16xf32>,
          tpu.vector_store %arg26[%parallel_loop3A_545, %parallel_loop3A_546], %parallel_loop3A_544 {strides = array<i32>} : memref<112x128xf32, #tpu.memory_space<vmem>>, vector<16xf32>,
          %parallel_loop3A_548 = arith.index_cast %parallel_loop3A_535 : i32 to index
          %parallel_loop3A_549 = arith.constant 16 : index
          %parallel_loop3A_550 = tpu.vector_load %arg26[%parallel_loop3A_548, %parallel_loop3A_549] {strides = array<i32>} : memref<112x128xf32, #tpu.memory_space<vmem>>, vector<16xf32>,
          %parallel_loop3A_551 = arith.mulf %parallel_loop3A_550, %parallel_loop3A_540 : vector<16xf32>
          %parallel_loop3A_552 = arith.index_cast %parallel_loop3A_535 : i32 to index
          %parallel_loop3A_553 = arith.constant 16 : index
          %parallel_loop3A_554 = tpu.vector_load %arg26[%parallel_loop3A_552, %parallel_loop3A_553] {strides = array<i32>} : memref<112x128xf32, #tpu.memory_space<vmem>>, vector<16xf32>,
          tpu.vector_store %arg26[%parallel_loop3A_552, %parallel_loop3A_553], %parallel_loop3A_551 {strides = array<i32>} : memref<112x128xf32, #tpu.memory_space<vmem>>, vector<16xf32>,
          %parallel_loop3A_555 = arith.index_cast %parallel_loop3A_535 : i32 to index
          %parallel_loop3A_556 = arith.constant 32 : index
          %parallel_loop3A_557 = tpu.vector_load %arg26[%parallel_loop3A_555, %parallel_loop3A_556] {strides = array<i32>} : memref<112x128xf32, #tpu.memory_space<vmem>>, vector<16xf32>,
          %parallel_loop3A_558 = arith.mulf %parallel_loop3A_557, %parallel_loop3A_540 : vector<16xf32>
          %parallel_loop3A_559 = arith.index_cast %parallel_loop3A_535 : i32 to index
          %parallel_loop3A_560 = arith.constant 32 : index
          %parallel_loop3A_561 = tpu.vector_load %arg26[%parallel_loop3A_559, %parallel_loop3A_560] {strides = array<i32>} : memref<112x128xf32, #tpu.memory_space<vmem>>, vector<16xf32>,
          tpu.vector_store %arg26[%parallel_loop3A_559, %parallel_loop3A_560], %parallel_loop3A_558 {strides = array<i32>} : memref<112x128xf32, #tpu.memory_space<vmem>>, vector<16xf32>,
          %parallel_loop3A_562 = arith.index_cast %parallel_loop3A_535 : i32 to index
          %parallel_loop3A_563 = arith.constant 48 : index
          %parallel_loop3A_564 = tpu.vector_load %arg26[%parallel_loop3A_562, %parallel_loop3A_563] {strides = array<i32>} : memref<112x128xf32, #tpu.memory_space<vmem>>, vector<16xf32>,
          %parallel_loop3A_565 = arith.mulf %parallel_loop3A_564, %parallel_loop3A_540 : vector<16xf32>
          %parallel_loop3A_566 = arith.index_cast %parallel_loop3A_535 : i32 to index
          %parallel_loop3A_567 = arith.constant 48 : index
          %parallel_loop3A_568 = tpu.vector_load %arg26[%parallel_loop3A_566, %parallel_loop3A_567] {strides = array<i32>} : memref<112x128xf32, #tpu.memory_space<vmem>>, vector<16xf32>,
          tpu.vector_store %arg26[%parallel_loop3A_566, %parallel_loop3A_567], %parallel_loop3A_565 {strides = array<i32>} : memref<112x128xf32, #tpu.memory_space<vmem>>, vector<16xf32>,
          %parallel_loop3A_569 = arith.index_cast %parallel_loop3A_535 : i32 to index
          %parallel_loop3A_570 = arith.constant 64 : index
          %parallel_loop3A_571 = tpu.vector_load %arg26[%parallel_loop3A_569, %parallel_loop3A_570] {strides = array<i32>} : memref<112x128xf32, #tpu.memory_space<vmem>>, vector<16xf32>,
          %parallel_loop3A_572 = arith.mulf %parallel_loop3A_571, %parallel_loop3A_540 : vector<16xf32>
          %parallel_loop3A_573 = arith.index_cast %parallel_loop3A_535 : i32 to index
          %parallel_loop3A_574 = arith.constant 64 : index
          %parallel_loop3A_575 = tpu.vector_load %arg26[%parallel_loop3A_573, %parallel_loop3A_574] {strides = array<i32>} : memref<112x128xf32, #tpu.memory_space<vmem>>, vector<16xf32>,
          tpu.vector_store %arg26[%parallel_loop3A_573, %parallel_loop3A_574], %parallel_loop3A_572 {strides = array<i32>} : memref<112x128xf32, #tpu.memory_space<vmem>>, vector<16xf32>,
          %parallel_loop3A_576 = arith.index_cast %parallel_loop3A_535 : i32 to index
          %parallel_loop3A_577 = arith.constant 80 : index
          %parallel_loop3A_578 = tpu.vector_load %arg26[%parallel_loop3A_576, %parallel_loop3A_577] {strides = array<i32>} : memref<112x128xf32, #tpu.memory_space<vmem>>, vector<16xf32>,
          %parallel_loop3A_579 = arith.mulf %parallel_loop3A_578, %parallel_loop3A_540 : vector<16xf32>
          %parallel_loop3A_580 = arith.index_cast %parallel_loop3A_535 : i32 to index
          %parallel_loop3A_581 = arith.constant 80 : index
          %parallel_loop3A_582 = tpu.vector_load %arg26[%parallel_loop3A_580, %parallel_loop3A_581] {strides = array<i32>} : memref<112x128xf32, #tpu.memory_space<vmem>>, vector<16xf32>,
          tpu.vector_store %arg26[%parallel_loop3A_580, %parallel_loop3A_581], %parallel_loop3A_579 {strides = array<i32>} : memref<112x128xf32, #tpu.memory_space<vmem>>, vector<16xf32>,
          %parallel_loop3A_583 = arith.index_cast %parallel_loop3A_535 : i32 to index
          %parallel_loop3A_584 = arith.constant 96 : index
          %parallel_loop3A_585 = tpu.vector_load %arg26[%parallel_loop3A_583, %parallel_loop3A_584] {strides = array<i32>} : memref<112x128xf32, #tpu.memory_space<vmem>>, vector<16xf32>,
          %parallel_loop3A_586 = arith.mulf %parallel_loop3A_585, %parallel_loop3A_540 : vector<16xf32>
          %parallel_loop3A_587 = arith.index_cast %parallel_loop3A_535 : i32 to index
          %parallel_loop3A_588 = arith.constant 96 : index
          %parallel_loop3A_589 = tpu.vector_load %arg26[%parallel_loop3A_587, %parallel_loop3A_588] {strides = array<i32>} : memref<112x128xf32, #tpu.memory_space<vmem>>, vector<16xf32>,
          tpu.vector_store %arg26[%parallel_loop3A_587, %parallel_loop3A_588], %parallel_loop3A_586 {strides = array<i32>} : memref<112x128xf32, #tpu.memory_space<vmem>>, vector<16xf32>,
          %parallel_loop3A_590 = arith.index_cast %parallel_loop3A_535 : i32 to index
          %parallel_loop3A_591 = arith.constant 112 : index
          %parallel_loop3A_592 = tpu.vector_load %arg26[%parallel_loop3A_590, %parallel_loop3A_591] {strides = array<i32>} : memref<112x128xf32, #tpu.memory_space<vmem>>, vector<16xf32>,
          %parallel_loop3A_593 = arith.mulf %parallel_loop3A_592, %parallel_loop3A_540 : vector<16xf32>
          %parallel_loop3A_594 = arith.index_cast %parallel_loop3A_535 : i32 to index
          %parallel_loop3A_595 = arith.constant 112 : index
          %parallel_loop3A_596 = tpu.vector_load %arg26[%parallel_loop3A_594, %parallel_loop3A_595] {strides = array<i32>} : memref<112x128xf32, #tpu.memory_space<vmem>>, vector<16xf32>,
          tpu.vector_store %arg26[%parallel_loop3A_594, %parallel_loop3A_595], %parallel_loop3A_593 {strides = array<i32>} : memref<112x128xf32, #tpu.memory_space<vmem>>, vector<16xf32>,
        } {sc.loop_unroll_factor = 4 : i64, sc.parallel_access}
        %dma_start3A_528 = arith.constant 0 : i32
        %dma_start3A_529 = arith.constant 0 : i32
        %dma_start3A_530 = tpu.memref_slice %arg28[%dma_start3A_528, %dma_start3A_529] : memref<2x112xi32, #tpu.memory_space<vmem>> -> memref<1x112xi32, #tpu.memory_space<vmem>>
        %dma_start3A_531 = tpu.memref_squeeze %dma_start3A_530 : memref<1x112xi32, #tpu.memory_space<vmem>> -> memref<112xi32, #tpu.memory_space<vmem>>
        %dma_start3A_532 = arith.constant 0 : i32
        %dma_start3A_533 = arith.constant 0 : i32
        %dma_start3A_534 = tpu.memref_slice %arg30[%dma_start3A_532, %dma_start3A_533] : memref<1040x128xf32, #tpu.memory_space<vmem_shared>> -> memref<1040x128xf32, #tpu.memory_space<vmem_shared>>
        tpu.enqueue_indirect_dma source(%arg26 : memref<112x128xf32, #tpu.memory_space<vmem>>) target(%dma_start3A_534 : memref<1040x128xf32, #tpu.memory_space<vmem_shared>>) offsets(%dma_start3A_531 : memref<112xi32, #tpu.memory_space<vmem>>) semaphore(%arg34 : memref<!tpu.dma_semaphore, #tpu.memory_space<semaphore_mem>>) {add = true}
      } else {
      }
      %lt3A_440 = arith.cmpi slt, %add3A_436, %select_n3A : i32
      %convert_element_type3A_441 = arith.extui %lt3A_440 : i1 to i32
      %cond3A_442 = arith.constant 0 : i32
      %cond3A_443 = arith.cmpi ne, %convert_element_type3A_441, %cond3A_442 : i32
      scf.if %cond3A_443 {
        %add3A_444 = arith.constant 1 : i32
        %add3A_445 = arith.addi %add3A_436, %add3A_444 : i32
        %lt3A_446 = arith.cmpi slt, %add3A_445, %select_n3A : i32
        %convert_element_type3A_447 = arith.extui %lt3A_446 : i1 to i32
        %cond3A_448 = arith.constant 0 : i32
        %cond3A_449 = arith.cmpi ne, %convert_element_type3A_447, %cond3A_448 : i32
        scf.if %cond3A_449 {
          %ge3A = arith.constant 1 : i32
          %ge3A_535 = arith.cmpi sge, %add3A_436, %ge3A : i32
          %convert_element_type3A_536 = arith.extui %ge3A_535 : i1 to i32
          %cond3A_537 = arith.constant 0 : i32
          %cond3A_538 = arith.cmpi ne, %convert_element_type3A_536, %cond3A_537 : i32
          scf.if %cond3A_538 {
            %dma_wait3A_547 = arith.constant 0 : i32
            %dma_wait3A_548 = arith.constant 0 : i32
            %dma_wait3A_549 = tpu.memref_slice %arg28[%dma_wait3A_547, %dma_wait3A_548] : memref<2x112xi32, #tpu.memory_space<vmem>> -> memref<1x112xi32, #tpu.memory_space<vmem>>
            %dma_wait3A_550 = tpu.memref_squeeze %dma_wait3A_549 : memref<1x112xi32, #tpu.memory_space<vmem>> -> memref<112xi32, #tpu.memory_space<vmem>>
            %dma_wait3A_551 = arith.constant 0 : i32
            %dma_wait3A_552 = arith.constant 0 : i32
            %dma_wait3A_553 = tpu.memref_slice %arg30[%dma_wait3A_551, %dma_wait3A_552] : memref<1040x128xf32, #tpu.memory_space<vmem_shared>> -> memref<1040x128xf32, #tpu.memory_space<vmem_shared>>
            tpu.wait_indirect_dma semaphore(%arg34 : memref<!tpu.dma_semaphore, #tpu.memory_space<semaphore_mem>>) src(%arg26 : memref<112x128xf32, #tpu.memory_space<vmem>>) dst(%dma_wait3A_553 : memref<1040x128xf32, #tpu.memory_space<vmem_shared>>)
          } else {
          }
          %add3A_539 = arith.constant 1 : i32
          %add3A_540 = arith.addi %add3A_436, %add3A_539 : i32
          %mul3A_541 = arith.constant 112 : i32
          %mul3A_542 = arith.muli %add3A_540, %mul3A_541 : i32
          %dma_start3A_543 = tpu.memref_slice %arg23[%mul3A_542] : memref<10192xi32, #tpu.memory_space<vmem>> -> memref<112xi32, #tpu.memory_space<vmem>>
          %dma_start3A_544 = arith.constant 0 : i32
          %dma_start3A_545 = arith.constant 0 : i32
          %dma_start3A_546 = tpu.memref_slice %arg2[%dma_start3A_544, %dma_start3A_545] : memref<10000x128xf32, #tpu.memory_space<hbm>> -> memref<10000x128xf32, #tpu.memory_space<hbm>>
          tpu.enqueue_indirect_dma source(%dma_start3A_546 : memref<10000x128xf32, #tpu.memory_space<hbm>>) target(%arg26 : memref<112x128xf32, #tpu.memory_space<vmem>>) offsets(%dma_start3A_543 : memref<112xi32, #tpu.memory_space<vmem>>) semaphore(%arg32 : memref<!tpu.dma_semaphore, #tpu.memory_space<semaphore_mem>>)
        } else {
        }
        %mul3A_450 = arith.constant 112 : i32
        %mul3A_451 = arith.muli %add3A_436, %mul3A_450 : i32
        %dma_wait3A_452 = tpu.memref_slice %arg23[%mul3A_451] : memref<10192xi32, #tpu.memory_space<vmem>> -> memref<112xi32, #tpu.memory_space<vmem>>
        %dma_wait3A_453 = arith.constant 0 : i32
        %dma_wait3A_454 = arith.constant 0 : i32
        %dma_wait3A_455 = tpu.memref_slice %arg2[%dma_wait3A_453, %dma_wait3A_454] : memref<10000x128xf32, #tpu.memory_space<hbm>> -> memref<10000x128xf32, #tpu.memory_space<hbm>>
        tpu.wait_indirect_dma semaphore(%arg33 : memref<!tpu.dma_semaphore, #tpu.memory_space<semaphore_mem>>) src(%dma_wait3A_455 : memref<10000x128xf32, #tpu.memory_space<hbm>>) dst(%arg27 : memref<112x128xf32, #tpu.memory_space<vmem>>)
        %mul3A_456 = arith.constant 112 : i32
        %mul3A_457 = arith.muli %add3A_436, %mul3A_456 : i32
        %add3A_458 = arith.constant 0 : i32
        %add3A_459 = arith.addi %mul3A_457, %add3A_458 : i32
        %get3A = arith.index_cast %add3A_459 : i32 to index
        %get3A_460 = tpu.vector_load %arg24[%get3A] {strides = array<i32>} : memref<10192xi32, #tpu.memory_space<vmem>>, vector<16xi32>,
        %swap3A_461 = arith.constant 1 : i32
        %swap3A_462 = arith.index_cast %swap3A_461 : i32 to index
        %swap3A_463 = arith.constant 0 : index
        %swap3A_464 = tpu.vector_load %arg28[%swap3A_462, %swap3A_463] {strides = array<i32>} : memref<2x112xi32, #tpu.memory_space<vmem>>, vector<16xi32>,
        tpu.vector_store %arg28[%swap3A_462, %swap3A_463], %get3A_460 {strides = array<i32>} : memref<2x112xi32, #tpu.memory_space<vmem>>, vector<16xi32>,
        %mul3A_465 = arith.constant 112 : i32
        %mul3A_466 = arith.muli %add3A_436, %mul3A_465 : i32
        %add3A_467 = arith.constant 16 : i32
        %add3A_468 = arith.addi %mul3A_466, %add3A_467 : i32
        %get3A_469 = arith.index_cast %add3A_468 : i32 to index
        %get3A_470 = tpu.vector_load %arg24[%get3A_469] {strides = array<i32>} : memref<10192xi32, #tpu.memory_space<vmem>>, vector<16xi32>,
        %swap3A_471 = arith.constant 1 : i32
        %swap3A_472 = arith.index_cast %swap3A_471 : i32 to index
        %swap3A_473 = arith.constant 16 : index
        %swap3A_474 = tpu.vector_load %arg28[%swap3A_472, %swap3A_473] {strides = array<i32>} : memref<2x112xi32, #tpu.memory_space<vmem>>, vector<16xi32>,
        tpu.vector_store %arg28[%swap3A_472, %swap3A_473], %get3A_470 {strides = array<i32>} : memref<2x112xi32, #tpu.memory_space<vmem>>, vector<16xi32>,
        %mul3A_475 = arith.constant 112 : i32
        %mul3A_476 = arith.muli %add3A_436, %mul3A_475 : i32
        %add3A_477 = arith.constant 32 : i32
        %add3A_478 = arith.addi %mul3A_476, %add3A_477 : i32
        %get3A_479 = arith.index_cast %add3A_478 : i32 to index
        %get3A_480 = tpu.vector_load %arg24[%get3A_479] {strides = array<i32>} : memref<10192xi32, #tpu.memory_space<vmem>>, vector<16xi32>,
        %swap3A_481 = arith.constant 1 : i32
        %swap3A_482 = arith.index_cast %swap3A_481 : i32 to index
        %swap3A_483 = arith.constant 32 : index
        %swap3A_484 = tpu.vector_load %arg28[%swap3A_482, %swap3A_483] {strides = array<i32>} : memref<2x112xi32, #tpu.memory_space<vmem>>, vector<16xi32>,
        tpu.vector_store %arg28[%swap3A_482, %swap3A_483], %get3A_480 {strides = array<i32>} : memref<2x112xi32, #tpu.memory_space<vmem>>, vector<16xi32>,
        %mul3A_485 = arith.constant 112 : i32
        %mul3A_486 = arith.muli %add3A_436, %mul3A_485 : i32
        %add3A_487 = arith.constant 48 : i32
        %add3A_488 = arith.addi %mul3A_486, %add3A_487 : i32
        %get3A_489 = arith.index_cast %add3A_488 : i32 to index
        %get3A_490 = tpu.vector_load %arg24[%get3A_489] {strides = array<i32>} : memref<10192xi32, #tpu.memory_space<vmem>>, vector<16xi32>,
        %swap3A_491 = arith.constant 1 : i32
        %swap3A_492 = arith.index_cast %swap3A_491 : i32 to index
        %swap3A_493 = arith.constant 48 : index
        %swap3A_494 = tpu.vector_load %arg28[%swap3A_492, %swap3A_493] {strides = array<i32>} : memref<2x112xi32, #tpu.memory_space<vmem>>, vector<16xi32>,
        tpu.vector_store %arg28[%swap3A_492, %swap3A_493], %get3A_490 {strides = array<i32>} : memref<2x112xi32, #tpu.memory_space<vmem>>, vector<16xi32>,
        %mul3A_495 = arith.constant 112 : i32
        %mul3A_496 = arith.muli %add3A_436, %mul3A_495 : i32
        %add3A_497 = arith.constant 64 : i32
        %add3A_498 = arith.addi %mul3A_496, %add3A_497 : i32
        %get3A_499 = arith.index_cast %add3A_498 : i32 to index
        %get3A_500 = tpu.vector_load %arg24[%get3A_499] {strides = array<i32>} : memref<10192xi32, #tpu.memory_space<vmem>>, vector<16xi32>,
        %swap3A_501 = arith.constant 1 : i32
        %swap3A_502 = arith.index_cast %swap3A_501 : i32 to index
        %swap3A_503 = arith.constant 64 : index
        %swap3A_504 = tpu.vector_load %arg28[%swap3A_502, %swap3A_503] {strides = array<i32>} : memref<2x112xi32, #tpu.memory_space<vmem>>, vector<16xi32>,
        tpu.vector_store %arg28[%swap3A_502, %swap3A_503], %get3A_500 {strides = array<i32>} : memref<2x112xi32, #tpu.memory_space<vmem>>, vector<16xi32>,
        %mul3A_505 = arith.constant 112 : i32
        %mul3A_506 = arith.muli %add3A_436, %mul3A_505 : i32
        %add3A_507 = arith.constant 80 : i32
        %add3A_508 = arith.addi %mul3A_506, %add3A_507 : i32
        %get3A_509 = arith.index_cast %add3A_508 : i32 to index
        %get3A_510 = tpu.vector_load %arg24[%get3A_509] {strides = array<i32>} : memref<10192xi32, #tpu.memory_space<vmem>>, vector<16xi32>,
        %swap3A_511 = arith.constant 1 : i32
        %swap3A_512 = arith.index_cast %swap3A_511 : i32 to index
        %swap3A_513 = arith.constant 80 : index
        %swap3A_514 = tpu.vector_load %arg28[%swap3A_512, %swap3A_513] {strides = array<i32>} : memref<2x112xi32, #tpu.memory_space<vmem>>, vector<16xi32>,
        tpu.vector_store %arg28[%swap3A_512, %swap3A_513], %get3A_510 {strides = array<i32>} : memref<2x112xi32, #tpu.memory_space<vmem>>, vector<16xi32>,
        %mul3A_515 = arith.constant 112 : i32
        %mul3A_516 = arith.muli %add3A_436, %mul3A_515 : i32
        %add3A_517 = arith.constant 96 : i32
        %add3A_518 = arith.addi %mul3A_516, %add3A_517 : i32
        %get3A_519 = arith.index_cast %add3A_518 : i32 to index
        %get3A_520 = tpu.vector_load %arg24[%get3A_519] {strides = array<i32>} : memref<10192xi32, #tpu.memory_space<vmem>>, vector<16xi32>,
        %swap3A_521 = arith.constant 1 : i32
        %swap3A_522 = arith.index_cast %swap3A_521 : i32 to index
        %swap3A_523 = arith.constant 96 : index
        %swap3A_524 = tpu.vector_load %arg28[%swap3A_522, %swap3A_523] {strides = array<i32>} : memref<2x112xi32, #tpu.memory_space<vmem>>, vector<16xi32>,
        tpu.vector_store %arg28[%swap3A_522, %swap3A_523], %get3A_520 {strides = array<i32>} : memref<2x112xi32, #tpu.memory_space<vmem>>, vector<16xi32>,
        %parallel_loop3A_525 = arith.constant 0 : i32
        %parallel_loop3A_526 = arith.constant 112 : i32
        %parallel_loop3A_527 = arith.constant 1 : i32
        scf.for %parallel_loop3A_535 = %parallel_loop3A_525 to %parallel_loop3A_526 step %parallel_loop3A_527  : i32 {
          %parallel_loop3A_536 = arith.constant 112 : i32
          %parallel_loop3A_537 = arith.muli %add3A_436, %parallel_loop3A_536 : i32
          %parallel_loop3A_538 = arith.addi %parallel_loop3A_537, %parallel_loop3A_535 : i32
          %parallel_loop3A_539 = vector.broadcast %parallel_loop3A_538 : i32 to vector<16xi32>
          %parallel_loop3A_540 = tpu.vector_load_idx %arg25[%parallel_loop3A_539] : memref<10192xf32, #tpu.memory_space<vmem>>[vector<16xi32>], vector<16xf32>,
          %parallel_loop3A_541 = arith.index_cast %parallel_loop3A_535 : i32 to index
          %parallel_loop3A_542 = arith.constant 0 : index
          %parallel_loop3A_543 = tpu.vector_load %arg27[%parallel_loop3A_541, %parallel_loop3A_542] {strides = array<i32>} : memref<112x128xf32, #tpu.memory_space<vmem>>, vector<16xf32>,
          %parallel_loop3A_544 = arith.mulf %parallel_loop3A_543, %parallel_loop3A_540 : vector<16xf32>
          %parallel_loop3A_545 = arith.index_cast %parallel_loop3A_535 : i32 to index
          %parallel_loop3A_546 = arith.constant 0 : index
          %parallel_loop3A_547 = tpu.vector_load %arg27[%parallel_loop3A_545, %parallel_loop3A_546] {strides = array<i32>} : memref<112x128xf32, #tpu.memory_space<vmem>>, vector<16xf32>,
          tpu.vector_store %arg27[%parallel_loop3A_545, %parallel_loop3A_546], %parallel_loop3A_544 {strides = array<i32>} : memref<112x128xf32, #tpu.memory_space<vmem>>, vector<16xf32>,
          %parallel_loop3A_548 = arith.index_cast %parallel_loop3A_535 : i32 to index
          %parallel_loop3A_549 = arith.constant 16 : index
          %parallel_loop3A_550 = tpu.vector_load %arg27[%parallel_loop3A_548, %parallel_loop3A_549] {strides = array<i32>} : memref<112x128xf32, #tpu.memory_space<vmem>>, vector<16xf32>,
          %parallel_loop3A_551 = arith.mulf %parallel_loop3A_550, %parallel_loop3A_540 : vector<16xf32>
          %parallel_loop3A_552 = arith.index_cast %parallel_loop3A_535 : i32 to index
          %parallel_loop3A_553 = arith.constant 16 : index
          %parallel_loop3A_554 = tpu.vector_load %arg27[%parallel_loop3A_552, %parallel_loop3A_553] {strides = array<i32>} : memref<112x128xf32, #tpu.memory_space<vmem>>, vector<16xf32>,
          tpu.vector_store %arg27[%parallel_loop3A_552, %parallel_loop3A_553], %parallel_loop3A_551 {strides = array<i32>} : memref<112x128xf32, #tpu.memory_space<vmem>>, vector<16xf32>,
          %parallel_loop3A_555 = arith.index_cast %parallel_loop3A_535 : i32 to index
          %parallel_loop3A_556 = arith.constant 32 : index
          %parallel_loop3A_557 = tpu.vector_load %arg27[%parallel_loop3A_555, %parallel_loop3A_556] {strides = array<i32>} : memref<112x128xf32, #tpu.memory_space<vmem>>, vector<16xf32>,
          %parallel_loop3A_558 = arith.mulf %parallel_loop3A_557, %parallel_loop3A_540 : vector<16xf32>
          %parallel_loop3A_559 = arith.index_cast %parallel_loop3A_535 : i32 to index
          %parallel_loop3A_560 = arith.constant 32 : index
          %parallel_loop3A_561 = tpu.vector_load %arg27[%parallel_loop3A_559, %parallel_loop3A_560] {strides = array<i32>} : memref<112x128xf32, #tpu.memory_space<vmem>>, vector<16xf32>,
          tpu.vector_store %arg27[%parallel_loop3A_559, %parallel_loop3A_560], %parallel_loop3A_558 {strides = array<i32>} : memref<112x128xf32, #tpu.memory_space<vmem>>, vector<16xf32>,
          %parallel_loop3A_562 = arith.index_cast %parallel_loop3A_535 : i32 to index
          %parallel_loop3A_563 = arith.constant 48 : index
          %parallel_loop3A_564 = tpu.vector_load %arg27[%parallel_loop3A_562, %parallel_loop3A_563] {strides = array<i32>} : memref<112x128xf32, #tpu.memory_space<vmem>>, vector<16xf32>,
          %parallel_loop3A_565 = arith.mulf %parallel_loop3A_564, %parallel_loop3A_540 : vector<16xf32>
          %parallel_loop3A_566 = arith.index_cast %parallel_loop3A_535 : i32 to index
          %parallel_loop3A_567 = arith.constant 48 : index
          %parallel_loop3A_568 = tpu.vector_load %arg27[%parallel_loop3A_566, %parallel_loop3A_567] {strides = array<i32>} : memref<112x128xf32, #tpu.memory_space<vmem>>, vector<16xf32>,
          tpu.vector_store %arg27[%parallel_loop3A_566, %parallel_loop3A_567], %parallel_loop3A_565 {strides = array<i32>} : memref<112x128xf32, #tpu.memory_space<vmem>>, vector<16xf32>,
          %parallel_loop3A_569 = arith.index_cast %parallel_loop3A_535 : i32 to index
          %parallel_loop3A_570 = arith.constant 64 : index
          %parallel_loop3A_571 = tpu.vector_load %arg27[%parallel_loop3A_569, %parallel_loop3A_570] {strides = array<i32>} : memref<112x128xf32, #tpu.memory_space<vmem>>, vector<16xf32>,
          %parallel_loop3A_572 = arith.mulf %parallel_loop3A_571, %parallel_loop3A_540 : vector<16xf32>
          %parallel_loop3A_573 = arith.index_cast %parallel_loop3A_535 : i32 to index
          %parallel_loop3A_574 = arith.constant 64 : index
          %parallel_loop3A_575 = tpu.vector_load %arg27[%parallel_loop3A_573, %parallel_loop3A_574] {strides = array<i32>} : memref<112x128xf32, #tpu.memory_space<vmem>>, vector<16xf32>,
          tpu.vector_store %arg27[%parallel_loop3A_573, %parallel_loop3A_574], %parallel_loop3A_572 {strides = array<i32>} : memref<112x128xf32, #tpu.memory_space<vmem>>, vector<16xf32>,
          %parallel_loop3A_576 = arith.index_cast %parallel_loop3A_535 : i32 to index
          %parallel_loop3A_577 = arith.constant 80 : index
          %parallel_loop3A_578 = tpu.vector_load %arg27[%parallel_loop3A_576, %parallel_loop3A_577] {strides = array<i32>} : memref<112x128xf32, #tpu.memory_space<vmem>>, vector<16xf32>,
          %parallel_loop3A_579 = arith.mulf %parallel_loop3A_578, %parallel_loop3A_540 : vector<16xf32>
          %parallel_loop3A_580 = arith.index_cast %parallel_loop3A_535 : i32 to index
          %parallel_loop3A_581 = arith.constant 80 : index
          %parallel_loop3A_582 = tpu.vector_load %arg27[%parallel_loop3A_580, %parallel_loop3A_581] {strides = array<i32>} : memref<112x128xf32, #tpu.memory_space<vmem>>, vector<16xf32>,
          tpu.vector_store %arg27[%parallel_loop3A_580, %parallel_loop3A_581], %parallel_loop3A_579 {strides = array<i32>} : memref<112x128xf32, #tpu.memory_space<vmem>>, vector<16xf32>,
          %parallel_loop3A_583 = arith.index_cast %parallel_loop3A_535 : i32 to index
          %parallel_loop3A_584 = arith.constant 96 : index
          %parallel_loop3A_585 = tpu.vector_load %arg27[%parallel_loop3A_583, %parallel_loop3A_584] {strides = array<i32>} : memref<112x128xf32, #tpu.memory_space<vmem>>, vector<16xf32>,
          %parallel_loop3A_586 = arith.mulf %parallel_loop3A_585, %parallel_loop3A_540 : vector<16xf32>
          %parallel_loop3A_587 = arith.index_cast %parallel_loop3A_535 : i32 to index
          %parallel_loop3A_588 = arith.constant 96 : index
          %parallel_loop3A_589 = tpu.vector_load %arg27[%parallel_loop3A_587, %parallel_loop3A_588] {strides = array<i32>} : memref<112x128xf32, #tpu.memory_space<vmem>>, vector<16xf32>,
          tpu.vector_store %arg27[%parallel_loop3A_587, %parallel_loop3A_588], %parallel_loop3A_586 {strides = array<i32>} : memref<112x128xf32, #tpu.memory_space<vmem>>, vector<16xf32>,
          %parallel_loop3A_590 = arith.index_cast %parallel_loop3A_535 : i32 to index
          %parallel_loop3A_591 = arith.constant 112 : index
          %parallel_loop3A_592 = tpu.vector_load %arg27[%parallel_loop3A_590, %parallel_loop3A_591] {strides = array<i32>} : memref<112x128xf32, #tpu.memory_space<vmem>>, vector<16xf32>,
          %parallel_loop3A_593 = arith.mulf %parallel_loop3A_592, %parallel_loop3A_540 : vector<16xf32>
          %parallel_loop3A_594 = arith.index_cast %parallel_loop3A_535 : i32 to index
          %parallel_loop3A_595 = arith.constant 112 : index
          %parallel_loop3A_596 = tpu.vector_load %arg27[%parallel_loop3A_594, %parallel_loop3A_595] {strides = array<i32>} : memref<112x128xf32, #tpu.memory_space<vmem>>, vector<16xf32>,
          tpu.vector_store %arg27[%parallel_loop3A_594, %parallel_loop3A_595], %parallel_loop3A_593 {strides = array<i32>} : memref<112x128xf32, #tpu.memory_space<vmem>>, vector<16xf32>,
        } {sc.loop_unroll_factor = 4 : i64, sc.parallel_access}
        %dma_start3A_528 = arith.constant 1 : i32
        %dma_start3A_529 = arith.constant 0 : i32
        %dma_start3A_530 = tpu.memref_slice %arg28[%dma_start3A_528, %dma_start3A_529] : memref<2x112xi32, #tpu.memory_space<vmem>> -> memref<1x112xi32, #tpu.memory_space<vmem>>
        %dma_start3A_531 = tpu.memref_squeeze %dma_start3A_530 : memref<1x112xi32, #tpu.memory_space<vmem>> -> memref<112xi32, #tpu.memory_space<vmem>>
        %dma_start3A_532 = arith.constant 0 : i32
        %dma_start3A_533 = arith.constant 0 : i32
        %dma_start3A_534 = tpu.memref_slice %arg30[%dma_start3A_532, %dma_start3A_533] : memref<1040x128xf32, #tpu.memory_space<vmem_shared>> -> memref<1040x128xf32, #tpu.memory_space<vmem_shared>>
        tpu.enqueue_indirect_dma source(%arg27 : memref<112x128xf32, #tpu.memory_space<vmem>>) target(%dma_start3A_534 : memref<1040x128xf32, #tpu.memory_space<vmem_shared>>) offsets(%dma_start3A_531 : memref<112xi32, #tpu.memory_space<vmem>>) semaphore(%arg35 : memref<!tpu.dma_semaphore, #tpu.memory_space<semaphore_mem>>) {add = true}
      } else {
      }
    }
    %while3A_212 = arith.constant 1 : i32
    scf.for %while3A_432 = %while3A_210 to %while3A_206 step %while3A_212  : i32 {
      %mul3A_433 = arith.constant 2 : i32
      %mul3A_434 = arith.muli %mul3A_433, %while3A_432 : i32
      %add3A_435 = arith.constant 1 : i32
      %add3A_436 = arith.addi %mul3A_434, %add3A_435 : i32
      %lt3A = arith.cmpi slt, %mul3A_434, %select_n3A : i32
      %convert_element_type3A_437 = arith.extui %lt3A : i1 to i32
      %cond3A_438 = arith.constant 0 : i32
      %cond3A_439 = arith.cmpi ne, %convert_element_type3A_437, %cond3A_438 : i32
      scf.if %cond3A_439 {
        %add3A_444 = arith.constant 1 : i32
        %add3A_445 = arith.addi %mul3A_434, %add3A_444 : i32
        %lt3A_446 = arith.cmpi slt, %add3A_445, %select_n3A : i32
        %convert_element_type3A_447 = arith.extui %lt3A_446 : i1 to i32
        %cond3A_448 = arith.constant 0 : i32
        %cond3A_449 = arith.cmpi ne, %convert_element_type3A_447, %cond3A_448 : i32
        scf.if %cond3A_449 {
          %ge3A = arith.constant 1 : i32
          %ge3A_535 = arith.cmpi sge, %mul3A_434, %ge3A : i32
          %convert_element_type3A_536 = arith.extui %ge3A_535 : i1 to i32
          %cond3A_537 = arith.constant 0 : i32
          %cond3A_538 = arith.cmpi ne, %convert_element_type3A_536, %cond3A_537 : i32
          scf.if %cond3A_538 {
            %dma_wait3A_547 = arith.constant 1 : i32
            %dma_wait3A_548 = arith.constant 0 : i32
            %dma_wait3A_549 = tpu.memref_slice %arg28[%dma_wait3A_547, %dma_wait3A_548] : memref<2x112xi32, #tpu.memory_space<vmem>> -> memref<1x112xi32, #tpu.memory_space<vmem>>
            %dma_wait3A_550 = tpu.memref_squeeze %dma_wait3A_549 : memref<1x112xi32, #tpu.memory_space<vmem>> -> memref<112xi32, #tpu.memory_space<vmem>>
            %dma_wait3A_551 = arith.constant 0 : i32
            %dma_wait3A_552 = arith.constant 0 : i32
            %dma_wait3A_553 = tpu.memref_slice %arg30[%dma_wait3A_551, %dma_wait3A_552] : memref<1040x128xf32, #tpu.memory_space<vmem_shared>> -> memref<1040x128xf32, #tpu.memory_space<vmem_shared>>
            tpu.wait_indirect_dma semaphore(%arg35 : memref<!tpu.dma_semaphore, #tpu.memory_space<semaphore_mem>>) src(%arg27 : memref<112x128xf32, #tpu.memory_space<vmem>>) dst(%dma_wait3A_553 : memref<1040x128xf32, #tpu.memory_space<vmem_shared>>)
          } else {
          }
          %add3A_539 = arith.constant 1 : i32
          %add3A_540 = arith.addi %mul3A_434, %add3A_539 : i32
          %mul3A_541 = arith.constant 112 : i32
          %mul3A_542 = arith.muli %add3A_540, %mul3A_541 : i32
          %dma_start3A_543 = tpu.memref_slice %arg23[%mul3A_542] : memref<10192xi32, #tpu.memory_space<vmem>> -> memref<112xi32, #tpu.memory_space<vmem>>
          %dma_start3A_544 = arith.constant 0 : i32
          %dma_start3A_545 = arith.constant 0 : i32
          %dma_start3A_546 = tpu.memref_slice %arg2[%dma_start3A_544, %dma_start3A_545] : memref<10000x128xf32, #tpu.memory_space<hbm>> -> memref<10000x128xf32, #tpu.memory_space<hbm>>
          tpu.enqueue_indirect_dma source(%dma_start3A_546 : memref<10000x128xf32, #tpu.memory_space<hbm>>) target(%arg27 : memref<112x128xf32, #tpu.memory_space<vmem>>) offsets(%dma_start3A_543 : memref<112xi32, #tpu.memory_space<vmem>>) semaphore(%arg33 : memref<!tpu.dma_semaphore, #tpu.memory_space<semaphore_mem>>)
        } else {
        }
        %mul3A_450 = arith.constant 112 : i32
        %mul3A_451 = arith.muli %mul3A_434, %mul3A_450 : i32
        %dma_wait3A_452 = tpu.memref_slice %arg23[%mul3A_451] : memref<10192xi32, #tpu.memory_space<vmem>> -> memref<112xi32, #tpu.memory_space<vmem>>
        %dma_wait3A_453 = arith.constant 0 : i32
        %dma_wait3A_454 = arith.constant 0 : i32
        %dma_wait3A_455 = tpu.memref_slice %arg2[%dma_wait3A_453, %dma_wait3A_454] : memref<10000x128xf32, #tpu.memory_space<hbm>> -> memref<10000x128xf32, #tpu.memory_space<hbm>>
        tpu.wait_indirect_dma semaphore(%arg32 : memref<!tpu.dma_semaphore, #tpu.memory_space<semaphore_mem>>) src(%dma_wait3A_455 : memref<10000x128xf32, #tpu.memory_space<hbm>>) dst(%arg26 : memref<112x128xf32, #tpu.memory_space<vmem>>)
        %mul3A_456 = arith.constant 112 : i32
        %mul3A_457 = arith.muli %mul3A_434, %mul3A_456 : i32
        %add3A_458 = arith.constant 0 : i32
        %add3A_459 = arith.addi %mul3A_457, %add3A_458 : i32
        %get3A = arith.index_cast %add3A_459 : i32 to index
        %get3A_460 = tpu.vector_load %arg24[%get3A] {strides = array<i32>} : memref<10192xi32, #tpu.memory_space<vmem>>, vector<16xi32>,
        %swap3A_461 = arith.constant 0 : i32
        %swap3A_462 = arith.index_cast %swap3A_461 : i32 to index
        %swap3A_463 = arith.constant 0 : index
        %swap3A_464 = tpu.vector_load %arg28[%swap3A_462, %swap3A_463] {strides = array<i32>} : memref<2x112xi32, #tpu.memory_space<vmem>>, vector<16xi32>,
        tpu.vector_store %arg28[%swap3A_462, %swap3A_463], %get3A_460 {strides = array<i32>} : memref<2x112xi32, #tpu.memory_space<vmem>>, vector<16xi32>,
        %mul3A_465 = arith.constant 112 : i32
        %mul3A_466 = arith.muli %mul3A_434, %mul3A_465 : i32
        %add3A_467 = arith.constant 16 : i32
        %add3A_468 = arith.addi %mul3A_466, %add3A_467 : i32
        %get3A_469 = arith.index_cast %add3A_468 : i32 to index
        %get3A_470 = tpu.vector_load %arg24[%get3A_469] {strides = array<i32>} : memref<10192xi32, #tpu.memory_space<vmem>>, vector<16xi32>,
        %swap3A_471 = arith.constant 0 : i32
        %swap3A_472 = arith.index_cast %swap3A_471 : i32 to index
        %swap3A_473 = arith.constant 16 : index
        %swap3A_474 = tpu.vector_load %arg28[%swap3A_472, %swap3A_473] {strides = array<i32>} : memref<2x112xi32, #tpu.memory_space<vmem>>, vector<16xi32>,
        tpu.vector_store %arg28[%swap3A_472, %swap3A_473], %get3A_470 {strides = array<i32>} : memref<2x112xi32, #tpu.memory_space<vmem>>, vector<16xi32>,
        %mul3A_475 = arith.constant 112 : i32
        %mul3A_476 = arith.muli %mul3A_434, %mul3A_475 : i32
        %add3A_477 = arith.constant 32 : i32
        %add3A_478 = arith.addi %mul3A_476, %add3A_477 : i32
        %get3A_479 = arith.index_cast %add3A_478 : i32 to index
        %get3A_480 = tpu.vector_load %arg24[%get3A_479] {strides = array<i32>} : memref<10192xi32, #tpu.memory_space<vmem>>, vector<16xi32>,
        %swap3A_481 = arith.constant 0 : i32
        %swap3A_482 = arith.index_cast %swap3A_481 : i32 to index
        %swap3A_483 = arith.constant 32 : index
        %swap3A_484 = tpu.vector_load %arg28[%swap3A_482, %swap3A_483] {strides = array<i32>} : memref<2x112xi32, #tpu.memory_space<vmem>>, vector<16xi32>,
        tpu.vector_store %arg28[%swap3A_482, %swap3A_483], %get3A_480 {strides = array<i32>} : memref<2x112xi32, #tpu.memory_space<vmem>>, vector<16xi32>,
        %mul3A_485 = arith.constant 112 : i32
        %mul3A_486 = arith.muli %mul3A_434, %mul3A_485 : i32
        %add3A_487 = arith.constant 48 : i32
        %add3A_488 = arith.addi %mul3A_486, %add3A_487 : i32
        %get3A_489 = arith.index_cast %add3A_488 : i32 to index
        %get3A_490 = tpu.vector_load %arg24[%get3A_489] {strides = array<i32>} : memref<10192xi32, #tpu.memory_space<vmem>>, vector<16xi32>,
        %swap3A_491 = arith.constant 0 : i32
        %swap3A_492 = arith.index_cast %swap3A_491 : i32 to index
        %swap3A_493 = arith.constant 48 : index
        %swap3A_494 = tpu.vector_load %arg28[%swap3A_492, %swap3A_493] {strides = array<i32>} : memref<2x112xi32, #tpu.memory_space<vmem>>, vector<16xi32>,
        tpu.vector_store %arg28[%swap3A_492, %swap3A_493], %get3A_490 {strides = array<i32>} : memref<2x112xi32, #tpu.memory_space<vmem>>, vector<16xi32>,
        %mul3A_495 = arith.constant 112 : i32
        %mul3A_496 = arith.muli %mul3A_434, %mul3A_495 : i32
        %add3A_497 = arith.constant 64 : i32
        %add3A_498 = arith.addi %mul3A_496, %add3A_497 : i32
        %get3A_499 = arith.index_cast %add3A_498 : i32 to index
        %get3A_500 = tpu.vector_load %arg24[%get3A_499] {strides = array<i32>} : memref<10192xi32, #tpu.memory_space<vmem>>, vector<16xi32>,
        %swap3A_501 = arith.constant 0 : i32
        %swap3A_502 = arith.index_cast %swap3A_501 : i32 to index
        %swap3A_503 = arith.constant 64 : index
        %swap3A_504 = tpu.vector_load %arg28[%swap3A_502, %swap3A_503] {strides = array<i32>} : memref<2x112xi32, #tpu.memory_space<vmem>>, vector<16xi32>,
        tpu.vector_store %arg28[%swap3A_502, %swap3A_503], %get3A_500 {strides = array<i32>} : memref<2x112xi32, #tpu.memory_space<vmem>>, vector<16xi32>,
        %mul3A_505 = arith.constant 112 : i32
        %mul3A_506 = arith.muli %mul3A_434, %mul3A_505 : i32
        %add3A_507 = arith.constant 80 : i32
        %add3A_508 = arith.addi %mul3A_506, %add3A_507 : i32
        %get3A_509 = arith.index_cast %add3A_508 : i32 to index
        %get3A_510 = tpu.vector_load %arg24[%get3A_509] {strides = array<i32>} : memref<10192xi32, #tpu.memory_space<vmem>>, vector<16xi32>,
        %swap3A_511 = arith.constant 0 : i32
        %swap3A_512 = arith.index_cast %swap3A_511 : i32 to index
        %swap3A_513 = arith.constant 80 : index
        %swap3A_514 = tpu.vector_load %arg28[%swap3A_512, %swap3A_513] {strides = array<i32>} : memref<2x112xi32, #tpu.memory_space<vmem>>, vector<16xi32>,
        tpu.vector_store %arg28[%swap3A_512, %swap3A_513], %get3A_510 {strides = array<i32>} : memref<2x112xi32, #tpu.memory_space<vmem>>, vector<16xi32>,
        %mul3A_515 = arith.constant 112 : i32
        %mul3A_516 = arith.muli %mul3A_434, %mul3A_515 : i32
        %add3A_517 = arith.constant 96 : i32
        %add3A_518 = arith.addi %mul3A_516, %add3A_517 : i32
        %get3A_519 = arith.index_cast %add3A_518 : i32 to index
        %get3A_520 = tpu.vector_load %arg24[%get3A_519] {strides = array<i32>} : memref<10192xi32, #tpu.memory_space<vmem>>, vector<16xi32>,
        %swap3A_521 = arith.constant 0 : i32
        %swap3A_522 = arith.index_cast %swap3A_521 : i32 to index
        %swap3A_523 = arith.constant 96 : index
        %swap3A_524 = tpu.vector_load %arg28[%swap3A_522, %swap3A_523] {strides = array<i32>} : memref<2x112xi32, #tpu.memory_space<vmem>>, vector<16xi32>,
        tpu.vector_store %arg28[%swap3A_522, %swap3A_523], %get3A_520 {strides = array<i32>} : memref<2x112xi32, #tpu.memory_space<vmem>>, vector<16xi32>,
        %parallel_loop3A_525 = arith.constant 0 : i32
        %parallel_loop3A_526 = arith.constant 112 : i32
        %parallel_loop3A_527 = arith.constant 1 : i32
        scf.for %parallel_loop3A_535 = %parallel_loop3A_525 to %parallel_loop3A_526 step %parallel_loop3A_527  : i32 {
          %parallel_loop3A_536 = arith.constant 112 : i32
          %parallel_loop3A_537 = arith.muli %mul3A_434, %parallel_loop3A_536 : i32
          %parallel_loop3A_538 = arith.addi %parallel_loop3A_537, %parallel_loop3A_535 : i32
          %parallel_loop3A_539 = vector.broadcast %parallel_loop3A_538 : i32 to vector<16xi32>
          %parallel_loop3A_540 = tpu.vector_load_idx %arg25[%parallel_loop3A_539] : memref<10192xf32, #tpu.memory_space<vmem>>[vector<16xi32>], vector<16xf32>,
          %parallel_loop3A_541 = arith.index_cast %parallel_loop3A_535 : i32 to index
          %parallel_loop3A_542 = arith.constant 0 : index
          %parallel_loop3A_543 = tpu.vector_load %arg26[%parallel_loop3A_541, %parallel_loop3A_542] {strides = array<i32>} : memref<112x128xf32, #tpu.memory_space<vmem>>, vector<16xf32>,
          %parallel_loop3A_544 = arith.mulf %parallel_loop3A_543, %parallel_loop3A_540 : vector<16xf32>
          %parallel_loop3A_545 = arith.index_cast %parallel_loop3A_535 : i32 to index
          %parallel_loop3A_546 = arith.constant 0 : index
          %parallel_loop3A_547 = tpu.vector_load %arg26[%parallel_loop3A_545, %parallel_loop3A_546] {strides = array<i32>} : memref<112x128xf32, #tpu.memory_space<vmem>>, vector<16xf32>,
          tpu.vector_store %arg26[%parallel_loop3A_545, %parallel_loop3A_546], %parallel_loop3A_544 {strides = array<i32>} : memref<112x128xf32, #tpu.memory_space<vmem>>, vector<16xf32>,
          %parallel_loop3A_548 = arith.index_cast %parallel_loop3A_535 : i32 to index
          %parallel_loop3A_549 = arith.constant 16 : index
          %parallel_loop3A_550 = tpu.vector_load %arg26[%parallel_loop3A_548, %parallel_loop3A_549] {strides = array<i32>} : memref<112x128xf32, #tpu.memory_space<vmem>>, vector<16xf32>,
          %parallel_loop3A_551 = arith.mulf %parallel_loop3A_550, %parallel_loop3A_540 : vector<16xf32>
          %parallel_loop3A_552 = arith.index_cast %parallel_loop3A_535 : i32 to index
          %parallel_loop3A_553 = arith.constant 16 : index
          %parallel_loop3A_554 = tpu.vector_load %arg26[%parallel_loop3A_552, %parallel_loop3A_553] {strides = array<i32>} : memref<112x128xf32, #tpu.memory_space<vmem>>, vector<16xf32>,
          tpu.vector_store %arg26[%parallel_loop3A_552, %parallel_loop3A_553], %parallel_loop3A_551 {strides = array<i32>} : memref<112x128xf32, #tpu.memory_space<vmem>>, vector<16xf32>,
          %parallel_loop3A_555 = arith.index_cast %parallel_loop3A_535 : i32 to index
          %parallel_loop3A_556 = arith.constant 32 : index
          %parallel_loop3A_557 = tpu.vector_load %arg26[%parallel_loop3A_555, %parallel_loop3A_556] {strides = array<i32>} : memref<112x128xf32, #tpu.memory_space<vmem>>, vector<16xf32>,
          %parallel_loop3A_558 = arith.mulf %parallel_loop3A_557, %parallel_loop3A_540 : vector<16xf32>
          %parallel_loop3A_559 = arith.index_cast %parallel_loop3A_535 : i32 to index
          %parallel_loop3A_560 = arith.constant 32 : index
          %parallel_loop3A_561 = tpu.vector_load %arg26[%parallel_loop3A_559, %parallel_loop3A_560] {strides = array<i32>} : memref<112x128xf32, #tpu.memory_space<vmem>>, vector<16xf32>,
          tpu.vector_store %arg26[%parallel_loop3A_559, %parallel_loop3A_560], %parallel_loop3A_558 {strides = array<i32>} : memref<112x128xf32, #tpu.memory_space<vmem>>, vector<16xf32>,
          %parallel_loop3A_562 = arith.index_cast %parallel_loop3A_535 : i32 to index
          %parallel_loop3A_563 = arith.constant 48 : index
          %parallel_loop3A_564 = tpu.vector_load %arg26[%parallel_loop3A_562, %parallel_loop3A_563] {strides = array<i32>} : memref<112x128xf32, #tpu.memory_space<vmem>>, vector<16xf32>,
          %parallel_loop3A_565 = arith.mulf %parallel_loop3A_564, %parallel_loop3A_540 : vector<16xf32>
          %parallel_loop3A_566 = arith.index_cast %parallel_loop3A_535 : i32 to index
          %parallel_loop3A_567 = arith.constant 48 : index
          %parallel_loop3A_568 = tpu.vector_load %arg26[%parallel_loop3A_566, %parallel_loop3A_567] {strides = array<i32>} : memref<112x128xf32, #tpu.memory_space<vmem>>, vector<16xf32>,
          tpu.vector_store %arg26[%parallel_loop3A_566, %parallel_loop3A_567], %parallel_loop3A_565 {strides = array<i32>} : memref<112x128xf32, #tpu.memory_space<vmem>>, vector<16xf32>,
          %parallel_loop3A_569 = arith.index_cast %parallel_loop3A_535 : i32 to index
          %parallel_loop3A_570 = arith.constant 64 : index
          %parallel_loop3A_571 = tpu.vector_load %arg26[%parallel_loop3A_569, %parallel_loop3A_570] {strides = array<i32>} : memref<112x128xf32, #tpu.memory_space<vmem>>, vector<16xf32>,
          %parallel_loop3A_572 = arith.mulf %parallel_loop3A_571, %parallel_loop3A_540 : vector<16xf32>
          %parallel_loop3A_573 = arith.index_cast %parallel_loop3A_535 : i32 to index
          %parallel_loop3A_574 = arith.constant 64 : index
          %parallel_loop3A_575 = tpu.vector_load %arg26[%parallel_loop3A_573, %parallel_loop3A_574] {strides = array<i32>} : memref<112x128xf32, #tpu.memory_space<vmem>>, vector<16xf32>,
          tpu.vector_store %arg26[%parallel_loop3A_573, %parallel_loop3A_574], %parallel_loop3A_572 {strides = array<i32>} : memref<112x128xf32, #tpu.memory_space<vmem>>, vector<16xf32>,
          %parallel_loop3A_576 = arith.index_cast %parallel_loop3A_535 : i32 to index
          %parallel_loop3A_577 = arith.constant 80 : index
          %parallel_loop3A_578 = tpu.vector_load %arg26[%parallel_loop3A_576, %parallel_loop3A_577] {strides = array<i32>} : memref<112x128xf32, #tpu.memory_space<vmem>>, vector<16xf32>,
          %parallel_loop3A_579 = arith.mulf %parallel_loop3A_578, %parallel_loop3A_540 : vector<16xf32>
          %parallel_loop3A_580 = arith.index_cast %parallel_loop3A_535 : i32 to index
          %parallel_loop3A_581 = arith.constant 80 : index
          %parallel_loop3A_582 = tpu.vector_load %arg26[%parallel_loop3A_580, %parallel_loop3A_581] {strides = array<i32>} : memref<112x128xf32, #tpu.memory_space<vmem>>, vector<16xf32>,
          tpu.vector_store %arg26[%parallel_loop3A_580, %parallel_loop3A_581], %parallel_loop3A_579 {strides = array<i32>} : memref<112x128xf32, #tpu.memory_space<vmem>>, vector<16xf32>,
          %parallel_loop3A_583 = arith.index_cast %parallel_loop3A_535 : i32 to index
          %parallel_loop3A_584 = arith.constant 96 : index
          %parallel_loop3A_585 = tpu.vector_load %arg26[%parallel_loop3A_583, %parallel_loop3A_584] {strides = array<i32>} : memref<112x128xf32, #tpu.memory_space<vmem>>, vector<16xf32>,
          %parallel_loop3A_586 = arith.mulf %parallel_loop3A_585, %parallel_loop3A_540 : vector<16xf32>
          %parallel_loop3A_587 = arith.index_cast %parallel_loop3A_535 : i32 to index
          %parallel_loop3A_588 = arith.constant 96 : index
          %parallel_loop3A_589 = tpu.vector_load %arg26[%parallel_loop3A_587, %parallel_loop3A_588] {strides = array<i32>} : memref<112x128xf32, #tpu.memory_space<vmem>>, vector<16xf32>,
          tpu.vector_store %arg26[%parallel_loop3A_587, %parallel_loop3A_588], %parallel_loop3A_586 {strides = array<i32>} : memref<112x128xf32, #tpu.memory_space<vmem>>, vector<16xf32>,
          %parallel_loop3A_590 = arith.index_cast %parallel_loop3A_535 : i32 to index
          %parallel_loop3A_591 = arith.constant 112 : index
          %parallel_loop3A_592 = tpu.vector_load %arg26[%parallel_loop3A_590, %parallel_loop3A_591] {strides = array<i32>} : memref<112x128xf32, #tpu.memory_space<vmem>>, vector<16xf32>,
          %parallel_loop3A_593 = arith.mulf %parallel_loop3A_592, %parallel_loop3A_540 : vector<16xf32>
          %parallel_loop3A_594 = arith.index_cast %parallel_loop3A_535 : i32 to index
          %parallel_loop3A_595 = arith.constant 112 : index
          %parallel_loop3A_596 = tpu.vector_load %arg26[%parallel_loop3A_594, %parallel_loop3A_595] {strides = array<i32>} : memref<112x128xf32, #tpu.memory_space<vmem>>, vector<16xf32>,
          tpu.vector_store %arg26[%parallel_loop3A_594, %parallel_loop3A_595], %parallel_loop3A_593 {strides = array<i32>} : memref<112x128xf32, #tpu.memory_space<vmem>>, vector<16xf32>,
        } {sc.loop_unroll_factor = 4 : i64, sc.parallel_access}
        %dma_start3A_528 = arith.constant 0 : i32
        %dma_start3A_529 = arith.constant 0 : i32
        %dma_start3A_530 = tpu.memref_slice %arg28[%dma_start3A_528, %dma_start3A_529] : memref<2x112xi32, #tpu.memory_space<vmem>> -> memref<1x112xi32, #tpu.memory_space<vmem>>
        %dma_start3A_531 = tpu.memref_squeeze %dma_start3A_530 : memref<1x112xi32, #tpu.memory_space<vmem>> -> memref<112xi32, #tpu.memory_space<vmem>>
        %dma_start3A_532 = arith.constant 0 : i32
        %dma_start3A_533 = arith.constant 0 : i32
        %dma_start3A_534 = tpu.memref_slice %arg30[%dma_start3A_532, %dma_start3A_533] : memref<1040x128xf32, #tpu.memory_space<vmem_shared>> -> memref<1040x128xf32, #tpu.memory_space<vmem_shared>>
        tpu.enqueue_indirect_dma source(%arg26 : memref<112x128xf32, #tpu.memory_space<vmem>>) target(%dma_start3A_534 : memref<1040x128xf32, #tpu.memory_space<vmem_shared>>) offsets(%dma_start3A_531 : memref<112xi32, #tpu.memory_space<vmem>>) semaphore(%arg34 : memref<!tpu.dma_semaphore, #tpu.memory_space<semaphore_mem>>) {add = true}
      } else {
      }
      %lt3A_440 = arith.cmpi slt, %add3A_436, %select_n3A : i32
      %convert_element_type3A_441 = arith.extui %lt3A_440 : i1 to i32
      %cond3A_442 = arith.constant 0 : i32
      %cond3A_443 = arith.cmpi ne, %convert_element_type3A_441, %cond3A_442 : i32
      scf.if %cond3A_443 {
        %add3A_444 = arith.constant 1 : i32
        %add3A_445 = arith.addi %add3A_436, %add3A_444 : i32
        %lt3A_446 = arith.cmpi slt, %add3A_445, %select_n3A : i32
        %convert_element_type3A_447 = arith.extui %lt3A_446 : i1 to i32
        %cond3A_448 = arith.constant 0 : i32
        %cond3A_449 = arith.cmpi ne, %convert_element_type3A_447, %cond3A_448 : i32
        scf.if %cond3A_449 {
          %ge3A = arith.constant 1 : i32
          %ge3A_535 = arith.cmpi sge, %add3A_436, %ge3A : i32
          %convert_element_type3A_536 = arith.extui %ge3A_535 : i1 to i32
          %cond3A_537 = arith.constant 0 : i32
          %cond3A_538 = arith.cmpi ne, %convert_element_type3A_536, %cond3A_537 : i32
          scf.if %cond3A_538 {
            %dma_wait3A_547 = arith.constant 0 : i32
            %dma_wait3A_548 = arith.constant 0 : i32
            %dma_wait3A_549 = tpu.memref_slice %arg28[%dma_wait3A_547, %dma_wait3A_548] : memref<2x112xi32, #tpu.memory_space<vmem>> -> memref<1x112xi32, #tpu.memory_space<vmem>>
            %dma_wait3A_550 = tpu.memref_squeeze %dma_wait3A_549 : memref<1x112xi32, #tpu.memory_space<vmem>> -> memref<112xi32, #tpu.memory_space<vmem>>
            %dma_wait3A_551 = arith.constant 0 : i32
            %dma_wait3A_552 = arith.constant 0 : i32
            %dma_wait3A_553 = tpu.memref_slice %arg30[%dma_wait3A_551, %dma_wait3A_552] : memref<1040x128xf32, #tpu.memory_space<vmem_shared>> -> memref<1040x128xf32, #tpu.memory_space<vmem_shared>>
            tpu.wait_indirect_dma semaphore(%arg34 : memref<!tpu.dma_semaphore, #tpu.memory_space<semaphore_mem>>) src(%arg26 : memref<112x128xf32, #tpu.memory_space<vmem>>) dst(%dma_wait3A_553 : memref<1040x128xf32, #tpu.memory_space<vmem_shared>>)
          } else {
          }
          %add3A_539 = arith.constant 1 : i32
          %add3A_540 = arith.addi %add3A_436, %add3A_539 : i32
          %mul3A_541 = arith.constant 112 : i32
          %mul3A_542 = arith.muli %add3A_540, %mul3A_541 : i32
          %dma_start3A_543 = tpu.memref_slice %arg23[%mul3A_542] : memref<10192xi32, #tpu.memory_space<vmem>> -> memref<112xi32, #tpu.memory_space<vmem>>
          %dma_start3A_544 = arith.constant 0 : i32
          %dma_start3A_545 = arith.constant 0 : i32
          %dma_start3A_546 = tpu.memref_slice %arg2[%dma_start3A_544, %dma_start3A_545] : memref<10000x128xf32, #tpu.memory_space<hbm>> -> memref<10000x128xf32, #tpu.memory_space<hbm>>
          tpu.enqueue_indirect_dma source(%dma_start3A_546 : memref<10000x128xf32, #tpu.memory_space<hbm>>) target(%arg26 : memref<112x128xf32, #tpu.memory_space<vmem>>) offsets(%dma_start3A_543 : memref<112xi32, #tpu.memory_space<vmem>>) semaphore(%arg32 : memref<!tpu.dma_semaphore, #tpu.memory_space<semaphore_mem>>)
        } else {
        }
        %mul3A_450 = arith.constant 112 : i32
        %mul3A_451 = arith.muli %add3A_436, %mul3A_450 : i32
        %dma_wait3A_452 = tpu.memref_slice %arg23[%mul3A_451] : memref<10192xi32, #tpu.memory_space<vmem>> -> memref<112xi32, #tpu.memory_space<vmem>>
        %dma_wait3A_453 = arith.constant 0 : i32
        %dma_wait3A_454 = arith.constant 0 : i32
        %dma_wait3A_455 = tpu.memref_slice %arg2[%dma_wait3A_453, %dma_wait3A_454] : memref<10000x128xf32, #tpu.memory_space<hbm>> -> memref<10000x128xf32, #tpu.memory_space<hbm>>
        tpu.wait_indirect_dma semaphore(%arg33 : memref<!tpu.dma_semaphore, #tpu.memory_space<semaphore_mem>>) src(%dma_wait3A_455 : memref<10000x128xf32, #tpu.memory_space<hbm>>) dst(%arg27 : memref<112x128xf32, #tpu.memory_space<vmem>>)
        %mul3A_456 = arith.constant 112 : i32
        %mul3A_457 = arith.muli %add3A_436, %mul3A_456 : i32
        %add3A_458 = arith.constant 0 : i32
        %add3A_459 = arith.addi %mul3A_457, %add3A_458 : i32
        %get3A = arith.index_cast %add3A_459 : i32 to index
        %get3A_460 = tpu.vector_load %arg24[%get3A] {strides = array<i32>} : memref<10192xi32, #tpu.memory_space<vmem>>, vector<16xi32>,
        %swap3A_461 = arith.constant 1 : i32
        %swap3A_462 = arith.index_cast %swap3A_461 : i32 to index
        %swap3A_463 = arith.constant 0 : index
        %swap3A_464 = tpu.vector_load %arg28[%swap3A_462, %swap3A_463] {strides = array<i32>} : memref<2x112xi32, #tpu.memory_space<vmem>>, vector<16xi32>,
        tpu.vector_store %arg28[%swap3A_462, %swap3A_463], %get3A_460 {strides = array<i32>} : memref<2x112xi32, #tpu.memory_space<vmem>>, vector<16xi32>,
        %mul3A_465 = arith.constant 112 : i32
        %mul3A_466 = arith.muli %add3A_436, %mul3A_465 : i32
        %add3A_467 = arith.constant 16 : i32
        %add3A_468 = arith.addi %mul3A_466, %add3A_467 : i32
        %get3A_469 = arith.index_cast %add3A_468 : i32 to index
        %get3A_470 = tpu.vector_load %arg24[%get3A_469] {strides = array<i32>} : memref<10192xi32, #tpu.memory_space<vmem>>, vector<16xi32>,
        %swap3A_471 = arith.constant 1 : i32
        %swap3A_472 = arith.index_cast %swap3A_471 : i32 to index
        %swap3A_473 = arith.constant 16 : index
        %swap3A_474 = tpu.vector_load %arg28[%swap3A_472, %swap3A_473] {strides = array<i32>} : memref<2x112xi32, #tpu.memory_space<vmem>>, vector<16xi32>,
        tpu.vector_store %arg28[%swap3A_472, %swap3A_473], %get3A_470 {strides = array<i32>} : memref<2x112xi32, #tpu.memory_space<vmem>>, vector<16xi32>,
        %mul3A_475 = arith.constant 112 : i32
        %mul3A_476 = arith.muli %add3A_436, %mul3A_475 : i32
        %add3A_477 = arith.constant 32 : i32
        %add3A_478 = arith.addi %mul3A_476, %add3A_477 : i32
        %get3A_479 = arith.index_cast %add3A_478 : i32 to index
        %get3A_480 = tpu.vector_load %arg24[%get3A_479] {strides = array<i32>} : memref<10192xi32, #tpu.memory_space<vmem>>, vector<16xi32>,
        %swap3A_481 = arith.constant 1 : i32
        %swap3A_482 = arith.index_cast %swap3A_481 : i32 to index
        %swap3A_483 = arith.constant 32 : index
        %swap3A_484 = tpu.vector_load %arg28[%swap3A_482, %swap3A_483] {strides = array<i32>} : memref<2x112xi32, #tpu.memory_space<vmem>>, vector<16xi32>,
        tpu.vector_store %arg28[%swap3A_482, %swap3A_483], %get3A_480 {strides = array<i32>} : memref<2x112xi32, #tpu.memory_space<vmem>>, vector<16xi32>,
        %mul3A_485 = arith.constant 112 : i32
        %mul3A_486 = arith.muli %add3A_436, %mul3A_485 : i32
        %add3A_487 = arith.constant 48 : i32
        %add3A_488 = arith.addi %mul3A_486, %add3A_487 : i32
        %get3A_489 = arith.index_cast %add3A_488 : i32 to index
        %get3A_490 = tpu.vector_load %arg24[%get3A_489] {strides = array<i32>} : memref<10192xi32, #tpu.memory_space<vmem>>, vector<16xi32>,
        %swap3A_491 = arith.constant 1 : i32
        %swap3A_492 = arith.index_cast %swap3A_491 : i32 to index
        %swap3A_493 = arith.constant 48 : index
        %swap3A_494 = tpu.vector_load %arg28[%swap3A_492, %swap3A_493] {strides = array<i32>} : memref<2x112xi32, #tpu.memory_space<vmem>>, vector<16xi32>,
        tpu.vector_store %arg28[%swap3A_492, %swap3A_493], %get3A_490 {strides = array<i32>} : memref<2x112xi32, #tpu.memory_space<vmem>>, vector<16xi32>,
        %mul3A_495 = arith.constant 112 : i32
        %mul3A_496 = arith.muli %add3A_436, %mul3A_495 : i32
        %add3A_497 = arith.constant 64 : i32
        %add3A_498 = arith.addi %mul3A_496, %add3A_497 : i32
        %get3A_499 = arith.index_cast %add3A_498 : i32 to index
        %get3A_500 = tpu.vector_load %arg24[%get3A_499] {strides = array<i32>} : memref<10192xi32, #tpu.memory_space<vmem>>, vector<16xi32>,
        %swap3A_501 = arith.constant 1 : i32
        %swap3A_502 = arith.index_cast %swap3A_501 : i32 to index
        %swap3A_503 = arith.constant 64 : index
        %swap3A_504 = tpu.vector_load %arg28[%swap3A_502, %swap3A_503] {strides = array<i32>} : memref<2x112xi32, #tpu.memory_space<vmem>>, vector<16xi32>,
        tpu.vector_store %arg28[%swap3A_502, %swap3A_503], %get3A_500 {strides = array<i32>} : memref<2x112xi32, #tpu.memory_space<vmem>>, vector<16xi32>,
        %mul3A_505 = arith.constant 112 : i32
        %mul3A_506 = arith.muli %add3A_436, %mul3A_505 : i32
        %add3A_507 = arith.constant 80 : i32
        %add3A_508 = arith.addi %mul3A_506, %add3A_507 : i32
        %get3A_509 = arith.index_cast %add3A_508 : i32 to index
        %get3A_510 = tpu.vector_load %arg24[%get3A_509] {strides = array<i32>} : memref<10192xi32, #tpu.memory_space<vmem>>, vector<16xi32>,
        %swap3A_511 = arith.constant 1 : i32
        %swap3A_512 = arith.index_cast %swap3A_511 : i32 to index
        %swap3A_513 = arith.constant 80 : index
        %swap3A_514 = tpu.vector_load %arg28[%swap3A_512, %swap3A_513] {strides = array<i32>} : memref<2x112xi32, #tpu.memory_space<vmem>>, vector<16xi32>,
        tpu.vector_store %arg28[%swap3A_512, %swap3A_513], %get3A_510 {strides = array<i32>} : memref<2x112xi32, #tpu.memory_space<vmem>>, vector<16xi32>,
        %mul3A_515 = arith.constant 112 : i32
        %mul3A_516 = arith.muli %add3A_436, %mul3A_515 : i32
        %add3A_517 = arith.constant 96 : i32
        %add3A_518 = arith.addi %mul3A_516, %add3A_517 : i32
        %get3A_519 = arith.index_cast %add3A_518 : i32 to index
        %get3A_520 = tpu.vector_load %arg24[%get3A_519] {strides = array<i32>} : memref<10192xi32, #tpu.memory_space<vmem>>, vector<16xi32>,
        %swap3A_521 = arith.constant 1 : i32
        %swap3A_522 = arith.index_cast %swap3A_521 : i32 to index
        %swap3A_523 = arith.constant 96 : index
        %swap3A_524 = tpu.vector_load %arg28[%swap3A_522, %swap3A_523] {strides = array<i32>} : memref<2x112xi32, #tpu.memory_space<vmem>>, vector<16xi32>,
        tpu.vector_store %arg28[%swap3A_522, %swap3A_523], %get3A_520 {strides = array<i32>} : memref<2x112xi32, #tpu.memory_space<vmem>>, vector<16xi32>,
        %parallel_loop3A_525 = arith.constant 0 : i32
        %parallel_loop3A_526 = arith.constant 112 : i32
        %parallel_loop3A_527 = arith.constant 1 : i32
        scf.for %parallel_loop3A_535 = %parallel_loop3A_525 to %parallel_loop3A_526 step %parallel_loop3A_527  : i32 {
          %parallel_loop3A_536 = arith.constant 112 : i32
          %parallel_loop3A_537 = arith.muli %add3A_436, %parallel_loop3A_536 : i32
          %parallel_loop3A_538 = arith.addi %parallel_loop3A_537, %parallel_loop3A_535 : i32
          %parallel_loop3A_539 = vector.broadcast %parallel_loop3A_538 : i32 to vector<16xi32>
          %parallel_loop3A_540 = tpu.vector_load_idx %arg25[%parallel_loop3A_539] : memref<10192xf32, #tpu.memory_space<vmem>>[vector<16xi32>], vector<16xf32>,
          %parallel_loop3A_541 = arith.index_cast %parallel_loop3A_535 : i32 to index
          %parallel_loop3A_542 = arith.constant 0 : index
          %parallel_loop3A_543 = tpu.vector_load %arg27[%parallel_loop3A_541, %parallel_loop3A_542] {strides = array<i32>} : memref<112x128xf32, #tpu.memory_space<vmem>>, vector<16xf32>,
          %parallel_loop3A_544 = arith.mulf %parallel_loop3A_543, %parallel_loop3A_540 : vector<16xf32>
          %parallel_loop3A_545 = arith.index_cast %parallel_loop3A_535 : i32 to index
          %parallel_loop3A_546 = arith.constant 0 : index
          %parallel_loop3A_547 = tpu.vector_load %arg27[%parallel_loop3A_545, %parallel_loop3A_546] {strides = array<i32>} : memref<112x128xf32, #tpu.memory_space<vmem>>, vector<16xf32>,
          tpu.vector_store %arg27[%parallel_loop3A_545, %parallel_loop3A_546], %parallel_loop3A_544 {strides = array<i32>} : memref<112x128xf32, #tpu.memory_space<vmem>>, vector<16xf32>,
          %parallel_loop3A_548 = arith.index_cast %parallel_loop3A_535 : i32 to index
          %parallel_loop3A_549 = arith.constant 16 : index
          %parallel_loop3A_550 = tpu.vector_load %arg27[%parallel_loop3A_548, %parallel_loop3A_549] {strides = array<i32>} : memref<112x128xf32, #tpu.memory_space<vmem>>, vector<16xf32>,
          %parallel_loop3A_551 = arith.mulf %parallel_loop3A_550, %parallel_loop3A_540 : vector<16xf32>
          %parallel_loop3A_552 = arith.index_cast %parallel_loop3A_535 : i32 to index
          %parallel_loop3A_553 = arith.constant 16 : index
          %parallel_loop3A_554 = tpu.vector_load %arg27[%parallel_loop3A_552, %parallel_loop3A_553] {strides = array<i32>} : memref<112x128xf32, #tpu.memory_space<vmem>>, vector<16xf32>,
          tpu.vector_store %arg27[%parallel_loop3A_552, %parallel_loop3A_553], %parallel_loop3A_551 {strides = array<i32>} : memref<112x128xf32, #tpu.memory_space<vmem>>, vector<16xf32>,
          %parallel_loop3A_555 = arith.index_cast %parallel_loop3A_535 : i32 to index
          %parallel_loop3A_556 = arith.constant 32 : index
          %parallel_loop3A_557 = tpu.vector_load %arg27[%parallel_loop3A_555, %parallel_loop3A_556] {strides = array<i32>} : memref<112x128xf32, #tpu.memory_space<vmem>>, vector<16xf32>,
          %parallel_loop3A_558 = arith.mulf %parallel_loop3A_557, %parallel_loop3A_540 : vector<16xf32>
          %parallel_loop3A_559 = arith.index_cast %parallel_loop3A_535 : i32 to index
          %parallel_loop3A_560 = arith.constant 32 : index
          %parallel_loop3A_561 = tpu.vector_load %arg27[%parallel_loop3A_559, %parallel_loop3A_560] {strides = array<i32>} : memref<112x128xf32, #tpu.memory_space<vmem>>, vector<16xf32>,
          tpu.vector_store %arg27[%parallel_loop3A_559, %parallel_loop3A_560], %parallel_loop3A_558 {strides = array<i32>} : memref<112x128xf32, #tpu.memory_space<vmem>>, vector<16xf32>,
          %parallel_loop3A_562 = arith.index_cast %parallel_loop3A_535 : i32 to index
          %parallel_loop3A_563 = arith.constant 48 : index
          %parallel_loop3A_564 = tpu.vector_load %arg27[%parallel_loop3A_562, %parallel_loop3A_563] {strides = array<i32>} : memref<112x128xf32, #tpu.memory_space<vmem>>, vector<16xf32>,
          %parallel_loop3A_565 = arith.mulf %parallel_loop3A_564, %parallel_loop3A_540 : vector<16xf32>
          %parallel_loop3A_566 = arith.index_cast %parallel_loop3A_535 : i32 to index
          %parallel_loop3A_567 = arith.constant 48 : index
          %parallel_loop3A_568 = tpu.vector_load %arg27[%parallel_loop3A_566, %parallel_loop3A_567] {strides = array<i32>} : memref<112x128xf32, #tpu.memory_space<vmem>>, vector<16xf32>,
          tpu.vector_store %arg27[%parallel_loop3A_566, %parallel_loop3A_567], %parallel_loop3A_565 {strides = array<i32>} : memref<112x128xf32, #tpu.memory_space<vmem>>, vector<16xf32>,
          %parallel_loop3A_569 = arith.index_cast %parallel_loop3A_535 : i32 to index
          %parallel_loop3A_570 = arith.constant 64 : index
          %parallel_loop3A_571 = tpu.vector_load %arg27[%parallel_loop3A_569, %parallel_loop3A_570] {strides = array<i32>} : memref<112x128xf32, #tpu.memory_space<vmem>>, vector<16xf32>,
          %parallel_loop3A_572 = arith.mulf %parallel_loop3A_571, %parallel_loop3A_540 : vector<16xf32>
          %parallel_loop3A_573 = arith.index_cast %parallel_loop3A_535 : i32 to index
          %parallel_loop3A_574 = arith.constant 64 : index
          %parallel_loop3A_575 = tpu.vector_load %arg27[%parallel_loop3A_573, %parallel_loop3A_574] {strides = array<i32>} : memref<112x128xf32, #tpu.memory_space<vmem>>, vector<16xf32>,
          tpu.vector_store %arg27[%parallel_loop3A_573, %parallel_loop3A_574], %parallel_loop3A_572 {strides = array<i32>} : memref<112x128xf32, #tpu.memory_space<vmem>>, vector<16xf32>,
          %parallel_loop3A_576 = arith.index_cast %parallel_loop3A_535 : i32 to index
          %parallel_loop3A_577 = arith.constant 80 : index
          %parallel_loop3A_578 = tpu.vector_load %arg27[%parallel_loop3A_576, %parallel_loop3A_577] {strides = array<i32>} : memref<112x128xf32, #tpu.memory_space<vmem>>, vector<16xf32>,
          %parallel_loop3A_579 = arith.mulf %parallel_loop3A_578, %parallel_loop3A_540 : vector<16xf32>
          %parallel_loop3A_580 = arith.index_cast %parallel_loop3A_535 : i32 to index
          %parallel_loop3A_581 = arith.constant 80 : index
          %parallel_loop3A_582 = tpu.vector_load %arg27[%parallel_loop3A_580, %parallel_loop3A_581] {strides = array<i32>} : memref<112x128xf32, #tpu.memory_space<vmem>>, vector<16xf32>,
          tpu.vector_store %arg27[%parallel_loop3A_580, %parallel_loop3A_581], %parallel_loop3A_579 {strides = array<i32>} : memref<112x128xf32, #tpu.memory_space<vmem>>, vector<16xf32>,
          %parallel_loop3A_583 = arith.index_cast %parallel_loop3A_535 : i32 to index
          %parallel_loop3A_584 = arith.constant 96 : index
          %parallel_loop3A_585 = tpu.vector_load %arg27[%parallel_loop3A_583, %parallel_loop3A_584] {strides = array<i32>} : memref<112x128xf32, #tpu.memory_space<vmem>>, vector<16xf32>,
          %parallel_loop3A_586 = arith.mulf %parallel_loop3A_585, %parallel_loop3A_540 : vector<16xf32>
          %parallel_loop3A_587 = arith.index_cast %parallel_loop3A_535 : i32 to index
          %parallel_loop3A_588 = arith.constant 96 : index
          %parallel_loop3A_589 = tpu.vector_load %arg27[%parallel_loop3A_587, %parallel_loop3A_588] {strides = array<i32>} : memref<112x128xf32, #tpu.memory_space<vmem>>, vector<16xf32>,
          tpu.vector_store %arg27[%parallel_loop3A_587, %parallel_loop3A_588], %parallel_loop3A_586 {strides = array<i32>} : memref<112x128xf32, #tpu.memory_space<vmem>>, vector<16xf32>,
          %parallel_loop3A_590 = arith.index_cast %parallel_loop3A_535 : i32 to index
          %parallel_loop3A_591 = arith.constant 112 : index
          %parallel_loop3A_592 = tpu.vector_load %arg27[%parallel_loop3A_590, %parallel_loop3A_591] {strides = array<i32>} : memref<112x128xf32, #tpu.memory_space<vmem>>, vector<16xf32>,
          %parallel_loop3A_593 = arith.mulf %parallel_loop3A_592, %parallel_loop3A_540 : vector<16xf32>
          %parallel_loop3A_594 = arith.index_cast %parallel_loop3A_535 : i32 to index
          %parallel_loop3A_595 = arith.constant 112 : index
          %parallel_loop3A_596 = tpu.vector_load %arg27[%parallel_loop3A_594, %parallel_loop3A_595] {strides = array<i32>} : memref<112x128xf32, #tpu.memory_space<vmem>>, vector<16xf32>,
          tpu.vector_store %arg27[%parallel_loop3A_594, %parallel_loop3A_595], %parallel_loop3A_593 {strides = array<i32>} : memref<112x128xf32, #tpu.memory_space<vmem>>, vector<16xf32>,
        } {sc.loop_unroll_factor = 4 : i64, sc.parallel_access}
        %dma_start3A_528 = arith.constant 1 : i32
        %dma_start3A_529 = arith.constant 0 : i32
        %dma_start3A_530 = tpu.memref_slice %arg28[%dma_start3A_528, %dma_start3A_529] : memref<2x112xi32, #tpu.memory_space<vmem>> -> memref<1x112xi32, #tpu.memory_space<vmem>>
        %dma_start3A_531 = tpu.memref_squeeze %dma_start3A_530 : memref<1x112xi32, #tpu.memory_space<vmem>> -> memref<112xi32, #tpu.memory_space<vmem>>
        %dma_start3A_532 = arith.constant 0 : i32
        %dma_start3A_533 = arith.constant 0 : i32
        %dma_start3A_534 = tpu.memref_slice %arg30[%dma_start3A_532, %dma_start3A_533] : memref<1040x128xf32, #tpu.memory_space<vmem_shared>> -> memref<1040x128xf32, #tpu.memory_space<vmem_shared>>
        tpu.enqueue_indirect_dma source(%arg27 : memref<112x128xf32, #tpu.memory_space<vmem>>) target(%dma_start3A_534 : memref<1040x128xf32, #tpu.memory_space<vmem_shared>>) offsets(%dma_start3A_531 : memref<112xi32, #tpu.memory_space<vmem>>) semaphore(%arg35 : memref<!tpu.dma_semaphore, #tpu.memory_space<semaphore_mem>>) {add = true}
      } else {
      }
    }
    %gt3A_213 = arith.constant 1 : i32
    %gt3A_214 = arith.cmpi sgt, %select_n3A, %gt3A_213 : i32
    %convert_element_type3A_215 = arith.extui %gt3A_214 : i1 to i32
    %cond3A_216 = arith.constant 0 : i32
    %cond3A_217 = arith.cmpi ne, %convert_element_type3A_215, %cond3A_216 : i32
    scf.if %cond3A_217 {
      %dma_wait3A_432 = arith.constant 0 : i32
      %dma_wait3A_433 = arith.constant 0 : i32
      %dma_wait3A_434 = tpu.memref_slice %arg28[%dma_wait3A_432, %dma_wait3A_433] : memref<2x112xi32, #tpu.memory_space<vmem>> -> memref<1x112xi32, #tpu.memory_space<vmem>>
      %dma_wait3A_435 = tpu.memref_squeeze %dma_wait3A_434 : memref<1x112xi32, #tpu.memory_space<vmem>> -> memref<112xi32, #tpu.memory_space<vmem>>
      %dma_wait3A_436 = arith.constant 0 : i32
      %dma_wait3A_437 = arith.constant 0 : i32
      %dma_wait3A_438 = tpu.memref_slice %arg30[%dma_wait3A_436, %dma_wait3A_437] : memref<1040x128xf32, #tpu.memory_space<vmem_shared>> -> memref<1040x128xf32, #tpu.memory_space<vmem_shared>>
      tpu.wait_indirect_dma semaphore(%arg34 : memref<!tpu.dma_semaphore, #tpu.memory_space<semaphore_mem>>) src(%arg26 : memref<112x128xf32, #tpu.memory_space<vmem>>) dst(%dma_wait3A_438 : memref<1040x128xf32, #tpu.memory_space<vmem_shared>>)
      %dma_wait3A_439 = arith.constant 1 : i32
      %dma_wait3A_440 = arith.constant 0 : i32
      %dma_wait3A_441 = tpu.memref_slice %arg28[%dma_wait3A_439, %dma_wait3A_440] : memref<2x112xi32, #tpu.memory_space<vmem>> -> memref<1x112xi32, #tpu.memory_space<vmem>>
      %dma_wait3A_442 = tpu.memref_squeeze %dma_wait3A_441 : memref<1x112xi32, #tpu.memory_space<vmem>> -> memref<112xi32, #tpu.memory_space<vmem>>
      %dma_wait3A_443 = arith.constant 0 : i32
      %dma_wait3A_444 = arith.constant 0 : i32
      %dma_wait3A_445 = tpu.memref_slice %arg30[%dma_wait3A_443, %dma_wait3A_444] : memref<1040x128xf32, #tpu.memory_space<vmem_shared>> -> memref<1040x128xf32, #tpu.memory_space<vmem_shared>>
      tpu.wait_indirect_dma semaphore(%arg35 : memref<!tpu.dma_semaphore, #tpu.memory_space<semaphore_mem>>) src(%arg27 : memref<112x128xf32, #tpu.memory_space<vmem>>) dst(%dma_wait3A_445 : memref<1040x128xf32, #tpu.memory_space<vmem_shared>>)
    } else {
    }
    %eq3A = arith.constant 1 : i32
    %eq3A_218 = arith.cmpi eq, %select_n3A, %eq3A : i32
    %convert_element_type3A_219 = arith.extui %eq3A_218 : i1 to i32
    %cond3A_220 = arith.constant 0 : i32
    %cond3A_221 = arith.cmpi ne, %convert_element_type3A_219, %cond3A_220 : i32
    scf.if %cond3A_221 {
      %dma_wait3A_432 = arith.constant 0 : i32
      %dma_wait3A_433 = arith.constant 0 : i32
      %dma_wait3A_434 = tpu.memref_slice %arg28[%dma_wait3A_432, %dma_wait3A_433] : memref<2x112xi32, #tpu.memory_space<vmem>> -> memref<1x112xi32, #tpu.memory_space<vmem>>
      %dma_wait3A_435 = tpu.memref_squeeze %dma_wait3A_434 : memref<1x112xi32, #tpu.memory_space<vmem>> -> memref<112xi32, #tpu.memory_space<vmem>>
      %dma_wait3A_436 = arith.constant 0 : i32
      %dma_wait3A_437 = arith.constant 0 : i32
      %dma_wait3A_438 = tpu.memref_slice %arg30[%dma_wait3A_436, %dma_wait3A_437] : memref<1040x128xf32, #tpu.memory_space<vmem_shared>> -> memref<1040x128xf32, #tpu.memory_space<vmem_shared>>
      tpu.wait_indirect_dma semaphore(%arg34 : memref<!tpu.dma_semaphore, #tpu.memory_space<semaphore_mem>>) src(%arg26 : memref<112x128xf32, #tpu.memory_space<vmem>>) dst(%dma_wait3A_438 : memref<1040x128xf32, #tpu.memory_space<vmem_shared>>)
    } else {
    }
    %dma_wait3A_222 = tpu.memref_slice %arg9[%mul3A_2] : memref<320000xi32, #tpu.memory_space<hbm>> -> memref<10000xi32, #tpu.memory_space<hbm>>
    %dma_wait3A_223 = tpu.memref_slice %arg9[%mul3A_2] : memref<320000xi32, #tpu.memory_space<hbm>> -> memref<10000xi32, #tpu.memory_space<hbm>>
    tpu.wait_dma2 semaphore(%arg36 : memref<!tpu.dma_semaphore, #tpu.memory_space<semaphore_mem>>) src(%dma_wait3A_223 : memref<10000xi32, #tpu.memory_space<hbm>>) dst(%arg20 : memref<10000xi32, #tpu.memory_space<vmem>>)
    %dma_wait3A_224 = tpu.memref_slice %arg8[%mul3A_2] : memref<320000xi32, #tpu.memory_space<hbm>> -> memref<10000xi32, #tpu.memory_space<hbm>>
    %dma_wait3A_225 = tpu.memref_slice %arg8[%mul3A_2] : memref<320000xi32, #tpu.memory_space<hbm>> -> memref<10000xi32, #tpu.memory_space<hbm>>
    tpu.wait_dma2 semaphore(%arg37 : memref<!tpu.dma_semaphore, #tpu.memory_space<semaphore_mem>>) src(%dma_wait3A_225 : memref<10000xi32, #tpu.memory_space<hbm>>) dst(%arg21 : memref<10000xi32, #tpu.memory_space<vmem>>)
    %dma_wait3A_226 = tpu.memref_slice %arg5[%mul3A_2] : memref<320000xf32, #tpu.memory_space<hbm>> -> memref<10000xf32, #tpu.memory_space<hbm>>
    %dma_wait3A_227 = tpu.memref_slice %arg5[%mul3A_2] : memref<320000xf32, #tpu.memory_space<hbm>> -> memref<10000xf32, #tpu.memory_space<hbm>>
    tpu.wait_dma2 semaphore(%arg38 : memref<!tpu.dma_semaphore, #tpu.memory_space<semaphore_mem>>) src(%dma_wait3A_227 : memref<10000xf32, #tpu.memory_space<hbm>>) dst(%arg22 : memref<10000xf32, #tpu.memory_space<vmem>>)
    %parallel_loop3A_228 = arith.constant 0 : i32
    %parallel_loop3A_229 = arith.constant 625 : i32
    %parallel_loop3A_230 = arith.constant 1 : i32
    %parallel_loop3A_231 = arith.constant 0 : i32
    %parallel_loop3A_232 = scf.for %parallel_loop3A_432 = %parallel_loop3A_228 to %parallel_loop3A_229 step %parallel_loop3A_230 iter_args(%parallel_loop3A_433 = %parallel_loop3A_231) -> (i32)  : i32 {
      %parallel_loop3A_434 = arith.constant 16 : i32
      %parallel_loop3A_435 = arith.muli %parallel_loop3A_432, %parallel_loop3A_434 : i32
      %parallel_loop3A_436 = arith.index_cast %parallel_loop3A_435 : i32 to index
      %parallel_loop3A_437 = tpu.vector_load %arg20[%parallel_loop3A_436] {strides = array<i32>} : memref<10000xi32, #tpu.memory_space<vmem>>, vector<16xi32>,
      %parallel_loop3A_438 = tpu.vector_load_idx %arg19[%parallel_loop3A_437] : memref<10000xi32, #tpu.memory_space<vmem>>[vector<16xi32>], vector<16xi32>,
      %parallel_loop3A_439 = arith.constant 0 : i32
      %parallel_loop3A_440 = vector.broadcast %parallel_loop3A_439 : i32 to vector<16xi32>
      %parallel_loop3A_441 = arith.cmpi sge, %parallel_loop3A_438, %parallel_loop3A_440 : vector<16xi32>
      %parallel_loop3A_442 = arith.index_cast %parallel_loop3A_435 : i32 to index
      %parallel_loop3A_443 = tpu.vector_load %arg21[%parallel_loop3A_442] {strides = array<i32>} : memref<10000xi32, #tpu.memory_space<vmem>>, vector<16xi32>,
      %parallel_loop3A_444 = arith.index_cast %parallel_loop3A_433 : i32 to index
      %parallel_loop3A_445 = tpu.vector_load %arg23[%parallel_loop3A_444] masked %parallel_loop3A_441 {strides = array<i32>} : memref<10192xi32, #tpu.memory_space<vmem>>, vector<16xi32>, vector<16xi1>
      tpu.vector_store %arg23[%parallel_loop3A_444], %parallel_loop3A_443 masked %parallel_loop3A_441 {strides = array<i32>} : memref<10192xi32, #tpu.memory_space<vmem>>, vector<16xi32>, vector<16xi1>
      %parallel_loop3A_446 = arith.index_cast %parallel_loop3A_435 : i32 to index
      %parallel_loop3A_447 = tpu.vector_load %arg22[%parallel_loop3A_446] {strides = array<i32>} : memref<10000xf32, #tpu.memory_space<vmem>>, vector<16xf32>,
      %parallel_loop3A_448 = arith.index_cast %parallel_loop3A_433 : i32 to index
      %parallel_loop3A_449 = tpu.vector_load %arg25[%parallel_loop3A_448] masked %parallel_loop3A_441 {strides = array<i32>} : memref<10192xf32, #tpu.memory_space<vmem>>, vector<16xf32>, vector<16xi1>
      tpu.vector_store %arg25[%parallel_loop3A_448], %parallel_loop3A_447 masked %parallel_loop3A_441 {strides = array<i32>} : memref<10192xf32, #tpu.memory_space<vmem>>, vector<16xf32>, vector<16xi1>
      %parallel_loop3A_450 = arith.index_cast %parallel_loop3A_433 : i32 to index
      %parallel_loop3A_451 = tpu.vector_load %arg24[%parallel_loop3A_450] masked %parallel_loop3A_441 {strides = array<i32>} : memref<10192xi32, #tpu.memory_space<vmem>>, vector<16xi32>, vector<16xi1>
      tpu.vector_store %arg24[%parallel_loop3A_450], %parallel_loop3A_438 masked %parallel_loop3A_441 {strides = array<i32>} : memref<10192xi32, #tpu.memory_space<vmem>>, vector<16xi32>, vector<16xi1>
      %parallel_loop3A_452 = tpu.all_reduce %parallel_loop3A_441 {dim = 0 : i64, kind = #tpu.reduction_kind<sum>} : vector<16xi1> -> vector<16xi32>
      %parallel_loop3A_453 = vector.extract_strided_slice %parallel_loop3A_452 {offsets = [0], sizes = [1], strides = [1]} : vector<16xi32> to vector<1xi32>
      %parallel_loop3A_454 = vector.extract %parallel_loop3A_453[0] : i32 from vector<1xi32>
      %parallel_loop3A_455 = arith.addi %parallel_loop3A_433, %parallel_loop3A_454 : i32
      scf.yield %parallel_loop3A_455 : i32
    } {sc.loop_unroll_factor = 8 : i64, sc.parallel_access}
    %broadcast_in_dim3A_233 = arith.constant 0 : i32
    %broadcast_in_dim3A_234 = vector.broadcast %broadcast_in_dim3A_233 : i32 to vector<16xi32>
    %broadcast_in_dim3A_235 = arith.constant 1024 : i32
    %broadcast_in_dim3A_236 = vector.broadcast %broadcast_in_dim3A_235 : i32 to vector<16xi32>
    %add3A_237 = arith.constant 0 : i32
    %add3A_238 = arith.addi %parallel_loop3A_232, %add3A_237 : i32
    %swap3A_239 = arith.index_cast %add3A_238 : i32 to index
    %swap3A_240 = tpu.vector_load %arg23[%swap3A_239] {strides = array<i32>} : memref<10192xi32, #tpu.memory_space<vmem>>, vector<16xi32>,
    tpu.vector_store %arg23[%swap3A_239], %broadcast_in_dim3A_234 {strides = array<i32>} : memref<10192xi32, #tpu.memory_space<vmem>>, vector<16xi32>,
    %add3A_241 = arith.constant 0 : i32
    %add3A_242 = arith.addi %parallel_loop3A_232, %add3A_241 : i32
    %swap3A_243 = arith.index_cast %add3A_242 : i32 to index
    %swap3A_244 = tpu.vector_load %arg24[%swap3A_243] {strides = array<i32>} : memref<10192xi32, #tpu.memory_space<vmem>>, vector<16xi32>,
    tpu.vector_store %arg24[%swap3A_243], %broadcast_in_dim3A_236 {strides = array<i32>} : memref<10192xi32, #tpu.memory_space<vmem>>, vector<16xi32>,
    %add3A_245 = arith.constant 16 : i32
    %add3A_246 = arith.addi %parallel_loop3A_232, %add3A_245 : i32
    %swap3A_247 = arith.index_cast %add3A_246 : i32 to index
    %swap3A_248 = tpu.vector_load %arg23[%swap3A_247] {strides = array<i32>} : memref<10192xi32, #tpu.memory_space<vmem>>, vector<16xi32>,
    tpu.vector_store %arg23[%swap3A_247], %broadcast_in_dim3A_234 {strides = array<i32>} : memref<10192xi32, #tpu.memory_space<vmem>>, vector<16xi32>,
    %add3A_249 = arith.constant 16 : i32
    %add3A_250 = arith.addi %parallel_loop3A_232, %add3A_249 : i32
    %swap3A_251 = arith.index_cast %add3A_250 : i32 to index
    %swap3A_252 = tpu.vector_load %arg24[%swap3A_251] {strides = array<i32>} : memref<10192xi32, #tpu.memory_space<vmem>>, vector<16xi32>,
    tpu.vector_store %arg24[%swap3A_251], %broadcast_in_dim3A_236 {strides = array<i32>} : memref<10192xi32, #tpu.memory_space<vmem>>, vector<16xi32>,
    %add3A_253 = arith.constant 32 : i32
    %add3A_254 = arith.addi %parallel_loop3A_232, %add3A_253 : i32
    %swap3A_255 = arith.index_cast %add3A_254 : i32 to index
    %swap3A_256 = tpu.vector_load %arg23[%swap3A_255] {strides = array<i32>} : memref<10192xi32, #tpu.memory_space<vmem>>, vector<16xi32>,
    tpu.vector_store %arg23[%swap3A_255], %broadcast_in_dim3A_234 {strides = array<i32>} : memref<10192xi32, #tpu.memory_space<vmem>>, vector<16xi32>,
    %add3A_257 = arith.constant 32 : i32
    %add3A_258 = arith.addi %parallel_loop3A_232, %add3A_257 : i32
    %swap3A_259 = arith.index_cast %add3A_258 : i32 to index
    %swap3A_260 = tpu.vector_load %arg24[%swap3A_259] {strides = array<i32>} : memref<10192xi32, #tpu.memory_space<vmem>>, vector<16xi32>,
    tpu.vector_store %arg24[%swap3A_259], %broadcast_in_dim3A_236 {strides = array<i32>} : memref<10192xi32, #tpu.memory_space<vmem>>, vector<16xi32>,
    %add3A_261 = arith.constant 48 : i32
    %add3A_262 = arith.addi %parallel_loop3A_232, %add3A_261 : i32
    %swap3A_263 = arith.index_cast %add3A_262 : i32 to index
    %swap3A_264 = tpu.vector_load %arg23[%swap3A_263] {strides = array<i32>} : memref<10192xi32, #tpu.memory_space<vmem>>, vector<16xi32>,
    tpu.vector_store %arg23[%swap3A_263], %broadcast_in_dim3A_234 {strides = array<i32>} : memref<10192xi32, #tpu.memory_space<vmem>>, vector<16xi32>,
    %add3A_265 = arith.constant 48 : i32
    %add3A_266 = arith.addi %parallel_loop3A_232, %add3A_265 : i32
    %swap3A_267 = arith.index_cast %add3A_266 : i32 to index
    %swap3A_268 = tpu.vector_load %arg24[%swap3A_267] {strides = array<i32>} : memref<10192xi32, #tpu.memory_space<vmem>>, vector<16xi32>,
    tpu.vector_store %arg24[%swap3A_267], %broadcast_in_dim3A_236 {strides = array<i32>} : memref<10192xi32, #tpu.memory_space<vmem>>, vector<16xi32>,
    %add3A_269 = arith.constant 64 : i32
    %add3A_270 = arith.addi %parallel_loop3A_232, %add3A_269 : i32
    %swap3A_271 = arith.index_cast %add3A_270 : i32 to index
    %swap3A_272 = tpu.vector_load %arg23[%swap3A_271] {strides = array<i32>} : memref<10192xi32, #tpu.memory_space<vmem>>, vector<16xi32>,
    tpu.vector_store %arg23[%swap3A_271], %broadcast_in_dim3A_234 {strides = array<i32>} : memref<10192xi32, #tpu.memory_space<vmem>>, vector<16xi32>,
    %add3A_273 = arith.constant 64 : i32
    %add3A_274 = arith.addi %parallel_loop3A_232, %add3A_273 : i32
    %swap3A_275 = arith.index_cast %add3A_274 : i32 to index
    %swap3A_276 = tpu.vector_load %arg24[%swap3A_275] {strides = array<i32>} : memref<10192xi32, #tpu.memory_space<vmem>>, vector<16xi32>,
    tpu.vector_store %arg24[%swap3A_275], %broadcast_in_dim3A_236 {strides = array<i32>} : memref<10192xi32, #tpu.memory_space<vmem>>, vector<16xi32>,
    %add3A_277 = arith.constant 80 : i32
    %add3A_278 = arith.addi %parallel_loop3A_232, %add3A_277 : i32
    %swap3A_279 = arith.index_cast %add3A_278 : i32 to index
    %swap3A_280 = tpu.vector_load %arg23[%swap3A_279] {strides = array<i32>} : memref<10192xi32, #tpu.memory_space<vmem>>, vector<16xi32>,
    tpu.vector_store %arg23[%swap3A_279], %broadcast_in_dim3A_234 {strides = array<i32>} : memref<10192xi32, #tpu.memory_space<vmem>>, vector<16xi32>,
    %add3A_281 = arith.constant 80 : i32
    %add3A_282 = arith.addi %parallel_loop3A_232, %add3A_281 : i32
    %swap3A_283 = arith.index_cast %add3A_282 : i32 to index
    %swap3A_284 = tpu.vector_load %arg24[%swap3A_283] {strides = array<i32>} : memref<10192xi32, #tpu.memory_space<vmem>>, vector<16xi32>,
    tpu.vector_store %arg24[%swap3A_283], %broadcast_in_dim3A_236 {strides = array<i32>} : memref<10192xi32, #tpu.memory_space<vmem>>, vector<16xi32>,
    %add3A_285 = arith.constant 96 : i32
    %add3A_286 = arith.addi %parallel_loop3A_232, %add3A_285 : i32
    %swap3A_287 = arith.index_cast %add3A_286 : i32 to index
    %swap3A_288 = tpu.vector_load %arg23[%swap3A_287] {strides = array<i32>} : memref<10192xi32, #tpu.memory_space<vmem>>, vector<16xi32>,
    tpu.vector_store %arg23[%swap3A_287], %broadcast_in_dim3A_234 {strides = array<i32>} : memref<10192xi32, #tpu.memory_space<vmem>>, vector<16xi32>,
    %add3A_289 = arith.constant 96 : i32
    %add3A_290 = arith.addi %parallel_loop3A_232, %add3A_289 : i32
    %swap3A_291 = arith.index_cast %add3A_290 : i32 to index
    %swap3A_292 = tpu.vector_load %arg24[%swap3A_291] {strides = array<i32>} : memref<10192xi32, #tpu.memory_space<vmem>>, vector<16xi32>,
    tpu.vector_store %arg24[%swap3A_291], %broadcast_in_dim3A_236 {strides = array<i32>} : memref<10192xi32, #tpu.memory_space<vmem>>, vector<16xi32>,
    %add3A_293 = arith.constant 112 : i32
    %add3A_294 = arith.addi %parallel_loop3A_232, %add3A_293 : i32
    %sub3A_295 = arith.constant 1 : i32
    %sub3A_296 = arith.subi %add3A_294, %sub3A_295 : i32
    %jit3A_297 = arith.constant 112 : i32
    %div3A_298 = arith.divsi %sub3A_296, %jit3A_297 : i32
    %sign3A_299 = arith.constant 0 : i32
    %sign3A_300 = arith.cmpi sgt, %sub3A_296, %sign3A_299 : i32
    %sign3A_301 = arith.extui %sign3A_300 : i1 to i32
    %sign3A_302 = arith.constant 0 : i32
    %sign3A_303 = arith.cmpi slt, %sub3A_296, %sign3A_302 : i32
    %sign3A_304 = arith.extui %sign3A_303 : i1 to i32
    %sign3A_305 = arith.subi %sign3A_301, %sign3A_304 : i32
    %sign3A_306 = arith.constant 0 : i32
    %sign3A_307 = arith.cmpi sgt, %jit3A_297, %sign3A_306 : i32
    %sign3A_308 = arith.extui %sign3A_307 : i1 to i32
    %sign3A_309 = arith.constant 0 : i32
    %sign3A_310 = arith.cmpi slt, %jit3A_297, %sign3A_309 : i32
    %sign3A_311 = arith.extui %sign3A_310 : i1 to i32
    %sign3A_312 = arith.subi %sign3A_308, %sign3A_311 : i32
    %ne3A_313 = arith.cmpi ne, %sign3A_305, %sign3A_312 : i32
    %rem3A_314 = arith.remsi %sub3A_296, %jit3A_297 : i32
    %ne3A_315 = arith.constant 0 : i32
    %ne3A_316 = arith.cmpi ne, %rem3A_314, %ne3A_315 : i32
    %and3A_317 = arith.andi %ne3A_313, %ne3A_316 : i1
    %sub3A_318 = arith.constant 1 : i32
    %sub3A_319 = arith.subi %div3A_298, %sub3A_318 : i32
    %select_n3A_320 = arith.select %and3A_317, %sub3A_319, %div3A_298 : i32
    %gt3A_321 = arith.constant 0 : i32
    %gt3A_322 = arith.cmpi sgt, %select_n3A_320, %gt3A_321 : i32
    %convert_element_type3A_323 = arith.extui %gt3A_322 : i1 to i32
    %cond3A_324 = arith.constant 0 : i32
    %cond3A_325 = arith.cmpi ne, %convert_element_type3A_323, %cond3A_324 : i32
    scf.if %cond3A_325 {
      %dma_start3A_432 = arith.constant 0 : i32
      %dma_start3A_433 = tpu.memref_slice %arg23[%dma_start3A_432] : memref<10192xi32, #tpu.memory_space<vmem>> -> memref<112xi32, #tpu.memory_space<vmem>>
      %dma_start3A_434 = arith.constant 0 : i32
      %dma_start3A_435 = arith.constant 0 : i32
      %dma_start3A_436 = tpu.memref_slice %arg3[%dma_start3A_434, %dma_start3A_435] : memref<10000x128xf32, #tpu.memory_space<hbm>> -> memref<10000x128xf32, #tpu.memory_space<hbm>>
      tpu.enqueue_indirect_dma source(%dma_start3A_436 : memref<10000x128xf32, #tpu.memory_space<hbm>>) target(%arg26 : memref<112x128xf32, #tpu.memory_space<vmem>>) offsets(%dma_start3A_433 : memref<112xi32, #tpu.memory_space<vmem>>) semaphore(%arg32 : memref<!tpu.dma_semaphore, #tpu.memory_space<semaphore_mem>>)
    } else {
    }
    %add3A_326 = arith.constant 1 : i32
    %add3A_327 = arith.addi %select_n3A_320, %add3A_326 : i32
    %jit3A_328 = arith.constant 2 : i32
    %div3A_329 = arith.divsi %add3A_327, %jit3A_328 : i32
    %sign3A_330 = arith.constant 0 : i32
    %sign3A_331 = arith.cmpi sgt, %add3A_327, %sign3A_330 : i32
    %sign3A_332 = arith.extui %sign3A_331 : i1 to i32
    %sign3A_333 = arith.constant 0 : i32
    %sign3A_334 = arith.cmpi slt, %add3A_327, %sign3A_333 : i32
    %sign3A_335 = arith.extui %sign3A_334 : i1 to i32
    %sign3A_336 = arith.subi %sign3A_332, %sign3A_335 : i32
    %sign3A_337 = arith.constant 0 : i32
    %sign3A_338 = arith.cmpi sgt, %jit3A_328, %sign3A_337 : i32
    %sign3A_339 = arith.extui %sign3A_338 : i1 to i32
    %sign3A_340 = arith.constant 0 : i32
    %sign3A_341 = arith.cmpi slt, %jit3A_328, %sign3A_340 : i32
    %sign3A_342 = arith.extui %sign3A_341 : i1 to i32
    %sign3A_343 = arith.subi %sign3A_339, %sign3A_342 : i32
    %ne3A_344 = arith.cmpi ne, %sign3A_336, %sign3A_343 : i32
    %rem3A_345 = arith.remsi %add3A_327, %jit3A_328 : i32
    %ne3A_346 = arith.constant 0 : i32
    %ne3A_347 = arith.cmpi ne, %rem3A_345, %ne3A_346 : i32
    %and3A_348 = arith.andi %ne3A_344, %ne3A_347 : i1
    %sub3A_349 = arith.constant 1 : i32
    %sub3A_350 = arith.subi %div3A_329, %sub3A_349 : i32
    %select_n3A_351 = arith.select %and3A_348, %sub3A_350, %div3A_329 : i32
    %while3A_352 = arith.constant 0 : i32
    %while3A_353 = arith.constant 0 : i32
    %while3A_354 = arith.subi %select_n3A_351, %while3A_353 : i32
    %while3A_355 = arith.addi %while3A_353, %while3A_354 : i32
    %while3A_356 = arith.constant 1 : i32
    %while3A_357 = arith.divsi %while3A_354, %while3A_356 : i32
    %while3A_358 = arith.muli %while3A_357, %while3A_356 : i32
    %while3A_359 = arith.addi %while3A_353, %while3A_358 : i32
    %while3A_360 = arith.constant 1 : i32
    scf.for %while3A_432 = %while3A_353 to %while3A_359 step %while3A_360  : i32 {
      %mul3A_433 = arith.constant 2 : i32
      %mul3A_434 = arith.muli %mul3A_433, %while3A_432 : i32
      %add3A_435 = arith.constant 1 : i32
      %add3A_436 = arith.addi %mul3A_434, %add3A_435 : i32
      %lt3A = arith.cmpi slt, %mul3A_434, %select_n3A_320 : i32
      %convert_element_type3A_437 = arith.extui %lt3A : i1 to i32
      %cond3A_438 = arith.constant 0 : i32
      %cond3A_439 = arith.cmpi ne, %convert_element_type3A_437, %cond3A_438 : i32
      scf.if %cond3A_439 {
        %add3A_444 = arith.constant 1 : i32
        %add3A_445 = arith.addi %mul3A_434, %add3A_444 : i32
        %lt3A_446 = arith.cmpi slt, %add3A_445, %select_n3A_320 : i32
        %convert_element_type3A_447 = arith.extui %lt3A_446 : i1 to i32
        %cond3A_448 = arith.constant 0 : i32
        %cond3A_449 = arith.cmpi ne, %convert_element_type3A_447, %cond3A_448 : i32
        scf.if %cond3A_449 {
          %ge3A = arith.constant 1 : i32
          %ge3A_535 = arith.cmpi sge, %mul3A_434, %ge3A : i32
          %convert_element_type3A_536 = arith.extui %ge3A_535 : i1 to i32
          %cond3A_537 = arith.constant 0 : i32
          %cond3A_538 = arith.cmpi ne, %convert_element_type3A_536, %cond3A_537 : i32
          scf.if %cond3A_538 {
            %dma_wait3A_547 = arith.constant 1 : i32
            %dma_wait3A_548 = arith.constant 0 : i32
            %dma_wait3A_549 = tpu.memref_slice %arg28[%dma_wait3A_547, %dma_wait3A_548] : memref<2x112xi32, #tpu.memory_space<vmem>> -> memref<1x112xi32, #tpu.memory_space<vmem>>
            %dma_wait3A_550 = tpu.memref_squeeze %dma_wait3A_549 : memref<1x112xi32, #tpu.memory_space<vmem>> -> memref<112xi32, #tpu.memory_space<vmem>>
            %dma_wait3A_551 = arith.constant 0 : i32
            %dma_wait3A_552 = arith.constant 0 : i32
            %dma_wait3A_553 = tpu.memref_slice %arg31[%dma_wait3A_551, %dma_wait3A_552] : memref<1040x128xf32, #tpu.memory_space<vmem_shared>> -> memref<1040x128xf32, #tpu.memory_space<vmem_shared>>
            tpu.wait_indirect_dma semaphore(%arg35 : memref<!tpu.dma_semaphore, #tpu.memory_space<semaphore_mem>>) src(%arg27 : memref<112x128xf32, #tpu.memory_space<vmem>>) dst(%dma_wait3A_553 : memref<1040x128xf32, #tpu.memory_space<vmem_shared>>)
          } else {
          }
          %add3A_539 = arith.constant 1 : i32
          %add3A_540 = arith.addi %mul3A_434, %add3A_539 : i32
          %mul3A_541 = arith.constant 112 : i32
          %mul3A_542 = arith.muli %add3A_540, %mul3A_541 : i32
          %dma_start3A_543 = tpu.memref_slice %arg23[%mul3A_542] : memref<10192xi32, #tpu.memory_space<vmem>> -> memref<112xi32, #tpu.memory_space<vmem>>
          %dma_start3A_544 = arith.constant 0 : i32
          %dma_start3A_545 = arith.constant 0 : i32
          %dma_start3A_546 = tpu.memref_slice %arg3[%dma_start3A_544, %dma_start3A_545] : memref<10000x128xf32, #tpu.memory_space<hbm>> -> memref<10000x128xf32, #tpu.memory_space<hbm>>
          tpu.enqueue_indirect_dma source(%dma_start3A_546 : memref<10000x128xf32, #tpu.memory_space<hbm>>) target(%arg27 : memref<112x128xf32, #tpu.memory_space<vmem>>) offsets(%dma_start3A_543 : memref<112xi32, #tpu.memory_space<vmem>>) semaphore(%arg33 : memref<!tpu.dma_semaphore, #tpu.memory_space<semaphore_mem>>)
        } else {
        }
        %mul3A_450 = arith.constant 112 : i32
        %mul3A_451 = arith.muli %mul3A_434, %mul3A_450 : i32
        %dma_wait3A_452 = tpu.memref_slice %arg23[%mul3A_451] : memref<10192xi32, #tpu.memory_space<vmem>> -> memref<112xi32, #tpu.memory_space<vmem>>
        %dma_wait3A_453 = arith.constant 0 : i32
        %dma_wait3A_454 = arith.constant 0 : i32
        %dma_wait3A_455 = tpu.memref_slice %arg3[%dma_wait3A_453, %dma_wait3A_454] : memref<10000x128xf32, #tpu.memory_space<hbm>> -> memref<10000x128xf32, #tpu.memory_space<hbm>>
        tpu.wait_indirect_dma semaphore(%arg32 : memref<!tpu.dma_semaphore, #tpu.memory_space<semaphore_mem>>) src(%dma_wait3A_455 : memref<10000x128xf32, #tpu.memory_space<hbm>>) dst(%arg26 : memref<112x128xf32, #tpu.memory_space<vmem>>)
        %mul3A_456 = arith.constant 112 : i32
        %mul3A_457 = arith.muli %mul3A_434, %mul3A_456 : i32
        %add3A_458 = arith.constant 0 : i32
        %add3A_459 = arith.addi %mul3A_457, %add3A_458 : i32
        %get3A = arith.index_cast %add3A_459 : i32 to index
        %get3A_460 = tpu.vector_load %arg24[%get3A] {strides = array<i32>} : memref<10192xi32, #tpu.memory_space<vmem>>, vector<16xi32>,
        %swap3A_461 = arith.constant 0 : i32
        %swap3A_462 = arith.index_cast %swap3A_461 : i32 to index
        %swap3A_463 = arith.constant 0 : index
        %swap3A_464 = tpu.vector_load %arg28[%swap3A_462, %swap3A_463] {strides = array<i32>} : memref<2x112xi32, #tpu.memory_space<vmem>>, vector<16xi32>,
        tpu.vector_store %arg28[%swap3A_462, %swap3A_463], %get3A_460 {strides = array<i32>} : memref<2x112xi32, #tpu.memory_space<vmem>>, vector<16xi32>,
        %mul3A_465 = arith.constant 112 : i32
        %mul3A_466 = arith.muli %mul3A_434, %mul3A_465 : i32
        %add3A_467 = arith.constant 16 : i32
        %add3A_468 = arith.addi %mul3A_466, %add3A_467 : i32
        %get3A_469 = arith.index_cast %add3A_468 : i32 to index
        %get3A_470 = tpu.vector_load %arg24[%get3A_469] {strides = array<i32>} : memref<10192xi32, #tpu.memory_space<vmem>>, vector<16xi32>,
        %swap3A_471 = arith.constant 0 : i32
        %swap3A_472 = arith.index_cast %swap3A_471 : i32 to index
        %swap3A_473 = arith.constant 16 : index
        %swap3A_474 = tpu.vector_load %arg28[%swap3A_472, %swap3A_473] {strides = array<i32>} : memref<2x112xi32, #tpu.memory_space<vmem>>, vector<16xi32>,
        tpu.vector_store %arg28[%swap3A_472, %swap3A_473], %get3A_470 {strides = array<i32>} : memref<2x112xi32, #tpu.memory_space<vmem>>, vector<16xi32>,
        %mul3A_475 = arith.constant 112 : i32
        %mul3A_476 = arith.muli %mul3A_434, %mul3A_475 : i32
        %add3A_477 = arith.constant 32 : i32
        %add3A_478 = arith.addi %mul3A_476, %add3A_477 : i32
        %get3A_479 = arith.index_cast %add3A_478 : i32 to index
        %get3A_480 = tpu.vector_load %arg24[%get3A_479] {strides = array<i32>} : memref<10192xi32, #tpu.memory_space<vmem>>, vector<16xi32>,
        %swap3A_481 = arith.constant 0 : i32
        %swap3A_482 = arith.index_cast %swap3A_481 : i32 to index
        %swap3A_483 = arith.constant 32 : index
        %swap3A_484 = tpu.vector_load %arg28[%swap3A_482, %swap3A_483] {strides = array<i32>} : memref<2x112xi32, #tpu.memory_space<vmem>>, vector<16xi32>,
        tpu.vector_store %arg28[%swap3A_482, %swap3A_483], %get3A_480 {strides = array<i32>} : memref<2x112xi32, #tpu.memory_space<vmem>>, vector<16xi32>,
        %mul3A_485 = arith.constant 112 : i32
        %mul3A_486 = arith.muli %mul3A_434, %mul3A_485 : i32
        %add3A_487 = arith.constant 48 : i32
        %add3A_488 = arith.addi %mul3A_486, %add3A_487 : i32
        %get3A_489 = arith.index_cast %add3A_488 : i32 to index
        %get3A_490 = tpu.vector_load %arg24[%get3A_489] {strides = array<i32>} : memref<10192xi32, #tpu.memory_space<vmem>>, vector<16xi32>,
        %swap3A_491 = arith.constant 0 : i32
        %swap3A_492 = arith.index_cast %swap3A_491 : i32 to index
        %swap3A_493 = arith.constant 48 : index
        %swap3A_494 = tpu.vector_load %arg28[%swap3A_492, %swap3A_493] {strides = array<i32>} : memref<2x112xi32, #tpu.memory_space<vmem>>, vector<16xi32>,
        tpu.vector_store %arg28[%swap3A_492, %swap3A_493], %get3A_490 {strides = array<i32>} : memref<2x112xi32, #tpu.memory_space<vmem>>, vector<16xi32>,
        %mul3A_495 = arith.constant 112 : i32
        %mul3A_496 = arith.muli %mul3A_434, %mul3A_495 : i32
        %add3A_497 = arith.constant 64 : i32
        %add3A_498 = arith.addi %mul3A_496, %add3A_497 : i32
        %get3A_499 = arith.index_cast %add3A_498 : i32 to index
        %get3A_500 = tpu.vector_load %arg24[%get3A_499] {strides = array<i32>} : memref<10192xi32, #tpu.memory_space<vmem>>, vector<16xi32>,
        %swap3A_501 = arith.constant 0 : i32
        %swap3A_502 = arith.index_cast %swap3A_501 : i32 to index
        %swap3A_503 = arith.constant 64 : index
        %swap3A_504 = tpu.vector_load %arg28[%swap3A_502, %swap3A_503] {strides = array<i32>} : memref<2x112xi32, #tpu.memory_space<vmem>>, vector<16xi32>,
        tpu.vector_store %arg28[%swap3A_502, %swap3A_503], %get3A_500 {strides = array<i32>} : memref<2x112xi32, #tpu.memory_space<vmem>>, vector<16xi32>,
        %mul3A_505 = arith.constant 112 : i32
        %mul3A_506 = arith.muli %mul3A_434, %mul3A_505 : i32
        %add3A_507 = arith.constant 80 : i32
        %add3A_508 = arith.addi %mul3A_506, %add3A_507 : i32
        %get3A_509 = arith.index_cast %add3A_508 : i32 to index
        %get3A_510 = tpu.vector_load %arg24[%get3A_509] {strides = array<i32>} : memref<10192xi32, #tpu.memory_space<vmem>>, vector<16xi32>,
        %swap3A_511 = arith.constant 0 : i32
        %swap3A_512 = arith.index_cast %swap3A_511 : i32 to index
        %swap3A_513 = arith.constant 80 : index
        %swap3A_514 = tpu.vector_load %arg28[%swap3A_512, %swap3A_513] {strides = array<i32>} : memref<2x112xi32, #tpu.memory_space<vmem>>, vector<16xi32>,
        tpu.vector_store %arg28[%swap3A_512, %swap3A_513], %get3A_510 {strides = array<i32>} : memref<2x112xi32, #tpu.memory_space<vmem>>, vector<16xi32>,
        %mul3A_515 = arith.constant 112 : i32
        %mul3A_516 = arith.muli %mul3A_434, %mul3A_515 : i32
        %add3A_517 = arith.constant 96 : i32
        %add3A_518 = arith.addi %mul3A_516, %add3A_517 : i32
        %get3A_519 = arith.index_cast %add3A_518 : i32 to index
        %get3A_520 = tpu.vector_load %arg24[%get3A_519] {strides = array<i32>} : memref<10192xi32, #tpu.memory_space<vmem>>, vector<16xi32>,
        %swap3A_521 = arith.constant 0 : i32
        %swap3A_522 = arith.index_cast %swap3A_521 : i32 to index
        %swap3A_523 = arith.constant 96 : index
        %swap3A_524 = tpu.vector_load %arg28[%swap3A_522, %swap3A_523] {strides = array<i32>} : memref<2x112xi32, #tpu.memory_space<vmem>>, vector<16xi32>,
        tpu.vector_store %arg28[%swap3A_522, %swap3A_523], %get3A_520 {strides = array<i32>} : memref<2x112xi32, #tpu.memory_space<vmem>>, vector<16xi32>,
        %parallel_loop3A_525 = arith.constant 0 : i32
        %parallel_loop3A_526 = arith.constant 112 : i32
        %parallel_loop3A_527 = arith.constant 1 : i32
        scf.for %parallel_loop3A_535 = %parallel_loop3A_525 to %parallel_loop3A_526 step %parallel_loop3A_527  : i32 {
          %parallel_loop3A_536 = arith.constant 112 : i32
          %parallel_loop3A_537 = arith.muli %mul3A_434, %parallel_loop3A_536 : i32
          %parallel_loop3A_538 = arith.addi %parallel_loop3A_537, %parallel_loop3A_535 : i32
          %parallel_loop3A_539 = vector.broadcast %parallel_loop3A_538 : i32 to vector<16xi32>
          %parallel_loop3A_540 = tpu.vector_load_idx %arg25[%parallel_loop3A_539] : memref<10192xf32, #tpu.memory_space<vmem>>[vector<16xi32>], vector<16xf32>,
          %parallel_loop3A_541 = arith.index_cast %parallel_loop3A_535 : i32 to index
          %parallel_loop3A_542 = arith.constant 0 : index
          %parallel_loop3A_543 = tpu.vector_load %arg26[%parallel_loop3A_541, %parallel_loop3A_542] {strides = array<i32>} : memref<112x128xf32, #tpu.memory_space<vmem>>, vector<16xf32>,
          %parallel_loop3A_544 = arith.mulf %parallel_loop3A_543, %parallel_loop3A_540 : vector<16xf32>
          %parallel_loop3A_545 = arith.index_cast %parallel_loop3A_535 : i32 to index
          %parallel_loop3A_546 = arith.constant 0 : index
          %parallel_loop3A_547 = tpu.vector_load %arg26[%parallel_loop3A_545, %parallel_loop3A_546] {strides = array<i32>} : memref<112x128xf32, #tpu.memory_space<vmem>>, vector<16xf32>,
          tpu.vector_store %arg26[%parallel_loop3A_545, %parallel_loop3A_546], %parallel_loop3A_544 {strides = array<i32>} : memref<112x128xf32, #tpu.memory_space<vmem>>, vector<16xf32>,
          %parallel_loop3A_548 = arith.index_cast %parallel_loop3A_535 : i32 to index
          %parallel_loop3A_549 = arith.constant 16 : index
          %parallel_loop3A_550 = tpu.vector_load %arg26[%parallel_loop3A_548, %parallel_loop3A_549] {strides = array<i32>} : memref<112x128xf32, #tpu.memory_space<vmem>>, vector<16xf32>,
          %parallel_loop3A_551 = arith.mulf %parallel_loop3A_550, %parallel_loop3A_540 : vector<16xf32>
          %parallel_loop3A_552 = arith.index_cast %parallel_loop3A_535 : i32 to index
          %parallel_loop3A_553 = arith.constant 16 : index
          %parallel_loop3A_554 = tpu.vector_load %arg26[%parallel_loop3A_552, %parallel_loop3A_553] {strides = array<i32>} : memref<112x128xf32, #tpu.memory_space<vmem>>, vector<16xf32>,
          tpu.vector_store %arg26[%parallel_loop3A_552, %parallel_loop3A_553], %parallel_loop3A_551 {strides = array<i32>} : memref<112x128xf32, #tpu.memory_space<vmem>>, vector<16xf32>,
          %parallel_loop3A_555 = arith.index_cast %parallel_loop3A_535 : i32 to index
          %parallel_loop3A_556 = arith.constant 32 : index
          %parallel_loop3A_557 = tpu.vector_load %arg26[%parallel_loop3A_555, %parallel_loop3A_556] {strides = array<i32>} : memref<112x128xf32, #tpu.memory_space<vmem>>, vector<16xf32>,
          %parallel_loop3A_558 = arith.mulf %parallel_loop3A_557, %parallel_loop3A_540 : vector<16xf32>
          %parallel_loop3A_559 = arith.index_cast %parallel_loop3A_535 : i32 to index
          %parallel_loop3A_560 = arith.constant 32 : index
          %parallel_loop3A_561 = tpu.vector_load %arg26[%parallel_loop3A_559, %parallel_loop3A_560] {strides = array<i32>} : memref<112x128xf32, #tpu.memory_space<vmem>>, vector<16xf32>,
          tpu.vector_store %arg26[%parallel_loop3A_559, %parallel_loop3A_560], %parallel_loop3A_558 {strides = array<i32>} : memref<112x128xf32, #tpu.memory_space<vmem>>, vector<16xf32>,
          %parallel_loop3A_562 = arith.index_cast %parallel_loop3A_535 : i32 to index
          %parallel_loop3A_563 = arith.constant 48 : index
          %parallel_loop3A_564 = tpu.vector_load %arg26[%parallel_loop3A_562, %parallel_loop3A_563] {strides = array<i32>} : memref<112x128xf32, #tpu.memory_space<vmem>>, vector<16xf32>,
          %parallel_loop3A_565 = arith.mulf %parallel_loop3A_564, %parallel_loop3A_540 : vector<16xf32>
          %parallel_loop3A_566 = arith.index_cast %parallel_loop3A_535 : i32 to index
          %parallel_loop3A_567 = arith.constant 48 : index
          %parallel_loop3A_568 = tpu.vector_load %arg26[%parallel_loop3A_566, %parallel_loop3A_567] {strides = array<i32>} : memref<112x128xf32, #tpu.memory_space<vmem>>, vector<16xf32>,
          tpu.vector_store %arg26[%parallel_loop3A_566, %parallel_loop3A_567], %parallel_loop3A_565 {strides = array<i32>} : memref<112x128xf32, #tpu.memory_space<vmem>>, vector<16xf32>,
          %parallel_loop3A_569 = arith.index_cast %parallel_loop3A_535 : i32 to index
          %parallel_loop3A_570 = arith.constant 64 : index
          %parallel_loop3A_571 = tpu.vector_load %arg26[%parallel_loop3A_569, %parallel_loop3A_570] {strides = array<i32>} : memref<112x128xf32, #tpu.memory_space<vmem>>, vector<16xf32>,
          %parallel_loop3A_572 = arith.mulf %parallel_loop3A_571, %parallel_loop3A_540 : vector<16xf32>
          %parallel_loop3A_573 = arith.index_cast %parallel_loop3A_535 : i32 to index
          %parallel_loop3A_574 = arith.constant 64 : index
          %parallel_loop3A_575 = tpu.vector_load %arg26[%parallel_loop3A_573, %parallel_loop3A_574] {strides = array<i32>} : memref<112x128xf32, #tpu.memory_space<vmem>>, vector<16xf32>,
          tpu.vector_store %arg26[%parallel_loop3A_573, %parallel_loop3A_574], %parallel_loop3A_572 {strides = array<i32>} : memref<112x128xf32, #tpu.memory_space<vmem>>, vector<16xf32>,
          %parallel_loop3A_576 = arith.index_cast %parallel_loop3A_535 : i32 to index
          %parallel_loop3A_577 = arith.constant 80 : index
          %parallel_loop3A_578 = tpu.vector_load %arg26[%parallel_loop3A_576, %parallel_loop3A_577] {strides = array<i32>} : memref<112x128xf32, #tpu.memory_space<vmem>>, vector<16xf32>,
          %parallel_loop3A_579 = arith.mulf %parallel_loop3A_578, %parallel_loop3A_540 : vector<16xf32>
          %parallel_loop3A_580 = arith.index_cast %parallel_loop3A_535 : i32 to index
          %parallel_loop3A_581 = arith.constant 80 : index
          %parallel_loop3A_582 = tpu.vector_load %arg26[%parallel_loop3A_580, %parallel_loop3A_581] {strides = array<i32>} : memref<112x128xf32, #tpu.memory_space<vmem>>, vector<16xf32>,
          tpu.vector_store %arg26[%parallel_loop3A_580, %parallel_loop3A_581], %parallel_loop3A_579 {strides = array<i32>} : memref<112x128xf32, #tpu.memory_space<vmem>>, vector<16xf32>,
          %parallel_loop3A_583 = arith.index_cast %parallel_loop3A_535 : i32 to index
          %parallel_loop3A_584 = arith.constant 96 : index
          %parallel_loop3A_585 = tpu.vector_load %arg26[%parallel_loop3A_583, %parallel_loop3A_584] {strides = array<i32>} : memref<112x128xf32, #tpu.memory_space<vmem>>, vector<16xf32>,
          %parallel_loop3A_586 = arith.mulf %parallel_loop3A_585, %parallel_loop3A_540 : vector<16xf32>
          %parallel_loop3A_587 = arith.index_cast %parallel_loop3A_535 : i32 to index
          %parallel_loop3A_588 = arith.constant 96 : index
          %parallel_loop3A_589 = tpu.vector_load %arg26[%parallel_loop3A_587, %parallel_loop3A_588] {strides = array<i32>} : memref<112x128xf32, #tpu.memory_space<vmem>>, vector<16xf32>,
          tpu.vector_store %arg26[%parallel_loop3A_587, %parallel_loop3A_588], %parallel_loop3A_586 {strides = array<i32>} : memref<112x128xf32, #tpu.memory_space<vmem>>, vector<16xf32>,
          %parallel_loop3A_590 = arith.index_cast %parallel_loop3A_535 : i32 to index
          %parallel_loop3A_591 = arith.constant 112 : index
          %parallel_loop3A_592 = tpu.vector_load %arg26[%parallel_loop3A_590, %parallel_loop3A_591] {strides = array<i32>} : memref<112x128xf32, #tpu.memory_space<vmem>>, vector<16xf32>,
          %parallel_loop3A_593 = arith.mulf %parallel_loop3A_592, %parallel_loop3A_540 : vector<16xf32>
          %parallel_loop3A_594 = arith.index_cast %parallel_loop3A_535 : i32 to index
          %parallel_loop3A_595 = arith.constant 112 : index
          %parallel_loop3A_596 = tpu.vector_load %arg26[%parallel_loop3A_594, %parallel_loop3A_595] {strides = array<i32>} : memref<112x128xf32, #tpu.memory_space<vmem>>, vector<16xf32>,
          tpu.vector_store %arg26[%parallel_loop3A_594, %parallel_loop3A_595], %parallel_loop3A_593 {strides = array<i32>} : memref<112x128xf32, #tpu.memory_space<vmem>>, vector<16xf32>,
        } {sc.loop_unroll_factor = 4 : i64, sc.parallel_access}
        %dma_start3A_528 = arith.constant 0 : i32
        %dma_start3A_529 = arith.constant 0 : i32
        %dma_start3A_530 = tpu.memref_slice %arg28[%dma_start3A_528, %dma_start3A_529] : memref<2x112xi32, #tpu.memory_space<vmem>> -> memref<1x112xi32, #tpu.memory_space<vmem>>
        %dma_start3A_531 = tpu.memref_squeeze %dma_start3A_530 : memref<1x112xi32, #tpu.memory_space<vmem>> -> memref<112xi32, #tpu.memory_space<vmem>>
        %dma_start3A_532 = arith.constant 0 : i32
        %dma_start3A_533 = arith.constant 0 : i32
        %dma_start3A_534 = tpu.memref_slice %arg31[%dma_start3A_532, %dma_start3A_533] : memref<1040x128xf32, #tpu.memory_space<vmem_shared>> -> memref<1040x128xf32, #tpu.memory_space<vmem_shared>>
        tpu.enqueue_indirect_dma source(%arg26 : memref<112x128xf32, #tpu.memory_space<vmem>>) target(%dma_start3A_534 : memref<1040x128xf32, #tpu.memory_space<vmem_shared>>) offsets(%dma_start3A_531 : memref<112xi32, #tpu.memory_space<vmem>>) semaphore(%arg34 : memref<!tpu.dma_semaphore, #tpu.memory_space<semaphore_mem>>) {add = true}
      } else {
      }
      %lt3A_440 = arith.cmpi slt, %add3A_436, %select_n3A_320 : i32
      %convert_element_type3A_441 = arith.extui %lt3A_440 : i1 to i32
      %cond3A_442 = arith.constant 0 : i32
      %cond3A_443 = arith.cmpi ne, %convert_element_type3A_441, %cond3A_442 : i32
      scf.if %cond3A_443 {
        %add3A_444 = arith.constant 1 : i32
        %add3A_445 = arith.addi %add3A_436, %add3A_444 : i32
        %lt3A_446 = arith.cmpi slt, %add3A_445, %select_n3A_320 : i32
        %convert_element_type3A_447 = arith.extui %lt3A_446 : i1 to i32
        %cond3A_448 = arith.constant 0 : i32
        %cond3A_449 = arith.cmpi ne, %convert_element_type3A_447, %cond3A_448 : i32
        scf.if %cond3A_449 {
          %ge3A = arith.constant 1 : i32
          %ge3A_535 = arith.cmpi sge, %add3A_436, %ge3A : i32
          %convert_element_type3A_536 = arith.extui %ge3A_535 : i1 to i32
          %cond3A_537 = arith.constant 0 : i32
          %cond3A_538 = arith.cmpi ne, %convert_element_type3A_536, %cond3A_537 : i32
          scf.if %cond3A_538 {
            %dma_wait3A_547 = arith.constant 0 : i32
            %dma_wait3A_548 = arith.constant 0 : i32
            %dma_wait3A_549 = tpu.memref_slice %arg28[%dma_wait3A_547, %dma_wait3A_548] : memref<2x112xi32, #tpu.memory_space<vmem>> -> memref<1x112xi32, #tpu.memory_space<vmem>>
            %dma_wait3A_550 = tpu.memref_squeeze %dma_wait3A_549 : memref<1x112xi32, #tpu.memory_space<vmem>> -> memref<112xi32, #tpu.memory_space<vmem>>
            %dma_wait3A_551 = arith.constant 0 : i32
            %dma_wait3A_552 = arith.constant 0 : i32
            %dma_wait3A_553 = tpu.memref_slice %arg31[%dma_wait3A_551, %dma_wait3A_552] : memref<1040x128xf32, #tpu.memory_space<vmem_shared>> -> memref<1040x128xf32, #tpu.memory_space<vmem_shared>>
            tpu.wait_indirect_dma semaphore(%arg34 : memref<!tpu.dma_semaphore, #tpu.memory_space<semaphore_mem>>) src(%arg26 : memref<112x128xf32, #tpu.memory_space<vmem>>) dst(%dma_wait3A_553 : memref<1040x128xf32, #tpu.memory_space<vmem_shared>>)
          } else {
          }
          %add3A_539 = arith.constant 1 : i32
          %add3A_540 = arith.addi %add3A_436, %add3A_539 : i32
          %mul3A_541 = arith.constant 112 : i32
          %mul3A_542 = arith.muli %add3A_540, %mul3A_541 : i32
          %dma_start3A_543 = tpu.memref_slice %arg23[%mul3A_542] : memref<10192xi32, #tpu.memory_space<vmem>> -> memref<112xi32, #tpu.memory_space<vmem>>
          %dma_start3A_544 = arith.constant 0 : i32
          %dma_start3A_545 = arith.constant 0 : i32
          %dma_start3A_546 = tpu.memref_slice %arg3[%dma_start3A_544, %dma_start3A_545] : memref<10000x128xf32, #tpu.memory_space<hbm>> -> memref<10000x128xf32, #tpu.memory_space<hbm>>
          tpu.enqueue_indirect_dma source(%dma_start3A_546 : memref<10000x128xf32, #tpu.memory_space<hbm>>) target(%arg26 : memref<112x128xf32, #tpu.memory_space<vmem>>) offsets(%dma_start3A_543 : memref<112xi32, #tpu.memory_space<vmem>>) semaphore(%arg32 : memref<!tpu.dma_semaphore, #tpu.memory_space<semaphore_mem>>)
        } else {
        }
        %mul3A_450 = arith.constant 112 : i32
        %mul3A_451 = arith.muli %add3A_436, %mul3A_450 : i32
        %dma_wait3A_452 = tpu.memref_slice %arg23[%mul3A_451] : memref<10192xi32, #tpu.memory_space<vmem>> -> memref<112xi32, #tpu.memory_space<vmem>>
        %dma_wait3A_453 = arith.constant 0 : i32
        %dma_wait3A_454 = arith.constant 0 : i32
        %dma_wait3A_455 = tpu.memref_slice %arg3[%dma_wait3A_453, %dma_wait3A_454] : memref<10000x128xf32, #tpu.memory_space<hbm>> -> memref<10000x128xf32, #tpu.memory_space<hbm>>
        tpu.wait_indirect_dma semaphore(%arg33 : memref<!tpu.dma_semaphore, #tpu.memory_space<semaphore_mem>>) src(%dma_wait3A_455 : memref<10000x128xf32, #tpu.memory_space<hbm>>) dst(%arg27 : memref<112x128xf32, #tpu.memory_space<vmem>>)
        %mul3A_456 = arith.constant 112 : i32
        %mul3A_457 = arith.muli %add3A_436, %mul3A_456 : i32
        %add3A_458 = arith.constant 0 : i32
        %add3A_459 = arith.addi %mul3A_457, %add3A_458 : i32
        %get3A = arith.index_cast %add3A_459 : i32 to index
        %get3A_460 = tpu.vector_load %arg24[%get3A] {strides = array<i32>} : memref<10192xi32, #tpu.memory_space<vmem>>, vector<16xi32>,
        %swap3A_461 = arith.constant 1 : i32
        %swap3A_462 = arith.index_cast %swap3A_461 : i32 to index
        %swap3A_463 = arith.constant 0 : index
        %swap3A_464 = tpu.vector_load %arg28[%swap3A_462, %swap3A_463] {strides = array<i32>} : memref<2x112xi32, #tpu.memory_space<vmem>>, vector<16xi32>,
        tpu.vector_store %arg28[%swap3A_462, %swap3A_463], %get3A_460 {strides = array<i32>} : memref<2x112xi32, #tpu.memory_space<vmem>>, vector<16xi32>,
        %mul3A_465 = arith.constant 112 : i32
        %mul3A_466 = arith.muli %add3A_436, %mul3A_465 : i32
        %add3A_467 = arith.constant 16 : i32
        %add3A_468 = arith.addi %mul3A_466, %add3A_467 : i32
        %get3A_469 = arith.index_cast %add3A_468 : i32 to index
        %get3A_470 = tpu.vector_load %arg24[%get3A_469] {strides = array<i32>} : memref<10192xi32, #tpu.memory_space<vmem>>, vector<16xi32>,
        %swap3A_471 = arith.constant 1 : i32
        %swap3A_472 = arith.index_cast %swap3A_471 : i32 to index
        %swap3A_473 = arith.constant 16 : index
        %swap3A_474 = tpu.vector_load %arg28[%swap3A_472, %swap3A_473] {strides = array<i32>} : memref<2x112xi32, #tpu.memory_space<vmem>>, vector<16xi32>,
        tpu.vector_store %arg28[%swap3A_472, %swap3A_473], %get3A_470 {strides = array<i32>} : memref<2x112xi32, #tpu.memory_space<vmem>>, vector<16xi32>,
        %mul3A_475 = arith.constant 112 : i32
        %mul3A_476 = arith.muli %add3A_436, %mul3A_475 : i32
        %add3A_477 = arith.constant 32 : i32
        %add3A_478 = arith.addi %mul3A_476, %add3A_477 : i32
        %get3A_479 = arith.index_cast %add3A_478 : i32 to index
        %get3A_480 = tpu.vector_load %arg24[%get3A_479] {strides = array<i32>} : memref<10192xi32, #tpu.memory_space<vmem>>, vector<16xi32>,
        %swap3A_481 = arith.constant 1 : i32
        %swap3A_482 = arith.index_cast %swap3A_481 : i32 to index
        %swap3A_483 = arith.constant 32 : index
        %swap3A_484 = tpu.vector_load %arg28[%swap3A_482, %swap3A_483] {strides = array<i32>} : memref<2x112xi32, #tpu.memory_space<vmem>>, vector<16xi32>,
        tpu.vector_store %arg28[%swap3A_482, %swap3A_483], %get3A_480 {strides = array<i32>} : memref<2x112xi32, #tpu.memory_space<vmem>>, vector<16xi32>,
        %mul3A_485 = arith.constant 112 : i32
        %mul3A_486 = arith.muli %add3A_436, %mul3A_485 : i32
        %add3A_487 = arith.constant 48 : i32
        %add3A_488 = arith.addi %mul3A_486, %add3A_487 : i32
        %get3A_489 = arith.index_cast %add3A_488 : i32 to index
        %get3A_490 = tpu.vector_load %arg24[%get3A_489] {strides = array<i32>} : memref<10192xi32, #tpu.memory_space<vmem>>, vector<16xi32>,
        %swap3A_491 = arith.constant 1 : i32
        %swap3A_492 = arith.index_cast %swap3A_491 : i32 to index
        %swap3A_493 = arith.constant 48 : index
        %swap3A_494 = tpu.vector_load %arg28[%swap3A_492, %swap3A_493] {strides = array<i32>} : memref<2x112xi32, #tpu.memory_space<vmem>>, vector<16xi32>,
        tpu.vector_store %arg28[%swap3A_492, %swap3A_493], %get3A_490 {strides = array<i32>} : memref<2x112xi32, #tpu.memory_space<vmem>>, vector<16xi32>,
        %mul3A_495 = arith.constant 112 : i32
        %mul3A_496 = arith.muli %add3A_436, %mul3A_495 : i32
        %add3A_497 = arith.constant 64 : i32
        %add3A_498 = arith.addi %mul3A_496, %add3A_497 : i32
        %get3A_499 = arith.index_cast %add3A_498 : i32 to index
        %get3A_500 = tpu.vector_load %arg24[%get3A_499] {strides = array<i32>} : memref<10192xi32, #tpu.memory_space<vmem>>, vector<16xi32>,
        %swap3A_501 = arith.constant 1 : i32
        %swap3A_502 = arith.index_cast %swap3A_501 : i32 to index
        %swap3A_503 = arith.constant 64 : index
        %swap3A_504 = tpu.vector_load %arg28[%swap3A_502, %swap3A_503] {strides = array<i32>} : memref<2x112xi32, #tpu.memory_space<vmem>>, vector<16xi32>,
        tpu.vector_store %arg28[%swap3A_502, %swap3A_503], %get3A_500 {strides = array<i32>} : memref<2x112xi32, #tpu.memory_space<vmem>>, vector<16xi32>,
        %mul3A_505 = arith.constant 112 : i32
        %mul3A_506 = arith.muli %add3A_436, %mul3A_505 : i32
        %add3A_507 = arith.constant 80 : i32
        %add3A_508 = arith.addi %mul3A_506, %add3A_507 : i32
        %get3A_509 = arith.index_cast %add3A_508 : i32 to index
        %get3A_510 = tpu.vector_load %arg24[%get3A_509] {strides = array<i32>} : memref<10192xi32, #tpu.memory_space<vmem>>, vector<16xi32>,
        %swap3A_511 = arith.constant 1 : i32
        %swap3A_512 = arith.index_cast %swap3A_511 : i32 to index
        %swap3A_513 = arith.constant 80 : index
        %swap3A_514 = tpu.vector_load %arg28[%swap3A_512, %swap3A_513] {strides = array<i32>} : memref<2x112xi32, #tpu.memory_space<vmem>>, vector<16xi32>,
        tpu.vector_store %arg28[%swap3A_512, %swap3A_513], %get3A_510 {strides = array<i32>} : memref<2x112xi32, #tpu.memory_space<vmem>>, vector<16xi32>,
        %mul3A_515 = arith.constant 112 : i32
        %mul3A_516 = arith.muli %add3A_436, %mul3A_515 : i32
        %add3A_517 = arith.constant 96 : i32
        %add3A_518 = arith.addi %mul3A_516, %add3A_517 : i32
        %get3A_519 = arith.index_cast %add3A_518 : i32 to index
        %get3A_520 = tpu.vector_load %arg24[%get3A_519] {strides = array<i32>} : memref<10192xi32, #tpu.memory_space<vmem>>, vector<16xi32>,
        %swap3A_521 = arith.constant 1 : i32
        %swap3A_522 = arith.index_cast %swap3A_521 : i32 to index
        %swap3A_523 = arith.constant 96 : index
        %swap3A_524 = tpu.vector_load %arg28[%swap3A_522, %swap3A_523] {strides = array<i32>} : memref<2x112xi32, #tpu.memory_space<vmem>>, vector<16xi32>,
        tpu.vector_store %arg28[%swap3A_522, %swap3A_523], %get3A_520 {strides = array<i32>} : memref<2x112xi32, #tpu.memory_space<vmem>>, vector<16xi32>,
        %parallel_loop3A_525 = arith.constant 0 : i32
        %parallel_loop3A_526 = arith.constant 112 : i32
        %parallel_loop3A_527 = arith.constant 1 : i32
        scf.for %parallel_loop3A_535 = %parallel_loop3A_525 to %parallel_loop3A_526 step %parallel_loop3A_527  : i32 {
          %parallel_loop3A_536 = arith.constant 112 : i32
          %parallel_loop3A_537 = arith.muli %add3A_436, %parallel_loop3A_536 : i32
          %parallel_loop3A_538 = arith.addi %parallel_loop3A_537, %parallel_loop3A_535 : i32
          %parallel_loop3A_539 = vector.broadcast %parallel_loop3A_538 : i32 to vector<16xi32>
          %parallel_loop3A_540 = tpu.vector_load_idx %arg25[%parallel_loop3A_539] : memref<10192xf32, #tpu.memory_space<vmem>>[vector<16xi32>], vector<16xf32>,
          %parallel_loop3A_541 = arith.index_cast %parallel_loop3A_535 : i32 to index
          %parallel_loop3A_542 = arith.constant 0 : index
          %parallel_loop3A_543 = tpu.vector_load %arg27[%parallel_loop3A_541, %parallel_loop3A_542] {strides = array<i32>} : memref<112x128xf32, #tpu.memory_space<vmem>>, vector<16xf32>,
          %parallel_loop3A_544 = arith.mulf %parallel_loop3A_543, %parallel_loop3A_540 : vector<16xf32>
          %parallel_loop3A_545 = arith.index_cast %parallel_loop3A_535 : i32 to index
          %parallel_loop3A_546 = arith.constant 0 : index
          %parallel_loop3A_547 = tpu.vector_load %arg27[%parallel_loop3A_545, %parallel_loop3A_546] {strides = array<i32>} : memref<112x128xf32, #tpu.memory_space<vmem>>, vector<16xf32>,
          tpu.vector_store %arg27[%parallel_loop3A_545, %parallel_loop3A_546], %parallel_loop3A_544 {strides = array<i32>} : memref<112x128xf32, #tpu.memory_space<vmem>>, vector<16xf32>,
          %parallel_loop3A_548 = arith.index_cast %parallel_loop3A_535 : i32 to index
          %parallel_loop3A_549 = arith.constant 16 : index
          %parallel_loop3A_550 = tpu.vector_load %arg27[%parallel_loop3A_548, %parallel_loop3A_549] {strides = array<i32>} : memref<112x128xf32, #tpu.memory_space<vmem>>, vector<16xf32>,
          %parallel_loop3A_551 = arith.mulf %parallel_loop3A_550, %parallel_loop3A_540 : vector<16xf32>
          %parallel_loop3A_552 = arith.index_cast %parallel_loop3A_535 : i32 to index
          %parallel_loop3A_553 = arith.constant 16 : index
          %parallel_loop3A_554 = tpu.vector_load %arg27[%parallel_loop3A_552, %parallel_loop3A_553] {strides = array<i32>} : memref<112x128xf32, #tpu.memory_space<vmem>>, vector<16xf32>,
          tpu.vector_store %arg27[%parallel_loop3A_552, %parallel_loop3A_553], %parallel_loop3A_551 {strides = array<i32>} : memref<112x128xf32, #tpu.memory_space<vmem>>, vector<16xf32>,
          %parallel_loop3A_555 = arith.index_cast %parallel_loop3A_535 : i32 to index
          %parallel_loop3A_556 = arith.constant 32 : index
          %parallel_loop3A_557 = tpu.vector_load %arg27[%parallel_loop3A_555, %parallel_loop3A_556] {strides = array<i32>} : memref<112x128xf32, #tpu.memory_space<vmem>>, vector<16xf32>,
          %parallel_loop3A_558 = arith.mulf %parallel_loop3A_557, %parallel_loop3A_540 : vector<16xf32>
          %parallel_loop3A_559 = arith.index_cast %parallel_loop3A_535 : i32 to index
          %parallel_loop3A_560 = arith.constant 32 : index
          %parallel_loop3A_561 = tpu.vector_load %arg27[%parallel_loop3A_559, %parallel_loop3A_560] {strides = array<i32>} : memref<112x128xf32, #tpu.memory_space<vmem>>, vector<16xf32>,
          tpu.vector_store %arg27[%parallel_loop3A_559, %parallel_loop3A_560], %parallel_loop3A_558 {strides = array<i32>} : memref<112x128xf32, #tpu.memory_space<vmem>>, vector<16xf32>,
          %parallel_loop3A_562 = arith.index_cast %parallel_loop3A_535 : i32 to index
          %parallel_loop3A_563 = arith.constant 48 : index
          %parallel_loop3A_564 = tpu.vector_load %arg27[%parallel_loop3A_562, %parallel_loop3A_563] {strides = array<i32>} : memref<112x128xf32, #tpu.memory_space<vmem>>, vector<16xf32>,
          %parallel_loop3A_565 = arith.mulf %parallel_loop3A_564, %parallel_loop3A_540 : vector<16xf32>
          %parallel_loop3A_566 = arith.index_cast %parallel_loop3A_535 : i32 to index
          %parallel_loop3A_567 = arith.constant 48 : index
          %parallel_loop3A_568 = tpu.vector_load %arg27[%parallel_loop3A_566, %parallel_loop3A_567] {strides = array<i32>} : memref<112x128xf32, #tpu.memory_space<vmem>>, vector<16xf32>,
          tpu.vector_store %arg27[%parallel_loop3A_566, %parallel_loop3A_567], %parallel_loop3A_565 {strides = array<i32>} : memref<112x128xf32, #tpu.memory_space<vmem>>, vector<16xf32>,
          %parallel_loop3A_569 = arith.index_cast %parallel_loop3A_535 : i32 to index
          %parallel_loop3A_570 = arith.constant 64 : index
          %parallel_loop3A_571 = tpu.vector_load %arg27[%parallel_loop3A_569, %parallel_loop3A_570] {strides = array<i32>} : memref<112x128xf32, #tpu.memory_space<vmem>>, vector<16xf32>,
          %parallel_loop3A_572 = arith.mulf %parallel_loop3A_571, %parallel_loop3A_540 : vector<16xf32>
          %parallel_loop3A_573 = arith.index_cast %parallel_loop3A_535 : i32 to index
          %parallel_loop3A_574 = arith.constant 64 : index
          %parallel_loop3A_575 = tpu.vector_load %arg27[%parallel_loop3A_573, %parallel_loop3A_574] {strides = array<i32>} : memref<112x128xf32, #tpu.memory_space<vmem>>, vector<16xf32>,
          tpu.vector_store %arg27[%parallel_loop3A_573, %parallel_loop3A_574], %parallel_loop3A_572 {strides = array<i32>} : memref<112x128xf32, #tpu.memory_space<vmem>>, vector<16xf32>,
          %parallel_loop3A_576 = arith.index_cast %parallel_loop3A_535 : i32 to index
          %parallel_loop3A_577 = arith.constant 80 : index
          %parallel_loop3A_578 = tpu.vector_load %arg27[%parallel_loop3A_576, %parallel_loop3A_577] {strides = array<i32>} : memref<112x128xf32, #tpu.memory_space<vmem>>, vector<16xf32>,
          %parallel_loop3A_579 = arith.mulf %parallel_loop3A_578, %parallel_loop3A_540 : vector<16xf32>
          %parallel_loop3A_580 = arith.index_cast %parallel_loop3A_535 : i32 to index
          %parallel_loop3A_581 = arith.constant 80 : index
          %parallel_loop3A_582 = tpu.vector_load %arg27[%parallel_loop3A_580, %parallel_loop3A_581] {strides = array<i32>} : memref<112x128xf32, #tpu.memory_space<vmem>>, vector<16xf32>,
          tpu.vector_store %arg27[%parallel_loop3A_580, %parallel_loop3A_581], %parallel_loop3A_579 {strides = array<i32>} : memref<112x128xf32, #tpu.memory_space<vmem>>, vector<16xf32>,
          %parallel_loop3A_583 = arith.index_cast %parallel_loop3A_535 : i32 to index
          %parallel_loop3A_584 = arith.constant 96 : index
          %parallel_loop3A_585 = tpu.vector_load %arg27[%parallel_loop3A_583, %parallel_loop3A_584] {strides = array<i32>} : memref<112x128xf32, #tpu.memory_space<vmem>>, vector<16xf32>,
          %parallel_loop3A_586 = arith.mulf %parallel_loop3A_585, %parallel_loop3A_540 : vector<16xf32>
          %parallel_loop3A_587 = arith.index_cast %parallel_loop3A_535 : i32 to index
          %parallel_loop3A_588 = arith.constant 96 : index
          %parallel_loop3A_589 = tpu.vector_load %arg27[%parallel_loop3A_587, %parallel_loop3A_588] {strides = array<i32>} : memref<112x128xf32, #tpu.memory_space<vmem>>, vector<16xf32>,
          tpu.vector_store %arg27[%parallel_loop3A_587, %parallel_loop3A_588], %parallel_loop3A_586 {strides = array<i32>} : memref<112x128xf32, #tpu.memory_space<vmem>>, vector<16xf32>,
          %parallel_loop3A_590 = arith.index_cast %parallel_loop3A_535 : i32 to index
          %parallel_loop3A_591 = arith.constant 112 : index
          %parallel_loop3A_592 = tpu.vector_load %arg27[%parallel_loop3A_590, %parallel_loop3A_591] {strides = array<i32>} : memref<112x128xf32, #tpu.memory_space<vmem>>, vector<16xf32>,
          %parallel_loop3A_593 = arith.mulf %parallel_loop3A_592, %parallel_loop3A_540 : vector<16xf32>
          %parallel_loop3A_594 = arith.index_cast %parallel_loop3A_535 : i32 to index
          %parallel_loop3A_595 = arith.constant 112 : index
          %parallel_loop3A_596 = tpu.vector_load %arg27[%parallel_loop3A_594, %parallel_loop3A_595] {strides = array<i32>} : memref<112x128xf32, #tpu.memory_space<vmem>>, vector<16xf32>,
          tpu.vector_store %arg27[%parallel_loop3A_594, %parallel_loop3A_595], %parallel_loop3A_593 {strides = array<i32>} : memref<112x128xf32, #tpu.memory_space<vmem>>, vector<16xf32>,
        } {sc.loop_unroll_factor = 4 : i64, sc.parallel_access}
        %dma_start3A_528 = arith.constant 1 : i32
        %dma_start3A_529 = arith.constant 0 : i32
        %dma_start3A_530 = tpu.memref_slice %arg28[%dma_start3A_528, %dma_start3A_529] : memref<2x112xi32, #tpu.memory_space<vmem>> -> memref<1x112xi32, #tpu.memory_space<vmem>>
        %dma_start3A_531 = tpu.memref_squeeze %dma_start3A_530 : memref<1x112xi32, #tpu.memory_space<vmem>> -> memref<112xi32, #tpu.memory_space<vmem>>
        %dma_start3A_532 = arith.constant 0 : i32
        %dma_start3A_533 = arith.constant 0 : i32
        %dma_start3A_534 = tpu.memref_slice %arg31[%dma_start3A_532, %dma_start3A_533] : memref<1040x128xf32, #tpu.memory_space<vmem_shared>> -> memref<1040x128xf32, #tpu.memory_space<vmem_shared>>
        tpu.enqueue_indirect_dma source(%arg27 : memref<112x128xf32, #tpu.memory_space<vmem>>) target(%dma_start3A_534 : memref<1040x128xf32, #tpu.memory_space<vmem_shared>>) offsets(%dma_start3A_531 : memref<112xi32, #tpu.memory_space<vmem>>) semaphore(%arg35 : memref<!tpu.dma_semaphore, #tpu.memory_space<semaphore_mem>>) {add = true}
      } else {
      }
    }
    %while3A_361 = arith.constant 1 : i32
    scf.for %while3A_432 = %while3A_359 to %while3A_355 step %while3A_361  : i32 {
      %mul3A_433 = arith.constant 2 : i32
      %mul3A_434 = arith.muli %mul3A_433, %while3A_432 : i32
      %add3A_435 = arith.constant 1 : i32
      %add3A_436 = arith.addi %mul3A_434, %add3A_435 : i32
      %lt3A = arith.cmpi slt, %mul3A_434, %select_n3A_320 : i32
      %convert_element_type3A_437 = arith.extui %lt3A : i1 to i32
      %cond3A_438 = arith.constant 0 : i32
      %cond3A_439 = arith.cmpi ne, %convert_element_type3A_437, %cond3A_438 : i32
      scf.if %cond3A_439 {
        %add3A_444 = arith.constant 1 : i32
        %add3A_445 = arith.addi %mul3A_434, %add3A_444 : i32
        %lt3A_446 = arith.cmpi slt, %add3A_445, %select_n3A_320 : i32
        %convert_element_type3A_447 = arith.extui %lt3A_446 : i1 to i32
        %cond3A_448 = arith.constant 0 : i32
        %cond3A_449 = arith.cmpi ne, %convert_element_type3A_447, %cond3A_448 : i32
        scf.if %cond3A_449 {
          %ge3A = arith.constant 1 : i32
          %ge3A_535 = arith.cmpi sge, %mul3A_434, %ge3A : i32
          %convert_element_type3A_536 = arith.extui %ge3A_535 : i1 to i32
          %cond3A_537 = arith.constant 0 : i32
          %cond3A_538 = arith.cmpi ne, %convert_element_type3A_536, %cond3A_537 : i32
          scf.if %cond3A_538 {
            %dma_wait3A_547 = arith.constant 1 : i32
            %dma_wait3A_548 = arith.constant 0 : i32
            %dma_wait3A_549 = tpu.memref_slice %arg28[%dma_wait3A_547, %dma_wait3A_548] : memref<2x112xi32, #tpu.memory_space<vmem>> -> memref<1x112xi32, #tpu.memory_space<vmem>>
            %dma_wait3A_550 = tpu.memref_squeeze %dma_wait3A_549 : memref<1x112xi32, #tpu.memory_space<vmem>> -> memref<112xi32, #tpu.memory_space<vmem>>
            %dma_wait3A_551 = arith.constant 0 : i32
            %dma_wait3A_552 = arith.constant 0 : i32
            %dma_wait3A_553 = tpu.memref_slice %arg31[%dma_wait3A_551, %dma_wait3A_552] : memref<1040x128xf32, #tpu.memory_space<vmem_shared>> -> memref<1040x128xf32, #tpu.memory_space<vmem_shared>>
            tpu.wait_indirect_dma semaphore(%arg35 : memref<!tpu.dma_semaphore, #tpu.memory_space<semaphore_mem>>) src(%arg27 : memref<112x128xf32, #tpu.memory_space<vmem>>) dst(%dma_wait3A_553 : memref<1040x128xf32, #tpu.memory_space<vmem_shared>>)
          } else {
          }
          %add3A_539 = arith.constant 1 : i32
          %add3A_540 = arith.addi %mul3A_434, %add3A_539 : i32
          %mul3A_541 = arith.constant 112 : i32
          %mul3A_542 = arith.muli %add3A_540, %mul3A_541 : i32
          %dma_start3A_543 = tpu.memref_slice %arg23[%mul3A_542] : memref<10192xi32, #tpu.memory_space<vmem>> -> memref<112xi32, #tpu.memory_space<vmem>>
          %dma_start3A_544 = arith.constant 0 : i32
          %dma_start3A_545 = arith.constant 0 : i32
          %dma_start3A_546 = tpu.memref_slice %arg3[%dma_start3A_544, %dma_start3A_545] : memref<10000x128xf32, #tpu.memory_space<hbm>> -> memref<10000x128xf32, #tpu.memory_space<hbm>>
          tpu.enqueue_indirect_dma source(%dma_start3A_546 : memref<10000x128xf32, #tpu.memory_space<hbm>>) target(%arg27 : memref<112x128xf32, #tpu.memory_space<vmem>>) offsets(%dma_start3A_543 : memref<112xi32, #tpu.memory_space<vmem>>) semaphore(%arg33 : memref<!tpu.dma_semaphore, #tpu.memory_space<semaphore_mem>>)
        } else {
        }
        %mul3A_450 = arith.constant 112 : i32
        %mul3A_451 = arith.muli %mul3A_434, %mul3A_450 : i32
        %dma_wait3A_452 = tpu.memref_slice %arg23[%mul3A_451] : memref<10192xi32, #tpu.memory_space<vmem>> -> memref<112xi32, #tpu.memory_space<vmem>>
        %dma_wait3A_453 = arith.constant 0 : i32
        %dma_wait3A_454 = arith.constant 0 : i32
        %dma_wait3A_455 = tpu.memref_slice %arg3[%dma_wait3A_453, %dma_wait3A_454] : memref<10000x128xf32, #tpu.memory_space<hbm>> -> memref<10000x128xf32, #tpu.memory_space<hbm>>
        tpu.wait_indirect_dma semaphore(%arg32 : memref<!tpu.dma_semaphore, #tpu.memory_space<semaphore_mem>>) src(%dma_wait3A_455 : memref<10000x128xf32, #tpu.memory_space<hbm>>) dst(%arg26 : memref<112x128xf32, #tpu.memory_space<vmem>>)
        %mul3A_456 = arith.constant 112 : i32
        %mul3A_457 = arith.muli %mul3A_434, %mul3A_456 : i32
        %add3A_458 = arith.constant 0 : i32
        %add3A_459 = arith.addi %mul3A_457, %add3A_458 : i32
        %get3A = arith.index_cast %add3A_459 : i32 to index
        %get3A_460 = tpu.vector_load %arg24[%get3A] {strides = array<i32>} : memref<10192xi32, #tpu.memory_space<vmem>>, vector<16xi32>,
        %swap3A_461 = arith.constant 0 : i32
        %swap3A_462 = arith.index_cast %swap3A_461 : i32 to index
        %swap3A_463 = arith.constant 0 : index
        %swap3A_464 = tpu.vector_load %arg28[%swap3A_462, %swap3A_463] {strides = array<i32>} : memref<2x112xi32, #tpu.memory_space<vmem>>, vector<16xi32>,
        tpu.vector_store %arg28[%swap3A_462, %swap3A_463], %get3A_460 {strides = array<i32>} : memref<2x112xi32, #tpu.memory_space<vmem>>, vector<16xi32>,
        %mul3A_465 = arith.constant 112 : i32
        %mul3A_466 = arith.muli %mul3A_434, %mul3A_465 : i32
        %add3A_467 = arith.constant 16 : i32
        %add3A_468 = arith.addi %mul3A_466, %add3A_467 : i32
        %get3A_469 = arith.index_cast %add3A_468 : i32 to index
        %get3A_470 = tpu.vector_load %arg24[%get3A_469] {strides = array<i32>} : memref<10192xi32, #tpu.memory_space<vmem>>, vector<16xi32>,
        %swap3A_471 = arith.constant 0 : i32
        %swap3A_472 = arith.index_cast %swap3A_471 : i32 to index
        %swap3A_473 = arith.constant 16 : index
        %swap3A_474 = tpu.vector_load %arg28[%swap3A_472, %swap3A_473] {strides = array<i32>} : memref<2x112xi32, #tpu.memory_space<vmem>>, vector<16xi32>,
        tpu.vector_store %arg28[%swap3A_472, %swap3A_473], %get3A_470 {strides = array<i32>} : memref<2x112xi32, #tpu.memory_space<vmem>>, vector<16xi32>,
        %mul3A_475 = arith.constant 112 : i32
        %mul3A_476 = arith.muli %mul3A_434, %mul3A_475 : i32
        %add3A_477 = arith.constant 32 : i32
        %add3A_478 = arith.addi %mul3A_476, %add3A_477 : i32
        %get3A_479 = arith.index_cast %add3A_478 : i32 to index
        %get3A_480 = tpu.vector_load %arg24[%get3A_479] {strides = array<i32>} : memref<10192xi32, #tpu.memory_space<vmem>>, vector<16xi32>,
        %swap3A_481 = arith.constant 0 : i32
        %swap3A_482 = arith.index_cast %swap3A_481 : i32 to index
        %swap3A_483 = arith.constant 32 : index
        %swap3A_484 = tpu.vector_load %arg28[%swap3A_482, %swap3A_483] {strides = array<i32>} : memref<2x112xi32, #tpu.memory_space<vmem>>, vector<16xi32>,
        tpu.vector_store %arg28[%swap3A_482, %swap3A_483], %get3A_480 {strides = array<i32>} : memref<2x112xi32, #tpu.memory_space<vmem>>, vector<16xi32>,
        %mul3A_485 = arith.constant 112 : i32
        %mul3A_486 = arith.muli %mul3A_434, %mul3A_485 : i32
        %add3A_487 = arith.constant 48 : i32
        %add3A_488 = arith.addi %mul3A_486, %add3A_487 : i32
        %get3A_489 = arith.index_cast %add3A_488 : i32 to index
        %get3A_490 = tpu.vector_load %arg24[%get3A_489] {strides = array<i32>} : memref<10192xi32, #tpu.memory_space<vmem>>, vector<16xi32>,
        %swap3A_491 = arith.constant 0 : i32
        %swap3A_492 = arith.index_cast %swap3A_491 : i32 to index
        %swap3A_493 = arith.constant 48 : index
        %swap3A_494 = tpu.vector_load %arg28[%swap3A_492, %swap3A_493] {strides = array<i32>} : memref<2x112xi32, #tpu.memory_space<vmem>>, vector<16xi32>,
        tpu.vector_store %arg28[%swap3A_492, %swap3A_493], %get3A_490 {strides = array<i32>} : memref<2x112xi32, #tpu.memory_space<vmem>>, vector<16xi32>,
        %mul3A_495 = arith.constant 112 : i32
        %mul3A_496 = arith.muli %mul3A_434, %mul3A_495 : i32
        %add3A_497 = arith.constant 64 : i32
        %add3A_498 = arith.addi %mul3A_496, %add3A_497 : i32
        %get3A_499 = arith.index_cast %add3A_498 : i32 to index
        %get3A_500 = tpu.vector_load %arg24[%get3A_499] {strides = array<i32>} : memref<10192xi32, #tpu.memory_space<vmem>>, vector<16xi32>,
        %swap3A_501 = arith.constant 0 : i32
        %swap3A_502 = arith.index_cast %swap3A_501 : i32 to index
        %swap3A_503 = arith.constant 64 : index
        %swap3A_504 = tpu.vector_load %arg28[%swap3A_502, %swap3A_503] {strides = array<i32>} : memref<2x112xi32, #tpu.memory_space<vmem>>, vector<16xi32>,
        tpu.vector_store %arg28[%swap3A_502, %swap3A_503], %get3A_500 {strides = array<i32>} : memref<2x112xi32, #tpu.memory_space<vmem>>, vector<16xi32>,
        %mul3A_505 = arith.constant 112 : i32
        %mul3A_506 = arith.muli %mul3A_434, %mul3A_505 : i32
        %add3A_507 = arith.constant 80 : i32
        %add3A_508 = arith.addi %mul3A_506, %add3A_507 : i32
        %get3A_509 = arith.index_cast %add3A_508 : i32 to index
        %get3A_510 = tpu.vector_load %arg24[%get3A_509] {strides = array<i32>} : memref<10192xi32, #tpu.memory_space<vmem>>, vector<16xi32>,
        %swap3A_511 = arith.constant 0 : i32
        %swap3A_512 = arith.index_cast %swap3A_511 : i32 to index
        %swap3A_513 = arith.constant 80 : index
        %swap3A_514 = tpu.vector_load %arg28[%swap3A_512, %swap3A_513] {strides = array<i32>} : memref<2x112xi32, #tpu.memory_space<vmem>>, vector<16xi32>,
        tpu.vector_store %arg28[%swap3A_512, %swap3A_513], %get3A_510 {strides = array<i32>} : memref<2x112xi32, #tpu.memory_space<vmem>>, vector<16xi32>,
        %mul3A_515 = arith.constant 112 : i32
        %mul3A_516 = arith.muli %mul3A_434, %mul3A_515 : i32
        %add3A_517 = arith.constant 96 : i32
        %add3A_518 = arith.addi %mul3A_516, %add3A_517 : i32
        %get3A_519 = arith.index_cast %add3A_518 : i32 to index
        %get3A_520 = tpu.vector_load %arg24[%get3A_519] {strides = array<i32>} : memref<10192xi32, #tpu.memory_space<vmem>>, vector<16xi32>,
        %swap3A_521 = arith.constant 0 : i32
        %swap3A_522 = arith.index_cast %swap3A_521 : i32 to index
        %swap3A_523 = arith.constant 96 : index
        %swap3A_524 = tpu.vector_load %arg28[%swap3A_522, %swap3A_523] {strides = array<i32>} : memref<2x112xi32, #tpu.memory_space<vmem>>, vector<16xi32>,
        tpu.vector_store %arg28[%swap3A_522, %swap3A_523], %get3A_520 {strides = array<i32>} : memref<2x112xi32, #tpu.memory_space<vmem>>, vector<16xi32>,
        %parallel_loop3A_525 = arith.constant 0 : i32
        %parallel_loop3A_526 = arith.constant 112 : i32
        %parallel_loop3A_527 = arith.constant 1 : i32
        scf.for %parallel_loop3A_535 = %parallel_loop3A_525 to %parallel_loop3A_526 step %parallel_loop3A_527  : i32 {
          %parallel_loop3A_536 = arith.constant 112 : i32
          %parallel_loop3A_537 = arith.muli %mul3A_434, %parallel_loop3A_536 : i32
          %parallel_loop3A_538 = arith.addi %parallel_loop3A_537, %parallel_loop3A_535 : i32
          %parallel_loop3A_539 = vector.broadcast %parallel_loop3A_538 : i32 to vector<16xi32>
          %parallel_loop3A_540 = tpu.vector_load_idx %arg25[%parallel_loop3A_539] : memref<10192xf32, #tpu.memory_space<vmem>>[vector<16xi32>], vector<16xf32>,
          %parallel_loop3A_541 = arith.index_cast %parallel_loop3A_535 : i32 to index
          %parallel_loop3A_542 = arith.constant 0 : index
          %parallel_loop3A_543 = tpu.vector_load %arg26[%parallel_loop3A_541, %parallel_loop3A_542] {strides = array<i32>} : memref<112x128xf32, #tpu.memory_space<vmem>>, vector<16xf32>,
          %parallel_loop3A_544 = arith.mulf %parallel_loop3A_543, %parallel_loop3A_540 : vector<16xf32>
          %parallel_loop3A_545 = arith.index_cast %parallel_loop3A_535 : i32 to index
          %parallel_loop3A_546 = arith.constant 0 : index
          %parallel_loop3A_547 = tpu.vector_load %arg26[%parallel_loop3A_545, %parallel_loop3A_546] {strides = array<i32>} : memref<112x128xf32, #tpu.memory_space<vmem>>, vector<16xf32>,
          tpu.vector_store %arg26[%parallel_loop3A_545, %parallel_loop3A_546], %parallel_loop3A_544 {strides = array<i32>} : memref<112x128xf32, #tpu.memory_space<vmem>>, vector<16xf32>,
          %parallel_loop3A_548 = arith.index_cast %parallel_loop3A_535 : i32 to index
          %parallel_loop3A_549 = arith.constant 16 : index
          %parallel_loop3A_550 = tpu.vector_load %arg26[%parallel_loop3A_548, %parallel_loop3A_549] {strides = array<i32>} : memref<112x128xf32, #tpu.memory_space<vmem>>, vector<16xf32>,
          %parallel_loop3A_551 = arith.mulf %parallel_loop3A_550, %parallel_loop3A_540 : vector<16xf32>
          %parallel_loop3A_552 = arith.index_cast %parallel_loop3A_535 : i32 to index
          %parallel_loop3A_553 = arith.constant 16 : index
          %parallel_loop3A_554 = tpu.vector_load %arg26[%parallel_loop3A_552, %parallel_loop3A_553] {strides = array<i32>} : memref<112x128xf32, #tpu.memory_space<vmem>>, vector<16xf32>,
          tpu.vector_store %arg26[%parallel_loop3A_552, %parallel_loop3A_553], %parallel_loop3A_551 {strides = array<i32>} : memref<112x128xf32, #tpu.memory_space<vmem>>, vector<16xf32>,
          %parallel_loop3A_555 = arith.index_cast %parallel_loop3A_535 : i32 to index
          %parallel_loop3A_556 = arith.constant 32 : index
          %parallel_loop3A_557 = tpu.vector_load %arg26[%parallel_loop3A_555, %parallel_loop3A_556] {strides = array<i32>} : memref<112x128xf32, #tpu.memory_space<vmem>>, vector<16xf32>,
          %parallel_loop3A_558 = arith.mulf %parallel_loop3A_557, %parallel_loop3A_540 : vector<16xf32>
          %parallel_loop3A_559 = arith.index_cast %parallel_loop3A_535 : i32 to index
          %parallel_loop3A_560 = arith.constant 32 : index
          %parallel_loop3A_561 = tpu.vector_load %arg26[%parallel_loop3A_559, %parallel_loop3A_560] {strides = array<i32>} : memref<112x128xf32, #tpu.memory_space<vmem>>, vector<16xf32>,
          tpu.vector_store %arg26[%parallel_loop3A_559, %parallel_loop3A_560], %parallel_loop3A_558 {strides = array<i32>} : memref<112x128xf32, #tpu.memory_space<vmem>>, vector<16xf32>,
          %parallel_loop3A_562 = arith.index_cast %parallel_loop3A_535 : i32 to index
          %parallel_loop3A_563 = arith.constant 48 : index
          %parallel_loop3A_564 = tpu.vector_load %arg26[%parallel_loop3A_562, %parallel_loop3A_563] {strides = array<i32>} : memref<112x128xf32, #tpu.memory_space<vmem>>, vector<16xf32>,
          %parallel_loop3A_565 = arith.mulf %parallel_loop3A_564, %parallel_loop3A_540 : vector<16xf32>
          %parallel_loop3A_566 = arith.index_cast %parallel_loop3A_535 : i32 to index
          %parallel_loop3A_567 = arith.constant 48 : index
          %parallel_loop3A_568 = tpu.vector_load %arg26[%parallel_loop3A_566, %parallel_loop3A_567] {strides = array<i32>} : memref<112x128xf32, #tpu.memory_space<vmem>>, vector<16xf32>,
          tpu.vector_store %arg26[%parallel_loop3A_566, %parallel_loop3A_567], %parallel_loop3A_565 {strides = array<i32>} : memref<112x128xf32, #tpu.memory_space<vmem>>, vector<16xf32>,
          %parallel_loop3A_569 = arith.index_cast %parallel_loop3A_535 : i32 to index
          %parallel_loop3A_570 = arith.constant 64 : index
          %parallel_loop3A_571 = tpu.vector_load %arg26[%parallel_loop3A_569, %parallel_loop3A_570] {strides = array<i32>} : memref<112x128xf32, #tpu.memory_space<vmem>>, vector<16xf32>,
          %parallel_loop3A_572 = arith.mulf %parallel_loop3A_571, %parallel_loop3A_540 : vector<16xf32>
          %parallel_loop3A_573 = arith.index_cast %parallel_loop3A_535 : i32 to index
          %parallel_loop3A_574 = arith.constant 64 : index
          %parallel_loop3A_575 = tpu.vector_load %arg26[%parallel_loop3A_573, %parallel_loop3A_574] {strides = array<i32>} : memref<112x128xf32, #tpu.memory_space<vmem>>, vector<16xf32>,
          tpu.vector_store %arg26[%parallel_loop3A_573, %parallel_loop3A_574], %parallel_loop3A_572 {strides = array<i32>} : memref<112x128xf32, #tpu.memory_space<vmem>>, vector<16xf32>,
          %parallel_loop3A_576 = arith.index_cast %parallel_loop3A_535 : i32 to index
          %parallel_loop3A_577 = arith.constant 80 : index
          %parallel_loop3A_578 = tpu.vector_load %arg26[%parallel_loop3A_576, %parallel_loop3A_577] {strides = array<i32>} : memref<112x128xf32, #tpu.memory_space<vmem>>, vector<16xf32>,
          %parallel_loop3A_579 = arith.mulf %parallel_loop3A_578, %parallel_loop3A_540 : vector<16xf32>
          %parallel_loop3A_580 = arith.index_cast %parallel_loop3A_535 : i32 to index
          %parallel_loop3A_581 = arith.constant 80 : index
          %parallel_loop3A_582 = tpu.vector_load %arg26[%parallel_loop3A_580, %parallel_loop3A_581] {strides = array<i32>} : memref<112x128xf32, #tpu.memory_space<vmem>>, vector<16xf32>,
          tpu.vector_store %arg26[%parallel_loop3A_580, %parallel_loop3A_581], %parallel_loop3A_579 {strides = array<i32>} : memref<112x128xf32, #tpu.memory_space<vmem>>, vector<16xf32>,
          %parallel_loop3A_583 = arith.index_cast %parallel_loop3A_535 : i32 to index
          %parallel_loop3A_584 = arith.constant 96 : index
          %parallel_loop3A_585 = tpu.vector_load %arg26[%parallel_loop3A_583, %parallel_loop3A_584] {strides = array<i32>} : memref<112x128xf32, #tpu.memory_space<vmem>>, vector<16xf32>,
          %parallel_loop3A_586 = arith.mulf %parallel_loop3A_585, %parallel_loop3A_540 : vector<16xf32>
          %parallel_loop3A_587 = arith.index_cast %parallel_loop3A_535 : i32 to index
          %parallel_loop3A_588 = arith.constant 96 : index
          %parallel_loop3A_589 = tpu.vector_load %arg26[%parallel_loop3A_587, %parallel_loop3A_588] {strides = array<i32>} : memref<112x128xf32, #tpu.memory_space<vmem>>, vector<16xf32>,
          tpu.vector_store %arg26[%parallel_loop3A_587, %parallel_loop3A_588], %parallel_loop3A_586 {strides = array<i32>} : memref<112x128xf32, #tpu.memory_space<vmem>>, vector<16xf32>,
          %parallel_loop3A_590 = arith.index_cast %parallel_loop3A_535 : i32 to index
          %parallel_loop3A_591 = arith.constant 112 : index
          %parallel_loop3A_592 = tpu.vector_load %arg26[%parallel_loop3A_590, %parallel_loop3A_591] {strides = array<i32>} : memref<112x128xf32, #tpu.memory_space<vmem>>, vector<16xf32>,
          %parallel_loop3A_593 = arith.mulf %parallel_loop3A_592, %parallel_loop3A_540 : vector<16xf32>
          %parallel_loop3A_594 = arith.index_cast %parallel_loop3A_535 : i32 to index
          %parallel_loop3A_595 = arith.constant 112 : index
          %parallel_loop3A_596 = tpu.vector_load %arg26[%parallel_loop3A_594, %parallel_loop3A_595] {strides = array<i32>} : memref<112x128xf32, #tpu.memory_space<vmem>>, vector<16xf32>,
          tpu.vector_store %arg26[%parallel_loop3A_594, %parallel_loop3A_595], %parallel_loop3A_593 {strides = array<i32>} : memref<112x128xf32, #tpu.memory_space<vmem>>, vector<16xf32>,
        } {sc.loop_unroll_factor = 4 : i64, sc.parallel_access}
        %dma_start3A_528 = arith.constant 0 : i32
        %dma_start3A_529 = arith.constant 0 : i32
        %dma_start3A_530 = tpu.memref_slice %arg28[%dma_start3A_528, %dma_start3A_529] : memref<2x112xi32, #tpu.memory_space<vmem>> -> memref<1x112xi32, #tpu.memory_space<vmem>>
        %dma_start3A_531 = tpu.memref_squeeze %dma_start3A_530 : memref<1x112xi32, #tpu.memory_space<vmem>> -> memref<112xi32, #tpu.memory_space<vmem>>
        %dma_start3A_532 = arith.constant 0 : i32
        %dma_start3A_533 = arith.constant 0 : i32
        %dma_start3A_534 = tpu.memref_slice %arg31[%dma_start3A_532, %dma_start3A_533] : memref<1040x128xf32, #tpu.memory_space<vmem_shared>> -> memref<1040x128xf32, #tpu.memory_space<vmem_shared>>
        tpu.enqueue_indirect_dma source(%arg26 : memref<112x128xf32, #tpu.memory_space<vmem>>) target(%dma_start3A_534 : memref<1040x128xf32, #tpu.memory_space<vmem_shared>>) offsets(%dma_start3A_531 : memref<112xi32, #tpu.memory_space<vmem>>) semaphore(%arg34 : memref<!tpu.dma_semaphore, #tpu.memory_space<semaphore_mem>>) {add = true}
      } else {
      }
      %lt3A_440 = arith.cmpi slt, %add3A_436, %select_n3A_320 : i32
      %convert_element_type3A_441 = arith.extui %lt3A_440 : i1 to i32
      %cond3A_442 = arith.constant 0 : i32
      %cond3A_443 = arith.cmpi ne, %convert_element_type3A_441, %cond3A_442 : i32
      scf.if %cond3A_443 {
        %add3A_444 = arith.constant 1 : i32
        %add3A_445 = arith.addi %add3A_436, %add3A_444 : i32
        %lt3A_446 = arith.cmpi slt, %add3A_445, %select_n3A_320 : i32
        %convert_element_type3A_447 = arith.extui %lt3A_446 : i1 to i32
        %cond3A_448 = arith.constant 0 : i32
        %cond3A_449 = arith.cmpi ne, %convert_element_type3A_447, %cond3A_448 : i32
        scf.if %cond3A_449 {
          %ge3A = arith.constant 1 : i32
          %ge3A_535 = arith.cmpi sge, %add3A_436, %ge3A : i32
          %convert_element_type3A_536 = arith.extui %ge3A_535 : i1 to i32
          %cond3A_537 = arith.constant 0 : i32
          %cond3A_538 = arith.cmpi ne, %convert_element_type3A_536, %cond3A_537 : i32
          scf.if %cond3A_538 {
            %dma_wait3A_547 = arith.constant 0 : i32
            %dma_wait3A_548 = arith.constant 0 : i32
            %dma_wait3A_549 = tpu.memref_slice %arg28[%dma_wait3A_547, %dma_wait3A_548] : memref<2x112xi32, #tpu.memory_space<vmem>> -> memref<1x112xi32, #tpu.memory_space<vmem>>
            %dma_wait3A_550 = tpu.memref_squeeze %dma_wait3A_549 : memref<1x112xi32, #tpu.memory_space<vmem>> -> memref<112xi32, #tpu.memory_space<vmem>>
            %dma_wait3A_551 = arith.constant 0 : i32
            %dma_wait3A_552 = arith.constant 0 : i32
            %dma_wait3A_553 = tpu.memref_slice %arg31[%dma_wait3A_551, %dma_wait3A_552] : memref<1040x128xf32, #tpu.memory_space<vmem_shared>> -> memref<1040x128xf32, #tpu.memory_space<vmem_shared>>
            tpu.wait_indirect_dma semaphore(%arg34 : memref<!tpu.dma_semaphore, #tpu.memory_space<semaphore_mem>>) src(%arg26 : memref<112x128xf32, #tpu.memory_space<vmem>>) dst(%dma_wait3A_553 : memref<1040x128xf32, #tpu.memory_space<vmem_shared>>)
          } else {
          }
          %add3A_539 = arith.constant 1 : i32
          %add3A_540 = arith.addi %add3A_436, %add3A_539 : i32
          %mul3A_541 = arith.constant 112 : i32
          %mul3A_542 = arith.muli %add3A_540, %mul3A_541 : i32
          %dma_start3A_543 = tpu.memref_slice %arg23[%mul3A_542] : memref<10192xi32, #tpu.memory_space<vmem>> -> memref<112xi32, #tpu.memory_space<vmem>>
          %dma_start3A_544 = arith.constant 0 : i32
          %dma_start3A_545 = arith.constant 0 : i32
          %dma_start3A_546 = tpu.memref_slice %arg3[%dma_start3A_544, %dma_start3A_545] : memref<10000x128xf32, #tpu.memory_space<hbm>> -> memref<10000x128xf32, #tpu.memory_space<hbm>>
          tpu.enqueue_indirect_dma source(%dma_start3A_546 : memref<10000x128xf32, #tpu.memory_space<hbm>>) target(%arg26 : memref<112x128xf32, #tpu.memory_space<vmem>>) offsets(%dma_start3A_543 : memref<112xi32, #tpu.memory_space<vmem>>) semaphore(%arg32 : memref<!tpu.dma_semaphore, #tpu.memory_space<semaphore_mem>>)
        } else {
        }
        %mul3A_450 = arith.constant 112 : i32
        %mul3A_451 = arith.muli %add3A_436, %mul3A_450 : i32
        %dma_wait3A_452 = tpu.memref_slice %arg23[%mul3A_451] : memref<10192xi32, #tpu.memory_space<vmem>> -> memref<112xi32, #tpu.memory_space<vmem>>
        %dma_wait3A_453 = arith.constant 0 : i32
        %dma_wait3A_454 = arith.constant 0 : i32
        %dma_wait3A_455 = tpu.memref_slice %arg3[%dma_wait3A_453, %dma_wait3A_454] : memref<10000x128xf32, #tpu.memory_space<hbm>> -> memref<10000x128xf32, #tpu.memory_space<hbm>>
        tpu.wait_indirect_dma semaphore(%arg33 : memref<!tpu.dma_semaphore, #tpu.memory_space<semaphore_mem>>) src(%dma_wait3A_455 : memref<10000x128xf32, #tpu.memory_space<hbm>>) dst(%arg27 : memref<112x128xf32, #tpu.memory_space<vmem>>)
        %mul3A_456 = arith.constant 112 : i32
        %mul3A_457 = arith.muli %add3A_436, %mul3A_456 : i32
        %add3A_458 = arith.constant 0 : i32
        %add3A_459 = arith.addi %mul3A_457, %add3A_458 : i32
        %get3A = arith.index_cast %add3A_459 : i32 to index
        %get3A_460 = tpu.vector_load %arg24[%get3A] {strides = array<i32>} : memref<10192xi32, #tpu.memory_space<vmem>>, vector<16xi32>,
        %swap3A_461 = arith.constant 1 : i32
        %swap3A_462 = arith.index_cast %swap3A_461 : i32 to index
        %swap3A_463 = arith.constant 0 : index
        %swap3A_464 = tpu.vector_load %arg28[%swap3A_462, %swap3A_463] {strides = array<i32>} : memref<2x112xi32, #tpu.memory_space<vmem>>, vector<16xi32>,
        tpu.vector_store %arg28[%swap3A_462, %swap3A_463], %get3A_460 {strides = array<i32>} : memref<2x112xi32, #tpu.memory_space<vmem>>, vector<16xi32>,
        %mul3A_465 = arith.constant 112 : i32
        %mul3A_466 = arith.muli %add3A_436, %mul3A_465 : i32
        %add3A_467 = arith.constant 16 : i32
        %add3A_468 = arith.addi %mul3A_466, %add3A_467 : i32
        %get3A_469 = arith.index_cast %add3A_468 : i32 to index
        %get3A_470 = tpu.vector_load %arg24[%get3A_469] {strides = array<i32>} : memref<10192xi32, #tpu.memory_space<vmem>>, vector<16xi32>,
        %swap3A_471 = arith.constant 1 : i32
        %swap3A_472 = arith.index_cast %swap3A_471 : i32 to index
        %swap3A_473 = arith.constant 16 : index
        %swap3A_474 = tpu.vector_load %arg28[%swap3A_472, %swap3A_473] {strides = array<i32>} : memref<2x112xi32, #tpu.memory_space<vmem>>, vector<16xi32>,
        tpu.vector_store %arg28[%swap3A_472, %swap3A_473], %get3A_470 {strides = array<i32>} : memref<2x112xi32, #tpu.memory_space<vmem>>, vector<16xi32>,
        %mul3A_475 = arith.constant 112 : i32
        %mul3A_476 = arith.muli %add3A_436, %mul3A_475 : i32
        %add3A_477 = arith.constant 32 : i32
        %add3A_478 = arith.addi %mul3A_476, %add3A_477 : i32
        %get3A_479 = arith.index_cast %add3A_478 : i32 to index
        %get3A_480 = tpu.vector_load %arg24[%get3A_479] {strides = array<i32>} : memref<10192xi32, #tpu.memory_space<vmem>>, vector<16xi32>,
        %swap3A_481 = arith.constant 1 : i32
        %swap3A_482 = arith.index_cast %swap3A_481 : i32 to index
        %swap3A_483 = arith.constant 32 : index
        %swap3A_484 = tpu.vector_load %arg28[%swap3A_482, %swap3A_483] {strides = array<i32>} : memref<2x112xi32, #tpu.memory_space<vmem>>, vector<16xi32>,
        tpu.vector_store %arg28[%swap3A_482, %swap3A_483], %get3A_480 {strides = array<i32>} : memref<2x112xi32, #tpu.memory_space<vmem>>, vector<16xi32>,
        %mul3A_485 = arith.constant 112 : i32
        %mul3A_486 = arith.muli %add3A_436, %mul3A_485 : i32
        %add3A_487 = arith.constant 48 : i32
        %add3A_488 = arith.addi %mul3A_486, %add3A_487 : i32
        %get3A_489 = arith.index_cast %add3A_488 : i32 to index
        %get3A_490 = tpu.vector_load %arg24[%get3A_489] {strides = array<i32>} : memref<10192xi32, #tpu.memory_space<vmem>>, vector<16xi32>,
        %swap3A_491 = arith.constant 1 : i32
        %swap3A_492 = arith.index_cast %swap3A_491 : i32 to index
        %swap3A_493 = arith.constant 48 : index
        %swap3A_494 = tpu.vector_load %arg28[%swap3A_492, %swap3A_493] {strides = array<i32>} : memref<2x112xi32, #tpu.memory_space<vmem>>, vector<16xi32>,
        tpu.vector_store %arg28[%swap3A_492, %swap3A_493], %get3A_490 {strides = array<i32>} : memref<2x112xi32, #tpu.memory_space<vmem>>, vector<16xi32>,
        %mul3A_495 = arith.constant 112 : i32
        %mul3A_496 = arith.muli %add3A_436, %mul3A_495 : i32
        %add3A_497 = arith.constant 64 : i32
        %add3A_498 = arith.addi %mul3A_496, %add3A_497 : i32
        %get3A_499 = arith.index_cast %add3A_498 : i32 to index
        %get3A_500 = tpu.vector_load %arg24[%get3A_499] {strides = array<i32>} : memref<10192xi32, #tpu.memory_space<vmem>>, vector<16xi32>,
        %swap3A_501 = arith.constant 1 : i32
        %swap3A_502 = arith.index_cast %swap3A_501 : i32 to index
        %swap3A_503 = arith.constant 64 : index
        %swap3A_504 = tpu.vector_load %arg28[%swap3A_502, %swap3A_503] {strides = array<i32>} : memref<2x112xi32, #tpu.memory_space<vmem>>, vector<16xi32>,
        tpu.vector_store %arg28[%swap3A_502, %swap3A_503], %get3A_500 {strides = array<i32>} : memref<2x112xi32, #tpu.memory_space<vmem>>, vector<16xi32>,
        %mul3A_505 = arith.constant 112 : i32
        %mul3A_506 = arith.muli %add3A_436, %mul3A_505 : i32
        %add3A_507 = arith.constant 80 : i32
        %add3A_508 = arith.addi %mul3A_506, %add3A_507 : i32
        %get3A_509 = arith.index_cast %add3A_508 : i32 to index
        %get3A_510 = tpu.vector_load %arg24[%get3A_509] {strides = array<i32>} : memref<10192xi32, #tpu.memory_space<vmem>>, vector<16xi32>,
        %swap3A_511 = arith.constant 1 : i32
        %swap3A_512 = arith.index_cast %swap3A_511 : i32 to index
        %swap3A_513 = arith.constant 80 : index
        %swap3A_514 = tpu.vector_load %arg28[%swap3A_512, %swap3A_513] {strides = array<i32>} : memref<2x112xi32, #tpu.memory_space<vmem>>, vector<16xi32>,
        tpu.vector_store %arg28[%swap3A_512, %swap3A_513], %get3A_510 {strides = array<i32>} : memref<2x112xi32, #tpu.memory_space<vmem>>, vector<16xi32>,
        %mul3A_515 = arith.constant 112 : i32
        %mul3A_516 = arith.muli %add3A_436, %mul3A_515 : i32
        %add3A_517 = arith.constant 96 : i32
        %add3A_518 = arith.addi %mul3A_516, %add3A_517 : i32
        %get3A_519 = arith.index_cast %add3A_518 : i32 to index
        %get3A_520 = tpu.vector_load %arg24[%get3A_519] {strides = array<i32>} : memref<10192xi32, #tpu.memory_space<vmem>>, vector<16xi32>,
        %swap3A_521 = arith.constant 1 : i32
        %swap3A_522 = arith.index_cast %swap3A_521 : i32 to index
        %swap3A_523 = arith.constant 96 : index
        %swap3A_524 = tpu.vector_load %arg28[%swap3A_522, %swap3A_523] {strides = array<i32>} : memref<2x112xi32, #tpu.memory_space<vmem>>, vector<16xi32>,
        tpu.vector_store %arg28[%swap3A_522, %swap3A_523], %get3A_520 {strides = array<i32>} : memref<2x112xi32, #tpu.memory_space<vmem>>, vector<16xi32>,
        %parallel_loop3A_525 = arith.constant 0 : i32
        %parallel_loop3A_526 = arith.constant 112 : i32
        %parallel_loop3A_527 = arith.constant 1 : i32
        scf.for %parallel_loop3A_535 = %parallel_loop3A_525 to %parallel_loop3A_526 step %parallel_loop3A_527  : i32 {
          %parallel_loop3A_536 = arith.constant 112 : i32
          %parallel_loop3A_537 = arith.muli %add3A_436, %parallel_loop3A_536 : i32
          %parallel_loop3A_538 = arith.addi %parallel_loop3A_537, %parallel_loop3A_535 : i32
          %parallel_loop3A_539 = vector.broadcast %parallel_loop3A_538 : i32 to vector<16xi32>
          %parallel_loop3A_540 = tpu.vector_load_idx %arg25[%parallel_loop3A_539] : memref<10192xf32, #tpu.memory_space<vmem>>[vector<16xi32>], vector<16xf32>,
          %parallel_loop3A_541 = arith.index_cast %parallel_loop3A_535 : i32 to index
          %parallel_loop3A_542 = arith.constant 0 : index
          %parallel_loop3A_543 = tpu.vector_load %arg27[%parallel_loop3A_541, %parallel_loop3A_542] {strides = array<i32>} : memref<112x128xf32, #tpu.memory_space<vmem>>, vector<16xf32>,
          %parallel_loop3A_544 = arith.mulf %parallel_loop3A_543, %parallel_loop3A_540 : vector<16xf32>
          %parallel_loop3A_545 = arith.index_cast %parallel_loop3A_535 : i32 to index
          %parallel_loop3A_546 = arith.constant 0 : index
          %parallel_loop3A_547 = tpu.vector_load %arg27[%parallel_loop3A_545, %parallel_loop3A_546] {strides = array<i32>} : memref<112x128xf32, #tpu.memory_space<vmem>>, vector<16xf32>,
          tpu.vector_store %arg27[%parallel_loop3A_545, %parallel_loop3A_546], %parallel_loop3A_544 {strides = array<i32>} : memref<112x128xf32, #tpu.memory_space<vmem>>, vector<16xf32>,
          %parallel_loop3A_548 = arith.index_cast %parallel_loop3A_535 : i32 to index
          %parallel_loop3A_549 = arith.constant 16 : index
          %parallel_loop3A_550 = tpu.vector_load %arg27[%parallel_loop3A_548, %parallel_loop3A_549] {strides = array<i32>} : memref<112x128xf32, #tpu.memory_space<vmem>>, vector<16xf32>,
          %parallel_loop3A_551 = arith.mulf %parallel_loop3A_550, %parallel_loop3A_540 : vector<16xf32>
          %parallel_loop3A_552 = arith.index_cast %parallel_loop3A_535 : i32 to index
          %parallel_loop3A_553 = arith.constant 16 : index
          %parallel_loop3A_554 = tpu.vector_load %arg27[%parallel_loop3A_552, %parallel_loop3A_553] {strides = array<i32>} : memref<112x128xf32, #tpu.memory_space<vmem>>, vector<16xf32>,
          tpu.vector_store %arg27[%parallel_loop3A_552, %parallel_loop3A_553], %parallel_loop3A_551 {strides = array<i32>} : memref<112x128xf32, #tpu.memory_space<vmem>>, vector<16xf32>,
          %parallel_loop3A_555 = arith.index_cast %parallel_loop3A_535 : i32 to index
          %parallel_loop3A_556 = arith.constant 32 : index
          %parallel_loop3A_557 = tpu.vector_load %arg27[%parallel_loop3A_555, %parallel_loop3A_556] {strides = array<i32>} : memref<112x128xf32, #tpu.memory_space<vmem>>, vector<16xf32>,
          %parallel_loop3A_558 = arith.mulf %parallel_loop3A_557, %parallel_loop3A_540 : vector<16xf32>
          %parallel_loop3A_559 = arith.index_cast %parallel_loop3A_535 : i32 to index
          %parallel_loop3A_560 = arith.constant 32 : index
          %parallel_loop3A_561 = tpu.vector_load %arg27[%parallel_loop3A_559, %parallel_loop3A_560] {strides = array<i32>} : memref<112x128xf32, #tpu.memory_space<vmem>>, vector<16xf32>,
          tpu.vector_store %arg27[%parallel_loop3A_559, %parallel_loop3A_560], %parallel_loop3A_558 {strides = array<i32>} : memref<112x128xf32, #tpu.memory_space<vmem>>, vector<16xf32>,
          %parallel_loop3A_562 = arith.index_cast %parallel_loop3A_535 : i32 to index
          %parallel_loop3A_563 = arith.constant 48 : index
          %parallel_loop3A_564 = tpu.vector_load %arg27[%parallel_loop3A_562, %parallel_loop3A_563] {strides = array<i32>} : memref<112x128xf32, #tpu.memory_space<vmem>>, vector<16xf32>,
          %parallel_loop3A_565 = arith.mulf %parallel_loop3A_564, %parallel_loop3A_540 : vector<16xf32>
          %parallel_loop3A_566 = arith.index_cast %parallel_loop3A_535 : i32 to index
          %parallel_loop3A_567 = arith.constant 48 : index
          %parallel_loop3A_568 = tpu.vector_load %arg27[%parallel_loop3A_566, %parallel_loop3A_567] {strides = array<i32>} : memref<112x128xf32, #tpu.memory_space<vmem>>, vector<16xf32>,
          tpu.vector_store %arg27[%parallel_loop3A_566, %parallel_loop3A_567], %parallel_loop3A_565 {strides = array<i32>} : memref<112x128xf32, #tpu.memory_space<vmem>>, vector<16xf32>,
          %parallel_loop3A_569 = arith.index_cast %parallel_loop3A_535 : i32 to index
          %parallel_loop3A_570 = arith.constant 64 : index
          %parallel_loop3A_571 = tpu.vector_load %arg27[%parallel_loop3A_569, %parallel_loop3A_570] {strides = array<i32>} : memref<112x128xf32, #tpu.memory_space<vmem>>, vector<16xf32>,
          %parallel_loop3A_572 = arith.mulf %parallel_loop3A_571, %parallel_loop3A_540 : vector<16xf32>
          %parallel_loop3A_573 = arith.index_cast %parallel_loop3A_535 : i32 to index
          %parallel_loop3A_574 = arith.constant 64 : index
          %parallel_loop3A_575 = tpu.vector_load %arg27[%parallel_loop3A_573, %parallel_loop3A_574] {strides = array<i32>} : memref<112x128xf32, #tpu.memory_space<vmem>>, vector<16xf32>,
          tpu.vector_store %arg27[%parallel_loop3A_573, %parallel_loop3A_574], %parallel_loop3A_572 {strides = array<i32>} : memref<112x128xf32, #tpu.memory_space<vmem>>, vector<16xf32>,
          %parallel_loop3A_576 = arith.index_cast %parallel_loop3A_535 : i32 to index
          %parallel_loop3A_577 = arith.constant 80 : index
          %parallel_loop3A_578 = tpu.vector_load %arg27[%parallel_loop3A_576, %parallel_loop3A_577] {strides = array<i32>} : memref<112x128xf32, #tpu.memory_space<vmem>>, vector<16xf32>,
          %parallel_loop3A_579 = arith.mulf %parallel_loop3A_578, %parallel_loop3A_540 : vector<16xf32>
          %parallel_loop3A_580 = arith.index_cast %parallel_loop3A_535 : i32 to index
          %parallel_loop3A_581 = arith.constant 80 : index
          %parallel_loop3A_582 = tpu.vector_load %arg27[%parallel_loop3A_580, %parallel_loop3A_581] {strides = array<i32>} : memref<112x128xf32, #tpu.memory_space<vmem>>, vector<16xf32>,
          tpu.vector_store %arg27[%parallel_loop3A_580, %parallel_loop3A_581], %parallel_loop3A_579 {strides = array<i32>} : memref<112x128xf32, #tpu.memory_space<vmem>>, vector<16xf32>,
          %parallel_loop3A_583 = arith.index_cast %parallel_loop3A_535 : i32 to index
          %parallel_loop3A_584 = arith.constant 96 : index
          %parallel_loop3A_585 = tpu.vector_load %arg27[%parallel_loop3A_583, %parallel_loop3A_584] {strides = array<i32>} : memref<112x128xf32, #tpu.memory_space<vmem>>, vector<16xf32>,
          %parallel_loop3A_586 = arith.mulf %parallel_loop3A_585, %parallel_loop3A_540 : vector<16xf32>
          %parallel_loop3A_587 = arith.index_cast %parallel_loop3A_535 : i32 to index
          %parallel_loop3A_588 = arith.constant 96 : index
          %parallel_loop3A_589 = tpu.vector_load %arg27[%parallel_loop3A_587, %parallel_loop3A_588] {strides = array<i32>} : memref<112x128xf32, #tpu.memory_space<vmem>>, vector<16xf32>,
          tpu.vector_store %arg27[%parallel_loop3A_587, %parallel_loop3A_588], %parallel_loop3A_586 {strides = array<i32>} : memref<112x128xf32, #tpu.memory_space<vmem>>, vector<16xf32>,
          %parallel_loop3A_590 = arith.index_cast %parallel_loop3A_535 : i32 to index
          %parallel_loop3A_591 = arith.constant 112 : index
          %parallel_loop3A_592 = tpu.vector_load %arg27[%parallel_loop3A_590, %parallel_loop3A_591] {strides = array<i32>} : memref<112x128xf32, #tpu.memory_space<vmem>>, vector<16xf32>,
          %parallel_loop3A_593 = arith.mulf %parallel_loop3A_592, %parallel_loop3A_540 : vector<16xf32>
          %parallel_loop3A_594 = arith.index_cast %parallel_loop3A_535 : i32 to index
          %parallel_loop3A_595 = arith.constant 112 : index
          %parallel_loop3A_596 = tpu.vector_load %arg27[%parallel_loop3A_594, %parallel_loop3A_595] {strides = array<i32>} : memref<112x128xf32, #tpu.memory_space<vmem>>, vector<16xf32>,
          tpu.vector_store %arg27[%parallel_loop3A_594, %parallel_loop3A_595], %parallel_loop3A_593 {strides = array<i32>} : memref<112x128xf32, #tpu.memory_space<vmem>>, vector<16xf32>,
        } {sc.loop_unroll_factor = 4 : i64, sc.parallel_access}
        %dma_start3A_528 = arith.constant 1 : i32
        %dma_start3A_529 = arith.constant 0 : i32
        %dma_start3A_530 = tpu.memref_slice %arg28[%dma_start3A_528, %dma_start3A_529] : memref<2x112xi32, #tpu.memory_space<vmem>> -> memref<1x112xi32, #tpu.memory_space<vmem>>
        %dma_start3A_531 = tpu.memref_squeeze %dma_start3A_530 : memref<1x112xi32, #tpu.memory_space<vmem>> -> memref<112xi32, #tpu.memory_space<vmem>>
        %dma_start3A_532 = arith.constant 0 : i32
        %dma_start3A_533 = arith.constant 0 : i32
        %dma_start3A_534 = tpu.memref_slice %arg31[%dma_start3A_532, %dma_start3A_533] : memref<1040x128xf32, #tpu.memory_space<vmem_shared>> -> memref<1040x128xf32, #tpu.memory_space<vmem_shared>>
        tpu.enqueue_indirect_dma source(%arg27 : memref<112x128xf32, #tpu.memory_space<vmem>>) target(%dma_start3A_534 : memref<1040x128xf32, #tpu.memory_space<vmem_shared>>) offsets(%dma_start3A_531 : memref<112xi32, #tpu.memory_space<vmem>>) semaphore(%arg35 : memref<!tpu.dma_semaphore, #tpu.memory_space<semaphore_mem>>) {add = true}
      } else {
      }
    }
    %gt3A_362 = arith.constant 1 : i32
    %gt3A_363 = arith.cmpi sgt, %select_n3A_320, %gt3A_362 : i32
    %convert_element_type3A_364 = arith.extui %gt3A_363 : i1 to i32
    %cond3A_365 = arith.constant 0 : i32
    %cond3A_366 = arith.cmpi ne, %convert_element_type3A_364, %cond3A_365 : i32
    scf.if %cond3A_366 {
      %dma_wait3A_432 = arith.constant 0 : i32
      %dma_wait3A_433 = arith.constant 0 : i32
      %dma_wait3A_434 = tpu.memref_slice %arg28[%dma_wait3A_432, %dma_wait3A_433] : memref<2x112xi32, #tpu.memory_space<vmem>> -> memref<1x112xi32, #tpu.memory_space<vmem>>
      %dma_wait3A_435 = tpu.memref_squeeze %dma_wait3A_434 : memref<1x112xi32, #tpu.memory_space<vmem>> -> memref<112xi32, #tpu.memory_space<vmem>>
      %dma_wait3A_436 = arith.constant 0 : i32
      %dma_wait3A_437 = arith.constant 0 : i32
      %dma_wait3A_438 = tpu.memref_slice %arg31[%dma_wait3A_436, %dma_wait3A_437] : memref<1040x128xf32, #tpu.memory_space<vmem_shared>> -> memref<1040x128xf32, #tpu.memory_space<vmem_shared>>
      tpu.wait_indirect_dma semaphore(%arg34 : memref<!tpu.dma_semaphore, #tpu.memory_space<semaphore_mem>>) src(%arg26 : memref<112x128xf32, #tpu.memory_space<vmem>>) dst(%dma_wait3A_438 : memref<1040x128xf32, #tpu.memory_space<vmem_shared>>)
      %dma_wait3A_439 = arith.constant 1 : i32
      %dma_wait3A_440 = arith.constant 0 : i32
      %dma_wait3A_441 = tpu.memref_slice %arg28[%dma_wait3A_439, %dma_wait3A_440] : memref<2x112xi32, #tpu.memory_space<vmem>> -> memref<1x112xi32, #tpu.memory_space<vmem>>
      %dma_wait3A_442 = tpu.memref_squeeze %dma_wait3A_441 : memref<1x112xi32, #tpu.memory_space<vmem>> -> memref<112xi32, #tpu.memory_space<vmem>>
      %dma_wait3A_443 = arith.constant 0 : i32
      %dma_wait3A_444 = arith.constant 0 : i32
      %dma_wait3A_445 = tpu.memref_slice %arg31[%dma_wait3A_443, %dma_wait3A_444] : memref<1040x128xf32, #tpu.memory_space<vmem_shared>> -> memref<1040x128xf32, #tpu.memory_space<vmem_shared>>
      tpu.wait_indirect_dma semaphore(%arg35 : memref<!tpu.dma_semaphore, #tpu.memory_space<semaphore_mem>>) src(%arg27 : memref<112x128xf32, #tpu.memory_space<vmem>>) dst(%dma_wait3A_445 : memref<1040x128xf32, #tpu.memory_space<vmem_shared>>)
    } else {
    }
    %eq3A_367 = arith.constant 1 : i32
    %eq3A_368 = arith.cmpi eq, %select_n3A_320, %eq3A_367 : i32
    %convert_element_type3A_369 = arith.extui %eq3A_368 : i1 to i32
    %cond3A_370 = arith.constant 0 : i32
    %cond3A_371 = arith.cmpi ne, %convert_element_type3A_369, %cond3A_370 : i32
    scf.if %cond3A_371 {
      %dma_wait3A_432 = arith.constant 0 : i32
      %dma_wait3A_433 = arith.constant 0 : i32
      %dma_wait3A_434 = tpu.memref_slice %arg28[%dma_wait3A_432, %dma_wait3A_433] : memref<2x112xi32, #tpu.memory_space<vmem>> -> memref<1x112xi32, #tpu.memory_space<vmem>>
      %dma_wait3A_435 = tpu.memref_squeeze %dma_wait3A_434 : memref<1x112xi32, #tpu.memory_space<vmem>> -> memref<112xi32, #tpu.memory_space<vmem>>
      %dma_wait3A_436 = arith.constant 0 : i32
      %dma_wait3A_437 = arith.constant 0 : i32
      %dma_wait3A_438 = tpu.memref_slice %arg31[%dma_wait3A_436, %dma_wait3A_437] : memref<1040x128xf32, #tpu.memory_space<vmem_shared>> -> memref<1040x128xf32, #tpu.memory_space<vmem_shared>>
      tpu.wait_indirect_dma semaphore(%arg34 : memref<!tpu.dma_semaphore, #tpu.memory_space<semaphore_mem>>) src(%arg26 : memref<112x128xf32, #tpu.memory_space<vmem>>) dst(%dma_wait3A_438 : memref<1040x128xf32, #tpu.memory_space<vmem_shared>>)
    } else {
    }
    %dma_start3A_372 = arith.constant 0 : i32
    %dma_start3A_373 = tpu.memref_slice %arg20[%dma_start3A_372] : memref<10000xi32, #tpu.memory_space<vmem>> -> memref<1024xi32, #tpu.memory_space<vmem>>
    %dma_start3A_374 = arith.constant 0 : i32
    %dma_start3A_375 = tpu.memref_slice %arg20[%dma_start3A_374] : memref<10000xi32, #tpu.memory_space<vmem>> -> memref<1024xi32, #tpu.memory_space<vmem>>
    tpu.enqueue_dma source(%arg10 : memref<1024xi32, #tpu.memory_space<hbm>>) target(%dma_start3A_375 : memref<1024xi32, #tpu.memory_space<vmem>>) target_semaphore(%arg36 : memref<!tpu.dma_semaphore, #tpu.memory_space<semaphore_mem>>)
    %dma_start3A_376 = arith.constant 1024 : i32
    %dma_start3A_377 = tpu.memref_slice %arg20[%dma_start3A_376] : memref<10000xi32, #tpu.memory_space<vmem>> -> memref<1024xi32, #tpu.memory_space<vmem>>
    %dma_start3A_378 = arith.constant 1024 : i32
    %dma_start3A_379 = tpu.memref_slice %arg20[%dma_start3A_378] : memref<10000xi32, #tpu.memory_space<vmem>> -> memref<1024xi32, #tpu.memory_space<vmem>>
    tpu.enqueue_dma source(%arg11 : memref<1024xi32, #tpu.memory_space<hbm>>) target(%dma_start3A_379 : memref<1024xi32, #tpu.memory_space<vmem>>) target_semaphore(%arg37 : memref<!tpu.dma_semaphore, #tpu.memory_space<semaphore_mem>>)
    %dma_wait3A_380 = arith.constant 0 : i32
    %dma_wait3A_381 = tpu.memref_slice %arg20[%dma_wait3A_380] : memref<10000xi32, #tpu.memory_space<vmem>> -> memref<1024xi32, #tpu.memory_space<vmem>>
    %dma_wait3A_382 = arith.constant 0 : i32
    %dma_wait3A_383 = tpu.memref_slice %arg20[%dma_wait3A_382] : memref<10000xi32, #tpu.memory_space<vmem>> -> memref<1024xi32, #tpu.memory_space<vmem>>
    tpu.wait_dma2 semaphore(%arg36 : memref<!tpu.dma_semaphore, #tpu.memory_space<semaphore_mem>>) src(%arg10 : memref<1024xi32, #tpu.memory_space<hbm>>) dst(%dma_wait3A_383 : memref<1024xi32, #tpu.memory_space<vmem>>)
    %dma_wait3A_384 = arith.constant 1024 : i32
    %dma_wait3A_385 = tpu.memref_slice %arg20[%dma_wait3A_384] : memref<10000xi32, #tpu.memory_space<vmem>> -> memref<1024xi32, #tpu.memory_space<vmem>>
    %dma_wait3A_386 = arith.constant 1024 : i32
    %dma_wait3A_387 = tpu.memref_slice %arg20[%dma_wait3A_386] : memref<10000xi32, #tpu.memory_space<vmem>> -> memref<1024xi32, #tpu.memory_space<vmem>>
    tpu.wait_dma2 semaphore(%arg37 : memref<!tpu.dma_semaphore, #tpu.memory_space<semaphore_mem>>) src(%arg11 : memref<1024xi32, #tpu.memory_space<hbm>>) dst(%dma_wait3A_387 : memref<1024xi32, #tpu.memory_space<vmem>>)
    %barrier3A_388 = arith.constant 0 : index
    tpu.barrier barrier_id(%barrier3A_388)
    %mul3A_389 = arith.constant 64 : i32
    %mul3A_390 = arith.muli %arg1, %mul3A_389 : i32
    %mul3A_391 = arith.constant 64 : i32
    %mul3A_392 = arith.muli %arg1, %mul3A_391 : i32
    %dma_start3A_393 = arith.constant 0 : i32
    %dma_start3A_394 = tpu.memref_slice %arg12[%arg0, %mul3A_392, %dma_start3A_393] : memref<2x1024x128xf32, #tpu.memory_space<hbm>> -> memref<1x64x128xf32, #tpu.memory_space<hbm>>
    %dma_start3A_395 = tpu.memref_squeeze %dma_start3A_394 : memref<1x64x128xf32, #tpu.memory_space<hbm>> -> memref<64x128xf32, #tpu.memory_space<hbm>>
    %dma_start3A_396 = arith.constant 0 : i32
    %dma_start3A_397 = tpu.memref_slice %arg30[%mul3A_390, %dma_start3A_396] : memref<1040x128xf32, #tpu.memory_space<vmem_shared>> -> memref<64x128xf32, #tpu.memory_space<vmem_shared>>
    tpu.enqueue_dma source(%dma_start3A_397 : memref<64x128xf32, #tpu.memory_space<vmem_shared>>) target(%dma_start3A_395 : memref<64x128xf32, #tpu.memory_space<hbm>>) target_semaphore(%arg34 : memref<!tpu.dma_semaphore, #tpu.memory_space<semaphore_mem>>)
    %mul3A_398 = arith.constant 64 : i32
    %mul3A_399 = arith.muli %arg1, %mul3A_398 : i32
    %mul3A_400 = arith.constant 64 : i32
    %mul3A_401 = arith.muli %arg1, %mul3A_400 : i32
    %dma_start3A_402 = arith.constant 0 : i32
    %dma_start3A_403 = tpu.memref_slice %arg13[%arg0, %mul3A_401, %dma_start3A_402] : memref<2x1024x128xf32, #tpu.memory_space<hbm>> -> memref<1x64x128xf32, #tpu.memory_space<hbm>>
    %dma_start3A_404 = tpu.memref_squeeze %dma_start3A_403 : memref<1x64x128xf32, #tpu.memory_space<hbm>> -> memref<64x128xf32, #tpu.memory_space<hbm>>
    %dma_start3A_405 = arith.constant 0 : i32
    %dma_start3A_406 = tpu.memref_slice %arg31[%mul3A_399, %dma_start3A_405] : memref<1040x128xf32, #tpu.memory_space<vmem_shared>> -> memref<64x128xf32, #tpu.memory_space<vmem_shared>>
    tpu.enqueue_dma source(%dma_start3A_406 : memref<64x128xf32, #tpu.memory_space<vmem_shared>>) target(%dma_start3A_404 : memref<64x128xf32, #tpu.memory_space<hbm>>) target_semaphore(%arg35 : memref<!tpu.dma_semaphore, #tpu.memory_space<semaphore_mem>>)
    %eq3A_407 = arith.constant 0 : i32
    %eq3A_408 = arith.cmpi eq, %arg0, %eq3A_407 : i32
    %convert_element_type3A_409 = arith.extui %eq3A_408 : i1 to i32
    %cond3A_410 = arith.constant 0 : i32
    %cond3A_411 = arith.cmpi ne, %convert_element_type3A_409, %cond3A_410 : i32
    scf.if %cond3A_411 {
      %add3A_432 = arith.constant 0 : i32
      %add3A_433 = arith.addi %mul3A_4, %add3A_432 : i32
      %get3A = arith.index_cast %add3A_433 : i32 to index
      %get3A_434 = tpu.vector_load %arg20[%get3A] {strides = array<i32>} : memref<10000xi32, #tpu.memory_space<vmem>>, vector<16xi32>,
      %gather3A = tpu.vector_load_idx %arg18[%get3A_434] : memref<10000xi32, #tpu.memory_space<vmem>>[vector<16xi32>], vector<16xi32>,
      %swap3A_435 = arith.constant 0 : i32
      %swap3A_436 = arith.index_cast %swap3A_435 : i32 to index
      %swap3A_437 = arith.constant 0 : index
      %swap3A_438 = tpu.vector_load %arg29[%swap3A_436, %swap3A_437] {strides = array<i32>} : memref<2x64xi32, #tpu.memory_space<vmem>>, vector<16xi32>,
      tpu.vector_store %arg29[%swap3A_436, %swap3A_437], %gather3A {strides = array<i32>} : memref<2x64xi32, #tpu.memory_space<vmem>>, vector<16xi32>,
      %add3A_439 = arith.constant 1024 : i32
      %add3A_440 = arith.addi %add3A_439, %mul3A_4 : i32
      %add3A_441 = arith.constant 0 : i32
      %add3A_442 = arith.addi %add3A_440, %add3A_441 : i32
      %get3A_443 = arith.index_cast %add3A_442 : i32 to index
      %get3A_444 = tpu.vector_load %arg20[%get3A_443] {strides = array<i32>} : memref<10000xi32, #tpu.memory_space<vmem>>, vector<16xi32>,
      %gather3A_445 = tpu.vector_load_idx %arg19[%get3A_444] : memref<10000xi32, #tpu.memory_space<vmem>>[vector<16xi32>], vector<16xi32>,
      %swap3A_446 = arith.constant 1 : i32
      %swap3A_447 = arith.index_cast %swap3A_446 : i32 to index
      %swap3A_448 = arith.constant 0 : index
      %swap3A_449 = tpu.vector_load %arg29[%swap3A_447, %swap3A_448] {strides = array<i32>} : memref<2x64xi32, #tpu.memory_space<vmem>>, vector<16xi32>,
      tpu.vector_store %arg29[%swap3A_447, %swap3A_448], %gather3A_445 {strides = array<i32>} : memref<2x64xi32, #tpu.memory_space<vmem>>, vector<16xi32>,
      %add3A_450 = arith.constant 16 : i32
      %add3A_451 = arith.addi %mul3A_4, %add3A_450 : i32
      %get3A_452 = arith.index_cast %add3A_451 : i32 to index
      %get3A_453 = tpu.vector_load %arg20[%get3A_452] {strides = array<i32>} : memref<10000xi32, #tpu.memory_space<vmem>>, vector<16xi32>,
      %gather3A_454 = tpu.vector_load_idx %arg18[%get3A_453] : memref<10000xi32, #tpu.memory_space<vmem>>[vector<16xi32>], vector<16xi32>,
      %swap3A_455 = arith.constant 0 : i32
      %swap3A_456 = arith.index_cast %swap3A_455 : i32 to index
      %swap3A_457 = arith.constant 16 : index
      %swap3A_458 = tpu.vector_load %arg29[%swap3A_456, %swap3A_457] {strides = array<i32>} : memref<2x64xi32, #tpu.memory_space<vmem>>, vector<16xi32>,
      tpu.vector_store %arg29[%swap3A_456, %swap3A_457], %gather3A_454 {strides = array<i32>} : memref<2x64xi32, #tpu.memory_space<vmem>>, vector<16xi32>,
      %add3A_459 = arith.constant 1024 : i32
      %add3A_460 = arith.addi %add3A_459, %mul3A_4 : i32
      %add3A_461 = arith.constant 16 : i32
      %add3A_462 = arith.addi %add3A_460, %add3A_461 : i32
      %get3A_463 = arith.index_cast %add3A_462 : i32 to index
      %get3A_464 = tpu.vector_load %arg20[%get3A_463] {strides = array<i32>} : memref<10000xi32, #tpu.memory_space<vmem>>, vector<16xi32>,
      %gather3A_465 = tpu.vector_load_idx %arg19[%get3A_464] : memref<10000xi32, #tpu.memory_space<vmem>>[vector<16xi32>], vector<16xi32>,
      %swap3A_466 = arith.constant 1 : i32
      %swap3A_467 = arith.index_cast %swap3A_466 : i32 to index
      %swap3A_468 = arith.constant 16 : index
      %swap3A_469 = tpu.vector_load %arg29[%swap3A_467, %swap3A_468] {strides = array<i32>} : memref<2x64xi32, #tpu.memory_space<vmem>>, vector<16xi32>,
      tpu.vector_store %arg29[%swap3A_467, %swap3A_468], %gather3A_465 {strides = array<i32>} : memref<2x64xi32, #tpu.memory_space<vmem>>, vector<16xi32>,
      %add3A_470 = arith.constant 32 : i32
      %add3A_471 = arith.addi %mul3A_4, %add3A_470 : i32
      %get3A_472 = arith.index_cast %add3A_471 : i32 to index
      %get3A_473 = tpu.vector_load %arg20[%get3A_472] {strides = array<i32>} : memref<10000xi32, #tpu.memory_space<vmem>>, vector<16xi32>,
      %gather3A_474 = tpu.vector_load_idx %arg18[%get3A_473] : memref<10000xi32, #tpu.memory_space<vmem>>[vector<16xi32>], vector<16xi32>,
      %swap3A_475 = arith.constant 0 : i32
      %swap3A_476 = arith.index_cast %swap3A_475 : i32 to index
      %swap3A_477 = arith.constant 32 : index
      %swap3A_478 = tpu.vector_load %arg29[%swap3A_476, %swap3A_477] {strides = array<i32>} : memref<2x64xi32, #tpu.memory_space<vmem>>, vector<16xi32>,
      tpu.vector_store %arg29[%swap3A_476, %swap3A_477], %gather3A_474 {strides = array<i32>} : memref<2x64xi32, #tpu.memory_space<vmem>>, vector<16xi32>,
      %add3A_479 = arith.constant 1024 : i32
      %add3A_480 = arith.addi %add3A_479, %mul3A_4 : i32
      %add3A_481 = arith.constant 32 : i32
      %add3A_482 = arith.addi %add3A_480, %add3A_481 : i32
      %get3A_483 = arith.index_cast %add3A_482 : i32 to index
      %get3A_484 = tpu.vector_load %arg20[%get3A_483] {strides = array<i32>} : memref<10000xi32, #tpu.memory_space<vmem>>, vector<16xi32>,
      %gather3A_485 = tpu.vector_load_idx %arg19[%get3A_484] : memref<10000xi32, #tpu.memory_space<vmem>>[vector<16xi32>], vector<16xi32>,
      %swap3A_486 = arith.constant 1 : i32
      %swap3A_487 = arith.index_cast %swap3A_486 : i32 to index
      %swap3A_488 = arith.constant 32 : index
      %swap3A_489 = tpu.vector_load %arg29[%swap3A_487, %swap3A_488] {strides = array<i32>} : memref<2x64xi32, #tpu.memory_space<vmem>>, vector<16xi32>,
      tpu.vector_store %arg29[%swap3A_487, %swap3A_488], %gather3A_485 {strides = array<i32>} : memref<2x64xi32, #tpu.memory_space<vmem>>, vector<16xi32>,
      %add3A_490 = arith.constant 48 : i32
      %add3A_491 = arith.addi %mul3A_4, %add3A_490 : i32
      %get3A_492 = arith.index_cast %add3A_491 : i32 to index
      %get3A_493 = tpu.vector_load %arg20[%get3A_492] {strides = array<i32>} : memref<10000xi32, #tpu.memory_space<vmem>>, vector<16xi32>,
      %gather3A_494 = tpu.vector_load_idx %arg18[%get3A_493] : memref<10000xi32, #tpu.memory_space<vmem>>[vector<16xi32>], vector<16xi32>,
      %swap3A_495 = arith.constant 0 : i32
      %swap3A_496 = arith.index_cast %swap3A_495 : i32 to index
      %swap3A_497 = arith.constant 48 : index
      %swap3A_498 = tpu.vector_load %arg29[%swap3A_496, %swap3A_497] {strides = array<i32>} : memref<2x64xi32, #tpu.memory_space<vmem>>, vector<16xi32>,
      tpu.vector_store %arg29[%swap3A_496, %swap3A_497], %gather3A_494 {strides = array<i32>} : memref<2x64xi32, #tpu.memory_space<vmem>>, vector<16xi32>,
      %add3A_499 = arith.constant 1024 : i32
      %add3A_500 = arith.addi %add3A_499, %mul3A_4 : i32
      %add3A_501 = arith.constant 48 : i32
      %add3A_502 = arith.addi %add3A_500, %add3A_501 : i32
      %get3A_503 = arith.index_cast %add3A_502 : i32 to index
      %get3A_504 = tpu.vector_load %arg20[%get3A_503] {strides = array<i32>} : memref<10000xi32, #tpu.memory_space<vmem>>, vector<16xi32>,
      %gather3A_505 = tpu.vector_load_idx %arg19[%get3A_504] : memref<10000xi32, #tpu.memory_space<vmem>>[vector<16xi32>], vector<16xi32>,
      %swap3A_506 = arith.constant 1 : i32
      %swap3A_507 = arith.index_cast %swap3A_506 : i32 to index
      %swap3A_508 = arith.constant 48 : index
      %swap3A_509 = tpu.vector_load %arg29[%swap3A_507, %swap3A_508] {strides = array<i32>} : memref<2x64xi32, #tpu.memory_space<vmem>>, vector<16xi32>,
      tpu.vector_store %arg29[%swap3A_507, %swap3A_508], %gather3A_505 {strides = array<i32>} : memref<2x64xi32, #tpu.memory_space<vmem>>, vector<16xi32>,
      %dma_start3A_510 = arith.constant 0 : i32
      %dma_start3A_511 = arith.constant 0 : i32
      %dma_start3A_512 = arith.constant 0 : i32
      %dma_start3A_513 = tpu.memref_slice %arg29[%dma_start3A_510, %dma_start3A_512] : memref<2x64xi32, #tpu.memory_space<vmem>> -> memref<1x64xi32, #tpu.memory_space<vmem>>
      %dma_start3A_514 = tpu.memref_squeeze %dma_start3A_513 : memref<1x64xi32, #tpu.memory_space<vmem>> -> memref<64xi32, #tpu.memory_space<vmem>>
      %dma_start3A_515 = tpu.memref_slice %arg14[%dma_start3A_511, %mul3A_4] : memref<1x1024xi32, #tpu.memory_space<hbm>> -> memref<1x64xi32, #tpu.memory_space<hbm>>
      %dma_start3A_516 = tpu.memref_squeeze %dma_start3A_515 : memref<1x64xi32, #tpu.memory_space<hbm>> -> memref<64xi32, #tpu.memory_space<hbm>>
      %dma_start3A_517 = tpu.memref_slice %arg14[%dma_start3A_511, %mul3A_4] : memref<1x1024xi32, #tpu.memory_space<hbm>> -> memref<1x64xi32, #tpu.memory_space<hbm>>
      %dma_start3A_518 = tpu.memref_squeeze %dma_start3A_517 : memref<1x64xi32, #tpu.memory_space<hbm>> -> memref<64xi32, #tpu.memory_space<hbm>>
      %dma_start3A_519 = arith.constant 0 : i32
      %dma_start3A_520 = tpu.memref_slice %arg29[%dma_start3A_510, %dma_start3A_519] : memref<2x64xi32, #tpu.memory_space<vmem>> -> memref<1x64xi32, #tpu.memory_space<vmem>>
      %dma_start3A_521 = tpu.memref_squeeze %dma_start3A_520 : memref<1x64xi32, #tpu.memory_space<vmem>> -> memref<64xi32, #tpu.memory_space<vmem>>
      tpu.enqueue_dma source(%dma_start3A_521 : memref<64xi32, #tpu.memory_space<vmem>>) target(%dma_start3A_518 : memref<64xi32, #tpu.memory_space<hbm>>) target_semaphore(%arg33 : memref<!tpu.dma_semaphore, #tpu.memory_space<semaphore_mem>>)
      %dma_start3A_522 = arith.constant 1 : i32
      %dma_start3A_523 = arith.constant 0 : i32
      %dma_start3A_524 = arith.constant 0 : i32
      %dma_start3A_525 = tpu.memref_slice %arg29[%dma_start3A_522, %dma_start3A_524] : memref<2x64xi32, #tpu.memory_space<vmem>> -> memref<1x64xi32, #tpu.memory_space<vmem>>
      %dma_start3A_526 = tpu.memref_squeeze %dma_start3A_525 : memref<1x64xi32, #tpu.memory_space<vmem>> -> memref<64xi32, #tpu.memory_space<vmem>>
      %dma_start3A_527 = tpu.memref_slice %arg15[%dma_start3A_523, %mul3A_4] : memref<1x1024xi32, #tpu.memory_space<hbm>> -> memref<1x64xi32, #tpu.memory_space<hbm>>
      %dma_start3A_528 = tpu.memref_squeeze %dma_start3A_527 : memref<1x64xi32, #tpu.memory_space<hbm>> -> memref<64xi32, #tpu.memory_space<hbm>>
      %dma_start3A_529 = tpu.memref_slice %arg15[%dma_start3A_523, %mul3A_4] : memref<1x1024xi32, #tpu.memory_space<hbm>> -> memref<1x64xi32, #tpu.memory_space<hbm>>
      %dma_start3A_530 = tpu.memref_squeeze %dma_start3A_529 : memref<1x64xi32, #tpu.memory_space<hbm>> -> memref<64xi32, #tpu.memory_space<hbm>>
      %dma_start3A_531 = arith.constant 0 : i32
      %dma_start3A_532 = tpu.memref_slice %arg29[%dma_start3A_522, %dma_start3A_531] : memref<2x64xi32, #tpu.memory_space<vmem>> -> memref<1x64xi32, #tpu.memory_space<vmem>>
      %dma_start3A_533 = tpu.memref_squeeze %dma_start3A_532 : memref<1x64xi32, #tpu.memory_space<vmem>> -> memref<64xi32, #tpu.memory_space<vmem>>
      tpu.enqueue_dma source(%dma_start3A_533 : memref<64xi32, #tpu.memory_space<vmem>>) target(%dma_start3A_530 : memref<64xi32, #tpu.memory_space<hbm>>) target_semaphore(%arg36 : memref<!tpu.dma_semaphore, #tpu.memory_space<semaphore_mem>>)
      %dma_wait3A_534 = arith.constant 0 : i32
      %dma_wait3A_535 = arith.constant 0 : i32
      %dma_wait3A_536 = arith.constant 0 : i32
      %dma_wait3A_537 = tpu.memref_slice %arg29[%dma_wait3A_534, %dma_wait3A_536] : memref<2x64xi32, #tpu.memory_space<vmem>> -> memref<1x64xi32, #tpu.memory_space<vmem>>
      %dma_wait3A_538 = tpu.memref_squeeze %dma_wait3A_537 : memref<1x64xi32, #tpu.memory_space<vmem>> -> memref<64xi32, #tpu.memory_space<vmem>>
      %dma_wait3A_539 = tpu.memref_slice %arg14[%dma_wait3A_535, %mul3A_4] : memref<1x1024xi32, #tpu.memory_space<hbm>> -> memref<1x64xi32, #tpu.memory_space<hbm>>
      %dma_wait3A_540 = tpu.memref_squeeze %dma_wait3A_539 : memref<1x64xi32, #tpu.memory_space<hbm>> -> memref<64xi32, #tpu.memory_space<hbm>>
      %dma_wait3A_541 = tpu.memref_slice %arg14[%dma_wait3A_535, %mul3A_4] : memref<1x1024xi32, #tpu.memory_space<hbm>> -> memref<1x64xi32, #tpu.memory_space<hbm>>
      %dma_wait3A_542 = tpu.memref_squeeze %dma_wait3A_541 : memref<1x64xi32, #tpu.memory_space<hbm>> -> memref<64xi32, #tpu.memory_space<hbm>>
      %dma_wait3A_543 = arith.constant 0 : i32
      %dma_wait3A_544 = tpu.memref_slice %arg29[%dma_wait3A_534, %dma_wait3A_543] : memref<2x64xi32, #tpu.memory_space<vmem>> -> memref<1x64xi32, #tpu.memory_space<vmem>>
      %dma_wait3A_545 = tpu.memref_squeeze %dma_wait3A_544 : memref<1x64xi32, #tpu.memory_space<vmem>> -> memref<64xi32, #tpu.memory_space<vmem>>
      tpu.wait_dma2 semaphore(%arg33 : memref<!tpu.dma_semaphore, #tpu.memory_space<semaphore_mem>>) src(%dma_wait3A_545 : memref<64xi32, #tpu.memory_space<vmem>>) dst(%dma_wait3A_542 : memref<64xi32, #tpu.memory_space<hbm>>)
      %dma_wait3A_546 = arith.constant 1 : i32
      %dma_wait3A_547 = arith.constant 0 : i32
      %dma_wait3A_548 = arith.constant 0 : i32
      %dma_wait3A_549 = tpu.memref_slice %arg29[%dma_wait3A_546, %dma_wait3A_548] : memref<2x64xi32, #tpu.memory_space<vmem>> -> memref<1x64xi32, #tpu.memory_space<vmem>>
      %dma_wait3A_550 = tpu.memref_squeeze %dma_wait3A_549 : memref<1x64xi32, #tpu.memory_space<vmem>> -> memref<64xi32, #tpu.memory_space<vmem>>
      %dma_wait3A_551 = tpu.memref_slice %arg15[%dma_wait3A_547, %mul3A_4] : memref<1x1024xi32, #tpu.memory_space<hbm>> -> memref<1x64xi32, #tpu.memory_space<hbm>>
      %dma_wait3A_552 = tpu.memref_squeeze %dma_wait3A_551 : memref<1x64xi32, #tpu.memory_space<hbm>> -> memref<64xi32, #tpu.memory_space<hbm>>
      %dma_wait3A_553 = tpu.memref_slice %arg15[%dma_wait3A_547, %mul3A_4] : memref<1x1024xi32, #tpu.memory_space<hbm>> -> memref<1x64xi32, #tpu.memory_space<hbm>>
      %dma_wait3A_554 = tpu.memref_squeeze %dma_wait3A_553 : memref<1x64xi32, #tpu.memory_space<hbm>> -> memref<64xi32, #tpu.memory_space<hbm>>
      %dma_wait3A_555 = arith.constant 0 : i32
      %dma_wait3A_556 = tpu.memref_slice %arg29[%dma_wait3A_546, %dma_wait3A_555] : memref<2x64xi32, #tpu.memory_space<vmem>> -> memref<1x64xi32, #tpu.memory_space<vmem>>
      %dma_wait3A_557 = tpu.memref_squeeze %dma_wait3A_556 : memref<1x64xi32, #tpu.memory_space<vmem>> -> memref<64xi32, #tpu.memory_space<vmem>>
      tpu.wait_dma2 semaphore(%arg36 : memref<!tpu.dma_semaphore, #tpu.memory_space<semaphore_mem>>) src(%dma_wait3A_557 : memref<64xi32, #tpu.memory_space<vmem>>) dst(%dma_wait3A_554 : memref<64xi32, #tpu.memory_space<hbm>>)
    } else {
    }
    %dma_wait3A_412 = arith.constant 0 : i32
    %dma_wait3A_413 = tpu.memref_slice %arg12[%arg0, %mul3A_392, %dma_wait3A_412] : memref<2x1024x128xf32, #tpu.memory_space<hbm>> -> memref<1x64x128xf32, #tpu.memory_space<hbm>>
    %dma_wait3A_414 = tpu.memref_squeeze %dma_wait3A_413 : memref<1x64x128xf32, #tpu.memory_space<hbm>> -> memref<64x128xf32, #tpu.memory_space<hbm>>
    %dma_wait3A_415 = arith.constant 0 : i32
    %dma_wait3A_416 = tpu.memref_slice %arg30[%mul3A_390, %dma_wait3A_415] : memref<1040x128xf32, #tpu.memory_space<vmem_shared>> -> memref<64x128xf32, #tpu.memory_space<vmem_shared>>
    tpu.wait_dma2 semaphore(%arg34 : memref<!tpu.dma_semaphore, #tpu.memory_space<semaphore_mem>>) src(%dma_wait3A_416 : memref<64x128xf32, #tpu.memory_space<vmem_shared>>) dst(%dma_wait3A_414 : memref<64x128xf32, #tpu.memory_space<hbm>>)
    %eq3A_417 = arith.constant 0 : i32
    %eq3A_418 = arith.cmpi eq, %arg0, %eq3A_417 : i32
    %convert_element_type3A_419 = arith.extui %eq3A_418 : i1 to i32
    %cond3A_420 = arith.constant 0 : i32
    %cond3A_421 = arith.cmpi ne, %convert_element_type3A_419, %cond3A_420 : i32
    scf.if %cond3A_421 {
      %dma_start3A_432 = arith.constant 0 : i32
      %dma_start3A_433 = arith.constant 0 : i32
      %dma_start3A_434 = tpu.memref_slice %arg26[%dma_start3A_432, %dma_start3A_433] : memref<112x128xf32, #tpu.memory_space<vmem>> -> memref<64x128xf32, #tpu.memory_space<vmem>>
      %dma_start3A_435 = tpu.memref_slice %arg20[%mul3A_4] : memref<10000xi32, #tpu.memory_space<vmem>> -> memref<64xi32, #tpu.memory_space<vmem>>
      %dma_start3A_436 = arith.constant 0 : i32
      %dma_start3A_437 = arith.constant 0 : i32
      %dma_start3A_438 = tpu.memref_slice %arg3[%dma_start3A_436, %dma_start3A_437] : memref<10000x128xf32, #tpu.memory_space<hbm>> -> memref<10000x128xf32, #tpu.memory_space<hbm>>
      tpu.enqueue_indirect_dma source(%dma_start3A_438 : memref<10000x128xf32, #tpu.memory_space<hbm>>) target(%dma_start3A_434 : memref<64x128xf32, #tpu.memory_space<vmem>>) offsets(%dma_start3A_435 : memref<64xi32, #tpu.memory_space<vmem>>) semaphore(%arg32 : memref<!tpu.dma_semaphore, #tpu.memory_space<semaphore_mem>>)
      %dma_wait3A_439 = arith.constant 0 : i32
      %dma_wait3A_440 = arith.constant 0 : i32
      %dma_wait3A_441 = tpu.memref_slice %arg26[%dma_wait3A_439, %dma_wait3A_440] : memref<112x128xf32, #tpu.memory_space<vmem>> -> memref<64x128xf32, #tpu.memory_space<vmem>>
      %dma_wait3A_442 = tpu.memref_slice %arg20[%mul3A_4] : memref<10000xi32, #tpu.memory_space<vmem>> -> memref<64xi32, #tpu.memory_space<vmem>>
      %dma_wait3A_443 = arith.constant 0 : i32
      %dma_wait3A_444 = arith.constant 0 : i32
      %dma_wait3A_445 = tpu.memref_slice %arg3[%dma_wait3A_443, %dma_wait3A_444] : memref<10000x128xf32, #tpu.memory_space<hbm>> -> memref<10000x128xf32, #tpu.memory_space<hbm>>
      tpu.wait_indirect_dma semaphore(%arg32 : memref<!tpu.dma_semaphore, #tpu.memory_space<semaphore_mem>>) src(%dma_wait3A_445 : memref<10000x128xf32, #tpu.memory_space<hbm>>) dst(%dma_wait3A_441 : memref<64x128xf32, #tpu.memory_space<vmem>>)
      "tpu.region"() ({
        %run_scoped3A = tpu.sem_alloc : memref<!tpu.dma_semaphore, #tpu.memory_space<semaphore_mem>>
        %dma_start3A_446 = arith.constant 0 : i32
        %dma_start3A_447 = arith.constant 0 : i32
        %dma_start3A_448 = tpu.memref_slice %arg26[%dma_start3A_446, %dma_start3A_447] : memref<112x128xf32, #tpu.memory_space<vmem>> -> memref<64x128xf32, #tpu.memory_space<vmem>>
        %dma_start3A_449 = arith.constant 0 : i32
        %dma_start3A_450 = tpu.memref_slice %arg16[%mul3A_4, %dma_start3A_449] : memref<1024x128xf32, #tpu.memory_space<hbm>> -> memref<64x128xf32, #tpu.memory_space<hbm>>
        %dma_start3A_451 = arith.constant 0 : i32
        %dma_start3A_452 = tpu.memref_slice %arg16[%mul3A_4, %dma_start3A_451] : memref<1024x128xf32, #tpu.memory_space<hbm>> -> memref<64x128xf32, #tpu.memory_space<hbm>>
        %dma_start3A_453 = arith.constant 0 : i32
        %dma_start3A_454 = arith.constant 0 : i32
        %dma_start3A_455 = tpu.memref_slice %arg26[%dma_start3A_453, %dma_start3A_454] : memref<112x128xf32, #tpu.memory_space<vmem>> -> memref<64x128xf32, #tpu.memory_space<vmem>>
        tpu.enqueue_dma source(%dma_start3A_455 : memref<64x128xf32, #tpu.memory_space<vmem>>) target(%dma_start3A_452 : memref<64x128xf32, #tpu.memory_space<hbm>>) target_semaphore(%run_scoped3A : memref<!tpu.dma_semaphore, #tpu.memory_space<semaphore_mem>>)
        %dma_wait3A_456 = arith.constant 0 : i32
        %dma_wait3A_457 = arith.constant 0 : i32
        %dma_wait3A_458 = tpu.memref_slice %arg26[%dma_wait3A_456, %dma_wait3A_457] : memref<112x128xf32, #tpu.memory_space<vmem>> -> memref<64x128xf32, #tpu.memory_space<vmem>>
        %dma_wait3A_459 = arith.constant 0 : i32
        %dma_wait3A_460 = tpu.memref_slice %arg16[%mul3A_4, %dma_wait3A_459] : memref<1024x128xf32, #tpu.memory_space<hbm>> -> memref<64x128xf32, #tpu.memory_space<hbm>>
        %dma_wait3A_461 = arith.constant 0 : i32
        %dma_wait3A_462 = tpu.memref_slice %arg16[%mul3A_4, %dma_wait3A_461] : memref<1024x128xf32, #tpu.memory_space<hbm>> -> memref<64x128xf32, #tpu.memory_space<hbm>>
        %dma_wait3A_463 = arith.constant 0 : i32
        %dma_wait3A_464 = arith.constant 0 : i32
        %dma_wait3A_465 = tpu.memref_slice %arg26[%dma_wait3A_463, %dma_wait3A_464] : memref<112x128xf32, #tpu.memory_space<vmem>> -> memref<64x128xf32, #tpu.memory_space<vmem>>
        tpu.wait_dma2 semaphore(%run_scoped3A : memref<!tpu.dma_semaphore, #tpu.memory_space<semaphore_mem>>) src(%dma_wait3A_465 : memref<64x128xf32, #tpu.memory_space<vmem>>) dst(%dma_wait3A_462 : memref<64x128xf32, #tpu.memory_space<hbm>>)
        tpu.yield
      }) : () -> ()
    } else {
    }
    %eq3A_422 = arith.constant 1 : i32
    %eq3A_423 = arith.cmpi eq, %arg0, %eq3A_422 : i32
    %convert_element_type3A_424 = arith.extui %eq3A_423 : i1 to i32
    %cond3A_425 = arith.constant 0 : i32
    %cond3A_426 = arith.cmpi ne, %convert_element_type3A_424, %cond3A_425 : i32
    scf.if %cond3A_426 {
      %add3A_432 = arith.constant 1024 : i32
      %add3A_433 = arith.addi %add3A_432, %mul3A_4 : i32
      %dma_start3A_434 = arith.constant 0 : i32
      %dma_start3A_435 = arith.constant 0 : i32
      %dma_start3A_436 = tpu.memref_slice %arg26[%dma_start3A_434, %dma_start3A_435] : memref<112x128xf32, #tpu.memory_space<vmem>> -> memref<64x128xf32, #tpu.memory_space<vmem>>
      %dma_start3A_437 = tpu.memref_slice %arg20[%add3A_433] : memref<10000xi32, #tpu.memory_space<vmem>> -> memref<64xi32, #tpu.memory_space<vmem>>
      %dma_start3A_438 = arith.constant 0 : i32
      %dma_start3A_439 = arith.constant 0 : i32
      %dma_start3A_440 = tpu.memref_slice %arg2[%dma_start3A_438, %dma_start3A_439] : memref<10000x128xf32, #tpu.memory_space<hbm>> -> memref<10000x128xf32, #tpu.memory_space<hbm>>
      tpu.enqueue_indirect_dma source(%dma_start3A_440 : memref<10000x128xf32, #tpu.memory_space<hbm>>) target(%dma_start3A_436 : memref<64x128xf32, #tpu.memory_space<vmem>>) offsets(%dma_start3A_437 : memref<64xi32, #tpu.memory_space<vmem>>) semaphore(%arg32 : memref<!tpu.dma_semaphore, #tpu.memory_space<semaphore_mem>>)
      %dma_wait3A_441 = arith.constant 0 : i32
      %dma_wait3A_442 = arith.constant 0 : i32
      %dma_wait3A_443 = tpu.memref_slice %arg26[%dma_wait3A_441, %dma_wait3A_442] : memref<112x128xf32, #tpu.memory_space<vmem>> -> memref<64x128xf32, #tpu.memory_space<vmem>>
      %dma_wait3A_444 = tpu.memref_slice %arg20[%add3A_433] : memref<10000xi32, #tpu.memory_space<vmem>> -> memref<64xi32, #tpu.memory_space<vmem>>
      %dma_wait3A_445 = arith.constant 0 : i32
      %dma_wait3A_446 = arith.constant 0 : i32
      %dma_wait3A_447 = tpu.memref_slice %arg2[%dma_wait3A_445, %dma_wait3A_446] : memref<10000x128xf32, #tpu.memory_space<hbm>> -> memref<10000x128xf32, #tpu.memory_space<hbm>>
      tpu.wait_indirect_dma semaphore(%arg32 : memref<!tpu.dma_semaphore, #tpu.memory_space<semaphore_mem>>) src(%dma_wait3A_447 : memref<10000x128xf32, #tpu.memory_space<hbm>>) dst(%dma_wait3A_443 : memref<64x128xf32, #tpu.memory_space<vmem>>)
      "tpu.region"() ({
        %run_scoped3A = tpu.sem_alloc : memref<!tpu.dma_semaphore, #tpu.memory_space<semaphore_mem>>
        %dma_start3A_448 = arith.constant 0 : i32
        %dma_start3A_449 = arith.constant 0 : i32
        %dma_start3A_450 = tpu.memref_slice %arg26[%dma_start3A_448, %dma_start3A_449] : memref<112x128xf32, #tpu.memory_space<vmem>> -> memref<64x128xf32, #tpu.memory_space<vmem>>
        %dma_start3A_451 = arith.constant 0 : i32
        %dma_start3A_452 = tpu.memref_slice %arg17[%mul3A_4, %dma_start3A_451] : memref<1024x128xf32, #tpu.memory_space<hbm>> -> memref<64x128xf32, #tpu.memory_space<hbm>>
        %dma_start3A_453 = arith.constant 0 : i32
        %dma_start3A_454 = tpu.memref_slice %arg17[%mul3A_4, %dma_start3A_453] : memref<1024x128xf32, #tpu.memory_space<hbm>> -> memref<64x128xf32, #tpu.memory_space<hbm>>
        %dma_start3A_455 = arith.constant 0 : i32
        %dma_start3A_456 = arith.constant 0 : i32
        %dma_start3A_457 = tpu.memref_slice %arg26[%dma_start3A_455, %dma_start3A_456] : memref<112x128xf32, #tpu.memory_space<vmem>> -> memref<64x128xf32, #tpu.memory_space<vmem>>
        tpu.enqueue_dma source(%dma_start3A_457 : memref<64x128xf32, #tpu.memory_space<vmem>>) target(%dma_start3A_454 : memref<64x128xf32, #tpu.memory_space<hbm>>) target_semaphore(%run_scoped3A : memref<!tpu.dma_semaphore, #tpu.memory_space<semaphore_mem>>)
        %dma_wait3A_458 = arith.constant 0 : i32
        %dma_wait3A_459 = arith.constant 0 : i32
        %dma_wait3A_460 = tpu.memref_slice %arg26[%dma_wait3A_458, %dma_wait3A_459] : memref<112x128xf32, #tpu.memory_space<vmem>> -> memref<64x128xf32, #tpu.memory_space<vmem>>
        %dma_wait3A_461 = arith.constant 0 : i32
        %dma_wait3A_462 = tpu.memref_slice %arg17[%mul3A_4, %dma_wait3A_461] : memref<1024x128xf32, #tpu.memory_space<hbm>> -> memref<64x128xf32, #tpu.memory_space<hbm>>
        %dma_wait3A_463 = arith.constant 0 : i32
        %dma_wait3A_464 = tpu.memref_slice %arg17[%mul3A_4, %dma_wait3A_463] : memref<1024x128xf32, #tpu.memory_space<hbm>> -> memref<64x128xf32, #tpu.memory_space<hbm>>
        %dma_wait3A_465 = arith.constant 0 : i32
        %dma_wait3A_466 = arith.constant 0 : i32
        %dma_wait3A_467 = tpu.memref_slice %arg26[%dma_wait3A_465, %dma_wait3A_466] : memref<112x128xf32, #tpu.memory_space<vmem>> -> memref<64x128xf32, #tpu.memory_space<vmem>>
        tpu.wait_dma2 semaphore(%run_scoped3A : memref<!tpu.dma_semaphore, #tpu.memory_space<semaphore_mem>>) src(%dma_wait3A_467 : memref<64x128xf32, #tpu.memory_space<vmem>>) dst(%dma_wait3A_464 : memref<64x128xf32, #tpu.memory_space<hbm>>)
        tpu.yield
      }) : () -> ()
    } else {
    }
    %dma_wait3A_427 = arith.constant 0 : i32
    %dma_wait3A_428 = tpu.memref_slice %arg13[%arg0, %mul3A_401, %dma_wait3A_427] : memref<2x1024x128xf32, #tpu.memory_space<hbm>> -> memref<1x64x128xf32, #tpu.memory_space<hbm>>
    %dma_wait3A_429 = tpu.memref_squeeze %dma_wait3A_428 : memref<1x64x128xf32, #tpu.memory_space<hbm>> -> memref<64x128xf32, #tpu.memory_space<hbm>>
    %dma_wait3A_430 = arith.constant 0 : i32
    %dma_wait3A_431 = tpu.memref_slice %arg31[%mul3A_399, %dma_wait3A_430] : memref<1040x128xf32, #tpu.memory_space<vmem_shared>> -> memref<64x128xf32, #tpu.memory_space<vmem_shared>>
    tpu.wait_dma2 semaphore(%arg35 : memref<!tpu.dma_semaphore, #tpu.memory_space<semaphore_mem>>) src(%dma_wait3A_431 : memref<64x128xf32, #tpu.memory_space<vmem_shared>>) dst(%dma_wait3A_429 : memref<64x128xf32, #tpu.memory_space<hbm>>)
    return
  }
}

module attributes {stable_mosaic.version = 14 : i64} {
  func.func @_tc_body(%arg0: memref<2x1024x128xf32, #tpu.memory_space<vmem>>, %arg1: memref<2x1024x128xf32, #tpu.memory_space<vmem>>, %arg2: memref<1x1024xi32, #tpu.memory_space<vmem>>, %arg3: memref<1x1024xi32, #tpu.memory_space<vmem>>, %arg4: memref<1024x128xf32, #tpu.memory_space<vmem>>, %arg5: memref<1024x128xf32, #tpu.memory_space<vmem>>, %arg6: memref<128x128xf32, #tpu.memory_space<vmem>>, %arg7: memref<1x128xf32, #tpu.memory_space<vmem>>, %arg8: memref<1024x128xf32, #tpu.memory_space<vmem>>, %arg9: memref<1024x128xf32, #tpu.memory_space<vmem>>) attributes {dimension_semantics = [], scalar_prefetch = 0 : i64, scratch_operands = 0 : i64, tpu.core_type = #tpu.core_type<tc>} {
    %get3A = arith.constant 0 : index
    %get3A_0 = arith.constant 0 : index
    %get3A_1 = vector.load %arg6[%get3A, %get3A_0] : memref<128x128xf32, #tpu.memory_space<vmem>>, vector<128x128xf32>
    %get3A_2 = arith.constant 0 : index
    %get3A_3 = arith.constant 0 : index
    %get3A_4 = vector.load %arg7[%get3A_2, %get3A_3] : memref<1x128xf32, #tpu.memory_space<vmem>>, vector<1x128xf32>
    %iota3A = tpu.iota {dimensions = array<i32: 0>} : vector<1024x1024xi32>
    %get3A_5 = arith.constant 0 : index
    %get3A_6 = arith.constant 0 : index
    %get3A_7 = vector.load %arg4[%get3A_5, %get3A_6] : memref<1024x128xf32, #tpu.memory_space<vmem>>, vector<1024x128xf32>
    %get3A_8 = arith.constant 0 : index
    %get3A_9 = arith.constant 0 : index
    %get3A_10 = arith.constant 0 : index
    %get3A_11 = vector.load %arg0[%get3A_8, %get3A_9, %get3A_10] : memref<2x1024x128xf32, #tpu.memory_space<vmem>>, vector<1x1024x128xf32>
    %get3A_12 = vector.shape_cast %get3A_11 : vector<1x1024x128xf32> to vector<1024x128xf32>
    %get3A_13 = arith.constant 1 : index
    %get3A_14 = arith.constant 0 : index
    %get3A_15 = arith.constant 0 : index
    %get3A_16 = vector.load %arg0[%get3A_13, %get3A_14, %get3A_15] : memref<2x1024x128xf32, #tpu.memory_space<vmem>>, vector<1x1024x128xf32>
    %get3A_17 = vector.shape_cast %get3A_16 : vector<1x1024x128xf32> to vector<1024x128xf32>
    %add3A = arith.addf %get3A_12, %get3A_17 : vector<1024x128xf32>
    %get3A_18 = arith.constant 0 : index
    %get3A_19 = arith.constant 0 : index
    %get3A_20 = vector.load %arg2[%get3A_18, %get3A_19] : memref<1x1024xi32, #tpu.memory_space<vmem>>, vector<1x1024xi32>
    %broadcast_in_dim3A = vector.shape_cast %get3A_20 : vector<1x1024xi32> to vector<1x1024xi32>
    %broadcast_in_dim3A_21 = vector.broadcast %broadcast_in_dim3A : vector<1x1024xi32> to vector<1024x1024xi32>
    %eq3A = arith.cmpi eq, %iota3A, %broadcast_in_dim3A_21 : vector<1024x1024xi32>
    %convert_element_type3A = arith.extui %eq3A : vector<1024x1024xi1> to vector<1024x1024xi32>
    %convert_element_type3A_22 = arith.sitofp %convert_element_type3A : vector<1024x1024xi32> to vector<1024x1024xf32>
    %dot_general3A = arith.constant dense<0.000000e+00> : vector<1024x128xf32>
    %dot_general3A_23 = tpu.matmul %convert_element_type3A_22, %add3A, %dot_general3A {dimension_numbers = #tpu.dot_dimension_numbers<[0], [0], [1], [1], [0, 1, 1, 1], [], []>, precision = #tpu.contract_precision<fp32>, transpose_lhs_hint = false} : vector<1024x1024xf32>, vector<1024x128xf32>, vector<1024x128xf32> -> vector<1024x128xf32>
    %add3A_24 = arith.addf %get3A_7, %dot_general3A_23 : vector<1024x128xf32>
    %mul3A = arith.mulf %get3A_7, %dot_general3A_23 : vector<1024x128xf32>
    %dot_general3A_25 = arith.constant dense<0.000000e+00> : vector<1024x128xf32>
    %dot_general3A_26 = tpu.matmul %add3A_24, %get3A_1, %dot_general3A_25 {dimension_numbers = #tpu.dot_dimension_numbers<[1], [1], [0], [0], [0, 0, 1, 0], [], []>, transpose_lhs_hint = false} : vector<1024x128xf32>, vector<128x128xf32>, vector<1024x128xf32> -> vector<1024x128xf32>
    %add3A_27 = vector.broadcast %get3A_4 : vector<1x128xf32> to vector<1024x128xf32>
    %add3A_28 = arith.addf %dot_general3A_26, %add3A_27 : vector<1024x128xf32>
    %dot_general3A_29 = arith.constant dense<0.000000e+00> : vector<1024x128xf32>
    %dot_general3A_30 = tpu.matmul %mul3A, %get3A_1, %dot_general3A_29 {dimension_numbers = #tpu.dot_dimension_numbers<[1], [1], [0], [0], [0, 0, 1, 0], [], []>, transpose_lhs_hint = false} : vector<1024x128xf32>, vector<128x128xf32>, vector<1024x128xf32> -> vector<1024x128xf32>
    %add3A_31 = vector.broadcast %get3A_4 : vector<1x128xf32> to vector<1024x128xf32>
    %add3A_32 = arith.addf %dot_general3A_30, %add3A_31 : vector<1024x128xf32>
    %ge3A = arith.constant 0.000000e+00 : f32
    %ge3A_33 = vector.broadcast %ge3A : f32 to vector<1024x128xf32>
    %ge3A_34 = arith.cmpf oge, %add3A_28, %ge3A_33 : vector<1024x128xf32>
    %mul3A_35 = arith.constant 0.00999999977 : f32
    %mul3A_36 = vector.broadcast %mul3A_35 : f32 to vector<1024x128xf32>
    %mul3A_37 = arith.mulf %mul3A_36, %add3A_28 : vector<1024x128xf32>
    %select_n3A = arith.select %ge3A_34, %add3A_28, %mul3A_37 : vector<1024x128xi1>, vector<1024x128xf32>
    %ge3A_38 = arith.constant 0.000000e+00 : f32
    %ge3A_39 = vector.broadcast %ge3A_38 : f32 to vector<1024x128xf32>
    %ge3A_40 = arith.cmpf oge, %add3A_32, %ge3A_39 : vector<1024x128xf32>
    %mul3A_41 = arith.constant 0.00999999977 : f32
    %mul3A_42 = vector.broadcast %mul3A_41 : f32 to vector<1024x128xf32>
    %mul3A_43 = arith.mulf %mul3A_42, %add3A_32 : vector<1024x128xf32>
    %select_n3A_44 = arith.select %ge3A_40, %add3A_32, %mul3A_43 : vector<1024x128xi1>, vector<1024x128xf32>
    %add3A_45 = arith.addf %select_n3A, %select_n3A_44 : vector<1024x128xf32>
    %swap3A = arith.constant 0 : index
    %swap3A_46 = arith.constant 0 : index
    %swap3A_47 = vector.load %arg8[%swap3A, %swap3A_46] : memref<1024x128xf32, #tpu.memory_space<vmem>>, vector<1024x128xf32>
    tpu.vector_store %arg8[%swap3A, %swap3A_46], %add3A_45 {strides = array<i32>} : memref<1024x128xf32, #tpu.memory_space<vmem>>, vector<1024x128xf32>,
    %get3A_48 = arith.constant 0 : index
    %get3A_49 = arith.constant 0 : index
    %get3A_50 = vector.load %arg5[%get3A_48, %get3A_49] : memref<1024x128xf32, #tpu.memory_space<vmem>>, vector<1024x128xf32>
    %get3A_51 = arith.constant 0 : index
    %get3A_52 = arith.constant 0 : index
    %get3A_53 = arith.constant 0 : index
    %get3A_54 = vector.load %arg1[%get3A_51, %get3A_52, %get3A_53] : memref<2x1024x128xf32, #tpu.memory_space<vmem>>, vector<1x1024x128xf32>
    %get3A_55 = vector.shape_cast %get3A_54 : vector<1x1024x128xf32> to vector<1024x128xf32>
    %get3A_56 = arith.constant 1 : index
    %get3A_57 = arith.constant 0 : index
    %get3A_58 = arith.constant 0 : index
    %get3A_59 = vector.load %arg1[%get3A_56, %get3A_57, %get3A_58] : memref<2x1024x128xf32, #tpu.memory_space<vmem>>, vector<1x1024x128xf32>
    %get3A_60 = vector.shape_cast %get3A_59 : vector<1x1024x128xf32> to vector<1024x128xf32>
    %add3A_61 = arith.addf %get3A_55, %get3A_60 : vector<1024x128xf32>
    %get3A_62 = arith.constant 0 : index
    %get3A_63 = arith.constant 0 : index
    %get3A_64 = vector.load %arg3[%get3A_62, %get3A_63] : memref<1x1024xi32, #tpu.memory_space<vmem>>, vector<1x1024xi32>
    %broadcast_in_dim3A_65 = vector.shape_cast %get3A_64 : vector<1x1024xi32> to vector<1x1024xi32>
    %broadcast_in_dim3A_66 = vector.broadcast %broadcast_in_dim3A_65 : vector<1x1024xi32> to vector<1024x1024xi32>
    %eq3A_67 = arith.cmpi eq, %iota3A, %broadcast_in_dim3A_66 : vector<1024x1024xi32>
    %convert_element_type3A_68 = arith.extui %eq3A_67 : vector<1024x1024xi1> to vector<1024x1024xi32>
    %convert_element_type3A_69 = arith.sitofp %convert_element_type3A_68 : vector<1024x1024xi32> to vector<1024x1024xf32>
    %dot_general3A_70 = arith.constant dense<0.000000e+00> : vector<1024x128xf32>
    %dot_general3A_71 = tpu.matmul %convert_element_type3A_69, %add3A_61, %dot_general3A_70 {dimension_numbers = #tpu.dot_dimension_numbers<[0], [0], [1], [1], [0, 1, 1, 1], [], []>, precision = #tpu.contract_precision<fp32>, transpose_lhs_hint = false} : vector<1024x1024xf32>, vector<1024x128xf32>, vector<1024x128xf32> -> vector<1024x128xf32>
    %add3A_72 = arith.addf %get3A_50, %dot_general3A_71 : vector<1024x128xf32>
    %mul3A_73 = arith.mulf %get3A_50, %dot_general3A_71 : vector<1024x128xf32>
    %dot_general3A_74 = arith.constant dense<0.000000e+00> : vector<1024x128xf32>
    %dot_general3A_75 = tpu.matmul %add3A_72, %get3A_1, %dot_general3A_74 {dimension_numbers = #tpu.dot_dimension_numbers<[1], [1], [0], [0], [0, 0, 1, 0], [], []>, transpose_lhs_hint = false} : vector<1024x128xf32>, vector<128x128xf32>, vector<1024x128xf32> -> vector<1024x128xf32>
    %add3A_76 = vector.broadcast %get3A_4 : vector<1x128xf32> to vector<1024x128xf32>
    %add3A_77 = arith.addf %dot_general3A_75, %add3A_76 : vector<1024x128xf32>
    %dot_general3A_78 = arith.constant dense<0.000000e+00> : vector<1024x128xf32>
    %dot_general3A_79 = tpu.matmul %mul3A_73, %get3A_1, %dot_general3A_78 {dimension_numbers = #tpu.dot_dimension_numbers<[1], [1], [0], [0], [0, 0, 1, 0], [], []>, transpose_lhs_hint = false} : vector<1024x128xf32>, vector<128x128xf32>, vector<1024x128xf32> -> vector<1024x128xf32>
    %add3A_80 = vector.broadcast %get3A_4 : vector<1x128xf32> to vector<1024x128xf32>
    %add3A_81 = arith.addf %dot_general3A_79, %add3A_80 : vector<1024x128xf32>
    %ge3A_82 = arith.constant 0.000000e+00 : f32
    %ge3A_83 = vector.broadcast %ge3A_82 : f32 to vector<1024x128xf32>
    %ge3A_84 = arith.cmpf oge, %add3A_77, %ge3A_83 : vector<1024x128xf32>
    %mul3A_85 = arith.constant 0.00999999977 : f32
    %mul3A_86 = vector.broadcast %mul3A_85 : f32 to vector<1024x128xf32>
    %mul3A_87 = arith.mulf %mul3A_86, %add3A_77 : vector<1024x128xf32>
    %select_n3A_88 = arith.select %ge3A_84, %add3A_77, %mul3A_87 : vector<1024x128xi1>, vector<1024x128xf32>
    %ge3A_89 = arith.constant 0.000000e+00 : f32
    %ge3A_90 = vector.broadcast %ge3A_89 : f32 to vector<1024x128xf32>
    %ge3A_91 = arith.cmpf oge, %add3A_81, %ge3A_90 : vector<1024x128xf32>
    %mul3A_92 = arith.constant 0.00999999977 : f32
    %mul3A_93 = vector.broadcast %mul3A_92 : f32 to vector<1024x128xf32>
    %mul3A_94 = arith.mulf %mul3A_93, %add3A_81 : vector<1024x128xf32>
    %select_n3A_95 = arith.select %ge3A_91, %add3A_81, %mul3A_94 : vector<1024x128xi1>, vector<1024x128xf32>
    %add3A_96 = arith.addf %select_n3A_88, %select_n3A_95 : vector<1024x128xf32>
    %swap3A_97 = arith.constant 0 : index
    %swap3A_98 = arith.constant 0 : index
    %swap3A_99 = vector.load %arg9[%swap3A_97, %swap3A_98] : memref<1024x128xf32, #tpu.memory_space<vmem>>, vector<1024x128xf32>
    tpu.vector_store %arg9[%swap3A_97, %swap3A_98], %add3A_96 {strides = array<i32>} : memref<1024x128xf32, #tpu.memory_space<vmem>>, vector<1024x128xf32>,
    return
  }
}

</mosaic_0001>

<sc_bundles>
// kernel: kernel.4.cloned.1.call-start
scs
__scs_entry_jumppad:
0x0: {  	(pc) =	sbr.rel $0x88, $3  }
0x1: {  	(tag) =	ssettag $0x0;
	lr =	simm.s32 $0x1  }
0x2: {  	[smem:$0x3F95] =	sst lr;
	_ =	strace $0xD0000000  }
0x3: {  	_ = 	snop  }
0x4: {  	_ = 	snop  }
0x5: {  	_ = 	snop  }
0x6: {  	_ = 	snop  }
0x7: {  	_ = 	snop  }
__scs_overlays_trampoline_lowered:
0x8: {  	[smem:$0x3FA4] =	sst s0  }
0x9: {  	[smem:$0x3FA5] =	sst s1  }
0xa: {  	[smem:$0x3FA6] =	sst s2  }
0xb: {  	[smem:$0x3FA7] =	sst s3  }
0xc: {  	[smem:$0x3FA8] =	sst s4  }
0xd: {  	[smem:$0x3FA9] =	sst s5  }
0xe: {  	[smem:$0x3FAA] =	sst s6  }
0xf: {  	[smem:$0x3FAB] =	sst s7  }
0x10: {  	[smem:$0x3FAC] =	sst s8  }
0x11: {  	[smem:$0x3FAD] =	sst s9;
	s0 =	simm.s32 @!p0 $0x0  }
0x12: {  	s1 =	sld [smem:$0x3F93];
	s0 =	simm.s32 @p0 $0x1  }
0x13: {  	[smem:$0x3FAE] =	sst s0;
	s0 =	simm.s32 @!p1 $0x0  }
0x14: {  	s2 =	sld [smem:$0x3F92];
	s0 =	simm.s32 @p1 $0x1  }
0x15: {  	[smem:$0x3FAF] =	sst s0;
	s0 =	simm.s32 @!p2 $0x0  }
0x16: {  	s3 =	sld [smem:$0x3FDB];
	s0 =	simm.s32 @p2 $0x1  }
0x17: {  	s4 =	simm.s32 $0x1BF5;
	[smem:$0x3FB1] =	sst s0  }
0x18: {  	s0 =	sld [smem:$0x3F94];
	_ =	swait.ge [sflag:s4], $0x0  }
0x19: {  	s7 =	sld [smem:$0x3F95]  }
0x1a: {  	s8 =	sadd.s32 $0xFFFFE003, lr  }
0x1b: {  	s9 =	sadd.s32 $0xFFFFFEF7, lr;
	s5 =	simm.s32 $0xFFFFFFFF;
	p2 =	slt.u32 s8, $0xFFFFF086  }
0x1c: {  	p1 =	slt.u32 s9, $0xF7A;
	s5 =	simm.s32 @!p2 $0x0  }
0x1d: {  	s5 =	simm.s32 @p1 $0x1;
	p0 =	seq.s32 s7, s2  }
0x1e: {  	s7 =	smul.u32 @!p0 $0xF7A, s2;
	p2 =	seq.s32 @!p0 s5, $0x0  }
0x1f: {  	s9 =	smul.u32 $0xF7A, s1;
	s8 =	simm.s32 @!p0 $0x1BF5;
	p2 =	por !p2, p0  }
0x20: {  	[sflag:s8] =	ssyncset.s32 @!p0 $0xFFFFF086;
	s6 =	sadd.s32 @!p0 s3, s7;
	s7 =	simm.s32 @!p0 $0x108  }
0x21: {  	s3 =	sadd.s32 s3, s9;
	s6 =	sadd.s32 @!p0 $0x88, s6;
	s7 =	simm.s32 @p2 $0x1082  }
0x22: {  	[simem:s7], [sflag:s8] =	dma.local @!p0 [hbm:s6], $0xF7A  }
0x23: {  	s9 =	sor.u32 $0xD0000000, s2;
	s6 =	simm.s32 $0x108;
	_ =	swait.ge @!p0 [sflag:s8], $0x0  }
0x24: {  	s3 =	sadd.s32 $0x88, s3;
	s6 =	simm.s32 @!p1 $0x1082;
	[sflag:s4] =	ssyncset.s32 $0xFFFFF086  }
0x25: {  	[simem:s6], [sflag:s4] =	dma.local [hbm:s3], $0xF7A  }
0x26: {  	[smem:$0x3F95] =	sst s1;
	(tag) =	ssettag s2;
	_ =	strace s9  }
0x27: {  	s1 =	sld [smem:$0x3FA5]  }
0x28: {  	s2 =	sld [smem:$0x3FA6]  }
0x29: {  	s4 =	sld [smem:$0x3FA8]  }
0x2a: {  	p0 =	seq.s32 s5, $0x0;
	s5 =	sld [smem:$0x3FA9]  }
0x2b: {  	s6 =	sld [smem:$0x3FAA]  }
0x2c: {  	s7 =	sld [smem:$0x3FAB]  }
0x2d: {  	s3 =	simm.s32 $0x108;
	s8 =	sld [smem:$0x3FAC]  }
0x2e: {  	s3 =	simm.s32 @!p0 $0x1082;
	s9 =	sld [smem:$0x3FAD]  }
0x2f: {  	lr =	sadd.s32 s0, s3;
	s0 =	sld [smem:$0x3FA4]  }
0x30: {  	s3 =	sld [smem:$0x3FA7]  }
0x31: {  	[smem:$0x3FB0] =	sst s10  }
0x32: {  	s10 =	sld [smem:$0x3FAE];
	_ =	sdelay $0x3  }
0x33: {  	p0 =	seq.s32 s10, $0x1;
	s10 =	sld [smem:$0x3FB0];
	_ =	sdelay $0x3  }
0x34: {  	[smem:$0x3FB0] =	sst s10  }
0x35: {  	s10 =	sld [smem:$0x3FAF];
	_ =	sdelay $0x3  }
0x36: {  	p1 =	seq.s32 s10, $0x1;
	s10 =	sld [smem:$0x3FB0];
	_ =	sdelay $0x3  }
0x37: {  	[smem:$0x3FB0] =	sst s10  }
0x38: {  	s10 =	sld [smem:$0x3FB1]  }
0x39: {  	_ = 	snop;
	(pc) =	sbr.ind lr, $3  }
0x3a: {  	_ = 	snop  }
0x3b: {  	_ = 	snop  }
0x3c: {  	p2 =	seq.s32 s10, $0x1;
	s10 =	sld [smem:$0x3FB0]  }
0x3d: {  	_ =	shalt  }
0x3e: {  	_ =	shalt  }
0x3f: {  	_ =	shalt  }
0x40: {  	_ =	shalt  }
0x41: {  	_ =	shalt  }
0x42: {  	_ =	shalt  }
0x43: {  	_ =	shalt  }
0x44: {  	_ =	shalt  }
0x45: {  	_ =	shalt  }
0x46: {  	_ =	shalt  }
0x47: {  	_ =	shalt  }
0x48: {  	_ =	shalt  }
0x49: {  	_ =	shalt  }
0x4a: {  	_ =	shalt  }
0x4b: {  	_ =	shalt  }
0x4c: {  	_ =	shalt  }
0x4d: {  	_ =	shalt  }
0x4e: {  	_ =	shalt  }
0x4f: {  	_ =	shalt  }
0x50: {  	_ =	shalt  }
0x51: {  	_ =	shalt  }
0x52: {  	_ =	shalt  }
0x53: {  	_ =	shalt  }
0x54: {  	_ =	shalt  }
0x55: {  	_ =	shalt  }
0x56: {  	_ =	shalt  }
0x57: {  	_ =	shalt  }
0x58: {  	_ =	shalt  }
0x59: {  	_ =	shalt  }
0x5a: {  	_ =	shalt  }
0x5b: {  	_ =	shalt  }
0x5c: {  	_ =	shalt  }
0x5d: {  	_ =	shalt  }
0x5e: {  	_ =	shalt  }
0x5f: {  	_ =	shalt  }
0x60: {  	_ =	shalt  }
0x61: {  	_ =	shalt  }
0x62: {  	_ =	shalt  }
0x63: {  	_ =	shalt  }
0x64: {  	_ =	shalt  }
0x65: {  	_ =	shalt  }
0x66: {  	_ =	shalt  }
0x67: {  	_ =	shalt  }
0x68: {  	_ =	shalt  }
0x69: {  	_ =	shalt  }
0x6a: {  	_ =	shalt  }
0x6b: {  	_ =	shalt  }
0x6c: {  	_ =	shalt  }
0x6d: {  	_ =	shalt  }
0x6e: {  	_ =	shalt  }
0x6f: {  	_ =	shalt  }
0x70: {  	_ =	shalt  }
0x71: {  	_ =	shalt  }
0x72: {  	_ =	shalt  }
0x73: {  	_ =	shalt  }
0x74: {  	_ =	shalt  }
0x75: {  	_ =	shalt  }
0x76: {  	_ =	shalt  }
0x77: {  	_ =	shalt  }
0x78: {  	_ =	shalt  }
0x79: {  	_ =	shalt  }
0x7a: {  	_ =	shalt  }
0x7b: {  	_ =	shalt  }
0x7c: {  	_ =	shalt  }
0x7d: {  	_ =	shalt  }
0x7e: {  	_ =	shalt  }
0x7f: {  	_ =	shalt  }
0x80: {  	_ =	shalt  }
0x81: {  	_ =	shalt  }
0x82: {  	_ =	shalt  }
0x83: {  	_ =	shalt  }
0x84: {  	_ =	shalt  }
0x85: {  	_ =	shalt  }
0x86: {  	_ =	shalt  }
0x87: {  	_ =	shalt  }
.Lfunc_end0:
.L_simem_size_0:
called_computation_lowered:
.L_overlay_start_0:
0x88: {  	s2 =	sld [smem:$0x3FD9]  }
0x89: {  	s3 =	sld [smem:$0x3FFE];
	_ =	sdelay $0x1  }
0x8a: {  	s1 =	srdreg.scid  }
0x8b: {  	s0 =	sand.u32 $0x1, s1  }
0x8c: {  	s29 =	sshll.u32 s0, $0xA;
	s2 =	sadd.s32 s3, s2  }
0x8d: {  	s2 =	sadd.s32 s2, s29  }
0x8e: {  	[smem:$0x3FBC] =	sst s2  }
0x8f: {  	_ = 	snop  }
0x90: {  	s2 =	sld [smem:$0x3FC9]  }
0x91: {  	s30 =	sld [smem:$0x3FC8]  }
0x92: {  	s4 =	sld [smem:$0x3FC5]  }
0x93: {  	s5 =	sld [smem:$0x3FC4]  }
0x94: {  	s6 =	sld [smem:$0x3FC3]  }
0x95: {  	s7 =	sld [smem:$0x3FD0]  }
0x96: {  	s8 =	sld [smem:$0x3FC2]  }
0x97: {  	s9 =	sld [smem:$0x3FC1]  }
0x98: {  	s11 =	simm.s32 $0xA;
	s12 =	simm.s32 $0x10;
	s10 =	sld [smem:$0x3FC0]  }
0x99: {  	[smem:s12], [sflag:s11] =	dma.local [hbm:s7], $0x1  }
0x9a: {  	_ =	swait.eq [sflag:s11], $0x1  }
0x9b: {  	[sflag:s11] =	ssyncset.done $0x0  }
0x9c: {  	s31 =	sld [smem:$0x10];
	[sflag:s11] =	ssyncadd.s32 $0xFFFFFFFF  }
0x9d: {  	s17 =	sld [smem:$0x11];
	(tm) =	ssettm $0x1  }
0x9e: {  	s18 =	sld [smem:$0x3FFB];
	_ =	sdelay $0x3  }
0x9f: {  	_ =	strace s18  }
0xa0: {  	s12 =	sld [smem:$0x3FFC];
	_ =	sdelay $0x3  }
0xa1: {  	_ =	strace s12  }
0xa2: {  	s12 =	sld [smem:$0x3FFD];
	_ =	sdelay $0x3  }
0xa3: {  	_ =	strace s12  }
0xa4: {  	_ =	strace $0x8FFFFFFF  }
0xa5: {  	s19 =	sld [smem:$0x3FDB];
	_ =	sdelay $0x1  }
0xa6: {  	s13 =	simm.s32 $_scs_section_size  }
0xa7: {  	s14 =	simm.s32 $_size__tile_overlayer_lowered;
	s15 =	simm.s32 $_tile_overlayer_lowered  }
0xa8: {  	s22 =	simm.s32 $0x1BFF;
	s21 =	sshll.u32 s15, $0x1;
	s12 =	sadd.s32 s13, s19  }
0xa9: {  	s16 =	simm.s32 $0x0;
	s20 =	sshll.u32 s14, $0x1;
	s14 =	sadd.s32 s21, s12  }
0xaa: {  	[timem:s16], [sflag:s22] =	dma.local [hbm:s14], s20  }
0xab: {  	_ =	swait.ge [sflag:s22], s20  }
0xac: {  	s13 =	ssub.s32 $0x0, s20;
	[sflag:s22] =	ssyncset.done $0x0  }
0xad: {  	[sflag:s22] =	ssyncadd.s32 s13;
	_ =	sdelay $0x1  }
0xae: {  	s23 =	simm.s32 $0x1B8B  }
0xaf: {  	_ =	swait.ge [sflag:s23], $0x1  }
0xb0: {  	[sflag:s23] =	ssyncset.done $0x0  }
0xb1: {  	s25 =	simm.s32 $0x1B8E;
	s24 =	sld [smem:$0x3FFE];
	[sflag:s23] =	ssyncadd.s32 $0xFFFFFFFF  }
0xb2: {  	s26 =	simm.s32 $execute0_lowered;
	[smem:$0x3FD2] =	sst s25  }
0xb3: {  	s14 =	sshll.u32 s26, $0x1;
	_ =	strace $0x80000046;
	[dreg:$0x1] =	wrdreg $0xFFFFFFFF  }
0xb4: {  	s28 =	simm.s32 $_size_execute0_lowered;
	s12 =	sadd.s32 s12, s14;
	[dreg:$0x0] =	wrdreg $0x0  }
0xb5: {  	s14 =	sshll.u32 s28, $0x1;
	[dreg:$0x2] =	wrdreg s12  }
0xb6: {  	[dreg:$0x3] =	wrdreg s14  }
0xb7: {  	[dreg:$0x4] =	wrdreg $0xC0  }
0xb8: {  	_ =	task [dreg:s16], $0x5FFFF  }
0xb9: {  	[dreg:$0x1] =	wrdreg $0xFFFFFFFF  }
0xba: {  	[dreg:$0x0] =	wrdreg $0x60  }
0xbb: {  	[dreg:$0x2] =	wrdreg s2  }
0xbc: {  	[dreg:$0x3] =	wrdreg s30  }
0xbd: {  	[dreg:$0x4] =	wrdreg s24  }
0xbe: {  	[dreg:$0x5] =	wrdreg s4  }
0xbf: {  	[dreg:$0x6] =	wrdreg s5  }
0xc0: {  	[dreg:$0x7] =	wrdreg s6  }
0xc1: {  	[dreg:$0x8] =	wrdreg s8  }
0xc2: {  	[dreg:$0x9] =	wrdreg s9  }
0xc3: {  	[dreg:$0xa] =	wrdreg s10  }
0xc4: {  	[dreg:$0xb] =	wrdreg s17  }
0xc5: {  	[dreg:$0xc] =	wrdreg s31  }
0xc6: {  	[dreg:$0xd] =	wrdreg $0x1AF800  }
0xc7: {  	[dreg:$0xe] =	wrdreg $0x1D0000  }
0xc8: {  	[dreg:$0xf] =	wrdreg $0x9  }
0xc9: {  	_ =	task.clear_ibuf [dreg:s16], $0x10FFFF;
	_ =	strace $0x90000046  }
0xca: {  	s29 =	simm.s32 $0x9;
	_ =	strace $0x80000048  }
0xcb: {  	_ =	swait.ge [sflag:s29], $0x1  }
0xcc: {  	[sflag:s29] =	ssyncadd.s32 $0xFFFFFFFF  }
0xcd: {  	_ =	strace $0x90000048  }
0xce: {  	_ =	sfence  }
0xcf: {  	s30 =	sld [smem:$0x0];
	_ =	sdelay $0x2  }
0xd0: {  	s31 =	sshll.u32 s1, $0xD;
	s1 =	sshrl.u32 s1, $0x2  }
0xd1: {  	s3 =	sand.u32 $0x4000, s31;
	s1 =	sadd.s32 s1, s30  }
0xd2: {  	s0 =	sor.u32 s3, s0;
	s1 =	sshll.u32 s1, $0x11  }
0xd3: {  	s0 =	sor.u32 s1, s0  }
0xd4: {  	s0 =	sadd.s32 $0x8F2B, s0  }
0xd5: {  	[sflag:s0] =	ssyncadd.remote.s32 $0x1  }
0xd6: {  	_ =	sfence.sel $0xFFFF  }
0xd7: {  	[dreg:$0x0] =	wrdreg $0xFFFFFFFF;
	(pc) =	sbr.abs _section_cstart, $3  }
0xd8: {  	[dreg:$0x1] =	wrdreg $0xFFFFFFFF  }
0xd9: {  	_ =	task.clear_ibuf [dreg:s16], $0x2FFFF;
	_ =	strace $0x9FFFFFFF  }
0xda: {  	(tm) =	ssettm $0x7FFFFFFF  }
0xdb: {  	_ =	shalt  }
tec
execute0_lowered:
.L_overlay_start_1:
0x0: {  	(tag) =	ssettag $0x1  }
0x1: {  	s0 =	rddreg [dreg:$0x0]  }
0x2: {  	s1 =	rddreg [dreg:$0x1]  }
0x3: {  	s2 =	rddreg [dreg:$0x2]  }
0x4: {  	s3 =	rddreg [dreg:$0x3]  }
0x5: {  	s4 =	rddreg [dreg:$0x4]  }
0x6: {  	s5 =	rddreg [dreg:$0x5]  }
0x7: {  	s10 =	rddreg [dreg:$0x6]  }
0x8: {  	s20 =	rddreg [dreg:$0x7]  }
0x9: {  	s21 =	rddreg [dreg:$0x8]  }
0xa: {  	s11 =	rddreg [dreg:$0x9]  }
0xb: {  	s12 =	rddreg [dreg:$0xa];
	s7 =	srdreg.scid  }
0xc: {  	s6 =	rddreg [dreg:$0xb];
	s22 =	stileid.u32;
	s8 =	simm.s32 $0x0  }
0xd: {  	s31 =	simm.s32 $0x1;
	s13 =	sand.u32 $0x1, s7;
	s7 =	rddreg [dreg:$0xc]  }
0xe: {  	s30 =	simm.s32 $0x13D80;
	s15 =	sshll.u32 s22, $0xD;
	[smem:$0x7FF] =	sst s8  }
0xf: {  	s23 =	sshll.u32 s22, $0x3;
	s9 =	sshll.u32 s13, $0x4;
	s19 =	sshll.u32 s13, $0x11  }
0x10: {  	_ =	strace $0x80000047;
	s18 =	ssub.s32 $0x2, s13;
	p0 =	sne.s32 s13, $0x0  }
0x11: {  	s13 =	simm.s32 $0x11580;
	s9 =	sor.u32 s22, s9;
	s24 =	sshrl.u32 s18, $0x1  }
0x12: {  	s11 =	smov.u32 @p0 s12;
	s14 =	smul.u32 $0x4E2, s9;
	s18 =	ssub.s32 s18, s24  }
0x13: {  	s12 =	simm.s32 $0x5300;
	s9 =	sor.u32 s15, s19;
	s24 =	smax.u32 s18, $0x1  }
0x14: {  	s19 =	smul.u32 $0x2080, s22;
	s4 =	sadd.s32 s4, s14;
	[dreg:$0x1b] =	wrdreg s24  }
0x15: {  	s9 =	sshrl.u32 s9, $0x3;
	s3 =	sadd.s32 s3, s14;
	[dreg:$0xe] =	wrdreg s4  }
0x16: {  	s16 =	sadd.s32 s14, s2;
	s26 =	sadd.s32 s19, s6;
	[dreg:$0xf] =	wrdreg s3  }
0x17: {  	s17 =	sadd.s32 s9, s2;
	s28 =	sadd.s32 s19, s7;
	[dreg:$0x11] =	wrdreg s26  }
0x18: {  	s2 =	sadd.s32 s23, s2;
	s29 =	sadd.s32 s10, s14;
	[dreg:$0x12] =	wrdreg s28  }
0x19: {  	s9 =	sshll.u32 s22, $0x6;
	s25 =	sadd.s32 $0x1000, s16;
	[dreg:$0x13] =	wrdreg s29  }
0x1a: {  	s4 =	sadd.s32 s5, s14;
	s5 =	sadd.s32 $0xAE00, s16;
	[dreg:$0x10] =	wrdreg s25  }
0x1b: {  	s10 =	sadd.s32 $0x14C00, s17;
	s14 =	sadd.s32 s15, s6;
	[dreg:$0x14] =	wrdreg s4  }
0x1c: {  	s16 =	sshll.u32 s22, $0xA;
	s19 =	sadd.s32 $0x1CC00, s17;
	[dreg:$0x15] =	wrdreg s5  }
0x1d: {  	s22 =	sadd.s32 s15, s7;
	s23 =	sadd.s32 $0x24C00, s2;
	[dreg:$0x16] =	wrdreg s10  }
0x1e: {  	s2 =	sadd.s32 $0x24E00, s2;
	s28 =	sadd.s32 $0x4F00, s9;
	[dreg:$0x17] =	wrdreg s19  }
0x1f: {  	s29 =	sadd.s32 $0x5300, s9;
	s15 =	simm.s32 $0x1AD80;
	[dreg:$0x19] =	wrdreg s23  }
0x20: {  	s17 =	simm.s32 $0x17580;
	s4 =	sadd.s32 s11, s16;
	[dreg:$0x1a] =	wrdreg s2  }
.Ltmp0:
0x21: {  	s25 =	sshrl.u32 s14, $0x3;
	[dreg:$0x1e] =	wrdreg s28;
	(pc) =	sbr.rel .LBB2_1-.Ltmp0, $4  }
0x22: {  	s26 =	sshrl.u32 s22, $0x3;
	[dreg:$0x1f] =	wrdreg s29;
	s11 =	simm.s32 $0x4F00  }
0x23: {  	s5 =	simm.s32 $0x2780;
	s23 =	simm.s32 $0x4;
	[dreg:$0x18] =	wrdreg s4  }
0x24: {  	v0 =	vimm.s32 $0xFFFFFFFF;
	v1 =	vlaneseq.u32;
	s14 =	simm.s32 $0x70;
	s16 =	simm.s32 $0x1AE00;
	[dreg:$0x1c] =	wrdreg s25  }
0x25: {  	v2 =	vimm.f32 $0.0e+00;
	v3 =	vimm.s32 $0x0;
	v4 =	vimm.s32 $0x400;
	s19 =	simm.s32 $0x0;
	[dreg:$0x1d] =	wrdreg s26;
	s4 =	simm.s32 $0x2  }
.LBB2_36:
0x26: {  	s2 =	simm.s32 $0x3  }
0x27: {  	_ =	swait.ge [sflag:s2], $0x3800  }
0x28: {  	[sflag:s2] =	ssyncset.done $0x0  }
0x29: {  	[sflag:s2] =	ssyncadd.s32 $0xFFFFC800  }
0x2a: {  	s11 =	simm.s32 $0x4F00;
	s12 =	simm.s32 $0x5300;
	s20 =	rddreg [dreg:$0x7]  }
0x2b: {  	s23 =	simm.s32 $0x4;
	s2 =	simm.s32 $0x4;
	s21 =	rddreg [dreg:$0x8]  }
.LBB2_38:
0x2c: {  	_ =	swait.ge [sflag:s2], $0x3800  }
0x2d: {  	[sflag:s2] =	ssyncset.done $0x0  }
0x2e: {  	[sflag:s2] =	ssyncadd.s32 $0xFFFFC800  }
.LBB2_39:
0x2f: {  	[tilespmem:s11], [sflag:$0x5] =	stream.linear.gather [hbm4b:s20+s8], $0x400, $0x38;
	[tilespmem:$0x1F080] =	vst v63  }
0x30: {  	s2 =	simm.s32 $0x5  }
0x31: {  	[tilespmem:s12], [sflag:$0x6] =	stream.linear.gather [hbm4b:s21+s8], $0x400, $0x38;
	[tilespmem:$0x1F080] =	vst v63  }
0x32: {  	_ =	swait.ge [sflag:s2], $0x400  }
0x33: {  	[sflag:s2] =	ssyncset.done $0x0  }
0x34: {  	s22 =	simm.s32 $0x6;
	[sflag:s2] =	ssyncadd.s32 $0xFFFFFC00  }
0x35: {  	_ =	swait.ge [sflag:s22], $0x400  }
0x36: {  	[sflag:s22] =	ssyncset.done $0x0  }
0x37: {  	[sflag:s22] =	ssyncadd.s32 $0xFFFFFC00  }
0x38: {  	[bflag:$0x0] =	sbarrier.arrive $0xFFFF  }
0x39: {  	s3 =	rddreg [dreg:$0x16]  }
0x3a: {  	s24 =	sor.u32 $0x1C03, s9;
	s10 =	rddreg [dreg:$0x1c]  }
0x3b: {  	[hbm:s3], [sflag:s24] =	dma.local [spmem:s10], $0x400  }
0x3c: {  	s3 =	rddreg [dreg:$0x17]  }
0x3d: {  	s25 =	sor.u32 $0x1C04, s9;
	s2 =	simm.s32 @p0 $0x3;
	s10 =	rddreg [dreg:$0x1d]  }
0x3e: {  	[hbm:s3], [sflag:s25] =	dma.local [spmem:s10], $0x400  }
0x3f: {  	_ =	swait.ge @p0 [sflag:s2], $0x400  }
0x40: {  	s3 =	simm.s32 @p0 $0x13D80;
	[sflag:s2] =	ssyncset.done @p0 $0x0  }
0x41: {  	s10 =	rddreg [dreg:$0x1f];
	[sflag:s2] =	ssyncadd.s32 @p0 $0xFFFFFC00;
	s2 =	simm.s32 @p0 $0x40  }
0x42: {  	[tilespmem:s3], [sflag:$0x1] =	stream.indirect.gather @p0 [hbm4b:s0+s2], $0x80, s10, s2, $0xb8;
	[tilespmem:$0x1F080] =	vst v63  }
0x43: {  	v5 =	vld @!p0 [tilespmem:s9+$0x4F00];
	_ =	sdelay $0x6  }
0x44: {  	s2 =	simm.s32 @!p0 $0x0  }
0x45: {  	v5 =	vld.idx.msk @!p0 [tilespmem:v5+s2+$0x0], $0xffff;
	_ =	sdelay $0x4  }
0x46: {  	[tilespmem:$0x1AE80] =	vst @!p0 v5  }
0x47: {  	v5 =	vld @!p0 [tilespmem:s9+$0x5300];
	_ =	sdelay $0x6  }
0x48: {  	s3 =	simm.s32 @!p0 $0x2780  }
0x49: {  	v5 =	vld.idx.msk @!p0 [tilespmem:v5+s3+$0x0], $0xffff;
	_ =	sdelay $0x4  }
0x4a: {  	[tilespmem:$0x1AF00] =	vst @!p0 v5  }
0x4b: {  	v5 =	vld @!p0 [tilespmem:s9+$0x4F10];
	_ =	sdelay $0x7  }
0x4c: {  	v5 =	vld.idx.msk @!p0 [tilespmem:v5+s2+$0x0], $0xffff;
	_ =	sdelay $0x4  }
0x4d: {  	[tilespmem:$0x1AE90] =	vst @!p0 v5  }
0x4e: {  	v5 =	vld @!p0 [tilespmem:s9+$0x5310];
	_ =	sdelay $0x7  }
0x4f: {  	v5 =	vld.idx.msk @!p0 [tilespmem:v5+s3+$0x0], $0xffff;
	_ =	sdelay $0x4  }
0x50: {  	[tilespmem:$0x1AF10] =	vst @!p0 v5  }
0x51: {  	v5 =	vld @!p0 [tilespmem:s9+$0x4F20];
	_ =	sdelay $0x7  }
0x52: {  	v5 =	vld.idx.msk @!p0 [tilespmem:v5+s2+$0x0], $0xffff;
	_ =	sdelay $0x4  }
0x53: {  	[tilespmem:$0x1AEA0] =	vst @!p0 v5  }
0x54: {  	v5 =	vld @!p0 [tilespmem:s9+$0x5320];
	_ =	sdelay $0x7  }
0x55: {  	v5 =	vld.idx.msk @!p0 [tilespmem:v5+s3+$0x0], $0xffff;
	_ =	sdelay $0x4  }
0x56: {  	[tilespmem:$0x1AF20] =	vst @!p0 v5  }
0x57: {  	v5 =	vld @!p0 [tilespmem:s9+$0x4F30];
	_ =	sdelay $0x7  }
0x58: {  	v5 =	vld.idx.msk @!p0 [tilespmem:v5+s2+$0x0], $0xffff;
	_ =	sdelay $0x4  }
0x59: {  	[tilespmem:$0x1AEB0] =	vst @!p0 v5  }
0x5a: {  	v5 =	vld @!p0 [tilespmem:s9+$0x5330];
	_ =	sdelay $0x7  }
0x5b: {  	v5 =	vld.idx.msk @!p0 [tilespmem:v5+s3+$0x0], $0xffff;
	_ =	sdelay $0x4  }
0x5c: {  	s10 =	rddreg [dreg:$0x19];
	s3 =	simm.s32 @!p0 $0x1AE80;
	[tilespmem:$0x1AF30] =	vst @!p0 v5  }
0x5d: {  	[hbm4b:s10+s2] =	stream.linear.scatter @!p0 [tilespmem:s3], [sflag:$0x2], $0x40, $0x38;
	[tilespmem:$0x1F080] =	vst v63  }
0x5e: {  	s3 =	simm.s32 @!p0 $0x1AF00;
	s10 =	rddreg [dreg:$0x1a]  }
0x5f: {  	[hbm4b:s10+s2] =	stream.linear.scatter @!p0 [tilespmem:s3], [sflag:$0x5], $0x40, $0x38;
	[tilespmem:$0x1F080] =	vst v63  }
0x60: {  	s2 =	simm.s32 @!p0 $0x2  }
0x61: {  	_ =	swait.ge @!p0 [sflag:s2], $0x40  }
0x62: {  	[sflag:s2] =	ssyncset.done @!p0 $0x0  }
0x63: {  	[sflag:s2] =	ssyncadd.s32 @!p0 $0xFFFFFFC0;
	s2 =	simm.s32 @!p0 $0x5  }
0x64: {  	_ =	swait.ge @!p0 [sflag:s2], $0x40  }
0x65: {  	[sflag:s2] =	ssyncset.done @!p0 $0x0  }
0x66: {  	[sflag:s2] =	ssyncadd.s32 @!p0 $0xFFFFFFC0;
	s2 =	simm.s32 @!p0 $0x3  }
0x67: {  	_ =	swait.ge @!p0 [sflag:s2], $0x400  }
0x68: {  	s3 =	simm.s32 @!p0 $0x13D80;
	[sflag:s2] =	ssyncset.done @!p0 $0x0  }
0x69: {  	s10 =	rddreg [dreg:$0x1e];
	[sflag:s2] =	ssyncadd.s32 @!p0 $0xFFFFFC00;
	s2 =	simm.s32 @!p0 $0x40  }
0x6a: {  	[tilespmem:s3], [sflag:$0x1] =	stream.indirect.gather @!p0 [hbm4b:s1+s2], $0x80, s10, s2, $0xb8;
	[tilespmem:$0x1F080] =	vst v63  }
0x6b: {  	_ =	swait.ge [sflag:s31], $0x2000  }
0x6c: {  	[sflag:s31] =	ssyncset.done $0x0  }
0x6d: {  	s28 =	simm.s32 $0x8;
	s26 =	rddreg [dreg:$0x18];
	[sflag:s31] =	ssyncadd.s32 $0xFFFFE000  }
0x6e: {  	[hbm4b:s26+s8] =	stream.linear.scatter [tilespmem:s30], [sflag:$0x8], $0x2000, $0x38;
	[tilespmem:$0x1F080] =	vst v63  }
0x6f: {  	_ =	swait.ge [sflag:s28], $0x2000  }
0x70: {  	[sflag:s28] =	ssyncset.done $0x0  }
0x71: {  	[sflag:s28] =	ssyncadd.s32 $0xFFFFE000  }
0x72: {  	_ =	swait.ge [sflag:s23], $0x400  }
0x73: {  	s19 =	sadd.s32 $0x1, s19;
	s29 =	rddreg [dreg:$0x1b]  }
0x74: {  	p1 =	sne.s32 s19, s29  }
.Ltmp1:
0x75: {  	_ = 	snop;
	(pc) =	sbr.rel @!p1 .LBB2_40-.Ltmp1, $3  }
0x76: {  	_ =	sdelay $0x1  }
0x77: {  	[sflag:s23] =	ssyncset.done $0x0  }
0x78: {  	[sflag:s23] =	ssyncadd.s32 $0xFFFFFC00  }
.LBB2_1:
0x79: {  	[tilespmem:s11], [sflag:$0x1] =	stream.linear.gather [hbm4b:s20+s8], $0x400, $0x38;
	[tilespmem:$0x1F080] =	vst v63  }
0x7a: {  	s2 =	simm.s32 $0x40  }
0x7b: {  	[tilespmem:s12], [sflag:$0x2] =	stream.linear.gather [hbm4b:s21+s8], $0x400, $0x38;
	[tilespmem:$0x1F080] =	vst v63  }
0x7c: {  	[tilespmem:s2+$0x30] =	vst v0  }
0x7d: {  	[tilespmem:s2+$0xFFFFFFF0] =	vst v0  }
0x7e: {  	[tilespmem:s2+$0xFFFFFFC0] =	vst v0  }
0x7f: {  	[tilespmem:s2+$0xFFFFFFE0] =	vst v0  }
0x80: {  	[tilespmem:s2+$0x10] =	vst v0  }
0x81: {  	[tilespmem:s2+$0x20] =	vst v0  }
0x82: {  	[tilespmem:s2+$0x0] =	vst v0  }
0x83: {  	s3 =	simm.s32 $0x27C0;
	[tilespmem:s2+$0xFFFFFFD0] =	vst v0  }
0x84: {  	[tilespmem:s3+$0xFFFFFFC0] =	vst v0  }
0x85: {  	[tilespmem:s3+$0x30] =	vst v0  }
0x86: {  	[tilespmem:s3+$0x20] =	vst v0  }
0x87: {  	[tilespmem:s3+$0x10] =	vst v0  }
0x88: {  	[tilespmem:s3+$0xFFFFFFE0] =	vst v0  }
0x89: {  	[tilespmem:s3+$0x0] =	vst v0  }
0x8a: {  	s10 =	simm.s32 $0x0;
	[tilespmem:s3+$0xFFFFFFF0] =	vst v0  }
.LBB2_2:
0x8b: {  	s10 =	sadd.s32 $0x8, s10;
	[tilespmem:s3+$0xFFFFFFD0] =	vst v0;
	s2 =	sadd.s32 $0x80, s2;
	s3 =	sadd.s32 $0x80, s3  }
0x8c: {  	[tilespmem:s2+$0x30] =	vst v0;
	p1 =	slt.u32 s10, $0x268  }
0x8d: {  	[tilespmem:s2+$0xFFFFFFF0] =	vst v0  }
0x8e: {  	[tilespmem:s2+$0xFFFFFFC0] =	vst v0  }
0x8f: {  	[tilespmem:s3+$0xFFFFFFC0] =	vst v0  }
0x90: {  	[tilespmem:s3+$0x30] =	vst v0  }
0x91: {  	[tilespmem:s2+$0xFFFFFFE0] =	vst v0  }
0x92: {  	[tilespmem:s2+$0x10] =	vst v0  }
0x93: {  	[tilespmem:s2+$0x20] =	vst v0  }
0x94: {  	[tilespmem:s3+$0x20] =	vst v0  }
0x95: {  	[tilespmem:s3+$0x10] =	vst v0  }
.Ltmp2:
0x96: {  	[tilespmem:s3+$0xFFFFFFE0] =	vst v0;
	(pc) =	sbr.rel @p1 .LBB2_2-.Ltmp2, $4  }
0x97: {  	[tilespmem:s2+$0x0] =	vst v0  }
0x98: {  	[tilespmem:s3+$0x0] =	vst v0  }
0x99: {  	[tilespmem:s3+$0xFFFFFFF0] =	vst v0  }
0x9a: {  	[tilespmem:s2+$0xFFFFFFD0] =	vst v0  }
0x9b: {  	[tilespmem:s3+$0xFFFFFFD0] =	vst v0  }
0x9c: {  	[tilespmem:$0x2700] =	vst v0  }
0x9d: {  	[tilespmem:$0x4E80] =	vst v0  }
0x9e: {  	_ =	swait.ge [sflag:s31], $0x400  }
0x9f: {  	[sflag:s31] =	ssyncset.done $0x0  }
0xa0: {  	[sflag:s31] =	ssyncadd.s32 $0xFFFFFC00  }
0xa1: {  	_ =	swait.ge [sflag:s4], $0x400  }
0xa2: {  	[sflag:s4] =	ssyncset.done $0x0  }
0xa3: {  	s21 =	simm.s32 $0x4F00;
	[sflag:s4] =	ssyncadd.s32 $0xFFFFFC00  }
0xa4: {  	v6 =	vld [tilespmem:s21+$0x30];
	_ =	sdelay $0x3  }
0xa5: {  	v9 =	vld [tilespmem:s21+$0x0]  }
0xa6: {  	v13 =	vld [tilespmem:s21+$0x10]  }
0xa7: {  	s2 =	simm.s32 $0x30;
	v15 =	vld [tilespmem:s21+$0x20]  }
0xa8: {  	v5 =	vor.u32 s2, v1;
	s2 =	simm.s32 $0x4F40  }
0xa9: {  	v11 =	vld [tilespmem:s2+$0x30];
	[tilespmem:v6+s8+$0x0] =	vst.idx.msk $0xffff, v5  }
0xaa: {  	v6 =	vld [tilespmem:s21+$0x430]  }
0xab: {  	s29 =	simm.s32 $0x0;
	v10 =	vld [tilespmem:s2+$0x0]  }
0xac: {  	s10 =	simm.s32 $0x10;
	v7 =	vor.u32 s29, v1;
	v12 =	vld [tilespmem:s2+$0x10]  }
0xad: {  	s12 =	simm.s32 $0x20;
	v8 =	vor.u32 s10, v1;
	s3 =	sand.u32 $0x3C0, s29;
	v14 =	vld [tilespmem:s2+$0x20];
	[tilespmem:v9+s8+$0x0] =	vst.idx.msk $0xffff, v7  }
0xae: {  	v9 =	vor.u32 s12, v1;
	[tilespmem:v13+s8+$0x0] =	vst.idx.msk $0xffff, v8;
	v13 =	vld [tilespmem:s3+$0x5300]  }
0xaf: {  	s20 =	simm.s32 $0x50;
	s10 =	simm.s32 $0x70;
	[tilespmem:v15+s8+$0x0] =	vst.idx.msk $0xffff, v9;
	v15 =	vld [tilespmem:s21+$0x410]  }
0xb0: {  	s18 =	simm.s32 $0x60;
	v17 =	vor.u32 s10, v1;
	s12 =	simm.s32 $0x4F80;
	s3 =	simm.s32 $0x4;
	v16 =	vld [tilespmem:s21+$0x420]  }
.LBB2_4:
0xb1: {  	s3 =	sadd.s32 $0x4, s3;
	s21 =	sadd.s32 $0xFFFFFFD0, s10;
	v18 =	vor.u32 s20, v1;
	v19 =	vor.u32 s18, v1;
	[tilespmem:v11+s8+$0x0] =	vst.idx.msk $0xffff, v17;
	v11 =	vld [tilespmem:s12+$0x30];
	s22 =	smov.u32 s2  }
0xb2: {  	s2 =	smov.u32 s12;
	p1 =	slt.u32 s3, $0x3C;
	v20 =	vor.u32 s21, v1;
	s18 =	sand.u32 $0x3C0, s21;
	[tilespmem:v6+s5+$0x0] =	vst.idx.msk $0xffff, v5;
	v6 =	vld [tilespmem:s22+$0x430];
	v5 =	vmov v17  }
0xb3: {  	[tilespmem:v10+s8+$0x0] =	vst.idx.msk $0xffff, v20;
	v10 =	vld [tilespmem:s12+$0x0]  }
.Ltmp3:
0xb4: {  	[tilespmem:v12+s8+$0x0] =	vst.idx.msk $0xffff, v18;
	v12 =	vld [tilespmem:s12+$0x10];
	(pc) =	sbr.rel @p1 .LBB2_4-.Ltmp3, $4  }
0xb5: {  	[tilespmem:v14+s8+$0x0] =	vst.idx.msk $0xffff, v19;
	v14 =	vld [tilespmem:s12+$0x20]  }
0xb6: {  	[tilespmem:v13+s5+$0x0] =	vst.idx.msk $0xffff, v7;
	v13 =	vld [tilespmem:s18+$0x5300];
	v7 =	vmov v20  }
0xb7: {  	s10 =	sadd.s32 $0x40, s10;
	[tilespmem:v15+s5+$0x0] =	vst.idx.msk $0xffff, v8;
	v15 =	vld [tilespmem:s22+$0x410];
	v8 =	vmov v18  }
0xb8: {  	s20 =	sadd.s32 $0xFFFFFFE0, s10;
	v17 =	vor.u32 s10, v1;
	s12 =	sadd.s32 $0x40, s12;
	s18 =	sadd.s32 $0xFFFFFFF0, s10;
	[tilespmem:v16+s5+$0x0] =	vst.idx.msk $0xffff, v9;
	v16 =	vld [tilespmem:s22+$0x420];
	v9 =	vmov v19  }
0xb9: {  	_ =	sdelay $0x3  }
0xba: {  	[tilespmem:v11+s8+$0x0] =	vst.idx.msk $0xffff, v17;
	v18 =	vor.u32 s20, v1  }
0xbb: {  	s3 =	sadd.s32 $0xFFFFFFD0, s10;
	v61 =	vor.u32 s18, v1;
	v19 =	vld [tilespmem:s2+$0x430];
	[tilespmem:v12+s8+$0x0] =	vst.idx.msk $0xffff, v18  }
0xbc: {  	v60 =	vor.u32 s3, v1;
	[tilespmem:v14+s8+$0x0] =	vst.idx.msk $0xffff, v61;
	v63 =	vld [tilespmem:s2+$0x410]  }
0xbd: {  	s3 =	sand.u32 $0x3C0, s3;
	[tilespmem:v10+s8+$0x0] =	vst.idx.msk $0xffff, v60;
	v20 =	vld [tilespmem:s2+$0x420]  }
0xbe: {  	v62 =	vld [tilespmem:s3+$0x5300]  }
0xbf: {  	[tilespmem:v6+s5+$0x0] =	vst.idx.msk $0xffff, v5  }
0xc0: {  	[tilespmem:v13+s5+$0x0] =	vst.idx.msk $0xffff, v7  }
0xc1: {  	[tilespmem:v15+s5+$0x0] =	vst.idx.msk $0xffff, v8  }
0xc2: {  	[tilespmem:v16+s5+$0x0] =	vst.idx.msk $0xffff, v9  }
0xc3: {  	[tilespmem:v19+s5+$0x0] =	vst.idx.msk $0xffff, v17  }
0xc4: {  	[tilespmem:v63+s5+$0x0] =	vst.idx.msk $0xffff, v18  }
0xc5: {  	[tilespmem:v20+s5+$0x0] =	vst.idx.msk $0xffff, v61  }
0xc6: {  	[tilespmem:v62+s5+$0x0] =	vst.idx.msk $0xffff, v60  }
0xc7: {  	s24 =	rddreg [dreg:$0xe]  }
0xc8: {  	[tilespmem:s11], [sflag:$0x5] =	stream.linear.gather [hbm4b:s24+s8], $0x2710, $0x38;
	[tilespmem:$0x1F080] =	vst v63  }
0xc9: {  	s26 =	simm.s32 $0x7680;
	s25 =	rddreg [dreg:$0xf]  }
0xca: {  	[tilespmem:s26], [sflag:$0x6] =	stream.linear.gather [hbm4b:s25+s8], $0x2710, $0x38;
	[tilespmem:$0x1F080] =	vst v63  }
0xcb: {  	s29 =	simm.s32 $0x9E00;
	s2 =	simm.s32 $0x13E80;
	s28 =	rddreg [dreg:$0x10]  }
0xcc: {  	[tilespmem:s29], [sflag:$0x7] =	stream.linear.gather [hbm4b:s28+s8], $0x2710, $0x38;
	[tilespmem:$0x1F080] =	vst v63  }
0xcd: {  	[tilespmem:s2+$0xFFFFFF00] =	vst v2  }
0xce: {  	[tilespmem:s2+$0xF0] =	vst v2  }
0xcf: {  	[tilespmem:s2+$0xE0] =	vst v2  }
0xd0: {  	[tilespmem:s2+$0xD0] =	vst v2  }
0xd1: {  	[tilespmem:s2+$0xC0] =	vst v2  }
0xd2: {  	[tilespmem:s2+$0xB0] =	vst v2  }
0xd3: {  	[tilespmem:s2+$0xA0] =	vst v2  }
0xd4: {  	[tilespmem:s2+$0x90] =	vst v2  }
0xd5: {  	[tilespmem:s2+$0x80] =	vst v2  }
0xd6: {  	[tilespmem:s2+$0x70] =	vst v2  }
0xd7: {  	[tilespmem:s2+$0x60] =	vst v2  }
0xd8: {  	[tilespmem:s2+$0x50] =	vst v2  }
0xd9: {  	[tilespmem:s2+$0x40] =	vst v2  }
0xda: {  	[tilespmem:s2+$0x30] =	vst v2  }
0xdb: {  	[tilespmem:s2+$0x20] =	vst v2  }
0xdc: {  	[tilespmem:s2+$0x10] =	vst v2  }
0xdd: {  	[tilespmem:s2+$0x0] =	vst v2  }
0xde: {  	[tilespmem:s2+$0xFFFFFFF0] =	vst v2  }
0xdf: {  	[tilespmem:s2+$0xFFFFFFE0] =	vst v2  }
0xe0: {  	[tilespmem:s2+$0xFFFFFFD0] =	vst v2  }
0xe1: {  	[tilespmem:s2+$0xFFFFFFC0] =	vst v2  }
0xe2: {  	[tilespmem:s2+$0xFFFFFFB0] =	vst v2  }
0xe3: {  	[tilespmem:s2+$0xFFFFFFA0] =	vst v2  }
0xe4: {  	[tilespmem:s2+$0xFFFFFF90] =	vst v2  }
0xe5: {  	[tilespmem:s2+$0xFFFFFF80] =	vst v2  }
0xe6: {  	[tilespmem:s2+$0xFFFFFF70] =	vst v2  }
0xe7: {  	[tilespmem:s2+$0xFFFFFF60] =	vst v2  }
0xe8: {  	[tilespmem:s2+$0xFFFFFF50] =	vst v2  }
0xe9: {  	[tilespmem:s2+$0xFFFFFF40] =	vst v2  }
0xea: {  	[tilespmem:s2+$0xFFFFFF30] =	vst v2  }
0xeb: {  	s3 =	simm.s32 $0x0;
	[tilespmem:s2+$0xFFFFFF20] =	vst v2  }
.LBB2_6:
0xec: {  	s3 =	sadd.s32 $0x4, s3;
	[tilespmem:s2+$0xFFFFFF10] =	vst v2;
	s2 =	sadd.s32 $0x200, s2  }
0xed: {  	[tilespmem:s2+$0xFFFFFF00] =	vst v2;
	p1 =	slt.u32 s3, $0x3C  }
0xee: {  	[tilespmem:s2+$0xF0] =	vst v2  }
0xef: {  	[tilespmem:s2+$0xE0] =	vst v2  }
0xf0: {  	[tilespmem:s2+$0xD0] =	vst v2  }
0xf1: {  	[tilespmem:s2+$0xC0] =	vst v2  }
0xf2: {  	[tilespmem:s2+$0xB0] =	vst v2  }
0xf3: {  	[tilespmem:s2+$0xA0] =	vst v2  }
0xf4: {  	[tilespmem:s2+$0x90] =	vst v2  }
0xf5: {  	[tilespmem:s2+$0x80] =	vst v2  }
0xf6: {  	[tilespmem:s2+$0x70] =	vst v2  }
0xf7: {  	[tilespmem:s2+$0x60] =	vst v2  }
0xf8: {  	[tilespmem:s2+$0x50] =	vst v2  }
0xf9: {  	[tilespmem:s2+$0x40] =	vst v2  }
0xfa: {  	[tilespmem:s2+$0x30] =	vst v2  }
0xfb: {  	[tilespmem:s2+$0x20] =	vst v2  }
0xfc: {  	[tilespmem:s2+$0x10] =	vst v2  }
0xfd: {  	[tilespmem:s2+$0x0] =	vst v2  }
0xfe: {  	[tilespmem:s2+$0xFFFFFFF0] =	vst v2  }
0xff: {  	[tilespmem:s2+$0xFFFFFFE0] =	vst v2  }
0x100: {  	[tilespmem:s2+$0xFFFFFFD0] =	vst v2  }
0x101: {  	[tilespmem:s2+$0xFFFFFFC0] =	vst v2  }
0x102: {  	[tilespmem:s2+$0xFFFFFFB0] =	vst v2  }
0x103: {  	[tilespmem:s2+$0xFFFFFFA0] =	vst v2  }
0x104: {  	[tilespmem:s2+$0xFFFFFF90] =	vst v2  }
0x105: {  	[tilespmem:s2+$0xFFFFFF80] =	vst v2  }
0x106: {  	[tilespmem:s2+$0xFFFFFF70] =	vst v2  }
.Ltmp4:
0x107: {  	[tilespmem:s2+$0xFFFFFF60] =	vst v2;
	(pc) =	sbr.rel @p1 .LBB2_6-.Ltmp4, $4  }
0x108: {  	[tilespmem:s2+$0xFFFFFF50] =	vst v2  }
0x109: {  	[tilespmem:s2+$0xFFFFFF40] =	vst v2  }
0x10a: {  	[tilespmem:s2+$0xFFFFFF30] =	vst v2  }
0x10b: {  	[tilespmem:s2+$0xFFFFFF20] =	vst v2  }
0x10c: {  	[tilespmem:s2+$0xFFFFFF10] =	vst v2  }
0x10d: {  	[tilespmem:$0x15D80] =	vst v2  }
0x10e: {  	[tilespmem:$0x15D90] =	vst v2  }
0x10f: {  	[tilespmem:$0x15DA0] =	vst v2  }
0x110: {  	[tilespmem:$0x15DB0] =	vst v2  }
0x111: {  	[tilespmem:$0x15DC0] =	vst v2  }
0x112: {  	[tilespmem:$0x15DD0] =	vst v2  }
0x113: {  	[tilespmem:$0x15DE0] =	vst v2  }
0x114: {  	[tilespmem:$0x15DF0] =	vst v2;
	s2 =	rddreg [dreg:$0x11]  }
0x115: {  	[spmem:s2] =	stream.linear.scatter [tilespmem:s30], [sflag:$0x3], $0x2080, $0x38;
	[tilespmem:$0x1F080] =	vst v63  }
0x116: {  	s20 =	simm.s32 $0x3;
	s18 =	rddreg [dreg:$0x12]  }
0x117: {  	[spmem:s18] =	stream.linear.scatter [tilespmem:s30], [sflag:$0x4], $0x2080, $0x38;
	[tilespmem:$0x1F080] =	vst v63  }
0x118: {  	_ =	swait.ge [sflag:s20], $0x2080  }
0x119: {  	[sflag:s20] =	ssyncset.done $0x0  }
0x11a: {  	[sflag:s20] =	ssyncadd.s32 $0xFFFFDF80  }
0x11b: {  	_ =	swait.ge [sflag:s23], $0x2080  }
0x11c: {  	[sflag:s23] =	ssyncset.done $0x0  }
0x11d: {  	[sflag:s23] =	ssyncadd.s32 $0xFFFFDF80  }
0x11e: {  	s21 =	simm.s32 $0x5;
	[bflag:$0x0] =	sbarrier.arrive $0xFFFF  }
0x11f: {  	_ =	swait.ge [sflag:s21], $0x2710  }
0x120: {  	[sflag:s21] =	ssyncset.done $0x0  }
0x121: {  	s22 =	simm.s32 $0x6;
	[sflag:s21] =	ssyncadd.s32 $0xFFFFD8F0  }
0x122: {  	_ =	swait.ge [sflag:s22], $0x2710  }
0x123: {  	[sflag:s22] =	ssyncset.done $0x0  }
0x124: {  	s23 =	simm.s32 $0x7;
	[sflag:s22] =	ssyncadd.s32 $0xFFFFD8F0  }
0x125: {  	_ =	swait.ge [sflag:s23], $0x2710  }
0x126: {  	[sflag:s23] =	ssyncset.done $0x0  }
0x127: {  	s10 =	simm.s32 $0x76C0;
	[sflag:s23] =	ssyncadd.s32 $0xFFFFD8F0  }
0x128: {  	s24 =	simm.s32 $0x4F40;
	v7 =	vld [tilespmem:s10+$0xFFFFFFC0]  }
0x129: {  	v5 =	vld [tilespmem:s24+$0xFFFFFFC0]  }
0x12a: {  	v6 =	vld [tilespmem:s24+$0xFFFFFFD0]  }
0x12b: {  	v8 =	vld [tilespmem:s24+$0xFFFFFFE0]  }
0x12c: {  	v9 =	vld [tilespmem:s24+$0xFFFFFFF0]  }
0x12d: {  	v10 =	vld [tilespmem:s24+$0x0]  }
0x12e: {  	v11 =	vld [tilespmem:s24+$0x10]  }
0x12f: {  	v12 =	vld [tilespmem:s24+$0x20]  }
0x130: {  	s20 =	simm.s32 $0x7740;
	v13 =	vld [tilespmem:s24+$0x30]  }
0x131: {  	v22 =	vld [tilespmem:s20+$0xFFFFFFC0]  }
0x132: {  	v19 =	vld.idx.msk [tilespmem:v5+s8+$0x0], $0xffff  }
0x133: {  	v5 =	vld.idx.msk [tilespmem:v6+s8+$0x0], $0xffff  }
0x134: {  	v6 =	vld.idx.msk [tilespmem:v8+s8+$0x0], $0xffff  }
0x135: {  	v8 =	vld.idx.msk [tilespmem:v9+s8+$0x0], $0xffff  }
0x136: {  	v9 =	vld.idx.msk [tilespmem:v10+s8+$0x0], $0xffff  }
0x137: {  	s3 =	simm.s32 $0x0;
	v10 =	vld.idx.msk [tilespmem:v11+s8+$0x0], $0xffff;
	vm6 =	vgt.s32 v19, $0xFFFFFFFF  }
0x138: {  	v11 =	vld.idx.msk [tilespmem:v12+s8+$0x0], $0xffff;
	vm5 =	vgt.s32 v5, $0xFFFFFFFF;
	[tilespmem:s3+$0xC580] =	vst.msk vm6, v7;
	v7 =	vmpcnt.ones.xlane vm6  }
0x139: {  	v15 =	vld [tilespmem:s10+$0xFFFFFFD0];
	vm2 =	vgt.s32 v6, $0xFFFFFFFF;
	v12 =	vmpcnt.ones.xlane vm5  }
0x13a: {  	v20 =	vld.idx.msk [tilespmem:v13+s8+$0x0], $0xffff;
	vm0 =	vgt.s32 v8, $0xFFFFFFFF;
	v13 =	vmpcnt.ones.xlane vm2;
	(v2sf) =	vpush v7, $0x0  }
0x13b: {  	v17 =	vld [tilespmem:s10+$0xFFFFFFF0];
	vm4 =	vgt.s32 v9, $0xFFFFFFFF;
	v7 =	vmpcnt.ones.xlane vm0;
	(v2sf) =	vpush v12, $0x0  }
0x13c: {  	v18 =	vld [tilespmem:s10+$0x0];
	vm8 =	vgt.s32 v10, $0xFFFFFFFF;
	v12 =	vmpcnt.ones.xlane vm4;
	(v2sf) =	vpush v13, $0x0  }
0x13d: {  	v23 =	vld [tilespmem:s10+$0x10];
	vm1 =	vgt.s32 v11, $0xFFFFFFFF;
	v14 =	vmpcnt.ones.xlane vm8;
	(v2sf) =	vpush v7, $0x0  }
0x13e: {  	v24 =	vld [tilespmem:s10+$0x20];
	v7 =	vmpcnt.ones.xlane vm1;
	(v2sf) =	vpush v12, $0x0  }
0x13f: {  	s22 =	simm.s32 $0x4FC0;
	v25 =	vld [tilespmem:s10+$0x30];
	(v2sf) =	vpush v14, $0x0  }
0x140: {  	v16 =	vld [tilespmem:s22+$0xFFFFFFE0];
	vm7 =	vgt.s32 v20, $0xFFFFFFFF;
	(v2sf) =	vpush v7, $0x0  }
0x141: {  	v26 =	vld [tilespmem:s22+$0xFFFFFFF0];
	v12 =	vmpcnt.ones.xlane vm7  }
0x142: {  	v7 =	vld [tilespmem:s22+$0xFFFFFFC0]  }
0x143: {  	v14 =	vld [tilespmem:s22+$0xFFFFFFD0];
	(v2sf) =	vpush v12, $0x0  }
0x144: {  	v27 =	vld [tilespmem:s22+$0x0]  }
0x145: {  	v28 =	vld [tilespmem:s22+$0x10]  }
0x146: {  	s2 =	simm.s32 $0x9E40;
	v30 =	vld [tilespmem:s22+$0x30]  }
0x147: {  	v21 =	vld [tilespmem:s2+$0xFFFFFFC0]  }
0x148: {  	v29 =	vld [tilespmem:s22+$0x20]  }
0x149: {  	v13 =	vld [tilespmem:s10+$0xFFFFFFE0];
	s25 =	spop (v2sf)  }
0x14a: {  	v12 =	vld.idx.msk [tilespmem:v7+s8+$0x0], $0xffff;
	s21 =	sadd.s32 $0x0, s25;
	s26 =	spop (v2sf)  }
0x14b: {  	v7 =	vld.idx.msk [tilespmem:v14+s8+$0x0], $0xffff;
	s23 =	sadd.s32 s21, s26;
	s11 =	spop (v2sf)  }
0x14c: {  	[tilespmem:s3+$0x11580] =	vst.msk vm6, v21;
	v14 =	vld.idx.msk [tilespmem:v16+s8+$0x0], $0xffff;
	s25 =	sadd.s32 s23, s11;
	s12 =	spop (v2sf)  }
0x14d: {  	vm2 =	vmmov vm2;
	v16 =	vld.idx.msk [tilespmem:v27+s8+$0x0], $0xffff;
	[tilespmem:s21+$0xC580] =	vst.msk vm5, v15;
	s28 =	sadd.s32 s25, s12;
	s18 =	spop (v2sf)  }
0x14e: {  	vm3 =	vmmov vm0;
	v15 =	vld.idx.msk [tilespmem:v26+s8+$0x0], $0xffff;
	[tilespmem:s23+$0xC580] =	vst.msk vm2, v13;
	s18 =	sadd.s32 s28, s18;
	s24 =	spop (v2sf)  }
0x14f: {  	vm4 =	vmmov vm4;
	v13 =	vld.idx.msk [tilespmem:v30+s8+$0x0], $0xffff;
	[tilespmem:s25+$0xC580] =	vst.msk vm3, v17;
	s12 =	sadd.s32 s18, s24;
	s26 =	spop (v2sf)  }
0x150: {  	vm14 =	vmmov vm7;
	v17 =	vld.idx.msk [tilespmem:v28+s8+$0x0], $0xffff;
	vm0 =	vgt.s32 v12, $0xFFFFFFFF;
	[tilespmem:s28+$0xC580] =	vst.msk vm4, v18;
	s10 =	sadd.s32 s12, s26  }
0x151: {  	vm7 =	vmmov vm1;
	vm1 =	vgt.s32 v7, $0xFFFFFFFF;
	v18 =	vld.idx.msk [tilespmem:v29+s8+$0x0], $0xffff;
	[tilespmem:s10+$0xC580] =	vst.msk vm14, v25;
	v25 =	vmpcnt.ones.xlane vm0  }
0x152: {  	vm8 =	vmmov vm8;
	vm9 =	vgt.s32 v14, $0xFFFFFFFF;
	[tilespmem:s12+$0xC580] =	vst.msk vm7, v24;
	v24 =	vmpcnt.ones.xlane vm1;
	s24 =	spop (v2sf);
	v26 =	vld [tilespmem:s2+$0x30]  }
0x153: {  	[tilespmem:s18+$0xC580] =	vst.msk vm8, v23;
	v23 =	vmpcnt.ones.xlane vm9;
	vm10 =	vgt.s32 v15, $0xFFFFFFFF;
	v27 =	vld [tilespmem:s2+$0x20];
	s26 =	sadd.s32 s10, s24;
	(v2sf) =	vpush v25, $0x0  }
0x154: {  	vm11 =	vgt.s32 v16, $0xFFFFFFFF;
	v21 =	vmpcnt.ones.xlane vm10;
	[tilespmem:s26+$0xC580] =	vst.msk vm0, v22;
	v22 =	vld [tilespmem:s2+$0xFFFFFFE0];
	(v2sf) =	vpush v24, $0x0  }
0x155: {  	[tilespmem:s3+$0xED80] =	vst.msk vm6, v19;
	v19 =	vmpcnt.ones.xlane vm11;
	vm12 =	vgt.s32 v17, $0xFFFFFFFF;
	v25 =	vld [tilespmem:s2+$0x10];
	(v2sf) =	vpush v23, $0x0  }
0x156: {  	v62 =	vmpcnt.ones.xlane vm12;
	vm13 =	vgt.s32 v18, $0xFFFFFFFF;
	v24 =	vld [tilespmem:s2+$0x0];
	(v2sf) =	vpush v21, $0x0  }
0x157: {  	vm6 =	vgt.s32 v13, $0xFFFFFFFF;
	v63 =	vmpcnt.ones.xlane vm13;
	v23 =	vld [tilespmem:s2+$0xFFFFFFF0];
	(v2sf) =	vpush v19, $0x0;
	[tilespmem:s10+$0x11580] =	vst.msk vm14, v26  }
0x158: {  	s24 =	simm.s32 $0x9EC0;
	v21 =	vld [tilespmem:s2+$0xFFFFFFD0];
	(v2sf) =	vpush v62, $0x0;
	[tilespmem:s10+$0xED80] =	vst.msk vm14, v20;
	v20 =	vmpcnt.ones.xlane vm6  }
0x159: {  	s29 =	simm.s32 $0x8;
	s3 =	simm.s32 $0x77C0;
	vm5 =	vmmov vm5;
	[tilespmem:s12+$0x11580] =	vst.msk vm7, v27;
	s2 =	smov.u32 s26;
	v19 =	vld [tilespmem:s24+$0xFFFFFFC0];
	vm6 =	vmmov vm6;
	(v2sf) =	vpush v63, $0x0  }
.LBB2_8:
0x15a: {  	v26 =	vld [tilespmem:s3+$0xFFFFFFC0];
	(v2sf) =	vpush v20, $0x0;
	[tilespmem:s12+$0xED80] =	vst.msk vm7, v11;
	v11 =	vmov v18;
	vm7 =	vmmov vm13  }
0x15b: {  	v18 =	vld [tilespmem:s20+$0xFFFFFFD0];
	[tilespmem:s18+$0x11580] =	vst.msk vm8, v25  }
0x15c: {  	s29 =	sadd.s32 $0x8, s29;
	v20 =	vld [tilespmem:s20+$0xFFFFFFE0];
	[tilespmem:s18+$0xED80] =	vst.msk vm8, v10;
	v10 =	vmov v17;
	vm8 =	vmmov vm12  }
0x15d: {  	p1 =	slt.u32 s29, $0x268;
	v17 =	vld [tilespmem:s20+$0xFFFFFFF0];
	[tilespmem:s28+$0x11580] =	vst.msk vm4, v24  }
0x15e: {  	v24 =	vld [tilespmem:s20+$0x0];
	[tilespmem:s28+$0xED80] =	vst.msk vm4, v9;
	v9 =	vmov v16;
	vm4 =	vmmov vm11  }
0x15f: {  	v16 =	vld [tilespmem:s20+$0x10];
	[tilespmem:s25+$0x11580] =	vst.msk vm3, v23  }
0x160: {  	v23 =	vld [tilespmem:s20+$0x20];
	[tilespmem:s25+$0xED80] =	vst.msk vm3, v8;
	v8 =	vmov v15;
	vm3 =	vmmov vm10  }
0x161: {  	s22 =	sadd.s32 $0x80, s22;
	v15 =	vld [tilespmem:s20+$0x30];
	[tilespmem:s23+$0x11580] =	vst.msk vm2, v22;
	s20 =	smov.u32 s3  }
0x162: {  	v22 =	vld [tilespmem:s22+$0xFFFFFFC0];
	s10 =	spop (v2sf);
	[tilespmem:s23+$0xED80] =	vst.msk vm2, v6;
	v6 =	vmov v14;
	vm2 =	vmmov vm9  }
0x163: {  	v14 =	vld [tilespmem:s22+$0xFFFFFFD0];
	s11 =	sadd.s32 s26, s10;
	s10 =	spop (v2sf);
	[tilespmem:s21+$0x11580] =	vst.msk vm5, v21  }
0x164: {  	v21 =	vld [tilespmem:s22+$0xFFFFFFE0];
	[tilespmem:s11+$0xC580] =	vst.msk vm1, v18;
	s23 =	sadd.s32 s11, s10;
	s10 =	spop (v2sf)  }
0x165: {  	v18 =	vld [tilespmem:s22+$0xFFFFFFF0];
	[tilespmem:s23+$0xC580] =	vst.msk vm2, v20;
	s25 =	sadd.s32 s23, s10;
	s10 =	spop (v2sf)  }
0x166: {  	v20 =	vld [tilespmem:s22+$0x0];
	[tilespmem:s25+$0xC580] =	vst.msk vm3, v17;
	s28 =	sadd.s32 s25, s10;
	s10 =	spop (v2sf)  }
0x167: {  	v17 =	vld [tilespmem:s22+$0x10];
	[tilespmem:s28+$0xC580] =	vst.msk vm4, v24;
	s18 =	sadd.s32 s28, s10;
	s10 =	spop (v2sf)  }
0x168: {  	v24 =	vld [tilespmem:s22+$0x20];
	[tilespmem:s18+$0xC580] =	vst.msk vm8, v16;
	s12 =	sadd.s32 s18, s10;
	s10 =	spop (v2sf)  }
0x169: {  	v25 =	vld [tilespmem:s22+$0x30];
	[tilespmem:s12+$0xC580] =	vst.msk vm7, v23;
	s10 =	sadd.s32 s12, s10;
	s26 =	spop (v2sf)  }
0x16a: {  	v22 =	vld.idx.msk [tilespmem:v22+s8+$0x0], $0xffff;
	[tilespmem:s10+$0xC580] =	vst.msk vm6, v15;
	s26 =	sadd.s32 s10, s26  }
0x16b: {  	[tilespmem:s21+$0xED80] =	vst.msk vm5, v5;
	v5 =	vmov v7;
	v7 =	vld.idx.msk [tilespmem:v14+s8+$0x0], $0xffff;
	vm5 =	vmmov vm1;
	s21 =	smov.u32 s11  }
0x16c: {  	v14 =	vld.idx.msk [tilespmem:v21+s8+$0x0], $0xffff;
	[tilespmem:s2+$0x11580] =	vst.msk vm0, v19  }
0x16d: {  	v15 =	vld.idx.msk [tilespmem:v18+s8+$0x0], $0xffff;
	[tilespmem:s2+$0xED80] =	vst.msk vm0, v12;
	s2 =	smov.u32 s26  }
0x16e: {  	v16 =	vld.idx.msk [tilespmem:v20+s8+$0x0], $0xffff  }
0x16f: {  	v17 =	vld.idx.msk [tilespmem:v17+s8+$0x0], $0xffff  }
0x170: {  	vm0 =	vgt.s32 v22, $0xFFFFFFFF;
	v12 =	vmov v22;
	v18 =	vld.idx.msk [tilespmem:v24+s8+$0x0], $0xffff  }
0x171: {  	v19 =	vmpcnt.ones.xlane vm0;
	vm1 =	vgt.s32 v7, $0xFFFFFFFF;
	[tilespmem:s26+$0xC580] =	vst.msk vm0, v26;
	v26 =	vld.idx.msk [tilespmem:v25+s8+$0x0], $0xffff  }
0x172: {  	v20 =	vmpcnt.ones.xlane vm1;
	vm9 =	vgt.s32 v14, $0xFFFFFFFF;
	v21 =	vld [tilespmem:s24+$0x30]  }
0x173: {  	v22 =	vmpcnt.ones.xlane vm9;
	vm10 =	vgt.s32 v15, $0xFFFFFFFF;
	(v2sf) =	vpush v19, $0x0;
	v27 =	vld [tilespmem:s24+$0x20]  }
0x174: {  	v19 =	vmpcnt.ones.xlane vm10;
	vm11 =	vgt.s32 v16, $0xFFFFFFFF;
	(v2sf) =	vpush v20, $0x0;
	v25 =	vld [tilespmem:s24+$0x10]  }
.Ltmp5:
0x175: {  	v20 =	vmpcnt.ones.xlane vm11;
	vm12 =	vgt.s32 v17, $0xFFFFFFFF;
	(v2sf) =	vpush v22, $0x0;
	v24 =	vld [tilespmem:s24+$0x0];
	(pc) =	sbr.rel @p1 .LBB2_8-.Ltmp5, $4  }
0x176: {  	v28 =	vmpcnt.ones.xlane vm12;
	vm13 =	vgt.s32 v18, $0xFFFFFFFF;
	(v2sf) =	vpush v19, $0x0;
	v23 =	vld [tilespmem:s24+$0xFFFFFFF0]  }
0x177: {  	v29 =	vmpcnt.ones.xlane vm13;
	vm14 =	vgt.s32 v26, $0xFFFFFFFF;
	(v2sf) =	vpush v20, $0x0;
	v22 =	vld [tilespmem:s24+$0xFFFFFFE0];
	[tilespmem:s10+$0x11580] =	vst.msk vm6, v21  }
0x178: {  	v20 =	vmpcnt.ones.xlane vm14;
	(v2sf) =	vpush v28, $0x0;
	v21 =	vld [tilespmem:s24+$0xFFFFFFD0];
	[tilespmem:s10+$0xED80] =	vst.msk vm6, v13;
	s24 =	sadd.s32 $0x80, s24;
	v13 =	vmovc v26;
	vm6 =	vmmov vm14  }
0x179: {  	s3 =	sadd.s32 $0x80, s3;
	v19 =	vld [tilespmem:s24+$0xFFFFFFC0];
	(v2sf) =	vpush v29, $0x0;
	[tilespmem:s12+$0x11580] =	vst.msk vm7, v27  }
0x17a: {  	[tilespmem:s12+$0xED80] =	vst.msk vm7, v11  }
0x17b: {  	[tilespmem:s18+$0x11580] =	vst.msk vm8, v25  }
0x17c: {  	[tilespmem:s28+$0x11580] =	vst.msk vm4, v24  }
0x17d: {  	[tilespmem:s18+$0xED80] =	vst.msk vm8, v10  }
0x17e: {  	[tilespmem:s28+$0xED80] =	vst.msk vm4, v9  }
0x17f: {  	[tilespmem:s25+$0x11580] =	vst.msk vm3, v23  }
0x180: {  	[tilespmem:s25+$0xED80] =	vst.msk vm3, v8  }
0x181: {  	[tilespmem:s23+$0x11580] =	vst.msk vm2, v22  }
0x182: {  	v56 =	vld [tilespmem:s20+$0xFFFFFFD0];
	[tilespmem:s23+$0xED80] =	vst.msk vm2, v6;
	s3 =	spop (v2sf)  }
0x183: {  	v57 =	vld [tilespmem:s20+$0xFFFFFFE0];
	[tilespmem:s21+$0x11580] =	vst.msk vm5, v21;
	s3 =	sadd.s32 s26, s3;
	s10 =	spop (v2sf)  }
0x184: {  	v58 =	vld [tilespmem:s20+$0xFFFFFFF0];
	[tilespmem:s21+$0xED80] =	vst.msk vm5, v5;
	s10 =	sadd.s32 s3, s10;
	s11 =	spop (v2sf)  }
0x185: {  	v6 =	vld [tilespmem:s20+$0x30];
	[tilespmem:s2+$0x11580] =	vst.msk vm0, v19;
	s11 =	sadd.s32 s10, s11;
	s26 =	spop (v2sf)  }
0x186: {  	v60 =	vld [tilespmem:s20+$0x10];
	[tilespmem:s2+$0xED80] =	vst.msk vm0, v12;
	s12 =	sadd.s32 s11, s26;
	s28 =	spop (v2sf)  }
0x187: {  	v61 =	vld [tilespmem:s20+$0x20];
	vm2 =	vmmov vm9;
	[tilespmem:s3+$0xC580] =	vst.msk vm1, v56;
	s18 =	sadd.s32 s12, s28;
	s29 =	spop (v2sf)  }
0x188: {  	v59 =	vld [tilespmem:s20+$0x0];
	vm14 =	vmmov vm10;
	[tilespmem:s10+$0xC580] =	vst.msk vm2, v57;
	s20 =	sadd.s32 s18, s29;
	s22 =	spop (v2sf)  }
0x189: {  	[tilespmem:s11+$0xC580] =	vst.msk vm14, v58;
	v63 =	vld [tilespmem:s24+$0xFFFFFFE0];
	s22 =	sadd.s32 s20, s22  }
0x18a: {  	vm12 =	vmmov vm12;
	[tilespmem:s22+$0xC580] =	vst.msk vm6, v6  }
0x18b: {  	vm13 =	vmmov vm13;
	[tilespmem:s18+$0xC580] =	vst.msk vm12, v60;
	v6 =	vld [tilespmem:s24+$0x30]  }
0x18c: {  	vm15 =	vmmov vm11;
	[tilespmem:s20+$0xC580] =	vst.msk vm13, v61;
	v62 =	vld [tilespmem:s24+$0x10]  }
0x18d: {  	[tilespmem:s12+$0xC580] =	vst.msk vm15, v59;
	v5 =	vld [tilespmem:s24+$0x20]  }
0x18e: {  	[tilespmem:s10+$0x11580] =	vst.msk vm2, v63  }
0x18f: {  	[tilespmem:s10+$0xED80] =	vst.msk vm2, v14  }
0x190: {  	[tilespmem:s22+$0x11580] =	vst.msk vm6, v6;
	v6 =	vld [tilespmem:s24+$0x0]  }
0x191: {  	[tilespmem:s18+$0x11580] =	vst.msk vm12, v62  }
0x192: {  	[tilespmem:s20+$0x11580] =	vst.msk vm13, v5;
	v5 =	vld [tilespmem:s24+$0xFFFFFFF0]  }
0x193: {  	[tilespmem:s18+$0xED80] =	vst.msk vm12, v17  }
0x194: {  	[tilespmem:s20+$0xED80] =	vst.msk vm13, v18  }
0x195: {  	[tilespmem:s12+$0x11580] =	vst.msk vm15, v6;
	v6 =	vld [tilespmem:s24+$0xFFFFFFD0]  }
0x196: {  	[tilespmem:s22+$0xED80] =	vst.msk vm6, v13  }
0x197: {  	[tilespmem:s11+$0x11580] =	vst.msk vm14, v5  }
0x198: {  	[tilespmem:s11+$0xED80] =	vst.msk vm14, v15  }
0x199: {  	vm14 =	vmmov vm1;
	[tilespmem:s12+$0xED80] =	vst.msk vm15, v16  }
0x19a: {  	[tilespmem:s3+$0x11580] =	vst.msk vm14, v6  }
0x19b: {  	[tilespmem:s3+$0xED80] =	vst.msk vm14, v7  }
0x19c: {  	v5 =	vld [tilespmem:$0x7600];
	_ =	sdelay $0x7  }
0x19d: {  	(v2sf) =	vpush v20, $0x0;
	v5 =	vld.idx.msk [tilespmem:v5+s8+$0x0], $0xffff;
	_ =	sdelay $0x4  }
0x19e: {  	vm15 =	vgt.s32 v5, $0xFFFFFFFF  }
0x19f: {  	v6 =	vmpcnt.ones.xlane vm15;
	_ =	sdelay $0x1  }
0x1a0: {  	(v2sf) =	vpush v6, $0x0;
	_ =	sdelay $0x3  }
0x1a1: {  	v6 =	vld [tilespmem:$0x9D80];
	_ =	sdelay $0x2  }
0x1a2: {  	s3 =	spop (v2sf)  }
0x1a3: {  	s2 =	sadd.s32 s22, s3  }
0x1a4: {  	[tilespmem:s2+$0xC580] =	vst.msk vm15, v6  }
0x1a5: {  	v6 =	vld [tilespmem:$0xC500];
	_ =	sdelay $0x4  }
0x1a6: {  	[tilespmem:s2+$0x11580] =	vst.msk vm15, v6;
	s10 =	spop (v2sf)  }
0x1a7: {  	[tilespmem:s2+$0xED80] =	vst.msk vm15, v5;
	s2 =	sadd.s32 s2, s10  }
0x1a8: {  	[tilespmem:s2+$0xC580] =	vst v3  }
0x1a9: {  	[tilespmem:s2+$0xED80] =	vst v4  }
0x1aa: {  	[tilespmem:s2+$0xC590] =	vst v3  }
0x1ab: {  	[tilespmem:s2+$0xED90] =	vst v4  }
0x1ac: {  	[tilespmem:s2+$0xC5A0] =	vst v3  }
0x1ad: {  	[tilespmem:s2+$0xEDA0] =	vst v4  }
0x1ae: {  	[tilespmem:s2+$0xC5B0] =	vst v3  }
0x1af: {  	[tilespmem:s2+$0xEDB0] =	vst v4  }
0x1b0: {  	[tilespmem:s2+$0xC5C0] =	vst v3  }
0x1b1: {  	[tilespmem:s2+$0xEDC0] =	vst v4  }
0x1b2: {  	[tilespmem:s2+$0xC5D0] =	vst v3  }
0x1b3: {  	[tilespmem:s2+$0xEDD0] =	vst v4  }
0x1b4: {  	[tilespmem:s2+$0xC5E0] =	vst v3  }
0x1b5: {  	s12 =	simm.s32 $0x4F00;
	s11 =	rddreg [dreg:$0x13];
	[tilespmem:s2+$0xEDE0] =	vst v4;
	s21 =	sadd.s32 $0x6F, s2  }
0x1b6: {  	[tilespmem:s12], [sflag:$0x5] =	stream.linear.gather [hbm4b:s11+s8], $0x2710, $0x38;
	[tilespmem:$0x1F080] =	vst v63  }
0x1b7: {  	s20 =	simm.s32 $0x7680;
	s22 =	smulhi.u32 $0x92492493, s21;
	s23 =	sshra.s32 s21, $0x1F  }
0x1b8: {  	s18 =	rddreg [dreg:$0x14];
	s2 =	ssub.s32 $0xFFFFFF91, s2;
	s11 =	smul.u32 $0x92492493, s23  }
0x1b9: {  	[tilespmem:s20], [sflag:$0x6] =	stream.linear.gather [hbm4b:s18+s8], $0x2710, $0x38;
	[tilespmem:$0x1F080] =	vst v63  }
0x1ba: {  	s10 =	sadd.s32 s2, s22  }
0x1bb: {  	s10 =	sadd.s32 s11, s10  }
0x1bc: {  	s10 =	sadd.s32 s21, s10  }
0x1bd: {  	s24 =	sshrl.u32 s10, $0x1F;
	s10 =	sshra.s32 s10, $0x6  }
0x1be: {  	s10 =	sadd.s32 s24, s10  }
0x1bf: {  	s25 =	simm.s32 $0x9E00;
	s12 =	rddreg [dreg:$0x15];
	s11 =	smul.u32 $0xFFFFFF90, s10  }
0x1c0: {  	[tilespmem:s25], [sflag:$0x7] =	stream.linear.gather [hbm4b:s12+s8], $0x2710, $0x38;
	[tilespmem:$0x1F080] =	vst v63  }
0x1c1: {  	p1 =	slt.s32 s21, $0x1;
	p2 =	sne.s32 s11, s2  }
0x1c2: {  	p1 =	por !p1, !p2  }
0x1c3: {  	s2 =	simm.s32 $0x1;
	p1 =	por !p1, !p1  }
0x1c4: {  	s2 =	simm.s32 @!p1 $0x0  }
0x1c5: {  	s20 =	ssub.s32 s10, s2  }
0x1c6: {  	p1 =	slt.s32 s20, $0x1  }
0x1c7: {  	s26 =	sadd.s32 $0x1, s20;
	s2 =	simm.s32 @!p1 $0x70  }
0x1c8: {  	s3 =	simm.s32 @!p1 $0xC580;
	s10 =	simm.s32 @!p1 $0x13D80;
	s28 =	sand.u32 $0x1, s26  }
0x1c9: {  	[tilespmem:s10], [sflag:$0x1] =	stream.indirect.gather @!p1 [hbm4b:s0+s2], $0x80, s3, s2, $0xb8;
	[tilespmem:$0x1F080] =	vst v63  }
0x1ca: {  	p5 =	slt.s32 s20, $0x0;
	p6 =	seq.s32 s28, $0x1  }
0x1cb: {  	s29 =	sshrl.u32 s26, $0x1F;
	p1 =	por !p5, !p6  }
0x1cc: {  	s2 =	sadd.s32 s29, s26;
	s3 =	simm.s32 $0x1;
	p1 =	por !p1, !p1  }
0x1cd: {  	s2 =	sshra.s32 s2, $0x1;
	s3 =	simm.s32 @!p1 $0x0  }
0x1ce: {  	s21 =	ssub.s32 s2, s3  }
0x1cf: {  	p1 =	slt.s32 s21, $0x1  }
.Ltmp6:
0x1d0: {  	_ = 	snop;
	(pc) =	sbr.rel @!p1 .LBB2_10-.Ltmp6, $2  }
0x1d1: {  	_ =	sdelay $0x2  }
0x1d2: {  	s23 =	simm.s32 $0x0;
	s22 =	simm.s32 $0x0  }
.LBB2_19:
0x1d3: {  	p1 =	slt.s32 s20, $0x2  }
.Ltmp7:
0x1d4: {  	_ = 	snop;
	(pc) =	sbr.rel @p1 .LBB2_21-.Ltmp7, $1  }
0x1d5: {  	_ =	sdelay $0x3  }
.Ltmp8:
0x1d6: {  	(pc) =	sbr.rel .LBB2_22-.Ltmp8, $4  }
0x1d7: {  	s2 =	simm.s32 $0x3  }
0x1d8: {  	_ =	swait.ge [sflag:s2], $0x3800  }
0x1d9: {  	[sflag:s2] =	ssyncset.done $0x0  }
0x1da: {  	[sflag:s2] =	ssyncadd.s32 $0xFFFFC800;
	s2 =	simm.s32 $0x4  }
.LBB2_18:
0x1db: {  	s23 =	sadd.s32 $0x1, s23  }
0x1dc: {  	p1 =	sne.s32 s23, s21  }
.Ltmp9:
0x1dd: {  	_ = 	snop;
	(pc) =	sbr.rel @!p1 .LBB2_19-.Ltmp9, $2  }
0x1de: {  	_ =	sdelay $0x2  }
0x1df: {  	s22 =	sadd.s32 $0xE0, s22  }
.LBB2_10:
0x1e0: {  	s25 =	sshll.u32 s23, $0x1  }
0x1e1: {  	p2 =	sge.s32 s25, s20  }
.Ltmp10:
0x1e2: {  	_ = 	snop;
	(pc) =	sbr.rel @p2 .LBB2_14-.Ltmp10, $3  }
0x1e3: {  	_ =	sdelay $0x1  }
0x1e4: {  	s24 =	sshllo.u32 s23, $0x1  }
0x1e5: {  	p1 =	sge.s32 s24, s20  }
0x1e6: {  	p2 =	seq.s32 @!p1 s23, $0x0  }
0x1e7: {  	p2 =	por p2, p1  }
0x1e8: {  	s2 =	simm.s32 @!p2 $0x4  }
0x1e9: {  	s3 =	smul.u32 @!p1 $0x1C0, s24;
	_ =	swait.ge @!p2 [sflag:s2], $0x3800  }
0x1ea: {  	[sflag:s2] =	ssyncset.done @!p2 $0x0  }
0x1eb: {  	[sflag:s2] =	ssyncadd.s32 @!p2 $0xFFFFC800;
	s2 =	sshra.s32 @!p1 s3, $0x2  }
0x1ec: {  	s10 =	simm.s32 @!p1 $0x17580;
	s3 =	simm.s32 @!p1 $0x70;
	s2 =	sadd.s32 @!p1 $0xC580, s2  }
0x1ed: {  	[tilespmem:s10], [sflag:$0x2] =	stream.indirect.gather @!p1 [hbm4b:s0+s3], $0x80, s2, s3, $0xb8;
	[tilespmem:$0x1F080] =	vst v63  }
0x1ee: {  	_ =	swait.ge [sflag:s31], $0x3800  }
0x1ef: {  	s26 =	smul.u32 $0xE0, s23;
	[sflag:s31] =	ssyncset.done $0x0  }
0x1f0: {  	[sflag:s31] =	ssyncadd.s32 $0xFFFFC800  }
0x1f1: {  	v5 =	vld [tilespmem:s26+$0xED80];
	_ =	sdelay $0x4  }
0x1f2: {  	[tilespmem:$0x1AD80] =	vst v5  }
0x1f3: {  	v5 =	vld [tilespmem:s26+$0xED90];
	_ =	sdelay $0x4  }
0x1f4: {  	[tilespmem:$0x1AD90] =	vst v5  }
0x1f5: {  	v5 =	vld [tilespmem:s26+$0xEDA0];
	_ =	sdelay $0x4  }
0x1f6: {  	[tilespmem:$0x1ADA0] =	vst v5  }
0x1f7: {  	v5 =	vld [tilespmem:s26+$0xEDB0];
	_ =	sdelay $0x4  }
0x1f8: {  	[tilespmem:$0x1ADB0] =	vst v5  }
0x1f9: {  	v5 =	vld [tilespmem:s26+$0xEDC0];
	_ =	sdelay $0x4  }
0x1fa: {  	[tilespmem:$0x1ADC0] =	vst v5  }
0x1fb: {  	v5 =	vld [tilespmem:s26+$0xEDD0];
	_ =	sdelay $0x1  }
0x1fc: {  	s29 =	sadd.s32 $0xFFFFFFFC, s22  }
0x1fd: {  	s11 =	sadd.s32 $0x6, s29  }
0x1fe: {  	v6 =	vmov s11  }
0x1ff: {  	s12 =	sadd.s32 $0x4, s29;
	[tilespmem:$0x1ADD0] =	vst v5;
	v5 =	vand.u32 $0xFFFFFFFE, v6  }
0x200: {  	v7 =	vmov s12;
	v6 =	vld [tilespmem:s26+$0xEDE0];
	v5 =	vbroadcast v5, $0x0  }
0x201: {  	v7 =	vand.u32 $0xFFFFFFFC, v7  }
0x202: {  	v7 =	vbroadcast v7, $0x0;
	_ =	sdelay $0x2  }
0x203: {  	[tilespmem:$0x1ADE0] =	vst v6  }
0x204: {  	s26 =	simm.s32 $0x13E80;
	v5 =	vld.idx.msk [tilespmem:v5+s13+$0x0], $0xffff  }
0x205: {  	s18 =	sadd.s32 $0x5, s29;
	v6 =	vld [tilespmem:s26+$0x70]  }
0x206: {  	v8 =	vmov s18;
	v7 =	vld.idx.msk [tilespmem:v7+s13+$0x0], $0xffff  }
0x207: {  	v8 =	vand.u32 $0xFFFFFFFD, v8;
	v9 =	vld [tilespmem:s26+$0xFFFFFF00]  }
0x208: {  	v8 =	vbroadcast v8, $0x0;
	v10 =	vld [tilespmem:s26+$0xFFFFFF10]  }
0x209: {  	v11 =	vld [tilespmem:s26+$0xFFFFFF20]  }
0x20a: {  	v12 =	vld [tilespmem:s26+$0xFFFFFF30]  }
0x20b: {  	v13 =	vld [tilespmem:s26+$0xFFFFFF40]  }
0x20c: {  	v14 =	vld [tilespmem:s26+$0xFFFFFF50]  }
0x20d: {  	v15 =	vld [tilespmem:s26+$0xFFFFFF60];
	v9 =	vmul.f32 v9, v7  }
0x20e: {  	v8 =	vld.idx.msk [tilespmem:v8+s13+$0x0], $0xffff;
	v6 =	vmul.f32 v6, v5  }
0x20f: {  	v17 =	vld [tilespmem:s26+$0xFFFFFFD0];
	[tilespmem:s26+$0xFFFFFF00] =	vst v9;
	v9 =	vmul.f32 v10, v7  }
0x210: {  	v10 =	vld [tilespmem:s26+$0xFFFFFF70];
	[tilespmem:s26+$0x70] =	vst v6;
	v6 =	vmul.f32 v11, v7  }
0x211: {  	s29 =	sadd.s32 $0x7, s29;
	v11 =	vld [tilespmem:s26+$0xFFFFFF80];
	[tilespmem:s26+$0xFFFFFF10] =	vst v9;
	v9 =	vmul.f32 v12, v7  }
0x212: {  	v16 =	vmov s29;
	v12 =	vld [tilespmem:s26+$0xFFFFFF90];
	[tilespmem:s26+$0xFFFFFF20] =	vst v6;
	v6 =	vmul.f32 v13, v7  }
0x213: {  	v13 =	vld [tilespmem:s26+$0xFFFFFFA0];
	[tilespmem:s26+$0xFFFFFF30] =	vst v9;
	v9 =	vmul.f32 v14, v7  }
0x214: {  	v14 =	vld [tilespmem:s26+$0xFFFFFFB0];
	[tilespmem:s26+$0xFFFFFF40] =	vst v6;
	v6 =	vmul.f32 v15, v7  }
0x215: {  	v15 =	vld [tilespmem:s26+$0xFFFFFFC0];
	v7 =	vmul.f32 v10, v7;
	[tilespmem:s26+$0xFFFFFF50] =	vst v9  }
0x216: {  	v18 =	vld [tilespmem:s26+$0xFFFFFFE0];
	v9 =	vmul.f32 v11, v8;
	[tilespmem:s26+$0xFFFFFF60] =	vst v6  }
0x217: {  	v6 =	vld.idx.msk [tilespmem:v16+s13+$0x0], $0xffff;
	v10 =	vmul.f32 v12, v8;
	[tilespmem:s26+$0xFFFFFF70] =	vst v7  }
0x218: {  	v7 =	vmul.f32 v13, v8;
	v12 =	vld [tilespmem:s26+$0xFFFFFFF0];
	[tilespmem:s26+$0xFFFFFF80] =	vst v9  }
0x219: {  	v11 =	vld [tilespmem:s26+$0x0];
	[tilespmem:s26+$0xFFFFFF90] =	vst v10;
	v9 =	vmul.f32 v14, v8  }
0x21a: {  	[tilespmem:s26+$0xFFFFFFA0] =	vst v7;
	v7 =	vmul.f32 v15, v8;
	v10 =	vld [tilespmem:s26+$0x10]  }
0x21b: {  	v14 =	vmul.f32 v17, v8;
	[tilespmem:s26+$0xFFFFFFB0] =	vst v9;
	v9 =	vld [tilespmem:s26+$0x20]  }
0x21c: {  	v13 =	vmul.f32 v18, v8;
	[tilespmem:s26+$0xFFFFFFC0] =	vst v7;
	v7 =	vld [tilespmem:s26+$0x30]  }
0x21d: {  	s28 =	simm.s32 $0x13E80;
	s18 =	simm.s32 $0x0;
	[tilespmem:s26+$0xFFFFFFD0] =	vst v14;
	v12 =	vmul.f32 v12, v8;
	v8 =	vld [tilespmem:s26+$0x40]  }
.LBB2_12:
0x21e: {  	s2 =	sadd.s32 s18, s22;
	s18 =	sadd.s32 $0x4, s18;
	[tilespmem:s26+$0xFFFFFFE0] =	vst v13;
	v11 =	vmul.f32 v11, v5;
	v13 =	vld [tilespmem:s26+$0x50]  }
0x21f: {  	s3 =	sadd.s32 $0x4, s2;
	s10 =	sadd.s32 $0x6, s2;
	p2 =	slt.u32 s18, $0x6C;
	[tilespmem:s26+$0xFFFFFFF0] =	vst v12;
	v10 =	vmul.f32 v10, v5;
	v12 =	vld [tilespmem:s26+$0x60]  }
0x220: {  	v14 =	vmov s3;
	s3 =	sadd.s32 $0x5, s2;
	v15 =	vmov s10;
	s2 =	sadd.s32 $0x7, s2;
	[tilespmem:s26+$0x0] =	vst v11;
	v9 =	vmul.f32 v9, v5;
	v11 =	vld [tilespmem:s26+$0x80]  }
0x221: {  	v14 =	vand.u32 $0xFFFFFFFC, v14;
	v16 =	vmov s3;
	v15 =	vand.u32 $0xFFFFFFFE, v15;
	[tilespmem:s26+$0x10] =	vst v10;
	v10 =	vld [tilespmem:s26+$0x90]  }
0x222: {  	v14 =	vbroadcast v14, $0x0;
	v16 =	vand.u32 $0xFFFFFFFD, v16;
	v15 =	vbroadcast v15, $0x0;
	[tilespmem:s26+$0x20] =	vst v9;
	v9 =	vld [tilespmem:s26+$0xA0]  }
0x223: {  	v17 =	vmov s2;
	v7 =	vmul.f32 v7, v5;
	v16 =	vbroadcast v16, $0x0;
	v18 =	vld [tilespmem:s26+$0xB0]  }
0x224: {  	v8 =	vmul.f32 v8, v5;
	v13 =	vmul.f32 v13, v5;
	v19 =	vld [tilespmem:s26+$0xC0]  }
0x225: {  	[tilespmem:s26+$0x30] =	vst v7;
	v7 =	vmul.f32 v12, v5;
	v11 =	vmul.f32 v11, v6;
	v12 =	vld [tilespmem:s26+$0xD0]  }
0x226: {  	[tilespmem:s26+$0x40] =	vst v8;
	v8 =	vmul.f32 v10, v6;
	v10 =	vld [tilespmem:s26+$0xE0]  }
0x227: {  	[tilespmem:s26+$0x50] =	vst v13;
	v9 =	vmul.f32 v9, v6;
	v13 =	vld [tilespmem:s26+$0xF0]  }
0x228: {  	s26 =	sadd.s32 $0x200, s26;
	v5 =	vld.idx.msk [tilespmem:v15+s13+$0x0], $0xffff;
	[tilespmem:s28+$0x60] =	vst v7;
	v7 =	vmul.f32 v18, v6  }
0x229: {  	v15 =	vld [tilespmem:s26+$0x70];
	[tilespmem:s28+$0x80] =	vst v11;
	v11 =	vmul.f32 v19, v6  }
0x22a: {  	v14 =	vld.idx.msk [tilespmem:v14+s13+$0x0], $0xffff;
	[tilespmem:s28+$0x90] =	vst v8;
	v8 =	vmul.f32 v12, v6  }
0x22b: {  	v12 =	vld.idx.msk [tilespmem:v16+s13+$0x0], $0xffff;
	[tilespmem:s28+$0xA0] =	vst v9;
	v9 =	vmul.f32 v10, v6  }
0x22c: {  	[tilespmem:s28+$0xB0] =	vst v7;
	v7 =	vmul.f32 v13, v6;
	v6 =	vld.idx.msk [tilespmem:v17+s13+$0x0], $0xffff  }
0x22d: {  	v10 =	vld [tilespmem:s26+$0xFFFFFF00];
	[tilespmem:s28+$0xC0] =	vst v11  }
0x22e: {  	v11 =	vld [tilespmem:s26+$0xFFFFFF10];
	v13 =	vmul.f32 v15, v5;
	[tilespmem:s28+$0xD0] =	vst v8  }
0x22f: {  	v8 =	vld [tilespmem:s26+$0xFFFFFF20];
	[tilespmem:s28+$0xE0] =	vst v9  }
0x230: {  	v9 =	vld [tilespmem:s26+$0xFFFFFF30];
	[tilespmem:s26+$0x70] =	vst v13  }
0x231: {  	v13 =	vld [tilespmem:s26+$0xFFFFFF40];
	[tilespmem:s28+$0xF0] =	vst v7;
	s28 =	smov.u32 s26  }
0x232: {  	v7 =	vmul.f32 v10, v14;
	v10 =	vld [tilespmem:s26+$0xFFFFFF50]  }
0x233: {  	v11 =	vmul.f32 v11, v14;
	v15 =	vld [tilespmem:s26+$0xFFFFFF60]  }
0x234: {  	[tilespmem:s26+$0xFFFFFF00] =	vst v7;
	v7 =	vmul.f32 v8, v14;
	v8 =	vld [tilespmem:s26+$0xFFFFFF70]  }
0x235: {  	[tilespmem:s26+$0xFFFFFF10] =	vst v11;
	v9 =	vmul.f32 v9, v14;
	v11 =	vld [tilespmem:s26+$0xFFFFFF80]  }
0x236: {  	[tilespmem:s26+$0xFFFFFF20] =	vst v7;
	v7 =	vmul.f32 v13, v14;
	v13 =	vld [tilespmem:s26+$0xFFFFFF90]  }
0x237: {  	[tilespmem:s26+$0xFFFFFF30] =	vst v9;
	v9 =	vmul.f32 v10, v14;
	v10 =	vld [tilespmem:s26+$0xFFFFFFA0]  }
0x238: {  	[tilespmem:s26+$0xFFFFFF40] =	vst v7;
	v7 =	vmul.f32 v15, v14;
	v15 =	vld [tilespmem:s26+$0xFFFFFFB0]  }
0x239: {  	[tilespmem:s26+$0xFFFFFF50] =	vst v9;
	v8 =	vmul.f32 v8, v14;
	v9 =	vld [tilespmem:s26+$0xFFFFFFC0]  }
0x23a: {  	[tilespmem:s26+$0xFFFFFF60] =	vst v7;
	v7 =	vmul.f32 v11, v12;
	v14 =	vld [tilespmem:s26+$0xFFFFFFD0]  }
0x23b: {  	[tilespmem:s26+$0xFFFFFF70] =	vst v8;
	v8 =	vmul.f32 v13, v12;
	v13 =	vld [tilespmem:s26+$0xFFFFFFE0]  }
0x23c: {  	[tilespmem:s26+$0xFFFFFF80] =	vst v7;
	v7 =	vmul.f32 v10, v12;
	v16 =	vld [tilespmem:s26+$0xFFFFFFF0]  }
.Ltmp11:
0x23d: {  	[tilespmem:s26+$0xFFFFFF90] =	vst v8;
	v8 =	vmul.f32 v15, v12;
	v11 =	vld [tilespmem:s26+$0x0];
	(pc) =	sbr.rel @p2 .LBB2_12-.Ltmp11, $4  }
0x23e: {  	[tilespmem:s26+$0xFFFFFFA0] =	vst v7;
	v7 =	vmul.f32 v9, v12;
	v10 =	vld [tilespmem:s26+$0x10]  }
0x23f: {  	[tilespmem:s26+$0xFFFFFFB0] =	vst v8;
	v8 =	vmul.f32 v14, v12;
	v9 =	vld [tilespmem:s26+$0x20]  }
0x240: {  	[tilespmem:s26+$0xFFFFFFC0] =	vst v7;
	v13 =	vmul.f32 v13, v12;
	v7 =	vld [tilespmem:s26+$0x30]  }
0x241: {  	[tilespmem:s26+$0xFFFFFFD0] =	vst v8;
	v12 =	vmul.f32 v16, v12;
	v8 =	vld [tilespmem:s26+$0x40]  }
0x242: {  	v14 =	vld [tilespmem:s26+$0x50]  }
0x243: {  	[tilespmem:s26+$0xFFFFFFE0] =	vst v13;
	v11 =	vmul.f32 v11, v5;
	v54 =	vld [tilespmem:s26+$0x60]  }
0x244: {  	v55 =	vld [tilespmem:s26+$0x80];
	[tilespmem:s26+$0xFFFFFFF0] =	vst v12;
	v10 =	vmul.f32 v10, v5  }
0x245: {  	v56 =	vld [tilespmem:s26+$0x90];
	[tilespmem:s26+$0x0] =	vst v11;
	v9 =	vmul.f32 v9, v5  }
0x246: {  	v57 =	vld [tilespmem:s26+$0xA0];
	[tilespmem:s26+$0x10] =	vst v10;
	v7 =	vmul.f32 v7, v5  }
0x247: {  	v58 =	vld [tilespmem:s26+$0xB0];
	[tilespmem:s26+$0x20] =	vst v9;
	v8 =	vmul.f32 v8, v5  }
0x248: {  	v15 =	vld [tilespmem:s26+$0xC0];
	v14 =	vmul.f32 v14, v5;
	[tilespmem:s26+$0x30] =	vst v7  }
0x249: {  	v60 =	vld [tilespmem:s26+$0xE0];
	v59 =	vmul.f32 v55, v6;
	[tilespmem:s26+$0x40] =	vst v8  }
0x24a: {  	v7 =	vld [tilespmem:s26+$0xD0];
	v11 =	vmul.f32 v56, v6;
	[tilespmem:s26+$0x50] =	vst v14  }
0x24b: {  	v61 =	vld [tilespmem:s26+$0xF0];
	v5 =	vmul.f32 v54, v5;
	[tilespmem:s28+$0x80] =	vst v59  }
0x24c: {  	v62 =	vmul.f32 v58, v6;
	[tilespmem:s28+$0x90] =	vst v11  }
0x24d: {  	[tilespmem:s28+$0x60] =	vst v5;
	v5 =	vmul.f32 v57, v6  }
0x24e: {  	v63 =	vmul.f32 v15, v6;
	[tilespmem:s28+$0xB0] =	vst v62  }
0x24f: {  	[tilespmem:s28+$0xA0] =	vst v5;
	v5 =	vmul.f32 v7, v6  }
0x250: {  	[tilespmem:s28+$0xC0] =	vst v63;
	v7 =	vmul.f32 v60, v6  }
0x251: {  	v6 =	vmul.f32 v61, v6;
	[tilespmem:s28+$0xD0] =	vst v5  }
0x252: {  	[tilespmem:s28+$0xE0] =	vst v7  }
0x253: {  	[tilespmem:s28+$0xF0] =	vst v6  }
0x254: {  	[spmem:s6] =	stream.indirect.scatter.add.f32 [tilespmem:s30], [sflag:$0x3], $0x80, s15, s14, $0xb8;
	[tilespmem:$0x1F080] =	vst v63  }
.LBB2_14:
.Ltmp12:
0x255: {  	(pc) =	sbr.rel @p1 .LBB2_18-.Ltmp12, $1  }
0x256: {  	_ =	sdelay $0x3  }
0x257: {  	s2 =	sadd.s32 $0x2, s25  }
0x258: {  	p1 =	sge.s32 s2, s20  }
0x259: {  	s3 =	simm.s32 @!p1 $0x3;
	s2 =	smul.u32 @!p1 $0x1C0, s2  }
0x25a: {  	_ =	swait.ge @!p1 [sflag:s3], $0x3800  }
0x25b: {  	s10 =	simm.s32 @!p1 $0x13D80;
	[sflag:s3] =	ssyncset.done @!p1 $0x0;
	s2 =	sshra.s32 @!p1 s2, $0x2  }
0x25c: {  	[sflag:s3] =	ssyncadd.s32 @!p1 $0xFFFFC800;
	s2 =	sadd.s32 @!p1 $0xC580, s2;
	s3 =	simm.s32 @!p1 $0x70  }
0x25d: {  	[tilespmem:s10], [sflag:$0x1] =	stream.indirect.gather @!p1 [hbm4b:s0+s3], $0x80, s2, s3, $0xb8;
	[tilespmem:$0x1F080] =	vst v63  }
0x25e: {  	_ =	swait.ge [sflag:s4], $0x3800  }
0x25f: {  	s12 =	smul.u32 $0x70, s24;
	[sflag:s4] =	ssyncset.done $0x0  }
0x260: {  	[sflag:s4] =	ssyncadd.s32 $0xFFFFC800  }
0x261: {  	v5 =	vld [tilespmem:s12+$0xED80];
	_ =	sdelay $0x4  }
0x262: {  	[tilespmem:$0x1AE00] =	vst v5  }
0x263: {  	v5 =	vld [tilespmem:s12+$0xED90];
	_ =	sdelay $0x4  }
0x264: {  	[tilespmem:$0x1AE10] =	vst v5  }
0x265: {  	v5 =	vld [tilespmem:s12+$0xEDA0];
	_ =	sdelay $0x4  }
0x266: {  	[tilespmem:$0x1AE20] =	vst v5  }
0x267: {  	v5 =	vld [tilespmem:s12+$0xEDB0];
	_ =	sdelay $0x4  }
0x268: {  	[tilespmem:$0x1AE30] =	vst v5  }
0x269: {  	v5 =	vld [tilespmem:s12+$0xEDC0];
	_ =	sdelay $0x4  }
0x26a: {  	[tilespmem:$0x1AE40] =	vst v5  }
0x26b: {  	v5 =	vld [tilespmem:s12+$0xEDD0];
	_ =	sdelay $0x1  }
0x26c: {  	s18 =	sadd.s32 $0xFFFFFFFC, s22  }
0x26d: {  	s25 =	sadd.s32 $0x76, s18  }
0x26e: {  	v6 =	vmov s25  }
0x26f: {  	s26 =	sadd.s32 $0x74, s18;
	[tilespmem:$0x1AE50] =	vst v5;
	v5 =	vand.u32 $0xFFFFFFFE, v6  }
0x270: {  	v7 =	vmov s26;
	v6 =	vld [tilespmem:s12+$0xEDE0];
	v5 =	vbroadcast v5, $0x0  }
0x271: {  	v7 =	vand.u32 $0xFFFFFFFC, v7  }
0x272: {  	v7 =	vbroadcast v7, $0x0;
	_ =	sdelay $0x2  }
0x273: {  	[tilespmem:$0x1AE60] =	vst v6  }
0x274: {  	s24 =	simm.s32 $0x17680;
	v5 =	vld.idx.msk [tilespmem:v5+s13+$0x0], $0xffff  }
0x275: {  	s28 =	sadd.s32 $0x75, s18;
	v6 =	vld [tilespmem:s24+$0x70]  }
0x276: {  	v8 =	vmov s28;
	v7 =	vld.idx.msk [tilespmem:v7+s13+$0x0], $0xffff  }
0x277: {  	v8 =	vand.u32 $0xFFFFFFFD, v8;
	v9 =	vld [tilespmem:s24+$0xFFFFFF00]  }
0x278: {  	v8 =	vbroadcast v8, $0x0;
	v10 =	vld [tilespmem:s24+$0xFFFFFF10]  }
0x279: {  	v11 =	vld [tilespmem:s24+$0xFFFFFF20]  }
0x27a: {  	v12 =	vld [tilespmem:s24+$0xFFFFFF30]  }
0x27b: {  	v13 =	vld [tilespmem:s24+$0xFFFFFF40]  }
0x27c: {  	v14 =	vld [tilespmem:s24+$0xFFFFFF50]  }
0x27d: {  	v15 =	vld [tilespmem:s24+$0xFFFFFF60];
	v9 =	vmul.f32 v9, v7  }
0x27e: {  	v8 =	vld.idx.msk [tilespmem:v8+s13+$0x0], $0xffff;
	v6 =	vmul.f32 v6, v5  }
0x27f: {  	v17 =	vld [tilespmem:s24+$0xFFFFFFD0];
	[tilespmem:s24+$0xFFFFFF00] =	vst v9;
	v9 =	vmul.f32 v10, v7  }
0x280: {  	v10 =	vld [tilespmem:s24+$0xFFFFFF70];
	[tilespmem:s24+$0x70] =	vst v6;
	v6 =	vmul.f32 v11, v7  }
0x281: {  	s29 =	sadd.s32 $0x77, s18;
	v11 =	vld [tilespmem:s24+$0xFFFFFF80];
	[tilespmem:s24+$0xFFFFFF10] =	vst v9;
	v9 =	vmul.f32 v12, v7  }
0x282: {  	v16 =	vmov s29;
	v12 =	vld [tilespmem:s24+$0xFFFFFF90];
	[tilespmem:s24+$0xFFFFFF20] =	vst v6;
	v6 =	vmul.f32 v13, v7  }
0x283: {  	v13 =	vld [tilespmem:s24+$0xFFFFFFA0];
	[tilespmem:s24+$0xFFFFFF30] =	vst v9;
	v9 =	vmul.f32 v14, v7  }
0x284: {  	v14 =	vld [tilespmem:s24+$0xFFFFFFB0];
	[tilespmem:s24+$0xFFFFFF40] =	vst v6;
	v6 =	vmul.f32 v15, v7  }
0x285: {  	v15 =	vld [tilespmem:s24+$0xFFFFFFC0];
	v7 =	vmul.f32 v10, v7;
	[tilespmem:s24+$0xFFFFFF50] =	vst v9  }
0x286: {  	v18 =	vld [tilespmem:s24+$0xFFFFFFE0];
	v9 =	vmul.f32 v11, v8;
	[tilespmem:s24+$0xFFFFFF60] =	vst v6  }
0x287: {  	v6 =	vld.idx.msk [tilespmem:v16+s13+$0x0], $0xffff;
	v10 =	vmul.f32 v12, v8;
	[tilespmem:s24+$0xFFFFFF70] =	vst v7  }
0x288: {  	v7 =	vmul.f32 v13, v8;
	v12 =	vld [tilespmem:s24+$0xFFFFFFF0];
	[tilespmem:s24+$0xFFFFFF80] =	vst v9  }
0x289: {  	v11 =	vld [tilespmem:s24+$0x0];
	[tilespmem:s24+$0xFFFFFF90] =	vst v10;
	v9 =	vmul.f32 v14, v8  }
0x28a: {  	[tilespmem:s24+$0xFFFFFFA0] =	vst v7;
	v7 =	vmul.f32 v15, v8;
	v10 =	vld [tilespmem:s24+$0x10]  }
0x28b: {  	v14 =	vmul.f32 v17, v8;
	[tilespmem:s24+$0xFFFFFFB0] =	vst v9;
	v9 =	vld [tilespmem:s24+$0x20]  }
0x28c: {  	v13 =	vmul.f32 v18, v8;
	[tilespmem:s24+$0xFFFFFFC0] =	vst v7;
	v7 =	vld [tilespmem:s24+$0x30]  }
0x28d: {  	s18 =	simm.s32 $0x0;
	s25 =	simm.s32 $0x17680;
	[tilespmem:s24+$0xFFFFFFD0] =	vst v14;
	v12 =	vmul.f32 v12, v8;
	v8 =	vld [tilespmem:s24+$0x40]  }
.LBB2_16:
0x28e: {  	s2 =	sadd.s32 s18, s22;
	s18 =	sadd.s32 $0x4, s18;
	[tilespmem:s24+$0xFFFFFFE0] =	vst v13;
	v11 =	vmul.f32 v11, v5;
	v13 =	vld [tilespmem:s24+$0x50]  }
0x28f: {  	s3 =	sadd.s32 $0x74, s2;
	s10 =	sadd.s32 $0x76, s2;
	p1 =	slt.u32 s18, $0x6C;
	[tilespmem:s24+$0xFFFFFFF0] =	vst v12;
	v10 =	vmul.f32 v10, v5;
	v12 =	vld [tilespmem:s24+$0x60]  }
0x290: {  	v14 =	vmov s3;
	s3 =	sadd.s32 $0x75, s2;
	v15 =	vmov s10;
	s2 =	sadd.s32 $0x77, s2;
	[tilespmem:s24+$0x0] =	vst v11;
	v9 =	vmul.f32 v9, v5;
	v11 =	vld [tilespmem:s24+$0x80]  }
0x291: {  	v14 =	vand.u32 $0xFFFFFFFC, v14;
	v16 =	vmov s3;
	v15 =	vand.u32 $0xFFFFFFFE, v15;
	[tilespmem:s24+$0x10] =	vst v10;
	v10 =	vld [tilespmem:s24+$0x90]  }
0x292: {  	v14 =	vbroadcast v14, $0x0;
	v16 =	vand.u32 $0xFFFFFFFD, v16;
	v15 =	vbroadcast v15, $0x0;
	[tilespmem:s24+$0x20] =	vst v9;
	v9 =	vld [tilespmem:s24+$0xA0]  }
0x293: {  	v17 =	vmov s2;
	v7 =	vmul.f32 v7, v5;
	v16 =	vbroadcast v16, $0x0;
	v18 =	vld [tilespmem:s24+$0xB0]  }
0x294: {  	v8 =	vmul.f32 v8, v5;
	v13 =	vmul.f32 v13, v5;
	v19 =	vld [tilespmem:s24+$0xC0]  }
0x295: {  	[tilespmem:s24+$0x30] =	vst v7;
	v7 =	vmul.f32 v12, v5;
	v11 =	vmul.f32 v11, v6;
	v12 =	vld [tilespmem:s24+$0xD0]  }
0x296: {  	[tilespmem:s24+$0x40] =	vst v8;
	v8 =	vmul.f32 v10, v6;
	v10 =	vld [tilespmem:s24+$0xE0]  }
0x297: {  	[tilespmem:s24+$0x50] =	vst v13;
	v9 =	vmul.f32 v9, v6;
	v13 =	vld [tilespmem:s24+$0xF0]  }
0x298: {  	s24 =	sadd.s32 $0x200, s24;
	v5 =	vld.idx.msk [tilespmem:v15+s13+$0x0], $0xffff;
	[tilespmem:s25+$0x60] =	vst v7;
	v7 =	vmul.f32 v18, v6  }
0x299: {  	v15 =	vld [tilespmem:s24+$0x70];
	[tilespmem:s25+$0x80] =	vst v11;
	v11 =	vmul.f32 v19, v6  }
0x29a: {  	v14 =	vld.idx.msk [tilespmem:v14+s13+$0x0], $0xffff;
	[tilespmem:s25+$0x90] =	vst v8;
	v8 =	vmul.f32 v12, v6  }
0x29b: {  	v12 =	vld.idx.msk [tilespmem:v16+s13+$0x0], $0xffff;
	[tilespmem:s25+$0xA0] =	vst v9;
	v9 =	vmul.f32 v10, v6  }
0x29c: {  	[tilespmem:s25+$0xB0] =	vst v7;
	v7 =	vmul.f32 v13, v6;
	v6 =	vld.idx.msk [tilespmem:v17+s13+$0x0], $0xffff  }
0x29d: {  	v10 =	vld [tilespmem:s24+$0xFFFFFF00];
	[tilespmem:s25+$0xC0] =	vst v11  }
0x29e: {  	v11 =	vld [tilespmem:s24+$0xFFFFFF10];
	v13 =	vmul.f32 v15, v5;
	[tilespmem:s25+$0xD0] =	vst v8  }
0x29f: {  	v8 =	vld [tilespmem:s24+$0xFFFFFF20];
	[tilespmem:s25+$0xE0] =	vst v9  }
0x2a0: {  	v9 =	vld [tilespmem:s24+$0xFFFFFF30];
	[tilespmem:s24+$0x70] =	vst v13  }
0x2a1: {  	v13 =	vld [tilespmem:s24+$0xFFFFFF40];
	[tilespmem:s25+$0xF0] =	vst v7;
	s25 =	smov.u32 s24  }
0x2a2: {  	v7 =	vmul.f32 v10, v14;
	v10 =	vld [tilespmem:s24+$0xFFFFFF50]  }
0x2a3: {  	v11 =	vmul.f32 v11, v14;
	v15 =	vld [tilespmem:s24+$0xFFFFFF60]  }
0x2a4: {  	[tilespmem:s24+$0xFFFFFF00] =	vst v7;
	v7 =	vmul.f32 v8, v14;
	v8 =	vld [tilespmem:s24+$0xFFFFFF70]  }
0x2a5: {  	[tilespmem:s24+$0xFFFFFF10] =	vst v11;
	v9 =	vmul.f32 v9, v14;
	v11 =	vld [tilespmem:s24+$0xFFFFFF80]  }
0x2a6: {  	[tilespmem:s24+$0xFFFFFF20] =	vst v7;
	v7 =	vmul.f32 v13, v14;
	v13 =	vld [tilespmem:s24+$0xFFFFFF90]  }
0x2a7: {  	[tilespmem:s24+$0xFFFFFF30] =	vst v9;
	v9 =	vmul.f32 v10, v14;
	v10 =	vld [tilespmem:s24+$0xFFFFFFA0]  }
0x2a8: {  	[tilespmem:s24+$0xFFFFFF40] =	vst v7;
	v7 =	vmul.f32 v15, v14;
	v15 =	vld [tilespmem:s24+$0xFFFFFFB0]  }
0x2a9: {  	[tilespmem:s24+$0xFFFFFF50] =	vst v9;
	v8 =	vmul.f32 v8, v14;
	v9 =	vld [tilespmem:s24+$0xFFFFFFC0]  }
0x2aa: {  	[tilespmem:s24+$0xFFFFFF60] =	vst v7;
	v7 =	vmul.f32 v11, v12;
	v14 =	vld [tilespmem:s24+$0xFFFFFFD0]  }
0x2ab: {  	[tilespmem:s24+$0xFFFFFF70] =	vst v8;
	v8 =	vmul.f32 v13, v12;
	v13 =	vld [tilespmem:s24+$0xFFFFFFE0]  }
0x2ac: {  	[tilespmem:s24+$0xFFFFFF80] =	vst v7;
	v7 =	vmul.f32 v10, v12;
	v16 =	vld [tilespmem:s24+$0xFFFFFFF0]  }
.Ltmp13:
0x2ad: {  	[tilespmem:s24+$0xFFFFFF90] =	vst v8;
	v8 =	vmul.f32 v15, v12;
	v11 =	vld [tilespmem:s24+$0x0];
	(pc) =	sbr.rel @p1 .LBB2_16-.Ltmp13, $4  }
0x2ae: {  	[tilespmem:s24+$0xFFFFFFA0] =	vst v7;
	v7 =	vmul.f32 v9, v12;
	v10 =	vld [tilespmem:s24+$0x10]  }
0x2af: {  	[tilespmem:s24+$0xFFFFFFB0] =	vst v8;
	v8 =	vmul.f32 v14, v12;
	v9 =	vld [tilespmem:s24+$0x20]  }
0x2b0: {  	[tilespmem:s24+$0xFFFFFFC0] =	vst v7;
	v13 =	vmul.f32 v13, v12;
	v7 =	vld [tilespmem:s24+$0x30]  }
0x2b1: {  	[tilespmem:s24+$0xFFFFFFD0] =	vst v8;
	v12 =	vmul.f32 v16, v12;
	v8 =	vld [tilespmem:s24+$0x40]  }
0x2b2: {  	v14 =	vld [tilespmem:s24+$0x50]  }
0x2b3: {  	[tilespmem:s24+$0xFFFFFFE0] =	vst v13;
	v11 =	vmul.f32 v11, v5;
	v54 =	vld [tilespmem:s24+$0x60]  }
0x2b4: {  	v55 =	vld [tilespmem:s24+$0x80];
	[tilespmem:s24+$0xFFFFFFF0] =	vst v12;
	v10 =	vmul.f32 v10, v5  }
0x2b5: {  	v56 =	vld [tilespmem:s24+$0x90];
	[tilespmem:s24+$0x0] =	vst v11;
	v9 =	vmul.f32 v9, v5  }
0x2b6: {  	v57 =	vld [tilespmem:s24+$0xA0];
	[tilespmem:s24+$0x10] =	vst v10;
	v7 =	vmul.f32 v7, v5  }
0x2b7: {  	v58 =	vld [tilespmem:s24+$0xB0];
	[tilespmem:s24+$0x20] =	vst v9;
	v8 =	vmul.f32 v8, v5  }
0x2b8: {  	v15 =	vld [tilespmem:s24+$0xC0];
	v14 =	vmul.f32 v14, v5;
	[tilespmem:s24+$0x30] =	vst v7  }
0x2b9: {  	v60 =	vld [tilespmem:s24+$0xE0];
	v59 =	vmul.f32 v55, v6;
	[tilespmem:s24+$0x40] =	vst v8  }
0x2ba: {  	v7 =	vld [tilespmem:s24+$0xD0];
	v11 =	vmul.f32 v56, v6;
	[tilespmem:s24+$0x50] =	vst v14  }
0x2bb: {  	v61 =	vld [tilespmem:s24+$0xF0];
	v5 =	vmul.f32 v54, v5;
	[tilespmem:s25+$0x80] =	vst v59  }
0x2bc: {  	v62 =	vmul.f32 v58, v6;
	[tilespmem:s25+$0x90] =	vst v11  }
0x2bd: {  	[tilespmem:s25+$0x60] =	vst v5;
	v5 =	vmul.f32 v57, v6  }
0x2be: {  	v63 =	vmul.f32 v15, v6;
	[tilespmem:s25+$0xB0] =	vst v62  }
0x2bf: {  	[tilespmem:s25+$0xA0] =	vst v5;
	v5 =	vmul.f32 v7, v6  }
.Ltmp14:
0x2c0: {  	[tilespmem:s25+$0xC0] =	vst v63;
	v7 =	vmul.f32 v60, v6;
	(pc) =	sbr.rel .LBB2_18-.Ltmp14, $4  }
0x2c1: {  	v6 =	vmul.f32 v61, v6;
	[tilespmem:s25+$0xD0] =	vst v5  }
0x2c2: {  	[tilespmem:s25+$0xE0] =	vst v7  }
0x2c3: {  	[tilespmem:s25+$0xF0] =	vst v6  }
0x2c4: {  	[spmem:s6] =	stream.indirect.scatter.add.f32 [tilespmem:s17], [sflag:$0x4], $0x80, s16, s14, $0xb8;
	[tilespmem:$0x1F080] =	vst v63  }
.LBB2_21:
0x2c5: {  	p1 =	sne.s32 s20, $0x1  }
.Ltmp15:
0x2c6: {  	_ = 	snop;
	(pc) =	sbr.rel @p1 .LBB2_23-.Ltmp15, $2  }
0x2c7: {  	_ =	sdelay $0x2  }
0x2c8: {  	s2 =	simm.s32 $0x3  }
.LBB2_22:
0x2c9: {  	_ =	swait.ge [sflag:s2], $0x3800  }
0x2ca: {  	[sflag:s2] =	ssyncset.done $0x0  }
0x2cb: {  	[sflag:s2] =	ssyncadd.s32 $0xFFFFC800  }
.LBB2_23:
0x2cc: {  	s2 =	simm.s32 $0x5  }
0x2cd: {  	_ =	swait.ge [sflag:s2], $0x2710  }
0x2ce: {  	[sflag:s2] =	ssyncset.done $0x0  }
0x2cf: {  	s24 =	simm.s32 $0x6;
	[sflag:s2] =	ssyncadd.s32 $0xFFFFD8F0  }
0x2d0: {  	_ =	swait.ge [sflag:s24], $0x2710  }
0x2d1: {  	[sflag:s24] =	ssyncset.done $0x0  }
0x2d2: {  	s25 =	simm.s32 $0x7;
	[sflag:s24] =	ssyncadd.s32 $0xFFFFD8F0  }
0x2d3: {  	_ =	swait.ge [sflag:s25], $0x2710  }
0x2d4: {  	[sflag:s25] =	ssyncset.done $0x0  }
0x2d5: {  	s26 =	simm.s32 $0x76C0;
	[sflag:s25] =	ssyncadd.s32 $0xFFFFD8F0  }
0x2d6: {  	s3 =	simm.s32 $0x4F40;
	v7 =	vld [tilespmem:s26+$0xFFFFFFC0]  }
0x2d7: {  	v5 =	vld [tilespmem:s3+$0xFFFFFFC0]  }
0x2d8: {  	v6 =	vld [tilespmem:s3+$0xFFFFFFD0]  }
0x2d9: {  	v8 =	vld [tilespmem:s3+$0xFFFFFFE0]  }
0x2da: {  	v9 =	vld [tilespmem:s3+$0xFFFFFFF0]  }
0x2db: {  	v10 =	vld [tilespmem:s3+$0x0]  }
0x2dc: {  	v11 =	vld [tilespmem:s3+$0x10]  }
0x2dd: {  	v12 =	vld [tilespmem:s3+$0x20]  }
0x2de: {  	s20 =	simm.s32 $0x7740;
	v13 =	vld [tilespmem:s3+$0x30]  }
0x2df: {  	v22 =	vld [tilespmem:s20+$0xFFFFFFC0]  }
0x2e0: {  	v19 =	vld.idx.msk [tilespmem:v5+s5+$0x0], $0xffff  }
0x2e1: {  	v5 =	vld.idx.msk [tilespmem:v6+s5+$0x0], $0xffff  }
0x2e2: {  	v6 =	vld.idx.msk [tilespmem:v8+s5+$0x0], $0xffff  }
0x2e3: {  	v8 =	vld.idx.msk [tilespmem:v9+s5+$0x0], $0xffff  }
0x2e4: {  	v9 =	vld.idx.msk [tilespmem:v10+s5+$0x0], $0xffff  }
0x2e5: {  	s24 =	simm.s32 $0x0;
	v10 =	vld.idx.msk [tilespmem:v11+s5+$0x0], $0xffff;
	vm6 =	vgt.s32 v19, $0xFFFFFFFF  }
0x2e6: {  	v11 =	vld.idx.msk [tilespmem:v12+s5+$0x0], $0xffff;
	vm5 =	vgt.s32 v5, $0xFFFFFFFF;
	[tilespmem:s24+$0xC580] =	vst.msk vm6, v7;
	v7 =	vmpcnt.ones.xlane vm6  }
0x2e7: {  	v15 =	vld [tilespmem:s26+$0xFFFFFFD0];
	vm2 =	vgt.s32 v6, $0xFFFFFFFF;
	v12 =	vmpcnt.ones.xlane vm5  }
0x2e8: {  	v20 =	vld.idx.msk [tilespmem:v13+s5+$0x0], $0xffff;
	vm0 =	vgt.s32 v8, $0xFFFFFFFF;
	v13 =	vmpcnt.ones.xlane vm2;
	(v2sf) =	vpush v7, $0x0  }
0x2e9: {  	v17 =	vld [tilespmem:s26+$0xFFFFFFF0];
	vm4 =	vgt.s32 v9, $0xFFFFFFFF;
	v7 =	vmpcnt.ones.xlane vm0;
	(v2sf) =	vpush v12, $0x0  }
0x2ea: {  	v18 =	vld [tilespmem:s26+$0x0];
	vm8 =	vgt.s32 v10, $0xFFFFFFFF;
	v12 =	vmpcnt.ones.xlane vm4;
	(v2sf) =	vpush v13, $0x0  }
0x2eb: {  	v23 =	vld [tilespmem:s26+$0x10];
	vm1 =	vgt.s32 v11, $0xFFFFFFFF;
	v14 =	vmpcnt.ones.xlane vm8;
	(v2sf) =	vpush v7, $0x0  }
0x2ec: {  	v24 =	vld [tilespmem:s26+$0x20];
	v7 =	vmpcnt.ones.xlane vm1;
	(v2sf) =	vpush v12, $0x0  }
0x2ed: {  	s22 =	simm.s32 $0x4FC0;
	v25 =	vld [tilespmem:s26+$0x30];
	(v2sf) =	vpush v14, $0x0  }
0x2ee: {  	v16 =	vld [tilespmem:s22+$0xFFFFFFE0];
	vm7 =	vgt.s32 v20, $0xFFFFFFFF;
	(v2sf) =	vpush v7, $0x0  }
0x2ef: {  	v26 =	vld [tilespmem:s22+$0xFFFFFFF0];
	v12 =	vmpcnt.ones.xlane vm7  }
0x2f0: {  	v7 =	vld [tilespmem:s22+$0xFFFFFFC0]  }
0x2f1: {  	v14 =	vld [tilespmem:s22+$0xFFFFFFD0];
	(v2sf) =	vpush v12, $0x0  }
0x2f2: {  	v27 =	vld [tilespmem:s22+$0x0]  }
0x2f3: {  	v28 =	vld [tilespmem:s22+$0x10]  }
0x2f4: {  	s3 =	simm.s32 $0x9E40;
	v30 =	vld [tilespmem:s22+$0x30]  }
0x2f5: {  	v21 =	vld [tilespmem:s3+$0xFFFFFFC0]  }
0x2f6: {  	v29 =	vld [tilespmem:s22+$0x20]  }
0x2f7: {  	v13 =	vld [tilespmem:s26+$0xFFFFFFE0];
	s10 =	spop (v2sf)  }
0x2f8: {  	v12 =	vld.idx.msk [tilespmem:v7+s5+$0x0], $0xffff;
	s21 =	sadd.s32 $0x0, s10;
	s11 =	spop (v2sf)  }
0x2f9: {  	v7 =	vld.idx.msk [tilespmem:v14+s5+$0x0], $0xffff;
	s23 =	sadd.s32 s21, s11;
	s12 =	spop (v2sf)  }
0x2fa: {  	[tilespmem:s24+$0x11580] =	vst.msk vm6, v21;
	v14 =	vld.idx.msk [tilespmem:v16+s5+$0x0], $0xffff;
	s25 =	sadd.s32 s23, s12;
	s18 =	spop (v2sf)  }
0x2fb: {  	vm2 =	vmmov vm2;
	v16 =	vld.idx.msk [tilespmem:v27+s5+$0x0], $0xffff;
	[tilespmem:s21+$0xC580] =	vst.msk vm5, v15;
	s28 =	sadd.s32 s25, s18;
	s26 =	spop (v2sf)  }
0x2fc: {  	vm3 =	vmmov vm0;
	v15 =	vld.idx.msk [tilespmem:v26+s5+$0x0], $0xffff;
	[tilespmem:s23+$0xC580] =	vst.msk vm2, v13;
	s18 =	sadd.s32 s28, s26;
	s10 =	spop (v2sf)  }
0x2fd: {  	vm4 =	vmmov vm4;
	v13 =	vld.idx.msk [tilespmem:v30+s5+$0x0], $0xffff;
	[tilespmem:s25+$0xC580] =	vst.msk vm3, v17;
	s12 =	sadd.s32 s18, s10;
	s11 =	spop (v2sf)  }
0x2fe: {  	vm14 =	vmmov vm7;
	v17 =	vld.idx.msk [tilespmem:v28+s5+$0x0], $0xffff;
	vm0 =	vgt.s32 v12, $0xFFFFFFFF;
	[tilespmem:s28+$0xC580] =	vst.msk vm4, v18;
	s10 =	sadd.s32 s12, s11  }
0x2ff: {  	vm7 =	vmmov vm1;
	vm1 =	vgt.s32 v7, $0xFFFFFFFF;
	v18 =	vld.idx.msk [tilespmem:v29+s5+$0x0], $0xffff;
	[tilespmem:s10+$0xC580] =	vst.msk vm14, v25;
	v25 =	vmpcnt.ones.xlane vm0  }
0x300: {  	vm8 =	vmmov vm8;
	vm9 =	vgt.s32 v14, $0xFFFFFFFF;
	[tilespmem:s12+$0xC580] =	vst.msk vm7, v24;
	v24 =	vmpcnt.ones.xlane vm1;
	s26 =	spop (v2sf);
	v26 =	vld [tilespmem:s3+$0x30]  }
0x301: {  	[tilespmem:s18+$0xC580] =	vst.msk vm8, v23;
	v23 =	vmpcnt.ones.xlane vm9;
	vm10 =	vgt.s32 v15, $0xFFFFFFFF;
	v27 =	vld [tilespmem:s3+$0x20];
	s2 =	sadd.s32 s10, s26;
	(v2sf) =	vpush v25, $0x0  }
0x302: {  	vm11 =	vgt.s32 v16, $0xFFFFFFFF;
	v21 =	vmpcnt.ones.xlane vm10;
	[tilespmem:s2+$0xC580] =	vst.msk vm0, v22;
	v22 =	vld [tilespmem:s3+$0xFFFFFFE0];
	(v2sf) =	vpush v24, $0x0  }
0x303: {  	[tilespmem:s24+$0xED80] =	vst.msk vm6, v19;
	v19 =	vmpcnt.ones.xlane vm11;
	vm12 =	vgt.s32 v17, $0xFFFFFFFF;
	v25 =	vld [tilespmem:s3+$0x10];
	(v2sf) =	vpush v23, $0x0  }
0x304: {  	v62 =	vmpcnt.ones.xlane vm12;
	vm13 =	vgt.s32 v18, $0xFFFFFFFF;
	v24 =	vld [tilespmem:s3+$0x0];
	(v2sf) =	vpush v21, $0x0  }
0x305: {  	vm6 =	vgt.s32 v13, $0xFFFFFFFF;
	v63 =	vmpcnt.ones.xlane vm13;
	v23 =	vld [tilespmem:s3+$0xFFFFFFF0];
	(v2sf) =	vpush v19, $0x0;
	[tilespmem:s10+$0x11580] =	vst.msk vm14, v26  }
0x306: {  	s24 =	simm.s32 $0x9EC0;
	v21 =	vld [tilespmem:s3+$0xFFFFFFD0];
	(v2sf) =	vpush v62, $0x0;
	[tilespmem:s10+$0xED80] =	vst.msk vm14, v20;
	v20 =	vmpcnt.ones.xlane vm6  }
0x307: {  	s29 =	simm.s32 $0x8;
	vm5 =	vmmov vm5;
	s26 =	smov.u32 s2;
	s3 =	simm.s32 $0x77C0;
	[tilespmem:s12+$0x11580] =	vst.msk vm7, v27;
	v19 =	vld [tilespmem:s24+$0xFFFFFFC0];
	vm6 =	vmmov vm6;
	(v2sf) =	vpush v63, $0x0  }
.LBB2_24:
0x308: {  	v26 =	vld [tilespmem:s3+$0xFFFFFFC0];
	(v2sf) =	vpush v20, $0x0;
	[tilespmem:s12+$0xED80] =	vst.msk vm7, v11;
	v11 =	vmov v18;
	vm7 =	vmmov vm13  }
0x309: {  	v18 =	vld [tilespmem:s20+$0xFFFFFFD0];
	[tilespmem:s18+$0x11580] =	vst.msk vm8, v25  }
0x30a: {  	s29 =	sadd.s32 $0x8, s29;
	v20 =	vld [tilespmem:s20+$0xFFFFFFE0];
	[tilespmem:s18+$0xED80] =	vst.msk vm8, v10;
	v10 =	vmov v17;
	vm8 =	vmmov vm12  }
0x30b: {  	p1 =	slt.u32 s29, $0x268;
	v17 =	vld [tilespmem:s20+$0xFFFFFFF0];
	[tilespmem:s28+$0x11580] =	vst.msk vm4, v24  }
0x30c: {  	v24 =	vld [tilespmem:s20+$0x0];
	[tilespmem:s28+$0xED80] =	vst.msk vm4, v9;
	v9 =	vmov v16;
	vm4 =	vmmov vm11  }
0x30d: {  	v16 =	vld [tilespmem:s20+$0x10];
	[tilespmem:s25+$0x11580] =	vst.msk vm3, v23  }
0x30e: {  	v23 =	vld [tilespmem:s20+$0x20];
	[tilespmem:s25+$0xED80] =	vst.msk vm3, v8;
	v8 =	vmov v15;
	vm3 =	vmmov vm10  }
0x30f: {  	s22 =	sadd.s32 $0x80, s22;
	v15 =	vld [tilespmem:s20+$0x30];
	[tilespmem:s23+$0x11580] =	vst.msk vm2, v22;
	s20 =	smov.u32 s3  }
0x310: {  	v22 =	vld [tilespmem:s22+$0xFFFFFFC0];
	s10 =	spop (v2sf);
	[tilespmem:s23+$0xED80] =	vst.msk vm2, v6;
	v6 =	vmov v14;
	vm2 =	vmmov vm9  }
0x311: {  	v14 =	vld [tilespmem:s22+$0xFFFFFFD0];
	s11 =	sadd.s32 s2, s10;
	s2 =	spop (v2sf);
	[tilespmem:s21+$0x11580] =	vst.msk vm5, v21  }
0x312: {  	v21 =	vld [tilespmem:s22+$0xFFFFFFE0];
	[tilespmem:s11+$0xC580] =	vst.msk vm1, v18;
	s23 =	sadd.s32 s11, s2;
	s2 =	spop (v2sf)  }
0x313: {  	v18 =	vld [tilespmem:s22+$0xFFFFFFF0];
	[tilespmem:s23+$0xC580] =	vst.msk vm2, v20;
	s25 =	sadd.s32 s23, s2;
	s2 =	spop (v2sf)  }
0x314: {  	v20 =	vld [tilespmem:s22+$0x0];
	[tilespmem:s25+$0xC580] =	vst.msk vm3, v17;
	s28 =	sadd.s32 s25, s2;
	s2 =	spop (v2sf)  }
0x315: {  	v17 =	vld [tilespmem:s22+$0x10];
	[tilespmem:s28+$0xC580] =	vst.msk vm4, v24;
	s18 =	sadd.s32 s28, s2;
	s2 =	spop (v2sf)  }
0x316: {  	v24 =	vld [tilespmem:s22+$0x20];
	[tilespmem:s18+$0xC580] =	vst.msk vm8, v16;
	s12 =	sadd.s32 s18, s2;
	s2 =	spop (v2sf)  }
0x317: {  	v25 =	vld [tilespmem:s22+$0x30];
	[tilespmem:s12+$0xC580] =	vst.msk vm7, v23;
	s10 =	sadd.s32 s12, s2;
	s2 =	spop (v2sf)  }
0x318: {  	v22 =	vld.idx.msk [tilespmem:v22+s5+$0x0], $0xffff;
	[tilespmem:s10+$0xC580] =	vst.msk vm6, v15;
	s2 =	sadd.s32 s10, s2  }
0x319: {  	[tilespmem:s21+$0xED80] =	vst.msk vm5, v5;
	v5 =	vmov v7;
	v7 =	vld.idx.msk [tilespmem:v14+s5+$0x0], $0xffff;
	vm5 =	vmmov vm1;
	s21 =	smov.u32 s11  }
0x31a: {  	v14 =	vld.idx.msk [tilespmem:v21+s5+$0x0], $0xffff;
	[tilespmem:s26+$0x11580] =	vst.msk vm0, v19  }
0x31b: {  	v15 =	vld.idx.msk [tilespmem:v18+s5+$0x0], $0xffff;
	[tilespmem:s26+$0xED80] =	vst.msk vm0, v12;
	s26 =	smov.u32 s2  }
0x31c: {  	v16 =	vld.idx.msk [tilespmem:v20+s5+$0x0], $0xffff  }
0x31d: {  	v17 =	vld.idx.msk [tilespmem:v17+s5+$0x0], $0xffff  }
0x31e: {  	vm0 =	vgt.s32 v22, $0xFFFFFFFF;
	v12 =	vmov v22;
	v18 =	vld.idx.msk [tilespmem:v24+s5+$0x0], $0xffff  }
0x31f: {  	v19 =	vmpcnt.ones.xlane vm0;
	vm1 =	vgt.s32 v7, $0xFFFFFFFF;
	[tilespmem:s2+$0xC580] =	vst.msk vm0, v26;
	v26 =	vld.idx.msk [tilespmem:v25+s5+$0x0], $0xffff  }
0x320: {  	v20 =	vmpcnt.ones.xlane vm1;
	vm9 =	vgt.s32 v14, $0xFFFFFFFF;
	v21 =	vld [tilespmem:s24+$0x30]  }
0x321: {  	v22 =	vmpcnt.ones.xlane vm9;
	vm10 =	vgt.s32 v15, $0xFFFFFFFF;
	(v2sf) =	vpush v19, $0x0;
	v27 =	vld [tilespmem:s24+$0x20]  }
0x322: {  	v19 =	vmpcnt.ones.xlane vm10;
	vm11 =	vgt.s32 v16, $0xFFFFFFFF;
	(v2sf) =	vpush v20, $0x0;
	v25 =	vld [tilespmem:s24+$0x10]  }
.Ltmp16:
0x323: {  	v20 =	vmpcnt.ones.xlane vm11;
	vm12 =	vgt.s32 v17, $0xFFFFFFFF;
	(v2sf) =	vpush v22, $0x0;
	v24 =	vld [tilespmem:s24+$0x0];
	(pc) =	sbr.rel @p1 .LBB2_24-.Ltmp16, $4  }
0x324: {  	v28 =	vmpcnt.ones.xlane vm12;
	vm13 =	vgt.s32 v18, $0xFFFFFFFF;
	(v2sf) =	vpush v19, $0x0;
	v23 =	vld [tilespmem:s24+$0xFFFFFFF0]  }
0x325: {  	v29 =	vmpcnt.ones.xlane vm13;
	vm14 =	vgt.s32 v26, $0xFFFFFFFF;
	(v2sf) =	vpush v20, $0x0;
	v22 =	vld [tilespmem:s24+$0xFFFFFFE0];
	[tilespmem:s10+$0x11580] =	vst.msk vm6, v21  }
0x326: {  	v20 =	vmpcnt.ones.xlane vm14;
	(v2sf) =	vpush v28, $0x0;
	v21 =	vld [tilespmem:s24+$0xFFFFFFD0];
	[tilespmem:s10+$0xED80] =	vst.msk vm6, v13;
	s24 =	sadd.s32 $0x80, s24;
	v13 =	vmovc v26;
	vm6 =	vmmov vm14  }
0x327: {  	s3 =	sadd.s32 $0x80, s3;
	v19 =	vld [tilespmem:s24+$0xFFFFFFC0];
	(v2sf) =	vpush v29, $0x0;
	[tilespmem:s12+$0x11580] =	vst.msk vm7, v27  }
0x328: {  	[tilespmem:s12+$0xED80] =	vst.msk vm7, v11  }
0x329: {  	[tilespmem:s18+$0x11580] =	vst.msk vm8, v25  }
0x32a: {  	[tilespmem:s28+$0x11580] =	vst.msk vm4, v24  }
0x32b: {  	[tilespmem:s18+$0xED80] =	vst.msk vm8, v10  }
0x32c: {  	[tilespmem:s28+$0xED80] =	vst.msk vm4, v9  }
0x32d: {  	[tilespmem:s25+$0x11580] =	vst.msk vm3, v23  }
0x32e: {  	[tilespmem:s25+$0xED80] =	vst.msk vm3, v8  }
0x32f: {  	[tilespmem:s23+$0x11580] =	vst.msk vm2, v22  }
0x330: {  	v56 =	vld [tilespmem:s20+$0xFFFFFFD0];
	[tilespmem:s23+$0xED80] =	vst.msk vm2, v6;
	s3 =	spop (v2sf)  }
0x331: {  	v57 =	vld [tilespmem:s20+$0xFFFFFFE0];
	[tilespmem:s21+$0x11580] =	vst.msk vm5, v21;
	s2 =	sadd.s32 s2, s3;
	s22 =	spop (v2sf)  }
0x332: {  	v58 =	vld [tilespmem:s20+$0xFFFFFFF0];
	[tilespmem:s21+$0xED80] =	vst.msk vm5, v5;
	s3 =	sadd.s32 s2, s22;
	s10 =	spop (v2sf)  }
0x333: {  	v6 =	vld [tilespmem:s20+$0x30];
	[tilespmem:s26+$0x11580] =	vst.msk vm0, v19;
	s10 =	sadd.s32 s3, s10;
	s11 =	spop (v2sf)  }
0x334: {  	v60 =	vld [tilespmem:s20+$0x10];
	[tilespmem:s26+$0xED80] =	vst.msk vm0, v12;
	s11 =	sadd.s32 s10, s11;
	s25 =	spop (v2sf)  }
0x335: {  	v61 =	vld [tilespmem:s20+$0x20];
	vm2 =	vmmov vm9;
	[tilespmem:s2+$0xC580] =	vst.msk vm1, v56;
	s12 =	sadd.s32 s11, s25;
	s28 =	spop (v2sf)  }
0x336: {  	v59 =	vld [tilespmem:s20+$0x0];
	vm14 =	vmmov vm10;
	[tilespmem:s3+$0xC580] =	vst.msk vm2, v57;
	s18 =	sadd.s32 s12, s28;
	s29 =	spop (v2sf)  }
0x337: {  	[tilespmem:s10+$0xC580] =	vst.msk vm14, v58;
	v63 =	vld [tilespmem:s24+$0xFFFFFFE0];
	s20 =	sadd.s32 s18, s29  }
0x338: {  	vm12 =	vmmov vm12;
	[tilespmem:s20+$0xC580] =	vst.msk vm6, v6  }
0x339: {  	vm13 =	vmmov vm13;
	[tilespmem:s12+$0xC580] =	vst.msk vm12, v60;
	v6 =	vld [tilespmem:s24+$0x30]  }
0x33a: {  	vm15 =	vmmov vm11;
	[tilespmem:s18+$0xC580] =	vst.msk vm13, v61;
	v62 =	vld [tilespmem:s24+$0x10]  }
0x33b: {  	[tilespmem:s11+$0xC580] =	vst.msk vm15, v59;
	v5 =	vld [tilespmem:s24+$0x20]  }
0x33c: {  	[tilespmem:s3+$0x11580] =	vst.msk vm2, v63  }
0x33d: {  	[tilespmem:s3+$0xED80] =	vst.msk vm2, v14  }
0x33e: {  	[tilespmem:s20+$0x11580] =	vst.msk vm6, v6;
	v6 =	vld [tilespmem:s24+$0x0]  }
0x33f: {  	[tilespmem:s12+$0x11580] =	vst.msk vm12, v62  }
0x340: {  	[tilespmem:s18+$0x11580] =	vst.msk vm13, v5;
	v5 =	vld [tilespmem:s24+$0xFFFFFFF0]  }
0x341: {  	[tilespmem:s12+$0xED80] =	vst.msk vm12, v17  }
0x342: {  	[tilespmem:s18+$0xED80] =	vst.msk vm13, v18  }
0x343: {  	[tilespmem:s11+$0x11580] =	vst.msk vm15, v6;
	v6 =	vld [tilespmem:s24+$0xFFFFFFD0]  }
0x344: {  	[tilespmem:s20+$0xED80] =	vst.msk vm6, v13  }
0x345: {  	[tilespmem:s10+$0x11580] =	vst.msk vm14, v5  }
0x346: {  	[tilespmem:s10+$0xED80] =	vst.msk vm14, v15  }
0x347: {  	vm14 =	vmmov vm1;
	[tilespmem:s11+$0xED80] =	vst.msk vm15, v16  }
0x348: {  	[tilespmem:s2+$0x11580] =	vst.msk vm14, v6  }
0x349: {  	[tilespmem:s2+$0xED80] =	vst.msk vm14, v7  }
0x34a: {  	v5 =	vld [tilespmem:$0x7600];
	_ =	sdelay $0x7  }
0x34b: {  	v5 =	vld.idx.msk [tilespmem:v5+s5+$0x0], $0xffff;
	_ =	sdelay $0x3  }
0x34c: {  	(v2sf) =	vpush v20, $0x0  }
0x34d: {  	vm15 =	vgt.s32 v5, $0xFFFFFFFF  }
0x34e: {  	v6 =	vmpcnt.ones.xlane vm15;
	_ =	sdelay $0x1  }
0x34f: {  	(v2sf) =	vpush v6, $0x0;
	_ =	sdelay $0x7  }
0x350: {  	v6 =	vld [tilespmem:$0x9D80];
	_ =	sdelay $0x2  }
0x351: {  	s18 =	spop (v2sf)  }
0x352: {  	s2 =	sadd.s32 s20, s18  }
0x353: {  	[tilespmem:s2+$0xC580] =	vst.msk vm15, v6  }
0x354: {  	v6 =	vld [tilespmem:$0xC500]  }
0x355: {  	s20 =	spop (v2sf)  }
0x356: {  	s3 =	sadd.s32 s2, s20  }
0x357: {  	s21 =	sadd.s32 $0x6F, s3  }
0x358: {  	s22 =	smulhi.u32 $0x92492493, s21;
	s23 =	sshra.s32 s21, $0x1F  }
0x359: {  	[tilespmem:s2+$0x11580] =	vst.msk vm15, v6;
	s24 =	ssub.s32 $0xFFFFFF91, s3;
	s12 =	smul.u32 $0x92492493, s23  }
0x35a: {  	[tilespmem:s2+$0xED80] =	vst.msk vm15, v5;
	s11 =	sadd.s32 s24, s22  }
0x35b: {  	[tilespmem:s3+$0xC580] =	vst v3;
	s11 =	sadd.s32 s12, s11  }
0x35c: {  	[tilespmem:s3+$0xED80] =	vst v4;
	s11 =	sadd.s32 s21, s11  }
0x35d: {  	[tilespmem:s3+$0xC590] =	vst v3;
	s25 =	sshrl.u32 s11, $0x1F;
	s11 =	sshra.s32 s11, $0x6  }
0x35e: {  	[tilespmem:s3+$0xED90] =	vst v4;
	s11 =	sadd.s32 s25, s11  }
0x35f: {  	[tilespmem:s3+$0xC5A0] =	vst v3;
	s12 =	smul.u32 $0xFFFFFF90, s11  }
0x360: {  	[tilespmem:s3+$0xEDA0] =	vst v4  }
0x361: {  	[tilespmem:s3+$0xC5B0] =	vst v3;
	p1 =	slt.s32 s21, $0x1;
	p2 =	sne.s32 s12, s24  }
0x362: {  	[tilespmem:s3+$0xEDB0] =	vst v4;
	p1 =	por !p1, !p2  }
0x363: {  	s2 =	simm.s32 $0x1;
	[tilespmem:s3+$0xC5C0] =	vst v3;
	p1 =	por !p1, !p1  }
0x364: {  	[tilespmem:s3+$0xEDC0] =	vst v4;
	s2 =	simm.s32 @!p1 $0x0  }
0x365: {  	[tilespmem:s3+$0xC5D0] =	vst v3;
	s20 =	ssub.s32 s11, s2  }
0x366: {  	[tilespmem:s3+$0xEDD0] =	vst v4;
	p1 =	slt.s32 s20, $0x1  }
0x367: {  	[tilespmem:s3+$0xC5E0] =	vst v3;
	s26 =	sadd.s32 $0x1, s20;
	s2 =	simm.s32 @!p1 $0x70  }
0x368: {  	[tilespmem:s3+$0xEDE0] =	vst v4;
	s3 =	simm.s32 @!p1 $0xC580;
	s10 =	simm.s32 @!p1 $0x13D80;
	s28 =	sand.u32 $0x1, s26  }
0x369: {  	[tilespmem:s10], [sflag:$0x1] =	stream.indirect.gather @!p1 [hbm4b:s1+s2], $0x80, s3, s2, $0xb8;
	[tilespmem:$0x1F080] =	vst v63  }
0x36a: {  	p5 =	slt.s32 s20, $0x0;
	p6 =	seq.s32 s28, $0x1  }
0x36b: {  	s29 =	sshrl.u32 s26, $0x1F;
	p1 =	por !p5, !p6  }
0x36c: {  	s2 =	sadd.s32 s29, s26;
	s3 =	simm.s32 $0x1;
	p1 =	por !p1, !p1  }
0x36d: {  	s2 =	sshra.s32 s2, $0x1;
	s3 =	simm.s32 @!p1 $0x0  }
0x36e: {  	s21 =	ssub.s32 s2, s3  }
0x36f: {  	p1 =	slt.s32 s21, $0x1  }
.Ltmp17:
0x370: {  	_ = 	snop;
	(pc) =	sbr.rel @!p1 .LBB2_26-.Ltmp17, $2  }
0x371: {  	_ =	sdelay $0x2  }
0x372: {  	s23 =	simm.s32 $0x0;
	s22 =	simm.s32 $0x0  }
.LBB2_35:
0x373: {  	p1 =	slt.s32 s20, $0x2  }
.Ltmp18:
0x374: {  	_ = 	snop;
	(pc) =	sbr.rel @!p1 .LBB2_36-.Ltmp18, $1  }
0x375: {  	_ =	sdelay $0x3  }
0x376: {  	p1 =	sne.s32 s20, $0x1  }
.Ltmp19:
0x377: {  	_ = 	snop;
	(pc) =	sbr.rel @p1 .LBB2_39-.Ltmp19, $4  }
.Ltmp20:
0x378: {  	_ = 	snop;
	(pc) =	sbr.rel @!p1 .LBB2_38-.Ltmp20, $4  }
0x379: {  	s20 =	rddreg [dreg:$0x7]  }
0x37a: {  	s2 =	simm.s32 $0x3;
	s21 =	rddreg [dreg:$0x8]  }
0x37b: {  	s11 =	simm.s32 $0x4F00;
	s12 =	simm.s32 $0x5300;
	s23 =	simm.s32 $0x4  }
0x37c: {  	_ = 	snop  }
.LBB2_34:
0x37d: {  	s23 =	sadd.s32 $0x1, s23  }
0x37e: {  	p1 =	sne.s32 s23, s21  }
.Ltmp21:
0x37f: {  	_ = 	snop;
	(pc) =	sbr.rel @!p1 .LBB2_35-.Ltmp21, $2  }
0x380: {  	_ =	sdelay $0x2  }
0x381: {  	s22 =	sadd.s32 $0xE0, s22  }
.LBB2_26:
0x382: {  	s25 =	sshll.u32 s23, $0x1  }
0x383: {  	p2 =	sge.s32 s25, s20  }
.Ltmp22:
0x384: {  	_ = 	snop;
	(pc) =	sbr.rel @p2 .LBB2_30-.Ltmp22, $3  }
0x385: {  	_ =	sdelay $0x1  }
0x386: {  	s24 =	sshllo.u32 s23, $0x1  }
0x387: {  	p1 =	sge.s32 s24, s20  }
0x388: {  	p2 =	seq.s32 @!p1 s23, $0x0  }
0x389: {  	p2 =	por p2, p1  }
0x38a: {  	s2 =	simm.s32 @!p2 $0x4  }
0x38b: {  	s3 =	smul.u32 @!p1 $0x1C0, s24;
	_ =	swait.ge @!p2 [sflag:s2], $0x3800  }
0x38c: {  	[sflag:s2] =	ssyncset.done @!p2 $0x0  }
0x38d: {  	[sflag:s2] =	ssyncadd.s32 @!p2 $0xFFFFC800;
	s2 =	sshra.s32 @!p1 s3, $0x2  }
0x38e: {  	s10 =	simm.s32 @!p1 $0x17580;
	s3 =	simm.s32 @!p1 $0x70;
	s2 =	sadd.s32 @!p1 $0xC580, s2  }
0x38f: {  	[tilespmem:s10], [sflag:$0x2] =	stream.indirect.gather @!p1 [hbm4b:s1+s3], $0x80, s2, s3, $0xb8;
	[tilespmem:$0x1F080] =	vst v63  }
0x390: {  	_ =	swait.ge [sflag:s31], $0x3800  }
0x391: {  	s26 =	smul.u32 $0xE0, s23;
	[sflag:s31] =	ssyncset.done $0x0  }
0x392: {  	[sflag:s31] =	ssyncadd.s32 $0xFFFFC800  }
0x393: {  	v5 =	vld [tilespmem:s26+$0xED80];
	_ =	sdelay $0x4  }
0x394: {  	[tilespmem:$0x1AD80] =	vst v5  }
0x395: {  	v5 =	vld [tilespmem:s26+$0xED90];
	_ =	sdelay $0x4  }
0x396: {  	[tilespmem:$0x1AD90] =	vst v5  }
0x397: {  	v5 =	vld [tilespmem:s26+$0xEDA0];
	_ =	sdelay $0x4  }
0x398: {  	[tilespmem:$0x1ADA0] =	vst v5  }
0x399: {  	v5 =	vld [tilespmem:s26+$0xEDB0];
	_ =	sdelay $0x4  }
0x39a: {  	[tilespmem:$0x1ADB0] =	vst v5  }
0x39b: {  	v5 =	vld [tilespmem:s26+$0xEDC0];
	_ =	sdelay $0x4  }
0x39c: {  	[tilespmem:$0x1ADC0] =	vst v5  }
0x39d: {  	v5 =	vld [tilespmem:s26+$0xEDD0];
	_ =	sdelay $0x1  }
0x39e: {  	s29 =	sadd.s32 $0xFFFFFFFC, s22  }
0x39f: {  	s11 =	sadd.s32 $0x6, s29  }
0x3a0: {  	v6 =	vmov s11  }
0x3a1: {  	s12 =	sadd.s32 $0x4, s29;
	[tilespmem:$0x1ADD0] =	vst v5;
	v5 =	vand.u32 $0xFFFFFFFE, v6  }
0x3a2: {  	v7 =	vmov s12;
	v6 =	vld [tilespmem:s26+$0xEDE0];
	v5 =	vbroadcast v5, $0x0  }
0x3a3: {  	v7 =	vand.u32 $0xFFFFFFFC, v7  }
0x3a4: {  	v7 =	vbroadcast v7, $0x0;
	_ =	sdelay $0x2  }
0x3a5: {  	[tilespmem:$0x1ADE0] =	vst v6  }
0x3a6: {  	s26 =	simm.s32 $0x13E80;
	v5 =	vld.idx.msk [tilespmem:v5+s13+$0x0], $0xffff  }
0x3a7: {  	s18 =	sadd.s32 $0x5, s29;
	v6 =	vld [tilespmem:s26+$0x70]  }
0x3a8: {  	v8 =	vmov s18;
	v7 =	vld.idx.msk [tilespmem:v7+s13+$0x0], $0xffff  }
0x3a9: {  	v8 =	vand.u32 $0xFFFFFFFD, v8;
	v9 =	vld [tilespmem:s26+$0xFFFFFF00]  }
0x3aa: {  	v8 =	vbroadcast v8, $0x0;
	v10 =	vld [tilespmem:s26+$0xFFFFFF10]  }
0x3ab: {  	v11 =	vld [tilespmem:s26+$0xFFFFFF20]  }
0x3ac: {  	v12 =	vld [tilespmem:s26+$0xFFFFFF30]  }
0x3ad: {  	v13 =	vld [tilespmem:s26+$0xFFFFFF40]  }
0x3ae: {  	v14 =	vld [tilespmem:s26+$0xFFFFFF50]  }
0x3af: {  	v15 =	vld [tilespmem:s26+$0xFFFFFF60];
	v9 =	vmul.f32 v9, v7  }
0x3b0: {  	v8 =	vld.idx.msk [tilespmem:v8+s13+$0x0], $0xffff;
	v6 =	vmul.f32 v6, v5  }
0x3b1: {  	v17 =	vld [tilespmem:s26+$0xFFFFFFD0];
	[tilespmem:s26+$0xFFFFFF00] =	vst v9;
	v9 =	vmul.f32 v10, v7  }
0x3b2: {  	v10 =	vld [tilespmem:s26+$0xFFFFFF70];
	[tilespmem:s26+$0x70] =	vst v6;
	v6 =	vmul.f32 v11, v7  }
0x3b3: {  	s29 =	sadd.s32 $0x7, s29;
	v11 =	vld [tilespmem:s26+$0xFFFFFF80];
	[tilespmem:s26+$0xFFFFFF10] =	vst v9;
	v9 =	vmul.f32 v12, v7  }
0x3b4: {  	v16 =	vmov s29;
	v12 =	vld [tilespmem:s26+$0xFFFFFF90];
	[tilespmem:s26+$0xFFFFFF20] =	vst v6;
	v6 =	vmul.f32 v13, v7  }
0x3b5: {  	v13 =	vld [tilespmem:s26+$0xFFFFFFA0];
	[tilespmem:s26+$0xFFFFFF30] =	vst v9;
	v9 =	vmul.f32 v14, v7  }
0x3b6: {  	v14 =	vld [tilespmem:s26+$0xFFFFFFB0];
	[tilespmem:s26+$0xFFFFFF40] =	vst v6;
	v6 =	vmul.f32 v15, v7  }
0x3b7: {  	v15 =	vld [tilespmem:s26+$0xFFFFFFC0];
	v7 =	vmul.f32 v10, v7;
	[tilespmem:s26+$0xFFFFFF50] =	vst v9  }
0x3b8: {  	v18 =	vld [tilespmem:s26+$0xFFFFFFE0];
	v9 =	vmul.f32 v11, v8;
	[tilespmem:s26+$0xFFFFFF60] =	vst v6  }
0x3b9: {  	v6 =	vld.idx.msk [tilespmem:v16+s13+$0x0], $0xffff;
	v10 =	vmul.f32 v12, v8;
	[tilespmem:s26+$0xFFFFFF70] =	vst v7  }
0x3ba: {  	v7 =	vmul.f32 v13, v8;
	v12 =	vld [tilespmem:s26+$0xFFFFFFF0];
	[tilespmem:s26+$0xFFFFFF80] =	vst v9  }
0x3bb: {  	v11 =	vld [tilespmem:s26+$0x0];
	[tilespmem:s26+$0xFFFFFF90] =	vst v10;
	v9 =	vmul.f32 v14, v8  }
0x3bc: {  	[tilespmem:s26+$0xFFFFFFA0] =	vst v7;
	v7 =	vmul.f32 v15, v8;
	v10 =	vld [tilespmem:s26+$0x10]  }
0x3bd: {  	v14 =	vmul.f32 v17, v8;
	[tilespmem:s26+$0xFFFFFFB0] =	vst v9;
	v9 =	vld [tilespmem:s26+$0x20]  }
0x3be: {  	v13 =	vmul.f32 v18, v8;
	[tilespmem:s26+$0xFFFFFFC0] =	vst v7;
	v7 =	vld [tilespmem:s26+$0x30]  }
0x3bf: {  	s28 =	simm.s32 $0x13E80;
	s18 =	simm.s32 $0x0;
	[tilespmem:s26+$0xFFFFFFD0] =	vst v14;
	v12 =	vmul.f32 v12, v8;
	v8 =	vld [tilespmem:s26+$0x40]  }
.LBB2_28:
0x3c0: {  	s2 =	sadd.s32 s18, s22;
	s18 =	sadd.s32 $0x4, s18;
	[tilespmem:s26+$0xFFFFFFE0] =	vst v13;
	v11 =	vmul.f32 v11, v5;
	v13 =	vld [tilespmem:s26+$0x50]  }
0x3c1: {  	s3 =	sadd.s32 $0x4, s2;
	s10 =	sadd.s32 $0x6, s2;
	p2 =	slt.u32 s18, $0x6C;
	[tilespmem:s26+$0xFFFFFFF0] =	vst v12;
	v10 =	vmul.f32 v10, v5;
	v12 =	vld [tilespmem:s26+$0x60]  }
0x3c2: {  	v14 =	vmov s3;
	s3 =	sadd.s32 $0x5, s2;
	v15 =	vmov s10;
	s2 =	sadd.s32 $0x7, s2;
	[tilespmem:s26+$0x0] =	vst v11;
	v9 =	vmul.f32 v9, v5;
	v11 =	vld [tilespmem:s26+$0x80]  }
0x3c3: {  	v14 =	vand.u32 $0xFFFFFFFC, v14;
	v16 =	vmov s3;
	v15 =	vand.u32 $0xFFFFFFFE, v15;
	[tilespmem:s26+$0x10] =	vst v10;
	v10 =	vld [tilespmem:s26+$0x90]  }
0x3c4: {  	v14 =	vbroadcast v14, $0x0;
	v16 =	vand.u32 $0xFFFFFFFD, v16;
	v15 =	vbroadcast v15, $0x0;
	[tilespmem:s26+$0x20] =	vst v9;
	v9 =	vld [tilespmem:s26+$0xA0]  }
0x3c5: {  	v17 =	vmov s2;
	v7 =	vmul.f32 v7, v5;
	v16 =	vbroadcast v16, $0x0;
	v18 =	vld [tilespmem:s26+$0xB0]  }
0x3c6: {  	v8 =	vmul.f32 v8, v5;
	v13 =	vmul.f32 v13, v5;
	v19 =	vld [tilespmem:s26+$0xC0]  }
0x3c7: {  	[tilespmem:s26+$0x30] =	vst v7;
	v7 =	vmul.f32 v12, v5;
	v11 =	vmul.f32 v11, v6;
	v12 =	vld [tilespmem:s26+$0xD0]  }
0x3c8: {  	[tilespmem:s26+$0x40] =	vst v8;
	v8 =	vmul.f32 v10, v6;
	v10 =	vld [tilespmem:s26+$0xE0]  }
0x3c9: {  	[tilespmem:s26+$0x50] =	vst v13;
	v9 =	vmul.f32 v9, v6;
	v13 =	vld [tilespmem:s26+$0xF0]  }
0x3ca: {  	s26 =	sadd.s32 $0x200, s26;
	v5 =	vld.idx.msk [tilespmem:v15+s13+$0x0], $0xffff;
	[tilespmem:s28+$0x60] =	vst v7;
	v7 =	vmul.f32 v18, v6  }
0x3cb: {  	v15 =	vld [tilespmem:s26+$0x70];
	[tilespmem:s28+$0x80] =	vst v11;
	v11 =	vmul.f32 v19, v6  }
0x3cc: {  	v14 =	vld.idx.msk [tilespmem:v14+s13+$0x0], $0xffff;
	[tilespmem:s28+$0x90] =	vst v8;
	v8 =	vmul.f32 v12, v6  }
0x3cd: {  	v12 =	vld.idx.msk [tilespmem:v16+s13+$0x0], $0xffff;
	[tilespmem:s28+$0xA0] =	vst v9;
	v9 =	vmul.f32 v10, v6  }
0x3ce: {  	[tilespmem:s28+$0xB0] =	vst v7;
	v7 =	vmul.f32 v13, v6;
	v6 =	vld.idx.msk [tilespmem:v17+s13+$0x0], $0xffff  }
0x3cf: {  	v10 =	vld [tilespmem:s26+$0xFFFFFF00];
	[tilespmem:s28+$0xC0] =	vst v11  }
0x3d0: {  	v11 =	vld [tilespmem:s26+$0xFFFFFF10];
	v13 =	vmul.f32 v15, v5;
	[tilespmem:s28+$0xD0] =	vst v8  }
0x3d1: {  	v8 =	vld [tilespmem:s26+$0xFFFFFF20];
	[tilespmem:s28+$0xE0] =	vst v9  }
0x3d2: {  	v9 =	vld [tilespmem:s26+$0xFFFFFF30];
	[tilespmem:s26+$0x70] =	vst v13  }
0x3d3: {  	v13 =	vld [tilespmem:s26+$0xFFFFFF40];
	[tilespmem:s28+$0xF0] =	vst v7;
	s28 =	smov.u32 s26  }
0x3d4: {  	v7 =	vmul.f32 v10, v14;
	v10 =	vld [tilespmem:s26+$0xFFFFFF50]  }
0x3d5: {  	v11 =	vmul.f32 v11, v14;
	v15 =	vld [tilespmem:s26+$0xFFFFFF60]  }
0x3d6: {  	[tilespmem:s26+$0xFFFFFF00] =	vst v7;
	v7 =	vmul.f32 v8, v14;
	v8 =	vld [tilespmem:s26+$0xFFFFFF70]  }
0x3d7: {  	[tilespmem:s26+$0xFFFFFF10] =	vst v11;
	v9 =	vmul.f32 v9, v14;
	v11 =	vld [tilespmem:s26+$0xFFFFFF80]  }
0x3d8: {  	[tilespmem:s26+$0xFFFFFF20] =	vst v7;
	v7 =	vmul.f32 v13, v14;
	v13 =	vld [tilespmem:s26+$0xFFFFFF90]  }
0x3d9: {  	[tilespmem:s26+$0xFFFFFF30] =	vst v9;
	v9 =	vmul.f32 v10, v14;
	v10 =	vld [tilespmem:s26+$0xFFFFFFA0]  }
0x3da: {  	[tilespmem:s26+$0xFFFFFF40] =	vst v7;
	v7 =	vmul.f32 v15, v14;
	v15 =	vld [tilespmem:s26+$0xFFFFFFB0]  }
0x3db: {  	[tilespmem:s26+$0xFFFFFF50] =	vst v9;
	v8 =	vmul.f32 v8, v14;
	v9 =	vld [tilespmem:s26+$0xFFFFFFC0]  }
0x3dc: {  	[tilespmem:s26+$0xFFFFFF60] =	vst v7;
	v7 =	vmul.f32 v11, v12;
	v14 =	vld [tilespmem:s26+$0xFFFFFFD0]  }
0x3dd: {  	[tilespmem:s26+$0xFFFFFF70] =	vst v8;
	v8 =	vmul.f32 v13, v12;
	v13 =	vld [tilespmem:s26+$0xFFFFFFE0]  }
0x3de: {  	[tilespmem:s26+$0xFFFFFF80] =	vst v7;
	v7 =	vmul.f32 v10, v12;
	v16 =	vld [tilespmem:s26+$0xFFFFFFF0]  }
.Ltmp23:
0x3df: {  	[tilespmem:s26+$0xFFFFFF90] =	vst v8;
	v8 =	vmul.f32 v15, v12;
	v11 =	vld [tilespmem:s26+$0x0];
	(pc) =	sbr.rel @p2 .LBB2_28-.Ltmp23, $4  }
0x3e0: {  	[tilespmem:s26+$0xFFFFFFA0] =	vst v7;
	v7 =	vmul.f32 v9, v12;
	v10 =	vld [tilespmem:s26+$0x10]  }
0x3e1: {  	[tilespmem:s26+$0xFFFFFFB0] =	vst v8;
	v8 =	vmul.f32 v14, v12;
	v9 =	vld [tilespmem:s26+$0x20]  }
0x3e2: {  	[tilespmem:s26+$0xFFFFFFC0] =	vst v7;
	v13 =	vmul.f32 v13, v12;
	v7 =	vld [tilespmem:s26+$0x30]  }
0x3e3: {  	[tilespmem:s26+$0xFFFFFFD0] =	vst v8;
	v12 =	vmul.f32 v16, v12;
	v8 =	vld [tilespmem:s26+$0x40]  }
0x3e4: {  	v14 =	vld [tilespmem:s26+$0x50]  }
0x3e5: {  	[tilespmem:s26+$0xFFFFFFE0] =	vst v13;
	v11 =	vmul.f32 v11, v5;
	v54 =	vld [tilespmem:s26+$0x60]  }
0x3e6: {  	v55 =	vld [tilespmem:s26+$0x80];
	[tilespmem:s26+$0xFFFFFFF0] =	vst v12;
	v10 =	vmul.f32 v10, v5  }
0x3e7: {  	v56 =	vld [tilespmem:s26+$0x90];
	[tilespmem:s26+$0x0] =	vst v11;
	v9 =	vmul.f32 v9, v5  }
0x3e8: {  	v57 =	vld [tilespmem:s26+$0xA0];
	[tilespmem:s26+$0x10] =	vst v10;
	v7 =	vmul.f32 v7, v5  }
0x3e9: {  	v58 =	vld [tilespmem:s26+$0xB0];
	[tilespmem:s26+$0x20] =	vst v9;
	v8 =	vmul.f32 v8, v5  }
0x3ea: {  	v15 =	vld [tilespmem:s26+$0xC0];
	v14 =	vmul.f32 v14, v5;
	[tilespmem:s26+$0x30] =	vst v7  }
0x3eb: {  	v60 =	vld [tilespmem:s26+$0xE0];
	v59 =	vmul.f32 v55, v6;
	[tilespmem:s26+$0x40] =	vst v8  }
0x3ec: {  	v7 =	vld [tilespmem:s26+$0xD0];
	v11 =	vmul.f32 v56, v6;
	[tilespmem:s26+$0x50] =	vst v14  }
0x3ed: {  	v61 =	vld [tilespmem:s26+$0xF0];
	v5 =	vmul.f32 v54, v5;
	[tilespmem:s28+$0x80] =	vst v59  }
0x3ee: {  	v62 =	vmul.f32 v58, v6;
	[tilespmem:s28+$0x90] =	vst v11  }
0x3ef: {  	[tilespmem:s28+$0x60] =	vst v5;
	v5 =	vmul.f32 v57, v6  }
0x3f0: {  	v63 =	vmul.f32 v15, v6;
	[tilespmem:s28+$0xB0] =	vst v62  }
0x3f1: {  	[tilespmem:s28+$0xA0] =	vst v5;
	v5 =	vmul.f32 v7, v6  }
0x3f2: {  	[tilespmem:s28+$0xC0] =	vst v63;
	v7 =	vmul.f32 v60, v6  }
0x3f3: {  	v6 =	vmul.f32 v61, v6;
	[tilespmem:s28+$0xD0] =	vst v5  }
0x3f4: {  	[tilespmem:s28+$0xE0] =	vst v7  }
0x3f5: {  	[tilespmem:s28+$0xF0] =	vst v6  }
0x3f6: {  	[spmem:s7] =	stream.indirect.scatter.add.f32 [tilespmem:s30], [sflag:$0x3], $0x80, s15, s14, $0xb8;
	[tilespmem:$0x1F080] =	vst v63  }
.LBB2_30:
.Ltmp24:
0x3f7: {  	(pc) =	sbr.rel @p1 .LBB2_34-.Ltmp24, $1  }
0x3f8: {  	_ =	sdelay $0x3  }
0x3f9: {  	s2 =	sadd.s32 $0x2, s25  }
0x3fa: {  	p1 =	sge.s32 s2, s20  }
0x3fb: {  	s3 =	simm.s32 @!p1 $0x3;
	s2 =	smul.u32 @!p1 $0x1C0, s2  }
0x3fc: {  	_ =	swait.ge @!p1 [sflag:s3], $0x3800  }
0x3fd: {  	s10 =	simm.s32 @!p1 $0x13D80;
	[sflag:s3] =	ssyncset.done @!p1 $0x0;
	s2 =	sshra.s32 @!p1 s2, $0x2  }
0x3fe: {  	[sflag:s3] =	ssyncadd.s32 @!p1 $0xFFFFC800;
	s2 =	sadd.s32 @!p1 $0xC580, s2;
	s3 =	simm.s32 @!p1 $0x70  }
0x3ff: {  	[tilespmem:s10], [sflag:$0x1] =	stream.indirect.gather @!p1 [hbm4b:s1+s3], $0x80, s2, s3, $0xb8;
	[tilespmem:$0x1F080] =	vst v63  }
0x400: {  	_ =	swait.ge [sflag:s4], $0x3800  }
0x401: {  	s12 =	smul.u32 $0x70, s24;
	[sflag:s4] =	ssyncset.done $0x0  }
0x402: {  	[sflag:s4] =	ssyncadd.s32 $0xFFFFC800  }
0x403: {  	v5 =	vld [tilespmem:s12+$0xED80];
	_ =	sdelay $0x4  }
0x404: {  	[tilespmem:$0x1AE00] =	vst v5  }
0x405: {  	v5 =	vld [tilespmem:s12+$0xED90];
	_ =	sdelay $0x4  }
0x406: {  	[tilespmem:$0x1AE10] =	vst v5  }
0x407: {  	v5 =	vld [tilespmem:s12+$0xEDA0];
	_ =	sdelay $0x4  }
0x408: {  	[tilespmem:$0x1AE20] =	vst v5  }
0x409: {  	v5 =	vld [tilespmem:s12+$0xEDB0];
	_ =	sdelay $0x4  }
0x40a: {  	[tilespmem:$0x1AE30] =	vst v5  }
0x40b: {  	v5 =	vld [tilespmem:s12+$0xEDC0];
	_ =	sdelay $0x4  }
0x40c: {  	[tilespmem:$0x1AE40] =	vst v5  }
0x40d: {  	v5 =	vld [tilespmem:s12+$0xEDD0];
	_ =	sdelay $0x1  }
0x40e: {  	s18 =	sadd.s32 $0xFFFFFFFC, s22  }
0x40f: {  	s25 =	sadd.s32 $0x76, s18  }
0x410: {  	v6 =	vmov s25  }
0x411: {  	s26 =	sadd.s32 $0x74, s18;
	[tilespmem:$0x1AE50] =	vst v5;
	v5 =	vand.u32 $0xFFFFFFFE, v6  }
0x412: {  	v7 =	vmov s26;
	v6 =	vld [tilespmem:s12+$0xEDE0];
	v5 =	vbroadcast v5, $0x0  }
0x413: {  	v7 =	vand.u32 $0xFFFFFFFC, v7  }
0x414: {  	v7 =	vbroadcast v7, $0x0;
	_ =	sdelay $0x2  }
0x415: {  	[tilespmem:$0x1AE60] =	vst v6  }
0x416: {  	s24 =	simm.s32 $0x17680;
	v5 =	vld.idx.msk [tilespmem:v5+s13+$0x0], $0xffff  }
0x417: {  	s28 =	sadd.s32 $0x75, s18;
	v6 =	vld [tilespmem:s24+$0x70]  }
0x418: {  	v8 =	vmov s28;
	v7 =	vld.idx.msk [tilespmem:v7+s13+$0x0], $0xffff  }
0x419: {  	v8 =	vand.u32 $0xFFFFFFFD, v8;
	v9 =	vld [tilespmem:s24+$0xFFFFFF00]  }
0x41a: {  	v8 =	vbroadcast v8, $0x0;
	v10 =	vld [tilespmem:s24+$0xFFFFFF10]  }
0x41b: {  	v11 =	vld [tilespmem:s24+$0xFFFFFF20]  }
0x41c: {  	v12 =	vld [tilespmem:s24+$0xFFFFFF30]  }
0x41d: {  	v13 =	vld [tilespmem:s24+$0xFFFFFF40]  }
0x41e: {  	v14 =	vld [tilespmem:s24+$0xFFFFFF50]  }
0x41f: {  	v15 =	vld [tilespmem:s24+$0xFFFFFF60];
	v9 =	vmul.f32 v9, v7  }
0x420: {  	v8 =	vld.idx.msk [tilespmem:v8+s13+$0x0], $0xffff;
	v6 =	vmul.f32 v6, v5  }
0x421: {  	v17 =	vld [tilespmem:s24+$0xFFFFFFD0];
	[tilespmem:s24+$0xFFFFFF00] =	vst v9;
	v9 =	vmul.f32 v10, v7  }
0x422: {  	v10 =	vld [tilespmem:s24+$0xFFFFFF70];
	[tilespmem:s24+$0x70] =	vst v6;
	v6 =	vmul.f32 v11, v7  }
0x423: {  	s29 =	sadd.s32 $0x77, s18;
	v11 =	vld [tilespmem:s24+$0xFFFFFF80];
	[tilespmem:s24+$0xFFFFFF10] =	vst v9;
	v9 =	vmul.f32 v12, v7  }
0x424: {  	v16 =	vmov s29;
	v12 =	vld [tilespmem:s24+$0xFFFFFF90];
	[tilespmem:s24+$0xFFFFFF20] =	vst v6;
	v6 =	vmul.f32 v13, v7  }
0x425: {  	v13 =	vld [tilespmem:s24+$0xFFFFFFA0];
	[tilespmem:s24+$0xFFFFFF30] =	vst v9;
	v9 =	vmul.f32 v14, v7  }
0x426: {  	v14 =	vld [tilespmem:s24+$0xFFFFFFB0];
	[tilespmem:s24+$0xFFFFFF40] =	vst v6;
	v6 =	vmul.f32 v15, v7  }
0x427: {  	v15 =	vld [tilespmem:s24+$0xFFFFFFC0];
	v7 =	vmul.f32 v10, v7;
	[tilespmem:s24+$0xFFFFFF50] =	vst v9  }
0x428: {  	v18 =	vld [tilespmem:s24+$0xFFFFFFE0];
	v9 =	vmul.f32 v11, v8;
	[tilespmem:s24+$0xFFFFFF60] =	vst v6  }
0x429: {  	v6 =	vld.idx.msk [tilespmem:v16+s13+$0x0], $0xffff;
	v10 =	vmul.f32 v12, v8;
	[tilespmem:s24+$0xFFFFFF70] =	vst v7  }
0x42a: {  	v7 =	vmul.f32 v13, v8;
	v12 =	vld [tilespmem:s24+$0xFFFFFFF0];
	[tilespmem:s24+$0xFFFFFF80] =	vst v9  }
0x42b: {  	v11 =	vld [tilespmem:s24+$0x0];
	[tilespmem:s24+$0xFFFFFF90] =	vst v10;
	v9 =	vmul.f32 v14, v8  }
0x42c: {  	[tilespmem:s24+$0xFFFFFFA0] =	vst v7;
	v7 =	vmul.f32 v15, v8;
	v10 =	vld [tilespmem:s24+$0x10]  }
0x42d: {  	v14 =	vmul.f32 v17, v8;
	[tilespmem:s24+$0xFFFFFFB0] =	vst v9;
	v9 =	vld [tilespmem:s24+$0x20]  }
0x42e: {  	v13 =	vmul.f32 v18, v8;
	[tilespmem:s24+$0xFFFFFFC0] =	vst v7;
	v7 =	vld [tilespmem:s24+$0x30]  }
0x42f: {  	s18 =	simm.s32 $0x0;
	s25 =	simm.s32 $0x17680;
	[tilespmem:s24+$0xFFFFFFD0] =	vst v14;
	v12 =	vmul.f32 v12, v8;
	v8 =	vld [tilespmem:s24+$0x40]  }
.LBB2_32:
0x430: {  	s2 =	sadd.s32 s18, s22;
	s18 =	sadd.s32 $0x4, s18;
	[tilespmem:s24+$0xFFFFFFE0] =	vst v13;
	v11 =	vmul.f32 v11, v5;
	v13 =	vld [tilespmem:s24+$0x50]  }
0x431: {  	s3 =	sadd.s32 $0x74, s2;
	s10 =	sadd.s32 $0x76, s2;
	p1 =	slt.u32 s18, $0x6C;
	[tilespmem:s24+$0xFFFFFFF0] =	vst v12;
	v10 =	vmul.f32 v10, v5;
	v12 =	vld [tilespmem:s24+$0x60]  }
0x432: {  	v14 =	vmov s3;
	s3 =	sadd.s32 $0x75, s2;
	v15 =	vmov s10;
	s2 =	sadd.s32 $0x77, s2;
	[tilespmem:s24+$0x0] =	vst v11;
	v9 =	vmul.f32 v9, v5;
	v11 =	vld [tilespmem:s24+$0x80]  }
0x433: {  	v14 =	vand.u32 $0xFFFFFFFC, v14;
	v16 =	vmov s3;
	v15 =	vand.u32 $0xFFFFFFFE, v15;
	[tilespmem:s24+$0x10] =	vst v10;
	v10 =	vld [tilespmem:s24+$0x90]  }
0x434: {  	v14 =	vbroadcast v14, $0x0;
	v16 =	vand.u32 $0xFFFFFFFD, v16;
	v15 =	vbroadcast v15, $0x0;
	[tilespmem:s24+$0x20] =	vst v9;
	v9 =	vld [tilespmem:s24+$0xA0]  }
0x435: {  	v17 =	vmov s2;
	v7 =	vmul.f32 v7, v5;
	v16 =	vbroadcast v16, $0x0;
	v18 =	vld [tilespmem:s24+$0xB0]  }
0x436: {  	v8 =	vmul.f32 v8, v5;
	v13 =	vmul.f32 v13, v5;
	v19 =	vld [tilespmem:s24+$0xC0]  }
0x437: {  	[tilespmem:s24+$0x30] =	vst v7;
	v7 =	vmul.f32 v12, v5;
	v11 =	vmul.f32 v11, v6;
	v12 =	vld [tilespmem:s24+$0xD0]  }
0x438: {  	[tilespmem:s24+$0x40] =	vst v8;
	v8 =	vmul.f32 v10, v6;
	v10 =	vld [tilespmem:s24+$0xE0]  }
0x439: {  	[tilespmem:s24+$0x50] =	vst v13;
	v9 =	vmul.f32 v9, v6;
	v13 =	vld [tilespmem:s24+$0xF0]  }
0x43a: {  	s24 =	sadd.s32 $0x200, s24;
	v5 =	vld.idx.msk [tilespmem:v15+s13+$0x0], $0xffff;
	[tilespmem:s25+$0x60] =	vst v7;
	v7 =	vmul.f32 v18, v6  }
0x43b: {  	v15 =	vld [tilespmem:s24+$0x70];
	[tilespmem:s25+$0x80] =	vst v11;
	v11 =	vmul.f32 v19, v6  }
0x43c: {  	v14 =	vld.idx.msk [tilespmem:v14+s13+$0x0], $0xffff;
	[tilespmem:s25+$0x90] =	vst v8;
	v8 =	vmul.f32 v12, v6  }
0x43d: {  	v12 =	vld.idx.msk [tilespmem:v16+s13+$0x0], $0xffff;
	[tilespmem:s25+$0xA0] =	vst v9;
	v9 =	vmul.f32 v10, v6  }
0x43e: {  	[tilespmem:s25+$0xB0] =	vst v7;
	v7 =	vmul.f32 v13, v6;
	v6 =	vld.idx.msk [tilespmem:v17+s13+$0x0], $0xffff  }
0x43f: {  	v10 =	vld [tilespmem:s24+$0xFFFFFF00];
	[tilespmem:s25+$0xC0] =	vst v11  }
0x440: {  	v11 =	vld [tilespmem:s24+$0xFFFFFF10];
	v13 =	vmul.f32 v15, v5;
	[tilespmem:s25+$0xD0] =	vst v8  }
0x441: {  	v8 =	vld [tilespmem:s24+$0xFFFFFF20];
	[tilespmem:s25+$0xE0] =	vst v9  }
0x442: {  	v9 =	vld [tilespmem:s24+$0xFFFFFF30];
	[tilespmem:s24+$0x70] =	vst v13  }
0x443: {  	v13 =	vld [tilespmem:s24+$0xFFFFFF40];
	[tilespmem:s25+$0xF0] =	vst v7;
	s25 =	smov.u32 s24  }
0x444: {  	v7 =	vmul.f32 v10, v14;
	v10 =	vld [tilespmem:s24+$0xFFFFFF50]  }
0x445: {  	v11 =	vmul.f32 v11, v14;
	v15 =	vld [tilespmem:s24+$0xFFFFFF60]  }
0x446: {  	[tilespmem:s24+$0xFFFFFF00] =	vst v7;
	v7 =	vmul.f32 v8, v14;
	v8 =	vld [tilespmem:s24+$0xFFFFFF70]  }
0x447: {  	[tilespmem:s24+$0xFFFFFF10] =	vst v11;
	v9 =	vmul.f32 v9, v14;
	v11 =	vld [tilespmem:s24+$0xFFFFFF80]  }
0x448: {  	[tilespmem:s24+$0xFFFFFF20] =	vst v7;
	v7 =	vmul.f32 v13, v14;
	v13 =	vld [tilespmem:s24+$0xFFFFFF90]  }
0x449: {  	[tilespmem:s24+$0xFFFFFF30] =	vst v9;
	v9 =	vmul.f32 v10, v14;
	v10 =	vld [tilespmem:s24+$0xFFFFFFA0]  }
0x44a: {  	[tilespmem:s24+$0xFFFFFF40] =	vst v7;
	v7 =	vmul.f32 v15, v14;
	v15 =	vld [tilespmem:s24+$0xFFFFFFB0]  }
0x44b: {  	[tilespmem:s24+$0xFFFFFF50] =	vst v9;
	v8 =	vmul.f32 v8, v14;
	v9 =	vld [tilespmem:s24+$0xFFFFFFC0]  }
0x44c: {  	[tilespmem:s24+$0xFFFFFF60] =	vst v7;
	v7 =	vmul.f32 v11, v12;
	v14 =	vld [tilespmem:s24+$0xFFFFFFD0]  }
0x44d: {  	[tilespmem:s24+$0xFFFFFF70] =	vst v8;
	v8 =	vmul.f32 v13, v12;
	v13 =	vld [tilespmem:s24+$0xFFFFFFE0]  }
0x44e: {  	[tilespmem:s24+$0xFFFFFF80] =	vst v7;
	v7 =	vmul.f32 v10, v12;
	v16 =	vld [tilespmem:s24+$0xFFFFFFF0]  }
.Ltmp25:
0x44f: {  	[tilespmem:s24+$0xFFFFFF90] =	vst v8;
	v8 =	vmul.f32 v15, v12;
	v11 =	vld [tilespmem:s24+$0x0];
	(pc) =	sbr.rel @p1 .LBB2_32-.Ltmp25, $4  }
0x450: {  	[tilespmem:s24+$0xFFFFFFA0] =	vst v7;
	v7 =	vmul.f32 v9, v12;
	v10 =	vld [tilespmem:s24+$0x10]  }
0x451: {  	[tilespmem:s24+$0xFFFFFFB0] =	vst v8;
	v8 =	vmul.f32 v14, v12;
	v9 =	vld [tilespmem:s24+$0x20]  }
0x452: {  	[tilespmem:s24+$0xFFFFFFC0] =	vst v7;
	v13 =	vmul.f32 v13, v12;
	v7 =	vld [tilespmem:s24+$0x30]  }
0x453: {  	[tilespmem:s24+$0xFFFFFFD0] =	vst v8;
	v12 =	vmul.f32 v16, v12;
	v8 =	vld [tilespmem:s24+$0x40]  }
0x454: {  	v14 =	vld [tilespmem:s24+$0x50]  }
0x455: {  	[tilespmem:s24+$0xFFFFFFE0] =	vst v13;
	v11 =	vmul.f32 v11, v5;
	v54 =	vld [tilespmem:s24+$0x60]  }
0x456: {  	v55 =	vld [tilespmem:s24+$0x80];
	[tilespmem:s24+$0xFFFFFFF0] =	vst v12;
	v10 =	vmul.f32 v10, v5  }
0x457: {  	v56 =	vld [tilespmem:s24+$0x90];
	[tilespmem:s24+$0x0] =	vst v11;
	v9 =	vmul.f32 v9, v5  }
0x458: {  	v57 =	vld [tilespmem:s24+$0xA0];
	[tilespmem:s24+$0x10] =	vst v10;
	v7 =	vmul.f32 v7, v5  }
0x459: {  	v58 =	vld [tilespmem:s24+$0xB0];
	[tilespmem:s24+$0x20] =	vst v9;
	v8 =	vmul.f32 v8, v5  }
0x45a: {  	v15 =	vld [tilespmem:s24+$0xC0];
	v14 =	vmul.f32 v14, v5;
	[tilespmem:s24+$0x30] =	vst v7  }
0x45b: {  	v60 =	vld [tilespmem:s24+$0xE0];
	v59 =	vmul.f32 v55, v6;
	[tilespmem:s24+$0x40] =	vst v8  }
0x45c: {  	v7 =	vld [tilespmem:s24+$0xD0];
	v11 =	vmul.f32 v56, v6;
	[tilespmem:s24+$0x50] =	vst v14  }
0x45d: {  	v61 =	vld [tilespmem:s24+$0xF0];
	v5 =	vmul.f32 v54, v5;
	[tilespmem:s25+$0x80] =	vst v59  }
0x45e: {  	v62 =	vmul.f32 v58, v6;
	[tilespmem:s25+$0x90] =	vst v11  }
0x45f: {  	[tilespmem:s25+$0x60] =	vst v5;
	v5 =	vmul.f32 v57, v6  }
0x460: {  	v63 =	vmul.f32 v15, v6;
	[tilespmem:s25+$0xB0] =	vst v62  }
0x461: {  	[tilespmem:s25+$0xA0] =	vst v5;
	v5 =	vmul.f32 v7, v6  }
.Ltmp26:
0x462: {  	[tilespmem:s25+$0xC0] =	vst v63;
	v7 =	vmul.f32 v60, v6;
	(pc) =	sbr.rel .LBB2_34-.Ltmp26, $4  }
0x463: {  	v6 =	vmul.f32 v61, v6;
	[tilespmem:s25+$0xD0] =	vst v5  }
0x464: {  	[tilespmem:s25+$0xE0] =	vst v7  }
0x465: {  	[tilespmem:s25+$0xF0] =	vst v6  }
0x466: {  	[spmem:s7] =	stream.indirect.scatter.add.f32 [tilespmem:s17], [sflag:$0x4], $0x80, s16, s14, $0xb8;
	[tilespmem:$0x1F080] =	vst v63  }
.LBB2_40:
0x467: {  	_ =	sfence.sel $0x180000  }
0x468: {  	[bflag:$0x0] =	sbarrier.arrive $0xFFFF  }
0x469: {  	_ =	strace $0x90000047  }
0x46a: {  	s0 =	stileid.u32;
	[bflag:$0x2] =	sbarrier.arrive $0xFFFF  }
0x46b: {  	p0 =	sne.s32 s0, $0x0;
	s0 =	rddreg [dreg:$0xd]  }
0x46c: {  	s0 =	sadd.s32 @!p0 $0x100000, s0  }
0x46d: {  	[sflag:s0] =	ssyncadd.tile.s32 @!p0 $0x1;
	_ =	shalt  }
.Lfunc_end2:
_tile_overlayer_lowered:
.L_overlay_start_2:
0x46e: {  	(tag) =	ssettag $0x2  }
0x46f: {  	s0 =	rddreg [dreg:$0x0];
	s2 =	stileid.u32  }
0x470: {  	s1 =	rddreg [dreg:$0x1];
	p0 =	sne.s32 s2, $0x0  }
0x471: {  	s3 =	rddreg [dreg:$0x2];
	[bflag:$0x3] =	sbarrier.arrive $0xFFFF;
	s2 =	simm.s32 @!p0 $0x1C08  }
0x472: {  	[timem:s3], [sflag:s2] =	dma.local @!p0 [hbm:s0], s1  }
0x473: {  	s0 =	simm.s32 @!p0 $0x8  }
0x474: {  	_ =	swait.ge @!p0 [sflag:s0], s1  }
0x475: {  	s1 =	ssub.s32 @!p0 $0x0, s1;
	[sflag:s0] =	ssyncset.done @!p0 $0x0  }
0x476: {  	[sflag:s0] =	ssyncadd.s32 @!p0 s1  }
0x477: {  	[bflag:$0x3] =	sbarrier.arrive $0xFFFF  }
0x478: {  	_ =	shalt  }

</sc_bundles>
